<compile_context>
chip_gen: v7x
topology: tpu7x:2x2x1
jax: 0.10.2.dev20260603
libtpu: 0.0.44.dev20260713+nightly
codegen_flags: <defaults>
</compile_context>

<pallas_src>
import functools

import jax
import jax.numpy as jnp
from jax import lax
from jax.experimental import pallas as pl
from jax.experimental.pallas import tpu as pltpu
from jax.experimental.pallas import tpu_sc as plsc

B = 50
N = 200
NT = B * N
E = 160000
H = 128
A = 50
L = 4

NTP = 10240
NW = 32
NCH = 40
CH = 128
EP = NW * NCH * CH
PAD_ROW = NT

NCH0 = 64
NCH1 = 16
NCHMX = max(NCH0, NCH1)
EPM_ROWS = 16 * NCH0 + 15 * NCH1 + NCHMX

APW = 80
AP = NW * APW

@functools.cache
def _mesh():
    return plsc.VectorSubcoreMesh(core_axis_name="c", subcore_axis_name="s",
                                  num_cores=2, num_subcores=16)



def _sc_deg_body(dstm_hbm, zeros_hbm, ones_hbm, out_hbm, didx, ones,
                 accum):
    c = lax.axis_index("c")
    s = lax.axis_index("s")
    wid = c * 16 + s
    rps = NTP // 16

    pltpu.sync_copy(zeros_hbm.at[pl.ds(s * rps, rps)],
                    accum.at[pl.ds(s * rps, rps)])
    pltpu.sync_copy(ones_hbm, ones)
    plsc.subcore_barrier()
    pltpu.sync_copy(dstm_hbm.at[pl.ds(wid * NCH, NCH)], didx)

    def _count(j, _):
        pltpu.sync_copy(ones, accum.at[didx.at[j]], add=True)
        return _

    lax.fori_loop(0, NCH, _count, None)
    plsc.subcore_barrier()
    pltpu.sync_copy(accum.at[pl.ds(s * rps, rps)],
                    out_hbm.at[c, pl.ds(s * rps, rps)])


@functools.cache
def _sc_deg():
    return pl.kernel(
        _sc_deg_body,
        out_type=jax.ShapeDtypeStruct((2, NTP, H), jnp.float32),
        mesh=_mesh(),
        scratch_types=[
            pltpu.VMEM((NCH, CH), jnp.int32),
            pltpu.VMEM((CH, H), jnp.float32),
            pltpu.VMEM_SHARED((NTP, H), jnp.float32),
        ],
    )




def _sc_agg_body(h_hbm, srcm_hbm, dstm_hbm, zeros_hbm, out_hbm, sidx, didx,
                 rows0, rows1, accum, g0, g1, s0, s1):
    c = lax.axis_index("c")
    s = lax.axis_index("s")
    wid = c * 16 + s
    rps = NTP // 16

    pltpu.sync_copy(zeros_hbm.at[pl.ds(s * rps, rps)], accum.at[pl.ds(s * rps, rps)])
    plsc.subcore_barrier()

    base = jnp.where(c == 0, s * NCH0, 16 * NCH0 + s * NCH1)
    pltpu.sync_copy(srcm_hbm.at[pl.ds(base, NCHMX)], sidx)
    pltpu.sync_copy(dstm_hbm.at[pl.ds(base, NCHMX)], didx)

    def _run(n):
        pltpu.async_copy(h_hbm.at[sidx.at[0]], rows0, g0)

        def _pair(i, _):
            a = i * 2
            b = a + 1

            @pl.when(i > 0)
            def _():
                pltpu.make_async_copy(rows1, accum.at[didx.at[a]], s1).wait()

            pltpu.async_copy(h_hbm.at[sidx.at[b]], rows1, g1)
            pltpu.make_async_copy(h_hbm.at[sidx.at[a]], rows0, g0).wait()
            pltpu.async_copy(rows0, accum.at[didx.at[a]], s0, add=True)
            pltpu.make_async_copy(h_hbm.at[sidx.at[b]], rows1, g1).wait()
            pltpu.make_async_copy(rows0, accum.at[didx.at[a]], s0).wait()

            @pl.when(i < n // 2 - 1)
            def _():
                pltpu.async_copy(h_hbm.at[sidx.at[a + 2]], rows0, g0)

            pltpu.async_copy(rows1, accum.at[didx.at[b]], s1, add=True)
            return _

        lax.fori_loop(0, n // 2, _pair, None)
        pltpu.make_async_copy(rows1, accum.at[didx.at[0]], s1).wait()

    @pl.when(c == 0)
    def _():
        _run(NCH0)

    @pl.when(c == 1)
    def _():
        _run(NCH1)

    plsc.subcore_barrier()
    pltpu.sync_copy(accum.at[pl.ds(s * rps, rps)],
                    out_hbm.at[c, pl.ds(s * rps, rps)])


@functools.cache
def _sc_agg():
    return pl.kernel(
        _sc_agg_body,
        out_type=jax.ShapeDtypeStruct((2, NTP, H), jnp.float32),
        mesh=_mesh(),
        scratch_types=[
            pltpu.VMEM((NCHMX, CH), jnp.int32),
            pltpu.VMEM((NCHMX, CH), jnp.int32),
            pltpu.VMEM((CH, H), jnp.float32),
            pltpu.VMEM((CH, H), jnp.float32),
            pltpu.VMEM_SHARED((NTP, H), jnp.float32),
            pltpu.SemaphoreType.DMA,
            pltpu.SemaphoreType.DMA,
            pltpu.SemaphoreType.DMA,
            pltpu.SemaphoreType.DMA,
        ],
    )




def _sc_tail_gather_body(z_hbm, gum_hbm, ridm_hbm, cidm_hbm, gidm_hbm,
                         zr_hbm, zc_hbm, gg_hbm, ridx, cidx, gidx, rrows,
                         crows, grows, sem):
    c = lax.axis_index("c")
    s = lax.axis_index("s")
    wid = c * 16 + s
    pltpu.sync_copy(ridm_hbm, ridx)
    pltpu.sync_copy(cidm_hbm, cidx)
    pltpu.sync_copy(gidm_hbm, gidx)
    pltpu.async_copy(z_hbm.at[ridx.at[wid]], rrows, sem).wait()
    pltpu.sync_copy(rrows, zr_hbm.at[pl.ds(wid * APW, APW)])
    pltpu.async_copy(z_hbm.at[cidx.at[wid]], crows, sem).wait()
    pltpu.sync_copy(crows, zc_hbm.at[pl.ds(wid * APW, APW)])
    pltpu.async_copy(gum_hbm.at[gidx.at[wid]], grows, sem).wait()
    pltpu.sync_copy(grows, gg_hbm.at[pl.ds(wid * APW, APW)])


@functools.cache
def _sc_tail_gather():
    return pl.kernel(
        _sc_tail_gather_body,
        out_type=(
            jax.ShapeDtypeStruct((AP, H), jnp.float32),
            jax.ShapeDtypeStruct((AP, H), jnp.float32),
            jax.ShapeDtypeStruct((AP, H), jnp.float32),
        ),
        mesh=_mesh(),
        scratch_types=[
            pltpu.VMEM((NW, APW), jnp.int32),
            pltpu.VMEM((NW, APW), jnp.int32),
            pltpu.VMEM((NW, APW), jnp.int32),
            pltpu.VMEM((APW, H), jnp.float32),
            pltpu.VMEM((APW, H), jnp.float32),
            pltpu.VMEM((APW, H), jnp.float32),
            pltpu.SemaphoreType.DMA,
        ],
    )




def _recip_precise(v):
    r = jax.lax.reciprocal(v)
    r = r * (2.0 - v * r)
    return r * (2.0 - v * r)


def _rsqrt_precise(v):
    r = jax.lax.rsqrt(v)
    r = r * (1.5 - 0.5 * v * r * r)
    return r * (1.5 - 0.5 * v * r * r)


def _prep_body(d_ref, out_ref):
    ssum = d_ref[0] + d_ref[1]
    out_ref[...] = _recip_precise(jnp.maximum(ssum, 1.0))


def _tc_prep(degp):
    return pl.pallas_call(
        _prep_body,
        out_shape=jax.ShapeDtypeStruct((NTP, H), jnp.float32),
    )(degp)




def _layer_body(h_ref, aggp_ref, invd_ref, w1_ref, b1_ref, w2_ref, b2_ref,
                ga_ref, be_ref, out_ref):
    agg = (aggp_ref[0, :NT, :] + aggp_ref[1, :NT, :]) * invd_ref[...]
    x = h_ref[:NT, :] + agg
    z = jnp.dot(x, w1_ref[...], preferred_element_type=jnp.float32) + b1_ref[...]
    z = jnp.maximum(z, 0.0)
    z = jnp.dot(z, w2_ref[...], preferred_element_type=jnp.float32) + b2_ref[...]
    z = jnp.maximum(z, 0.0)
    mu = jnp.mean(z, axis=0, keepdims=True)
    var = jnp.mean((z - mu) ** 2, axis=0, keepdims=True)
    scale = _rsqrt_precise(var + 1e-5) * ga_ref[...]
    out_ref[:NT, :] = (z - mu) * scale + be_ref[...]
    out_ref[NT:, :] = jnp.zeros((NTP - NT, H), jnp.float32)


def _tc_layer(h_pad, aggp, inv_deg, w1, b1, w2, b2, ga, be):
    return pl.pallas_call(
        _layer_body,
        out_shape=jax.ShapeDtypeStruct((NTP, H), jnp.float32),
    )(h_pad, aggp, inv_deg, w1, b1, w2, b2, ga, be)



_BLK = 1000
_GPB = _BLK // N


def _policy_body(h1_ref, h2_ref, h3_ref, h4_ref, w1t_ref, w1b_ref, b1_ref,
                 w2_ref, b2_ref, pw1_ref, pb1_ref, pw2_ref, pb2_ref, out_ref):
    npool = h1_ref[...] + h2_ref[...] + h3_ref[...] + h4_ref[...]
    g_of = jax.lax.broadcasted_iota(jnp.int32, (_GPB, _BLK), 0)
    r_of = jax.lax.broadcasted_iota(jnp.int32, (_GPB, _BLK), 1) // N
    pm = jnp.where(g_of == r_of, 1.0 / N, 0.0)
    gp = jnp.dot(pm, npool, preferred_element_type=jnp.float32)
    q_r = jax.lax.broadcasted_iota(jnp.int32, (_BLK, _GPB), 0) // N
    q_g = jax.lax.broadcasted_iota(jnp.int32, (_BLK, _GPB), 1)
    qm = jnp.where(q_r == q_g, 1.0, 0.0)
    t = (jnp.dot(npool, w1t_ref[...], preferred_element_type=jnp.float32)
         + jnp.dot(qm, jnp.dot(gp, w1b_ref[...],
                               preferred_element_type=jnp.float32),
                   preferred_element_type=jnp.float32)
         + b1_ref[...])
    z = jnp.dot(jnp.tanh(t), w2_ref[...],
                preferred_element_type=jnp.float32) + b2_ref[...]
    for i in range(2):
        t = jnp.dot(z, pw1_ref[i], preferred_element_type=jnp.float32) + pb1_ref[i:i + 1, :]
        z = jnp.dot(jnp.tanh(t), pw2_ref[i],
                    preferred_element_type=jnp.float32) + pb2_ref[i:i + 1, :]
    out_ref[...] = z


def _tc_policy(h1, h2, h3, h4, p0_W1, p0_b1, p0_W2, p0_b2, pW1, pb1, pW2, pb2):
    blk = pl.BlockSpec((_BLK, H), lambda i: (i, 0))
    full = lambda *shape: pl.BlockSpec(shape, lambda i: tuple(0 for _ in shape))
    return pl.pallas_call(
        _policy_body,
        grid=(NT // _BLK,),
        in_specs=[blk, blk, blk, blk,
                  full(H, H), full(H, H), full(1, H),
                  full(H, H), full(1, H),
                  full(2, H, H), full(2, H), full(2, H, H), full(2, H)],
        out_specs=blk,
        out_shape=jax.ShapeDtypeStruct((NT, H), jnp.float32),
    )(h1, h2, h3, h4, p0_W1[:H], p0_W1[H:], p0_b1.reshape(1, H),
      p0_W2, p0_b2.reshape(1, H), pW1, pb1, pW2, pb2)




def _tail_body(zr_ref, zc_ref, gg_ref, sub_ref, pm_ref, out_s_ref, out_lp_ref):
    s = jnp.sum(zr_ref[...] * zc_ref[...], axis=-1)
    k16 = jax.lax.broadcasted_iota(jnp.int32, (B, A, H), 2)
    g = jnp.sum(jnp.where(k16 == sub_ref[...][:, :, None], gg_ref[...], 0.0),
                axis=-1)
    pm = pm_ref[...]
    i_idx = jax.lax.broadcasted_iota(jnp.int32, (B, A, A), 1)
    j_idx = jax.lax.broadcasted_iota(jnp.int32, (B, A, A), 2)
    dup = jnp.any((pm[:, :, None] == pm[:, None, :]) & (i_idx > j_idx), axis=2)
    tot = s + g
    m = jnp.max(tot, axis=1, keepdims=True)
    ia = jax.lax.broadcasted_iota(jnp.int32, (B, A), 1)
    win = jnp.min(jnp.where(tot == m, ia, A), axis=1, keepdims=True)
    sel = ia == win
    aid = jnp.sum(jnp.where(sel, pm, 0), axis=1, keepdims=True)
    s_win = jnp.sum(jnp.where(sel, s, 0.0), axis=1, keepdims=True)
    s_mask = jnp.where(dup, -jnp.inf, s)
    mm = jnp.max(s_mask, axis=1, keepdims=True)
    lse = mm + jnp.log(jnp.sum(jnp.where(dup, 0.0, jnp.exp(s - mm)),
                               axis=1, keepdims=True))
    out_lp_ref[...] = s_win - lse
    out_s_ref[:, 0:1] = aid // N
    out_s_ref[:, 1:2] = aid % N


def _tc_tail(zr, zc, gg, sub, pm):
    return pl.pallas_call(
        _tail_body,
        out_shape=(jax.ShapeDtypeStruct((B, 2), jnp.int32),
                   jax.ShapeDtypeStruct((B, 1), jnp.float32)),
    )(zr, zc, gg, sub, pm)




def kernel(x, edge_index, batch, feasible_actions, gin_W1, gin_b1, gin_W2,
           gin_b2, bn_gamma, bn_beta, p0_W1, p0_b1, p0_W2, p0_b2, pW1, pb1,
           pW2, pb2):
    src = edge_index[0]
    dst = edge_index[1]
    srcm = jnp.full((EPM_ROWS * CH,), PAD_ROW, jnp.int32).at[:E].set(src).reshape(EPM_ROWS, CH)
    dstm = jnp.full((EPM_ROWS * CH,), PAD_ROW, jnp.int32).at[:E].set(dst).reshape(EPM_ROWS, CH)
    zeros_pad = jnp.zeros((NTP, H), jnp.float32)

    degp = _sc_deg()(dstm, zeros_pad, jnp.ones((CH, H), jnp.float32))
    inv_deg = _tc_prep(degp)[:NT, :1]

    h = jnp.zeros((NTP, H), jnp.float32).at[:NT].set(x)
    hs = []
    for l in range(L):
        aggp = _sc_agg()(h, srcm, dstm, zeros_pad)
        h = _tc_layer(h, aggp, inv_deg, gin_W1[l], gin_b1[l].reshape(1, H),
                      gin_W2[l], gin_b2[l].reshape(1, H),
                      bn_gamma[l].reshape(1, H), bn_beta[l].reshape(1, H))
        hs.append(h)

    z = _tc_policy(hs[0], hs[1], hs[2], hs[3], p0_W1, p0_b1, p0_W2, p0_b2,
                   pW1, pb1, pW2, pb2)

    r = feasible_actions[:, :, 0]
    c = feasible_actions[:, :, 1]
    pmat = r * N + c
    boff = jnp.arange(B, dtype=jnp.int32)[:, None]
    ridx = jnp.zeros((AP,), jnp.int32).at[:B * A].set((r + boff * N).ravel())
    cidx = jnp.zeros((AP,), jnp.int32).at[:B * A].set((c + boff * N).ravel())
    gpos = (pmat + boff * (N * N)).ravel()
    gidx = jnp.zeros((AP,), jnp.int32).at[:B * A].set(gpos // H)
    sub = (gpos % H).astype(jnp.int32).reshape(B, A)

    gum = jax.random.gumbel(jax.random.key(42), (B, 1, N * N), jnp.float32)
    gum16 = gum.reshape(B * N * N // H, H)

    zr, zc, gg = _sc_tail_gather()(z, gum16, ridx.reshape(NW, APW),
                                   cidx.reshape(NW, APW), gidx.reshape(NW, APW))
    sampled2, lp = _tc_tail(zr[:B * A].reshape(B, A, H),
                            zc[:B * A].reshape(B, A, H),
                            gg[:B * A].reshape(B, A, H), sub, pmat)
    return (sampled2.reshape(B, 1, 2), lp)

# --- scband reference (transcript-rebuilt; emitter-appended) ---
"""Pipeline reference for scband-actor-34789235098230 (READ-ONLY COPY).

The authoritative reference and input builder live on the scoring server;
editing this copy changes nothing except your own understanding.
"""

import jax, jax.numpy as jnp
import numpy as np

B = 50
N = 200
NT = B * N
E = 160000
D = 128
H = 128
A = 50
L = 4

def setup_inputs(seed: int = 0):
    key = jax.random.key(seed)
    ks = jax.random.split(key, 16)
    s = 0.08
    inp = {}
    inp['x'] = jax.random.normal(ks[0], (NT, D), dtype=jnp.float32)
    inp['edge_index'] = jax.random.randint(ks[1], (2, E), 0, NT, dtype=jnp.int32)
    inp['batch'] = jnp.repeat(jnp.arange(B, dtype=jnp.int32), N)
    inp['feasible_actions'] = jax.random.randint(ks[2], (B, A, 2), 0, N, dtype=jnp.int32)
    inp['gin_W1'] = jax.random.normal(ks[3], (L, D, H), dtype=jnp.float32) * s
    inp['gin_b1'] = jnp.zeros((L, H), dtype=jnp.float32)
    inp['gin_W2'] = jax.random.normal(ks[4], (L, H, H), dtype=jnp.float32) * s
    inp['gin_b2'] = jnp.zeros((L, H), dtype=jnp.float32)
    inp['bn_gamma'] = jnp.ones((L, H), dtype=jnp.float32)
    inp['bn_beta'] = jnp.zeros((L, H), dtype=jnp.float32)
    inp['p0_W1'] = jax.random.normal(ks[5], (2 * H, H), dtype=jnp.float32) * s
    inp['p0_b1'] = jnp.zeros((H,), dtype=jnp.float32)
    inp['p0_W2'] = jax.random.normal(ks[6], (H, H), dtype=jnp.float32) * s
    inp['p0_b2'] = jnp.zeros((H,), dtype=jnp.float32)
    inp['pW1'] = jax.random.normal(ks[7], (2, H, H), dtype=jnp.float32) * s
    inp['pb1'] = jnp.zeros((2, H), dtype=jnp.float32)
    inp['pW2'] = jax.random.normal(ks[8], (2, H, H), dtype=jnp.float32) * s
    inp['pb2'] = jnp.zeros((2, H), dtype=jnp.float32)
    return inp

def reference(x, edge_index, batch, feasible_actions, gin_W1, gin_b1, gin_W2, gin_b2, bn_gamma, bn_beta, p0_W1, p0_b1, p0_W2, p0_b2, pW1, pb1, pW2, pb2):
    src = edge_index[0]
    dst = edge_index[1]
    deg = jax.ops.segment_sum(jnp.ones((E,), jnp.float32), dst, num_segments=NT)
    deg = jnp.maximum(deg, 1.0)[:, None]

    def gin_layer(h, l):
        # GINConv(aggr='mean', eps=0): nn(x + mean_{j->i} x_j)
        agg = jax.ops.segment_sum(h[src], dst, num_segments=NT) / deg
        z = h + agg
        z = jnp.maximum(jnp.dot(z, gin_W1[l]) + gin_b1[l], 0.0)
        z = jnp.dot(z, gin_W2[l]) + gin_b2[l]
        z = jnp.maximum(z, 0.0)  # F.relu after conv
        mu = jnp.mean(z, axis=0)
        var = jnp.mean((z - mu) ** 2, axis=0)  # BatchNorm1d, training-mode batch stats
        return (z - mu) / jnp.sqrt(var + 1e-5) * bn_gamma[l] + bn_beta[l]

    hidden_rep = []
    h = gin_layer(x, 0)
    node_pool = h
    hidden_rep.append(h)
    for l in range(1, L):
        h = gin_layer(h, l)
        node_pool = node_pool + h
        hidden_rep.append(h)
    cnt = jax.ops.segment_sum(jnp.ones((NT,), jnp.float32), batch, num_segments=B)[:, None]
    cnt = jnp.maximum(cnt, 1.0)
    gpool = jnp.zeros((B, H), jnp.float32)
    for layer_h in hidden_rep:
        gpool = gpool + jax.ops.segment_sum(layer_h, batch, num_segments=B) / cnt
    aug = jnp.concatenate([node_pool, jnp.repeat(gpool, N, axis=0)], axis=-1).reshape(B, N, 2 * H)
    z = jnp.dot(jnp.tanh(jnp.dot(aug, p0_W1) + p0_b1), p0_W2) + p0_b2
    for i in range(2):
        z = jnp.dot(jnp.tanh(jnp.dot(z, pW1[i]) + pb1[i]), pW2[i]) + pb2[i]
    score = jnp.einsum('bnd,bmd->bnm', z, z)
    carries = jnp.arange(B, dtype=feasible_actions.dtype) * N
    rows = (feasible_actions[:, :, 0] + carries[:, None]).ravel()
    cols = feasible_actions[:, :, 1].ravel()
    mask = jnp.ones((NT, N), dtype=bool).at[rows, cols].set(False)
    mask = mask.reshape(B, N, N)
    score = jnp.where(mask, -jnp.inf, score)
    flat = score.reshape(B, 1, N * N)
    log_probs = jax.nn.log_softmax(flat, axis=-1)
    actions_id = jax.random.categorical(jax.random.key(42), flat, axis=-1)  # [B,1]
    sampled = jnp.stack([actions_id // N, actions_id % N], axis=-1)
    log_prob = jnp.take_along_axis(log_probs, actions_id[:, :, None], axis=-1).squeeze(-1)
    return (sampled, log_prob)

if __name__ == "__main__":
    import jax
    _d = setup_inputs()
    print(jax.jit(kernel)(*tuple(_d.values())))

</pallas_src>

<mosaic_0001>
#map = affine_map<(d0, d1) -> (0, 0)>
#map1 = affine_map<(d0, d1) -> (0, 0, 0)>
module attributes {stable_mosaic.version = 14 : i64} {
  func.func @_sc_agg_body(%arg0: i32, %arg1: i32, %arg2: memref<10240x128xf32, #tpu.memory_space<hbm>>, %arg3: memref<1328x128xi32, #tpu.memory_space<hbm>>, %arg4: memref<1328x128xi32, #tpu.memory_space<hbm>>, %arg5: memref<10240x128xf32, #tpu.memory_space<hbm>>, %arg6: memref<2x10240x128xf32, #tpu.memory_space<hbm>>, %arg7: memref<64x128xi32, #tpu.memory_space<vmem>>, %arg8: memref<64x128xi32, #tpu.memory_space<vmem>>, %arg9: memref<128x128xf32, #tpu.memory_space<vmem>>, %arg10: memref<128x128xf32, #tpu.memory_space<vmem>>, %arg11: memref<10240x128xf32, #tpu.memory_space<vmem_shared>>, %arg12: memref<!tpu.dma_semaphore, #tpu.memory_space<semaphore_mem>>, %arg13: memref<!tpu.dma_semaphore, #tpu.memory_space<semaphore_mem>>, %arg14: memref<!tpu.dma_semaphore, #tpu.memory_space<semaphore_mem>>, %arg15: memref<!tpu.dma_semaphore, #tpu.memory_space<semaphore_mem>>) attributes {dimension_semantics = [#tpu.dimension_semantics<core_parallel>, #tpu.dimension_semantics<subcore_parallel>], iteration_bounds = array<i64: 2, 16>, scalar_prefetch = 0 : i64, scratch_operands = 9 : i64, tpu.core_type = #tpu.core_type<sc_vector_subcore>, window_params = [{transform_indices = #map}, {transform_indices = #map}, {transform_indices = #map}, {transform_indices = #map}, {transform_indices = #map1}]} {
    %mul3A = arith.constant 16 : i32
    %mul3A_0 = arith.muli %arg0, %mul3A : i32
    %add3A = arith.addi %mul3A_0, %arg1 : i32
    %mul3A_1 = arith.constant 640 : i32
    %mul3A_2 = arith.muli %arg1, %mul3A_1 : i32
    %mul3A_3 = arith.constant 640 : i32
    %mul3A_4 = arith.muli %arg1, %mul3A_3 : i32
    "tpu.region"() ({
      %run_scoped3A = tpu.sem_alloc : memref<!tpu.dma_semaphore, #tpu.memory_space<semaphore_mem>>
      %dma_start3A = arith.constant 0 : i32
      %dma_start3A_25 = tpu.memref_slice %arg11[%mul3A_4, %dma_start3A] : memref<10240x128xf32, #tpu.memory_space<vmem_shared>> -> memref<640x128xf32, #tpu.memory_space<vmem_shared>>
      %dma_start3A_26 = arith.constant 0 : i32
      %dma_start3A_27 = tpu.memref_slice %arg5[%mul3A_2, %dma_start3A_26] : memref<10240x128xf32, #tpu.memory_space<hbm>> -> memref<640x128xf32, #tpu.memory_space<hbm>>
      tpu.enqueue_dma source(%dma_start3A_27 : memref<640x128xf32, #tpu.memory_space<hbm>>) target(%dma_start3A_25 : memref<640x128xf32, #tpu.memory_space<vmem_shared>>) target_semaphore(%run_scoped3A : memref<!tpu.dma_semaphore, #tpu.memory_space<semaphore_mem>>)
      %dma_wait3A = arith.constant 0 : i32
      %dma_wait3A_28 = tpu.memref_slice %arg11[%mul3A_4, %dma_wait3A] : memref<10240x128xf32, #tpu.memory_space<vmem_shared>> -> memref<640x128xf32, #tpu.memory_space<vmem_shared>>
      %dma_wait3A_29 = arith.constant 0 : i32
      %dma_wait3A_30 = tpu.memref_slice %arg5[%mul3A_2, %dma_wait3A_29] : memref<10240x128xf32, #tpu.memory_space<hbm>> -> memref<640x128xf32, #tpu.memory_space<hbm>>
      tpu.wait_dma2 semaphore(%run_scoped3A : memref<!tpu.dma_semaphore, #tpu.memory_space<semaphore_mem>>) src(%dma_wait3A_30 : memref<640x128xf32, #tpu.memory_space<hbm>>) dst(%dma_wait3A_28 : memref<640x128xf32, #tpu.memory_space<vmem_shared>>)
      tpu.yield
    }) : () -> ()
    %barrier3A = arith.constant 0 : index
    tpu.barrier barrier_id(%barrier3A)
    %eq3A = arith.constant 0 : i32
    %eq3A_5 = arith.cmpi eq, %arg0, %eq3A : i32
    %mul3A_6 = arith.constant 64 : i32
    %mul3A_7 = arith.muli %arg1, %mul3A_6 : i32
    %mul3A_8 = arith.constant 16 : i32
    %mul3A_9 = arith.muli %arg1, %mul3A_8 : i32
    %add3A_10 = arith.constant 1024 : i32
    %add3A_11 = arith.addi %add3A_10, %mul3A_9 : i32
    %select_n3A = arith.select %eq3A_5, %mul3A_7, %add3A_11 : i32
    "tpu.region"() ({
      %run_scoped3A = tpu.sem_alloc : memref<!tpu.dma_semaphore, #tpu.memory_space<semaphore_mem>>
      %dma_start3A = arith.constant 0 : i32
      %dma_start3A_25 = tpu.memref_slice %arg3[%select_n3A, %dma_start3A] : memref<1328x128xi32, #tpu.memory_space<hbm>> -> memref<64x128xi32, #tpu.memory_space<hbm>>
      %dma_start3A_26 = arith.constant 0 : i32
      %dma_start3A_27 = tpu.memref_slice %arg3[%select_n3A, %dma_start3A_26] : memref<1328x128xi32, #tpu.memory_space<hbm>> -> memref<64x128xi32, #tpu.memory_space<hbm>>
      tpu.enqueue_dma source(%dma_start3A_27 : memref<64x128xi32, #tpu.memory_space<hbm>>) target(%arg7 : memref<64x128xi32, #tpu.memory_space<vmem>>) target_semaphore(%run_scoped3A : memref<!tpu.dma_semaphore, #tpu.memory_space<semaphore_mem>>)
      %dma_wait3A = arith.constant 0 : i32
      %dma_wait3A_28 = tpu.memref_slice %arg3[%select_n3A, %dma_wait3A] : memref<1328x128xi32, #tpu.memory_space<hbm>> -> memref<64x128xi32, #tpu.memory_space<hbm>>
      %dma_wait3A_29 = arith.constant 0 : i32
      %dma_wait3A_30 = tpu.memref_slice %arg3[%select_n3A, %dma_wait3A_29] : memref<1328x128xi32, #tpu.memory_space<hbm>> -> memref<64x128xi32, #tpu.memory_space<hbm>>
      tpu.wait_dma2 semaphore(%run_scoped3A : memref<!tpu.dma_semaphore, #tpu.memory_space<semaphore_mem>>) src(%dma_wait3A_30 : memref<64x128xi32, #tpu.memory_space<hbm>>) dst(%arg7 : memref<64x128xi32, #tpu.memory_space<vmem>>)
      tpu.yield
    }) : () -> ()
    "tpu.region"() ({
      %run_scoped3A = tpu.sem_alloc : memref<!tpu.dma_semaphore, #tpu.memory_space<semaphore_mem>>
      %dma_start3A = arith.constant 0 : i32
      %dma_start3A_25 = tpu.memref_slice %arg4[%select_n3A, %dma_start3A] : memref<1328x128xi32, #tpu.memory_space<hbm>> -> memref<64x128xi32, #tpu.memory_space<hbm>>
      %dma_start3A_26 = arith.constant 0 : i32
      %dma_start3A_27 = tpu.memref_slice %arg4[%select_n3A, %dma_start3A_26] : memref<1328x128xi32, #tpu.memory_space<hbm>> -> memref<64x128xi32, #tpu.memory_space<hbm>>
      tpu.enqueue_dma source(%dma_start3A_27 : memref<64x128xi32, #tpu.memory_space<hbm>>) target(%arg8 : memref<64x128xi32, #tpu.memory_space<vmem>>) target_semaphore(%run_scoped3A : memref<!tpu.dma_semaphore, #tpu.memory_space<semaphore_mem>>)
      %dma_wait3A = arith.constant 0 : i32
      %dma_wait3A_28 = tpu.memref_slice %arg4[%select_n3A, %dma_wait3A] : memref<1328x128xi32, #tpu.memory_space<hbm>> -> memref<64x128xi32, #tpu.memory_space<hbm>>
      %dma_wait3A_29 = arith.constant 0 : i32
      %dma_wait3A_30 = tpu.memref_slice %arg4[%select_n3A, %dma_wait3A_29] : memref<1328x128xi32, #tpu.memory_space<hbm>> -> memref<64x128xi32, #tpu.memory_space<hbm>>
      tpu.wait_dma2 semaphore(%run_scoped3A : memref<!tpu.dma_semaphore, #tpu.memory_space<semaphore_mem>>) src(%dma_wait3A_30 : memref<64x128xi32, #tpu.memory_space<hbm>>) dst(%arg8 : memref<64x128xi32, #tpu.memory_space<vmem>>)
      tpu.yield
    }) : () -> ()
    %eq3A_12 = arith.constant 0 : i32
    %eq3A_13 = arith.cmpi eq, %arg0, %eq3A_12 : i32
    %convert_element_type3A = arith.extui %eq3A_13 : i1 to i32
    %cond3A = arith.constant 0 : i32
    %cond3A_14 = arith.cmpi ne, %convert_element_type3A, %cond3A : i32
    scf.if %cond3A_14 {
      %dma_start3A = arith.constant 0 : i32
      %dma_start3A_25 = arith.constant 0 : i32
      %dma_start3A_26 = tpu.memref_slice %arg7[%dma_start3A, %dma_start3A_25] : memref<64x128xi32, #tpu.memory_space<vmem>> -> memref<1x128xi32, #tpu.memory_space<vmem>>
      %dma_start3A_27 = tpu.memref_squeeze %dma_start3A_26 : memref<1x128xi32, #tpu.memory_space<vmem>> -> memref<128xi32, #tpu.memory_space<vmem>>
      %dma_start3A_28 = arith.constant 0 : i32
      %dma_start3A_29 = arith.constant 0 : i32
      %dma_start3A_30 = tpu.memref_slice %arg2[%dma_start3A_28, %dma_start3A_29] : memref<10240x128xf32, #tpu.memory_space<hbm>> -> memref<10240x128xf32, #tpu.memory_space<hbm>>
      tpu.enqueue_indirect_dma source(%dma_start3A_30 : memref<10240x128xf32, #tpu.memory_space<hbm>>) target(%arg9 : memref<128x128xf32, #tpu.memory_space<vmem>>) offsets(%dma_start3A_27 : memref<128xi32, #tpu.memory_space<vmem>>) semaphore(%arg12 : memref<!tpu.dma_semaphore, #tpu.memory_space<semaphore_mem>>)
      %scan3A = arith.constant 0 : i32
      %scan3A_31 = arith.constant 32 : i32
      %scan3A_32 = arith.addi %scan3A, %scan3A_31 : i32
      %scan3A_33 = arith.constant 1 : i32
      scf.for %scan3A_41 = %scan3A to %scan3A_32 step %scan3A_33  : i32 {
        %mul3A_42 = arith.constant 2 : i32
        %mul3A_43 = arith.muli %scan3A_41, %mul3A_42 : i32
        %add3A_44 = arith.constant 1 : i32
        %add3A_45 = arith.addi %mul3A_43, %add3A_44 : i32
        %gt3A = arith.constant 0 : i32
        %gt3A_46 = arith.cmpi sgt, %scan3A_41, %gt3A : i32
        %convert_element_type3A_47 = arith.extui %gt3A_46 : i1 to i32
        %cond3A_48 = arith.constant 0 : i32
        %cond3A_49 = arith.cmpi ne, %convert_element_type3A_47, %cond3A_48 : i32
        scf.if %cond3A_49 {
          %dma_wait3A_90 = arith.constant 0 : i32
          %dma_wait3A_91 = tpu.memref_slice %arg8[%mul3A_43, %dma_wait3A_90] : memref<64x128xi32, #tpu.memory_space<vmem>> -> memref<1x128xi32, #tpu.memory_space<vmem>>
          %dma_wait3A_92 = tpu.memref_squeeze %dma_wait3A_91 : memref<1x128xi32, #tpu.memory_space<vmem>> -> memref<128xi32, #tpu.memory_space<vmem>>
          %dma_wait3A_93 = arith.constant 0 : i32
          %dma_wait3A_94 = arith.constant 0 : i32
          %dma_wait3A_95 = tpu.memref_slice %arg11[%dma_wait3A_93, %dma_wait3A_94] : memref<10240x128xf32, #tpu.memory_space<vmem_shared>> -> memref<10240x128xf32, #tpu.memory_space<vmem_shared>>
          tpu.wait_indirect_dma semaphore(%arg15 : memref<!tpu.dma_semaphore, #tpu.memory_space<semaphore_mem>>) src(%arg10 : memref<128x128xf32, #tpu.memory_space<vmem>>) dst(%dma_wait3A_95 : memref<10240x128xf32, #tpu.memory_space<vmem_shared>>)
        } else {
        }
        %dma_start3A_50 = arith.constant 0 : i32
        %dma_start3A_51 = tpu.memref_slice %arg7[%add3A_45, %dma_start3A_50] : memref<64x128xi32, #tpu.memory_space<vmem>> -> memref<1x128xi32, #tpu.memory_space<vmem>>
        %dma_start3A_52 = tpu.memref_squeeze %dma_start3A_51 : memref<1x128xi32, #tpu.memory_space<vmem>> -> memref<128xi32, #tpu.memory_space<vmem>>
        %dma_start3A_53 = arith.constant 0 : i32
        %dma_start3A_54 = arith.constant 0 : i32
        %dma_start3A_55 = tpu.memref_slice %arg2[%dma_start3A_53, %dma_start3A_54] : memref<10240x128xf32, #tpu.memory_space<hbm>> -> memref<10240x128xf32, #tpu.memory_space<hbm>>
        tpu.enqueue_indirect_dma source(%dma_start3A_55 : memref<10240x128xf32, #tpu.memory_space<hbm>>) target(%arg10 : memref<128x128xf32, #tpu.memory_space<vmem>>) offsets(%dma_start3A_52 : memref<128xi32, #tpu.memory_space<vmem>>) semaphore(%arg13 : memref<!tpu.dma_semaphore, #tpu.memory_space<semaphore_mem>>)
        %dma_wait3A_56 = arith.constant 0 : i32
        %dma_wait3A_57 = tpu.memref_slice %arg7[%mul3A_43, %dma_wait3A_56] : memref<64x128xi32, #tpu.memory_space<vmem>> -> memref<1x128xi32, #tpu.memory_space<vmem>>
        %dma_wait3A_58 = tpu.memref_squeeze %dma_wait3A_57 : memref<1x128xi32, #tpu.memory_space<vmem>> -> memref<128xi32, #tpu.memory_space<vmem>>
        %dma_wait3A_59 = arith.constant 0 : i32
        %dma_wait3A_60 = arith.constant 0 : i32
        %dma_wait3A_61 = tpu.memref_slice %arg2[%dma_wait3A_59, %dma_wait3A_60] : memref<10240x128xf32, #tpu.memory_space<hbm>> -> memref<10240x128xf32, #tpu.memory_space<hbm>>
        tpu.wait_indirect_dma semaphore(%arg12 : memref<!tpu.dma_semaphore, #tpu.memory_space<semaphore_mem>>) src(%dma_wait3A_61 : memref<10240x128xf32, #tpu.memory_space<hbm>>) dst(%arg9 : memref<128x128xf32, #tpu.memory_space<vmem>>)
        %dma_start3A_62 = arith.constant 0 : i32
        %dma_start3A_63 = tpu.memref_slice %arg8[%mul3A_43, %dma_start3A_62] : memref<64x128xi32, #tpu.memory_space<vmem>> -> memref<1x128xi32, #tpu.memory_space<vmem>>
        %dma_start3A_64 = tpu.memref_squeeze %dma_start3A_63 : memref<1x128xi32, #tpu.memory_space<vmem>> -> memref<128xi32, #tpu.memory_space<vmem>>
        %dma_start3A_65 = arith.constant 0 : i32
        %dma_start3A_66 = arith.constant 0 : i32
        %dma_start3A_67 = tpu.memref_slice %arg11[%dma_start3A_65, %dma_start3A_66] : memref<10240x128xf32, #tpu.memory_space<vmem_shared>> -> memref<10240x128xf32, #tpu.memory_space<vmem_shared>>
        tpu.enqueue_indirect_dma source(%arg9 : memref<128x128xf32, #tpu.memory_space<vmem>>) target(%dma_start3A_67 : memref<10240x128xf32, #tpu.memory_space<vmem_shared>>) offsets(%dma_start3A_64 : memref<128xi32, #tpu.memory_space<vmem>>) semaphore(%arg14 : memref<!tpu.dma_semaphore, #tpu.memory_space<semaphore_mem>>) {add = true}
        %dma_wait3A_68 = arith.constant 0 : i32
        %dma_wait3A_69 = tpu.memref_slice %arg7[%add3A_45, %dma_wait3A_68] : memref<64x128xi32, #tpu.memory_space<vmem>> -> memref<1x128xi32, #tpu.memory_space<vmem>>
        %dma_wait3A_70 = tpu.memref_squeeze %dma_wait3A_69 : memref<1x128xi32, #tpu.memory_space<vmem>> -> memref<128xi32, #tpu.memory_space<vmem>>
        %dma_wait3A_71 = arith.constant 0 : i32
        %dma_wait3A_72 = arith.constant 0 : i32
        %dma_wait3A_73 = tpu.memref_slice %arg2[%dma_wait3A_71, %dma_wait3A_72] : memref<10240x128xf32, #tpu.memory_space<hbm>> -> memref<10240x128xf32, #tpu.memory_space<hbm>>
        tpu.wait_indirect_dma semaphore(%arg13 : memref<!tpu.dma_semaphore, #tpu.memory_space<semaphore_mem>>) src(%dma_wait3A_73 : memref<10240x128xf32, #tpu.memory_space<hbm>>) dst(%arg10 : memref<128x128xf32, #tpu.memory_space<vmem>>)
        %dma_wait3A_74 = arith.constant 0 : i32
        %dma_wait3A_75 = tpu.memref_slice %arg8[%mul3A_43, %dma_wait3A_74] : memref<64x128xi32, #tpu.memory_space<vmem>> -> memref<1x128xi32, #tpu.memory_space<vmem>>
        %dma_wait3A_76 = tpu.memref_squeeze %dma_wait3A_75 : memref<1x128xi32, #tpu.memory_space<vmem>> -> memref<128xi32, #tpu.memory_space<vmem>>
        %dma_wait3A_77 = arith.constant 0 : i32
        %dma_wait3A_78 = arith.constant 0 : i32
        %dma_wait3A_79 = tpu.memref_slice %arg11[%dma_wait3A_77, %dma_wait3A_78] : memref<10240x128xf32, #tpu.memory_space<vmem_shared>> -> memref<10240x128xf32, #tpu.memory_space<vmem_shared>>
        tpu.wait_indirect_dma semaphore(%arg14 : memref<!tpu.dma_semaphore, #tpu.memory_space<semaphore_mem>>) src(%arg9 : memref<128x128xf32, #tpu.memory_space<vmem>>) dst(%dma_wait3A_79 : memref<10240x128xf32, #tpu.memory_space<vmem_shared>>)
        %lt3A = arith.constant 31 : i32
        %lt3A_80 = arith.cmpi slt, %scan3A_41, %lt3A : i32
        %convert_element_type3A_81 = arith.extui %lt3A_80 : i1 to i32
        %cond3A_82 = arith.constant 0 : i32
        %cond3A_83 = arith.cmpi ne, %convert_element_type3A_81, %cond3A_82 : i32
        scf.if %cond3A_83 {
          %add3A_90 = arith.constant 2 : i32
          %add3A_91 = arith.addi %mul3A_43, %add3A_90 : i32
          %dma_start3A_92 = arith.constant 0 : i32
          %dma_start3A_93 = tpu.memref_slice %arg7[%add3A_91, %dma_start3A_92] : memref<64x128xi32, #tpu.memory_space<vmem>> -> memref<1x128xi32, #tpu.memory_space<vmem>>
          %dma_start3A_94 = tpu.memref_squeeze %dma_start3A_93 : memref<1x128xi32, #tpu.memory_space<vmem>> -> memref<128xi32, #tpu.memory_space<vmem>>
          %dma_start3A_95 = arith.constant 0 : i32
          %dma_start3A_96 = arith.constant 0 : i32
          %dma_start3A_97 = tpu.memref_slice %arg2[%dma_start3A_95, %dma_start3A_96] : memref<10240x128xf32, #tpu.memory_space<hbm>> -> memref<10240x128xf32, #tpu.memory_space<hbm>>
          tpu.enqueue_indirect_dma source(%dma_start3A_97 : memref<10240x128xf32, #tpu.memory_space<hbm>>) target(%arg9 : memref<128x128xf32, #tpu.memory_space<vmem>>) offsets(%dma_start3A_94 : memref<128xi32, #tpu.memory_space<vmem>>) semaphore(%arg12 : memref<!tpu.dma_semaphore, #tpu.memory_space<semaphore_mem>>)
        } else {
        }
        %dma_start3A_84 = arith.constant 0 : i32
        %dma_start3A_85 = tpu.memref_slice %arg8[%add3A_45, %dma_start3A_84] : memref<64x128xi32, #tpu.memory_space<vmem>> -> memref<1x128xi32, #tpu.memory_space<vmem>>
        %dma_start3A_86 = tpu.memref_squeeze %dma_start3A_85 : memref<1x128xi32, #tpu.memory_space<vmem>> -> memref<128xi32, #tpu.memory_space<vmem>>
        %dma_start3A_87 = arith.constant 0 : i32
        %dma_start3A_88 = arith.constant 0 : i32
        %dma_start3A_89 = tpu.memref_slice %arg11[%dma_start3A_87, %dma_start3A_88] : memref<10240x128xf32, #tpu.memory_space<vmem_shared>> -> memref<10240x128xf32, #tpu.memory_space<vmem_shared>>
        tpu.enqueue_indirect_dma source(%arg10 : memref<128x128xf32, #tpu.memory_space<vmem>>) target(%dma_start3A_89 : memref<10240x128xf32, #tpu.memory_space<vmem_shared>>) offsets(%dma_start3A_86 : memref<128xi32, #tpu.memory_space<vmem>>) semaphore(%arg15 : memref<!tpu.dma_semaphore, #tpu.memory_space<semaphore_mem>>) {add = true}
      }
      %scan3A_34 = arith.constant 32 : i32
      %dma_wait3A = arith.constant 0 : i32
      %dma_wait3A_35 = arith.constant 0 : i32
      %dma_wait3A_36 = tpu.memref_slice %arg8[%dma_wait3A, %dma_wait3A_35] : memref<64x128xi32, #tpu.memory_space<vmem>> -> memref<1x128xi32, #tpu.memory_space<vmem>>
      %dma_wait3A_37 = tpu.memref_squeeze %dma_wait3A_36 : memref<1x128xi32, #tpu.memory_space<vmem>> -> memref<128xi32, #tpu.memory_space<vmem>>
      %dma_wait3A_38 = arith.constant 0 : i32
      %dma_wait3A_39 = arith.constant 0 : i32
      %dma_wait3A_40 = tpu.memref_slice %arg11[%dma_wait3A_38, %dma_wait3A_39] : memref<10240x128xf32, #tpu.memory_space<vmem_shared>> -> memref<10240x128xf32, #tpu.memory_space<vmem_shared>>
      tpu.wait_indirect_dma semaphore(%arg15 : memref<!tpu.dma_semaphore, #tpu.memory_space<semaphore_mem>>) src(%arg10 : memref<128x128xf32, #tpu.memory_space<vmem>>) dst(%dma_wait3A_40 : memref<10240x128xf32, #tpu.memory_space<vmem_shared>>)
    } else {
    }
    %eq3A_15 = arith.constant 1 : i32
    %eq3A_16 = arith.cmpi eq, %arg0, %eq3A_15 : i32
    %convert_element_type3A_17 = arith.extui %eq3A_16 : i1 to i32
    %cond3A_18 = arith.constant 0 : i32
    %cond3A_19 = arith.cmpi ne, %convert_element_type3A_17, %cond3A_18 : i32
    scf.if %cond3A_19 {
      %dma_start3A = arith.constant 0 : i32
      %dma_start3A_25 = arith.constant 0 : i32
      %dma_start3A_26 = tpu.memref_slice %arg7[%dma_start3A, %dma_start3A_25] : memref<64x128xi32, #tpu.memory_space<vmem>> -> memref<1x128xi32, #tpu.memory_space<vmem>>
      %dma_start3A_27 = tpu.memref_squeeze %dma_start3A_26 : memref<1x128xi32, #tpu.memory_space<vmem>> -> memref<128xi32, #tpu.memory_space<vmem>>
      %dma_start3A_28 = arith.constant 0 : i32
      %dma_start3A_29 = arith.constant 0 : i32
      %dma_start3A_30 = tpu.memref_slice %arg2[%dma_start3A_28, %dma_start3A_29] : memref<10240x128xf32, #tpu.memory_space<hbm>> -> memref<10240x128xf32, #tpu.memory_space<hbm>>
      tpu.enqueue_indirect_dma source(%dma_start3A_30 : memref<10240x128xf32, #tpu.memory_space<hbm>>) target(%arg9 : memref<128x128xf32, #tpu.memory_space<vmem>>) offsets(%dma_start3A_27 : memref<128xi32, #tpu.memory_space<vmem>>) semaphore(%arg12 : memref<!tpu.dma_semaphore, #tpu.memory_space<semaphore_mem>>)
      %scan3A = arith.constant 0 : i32
      %scan3A_31 = arith.constant 8 : i32
      %scan3A_32 = arith.addi %scan3A, %scan3A_31 : i32
      %scan3A_33 = arith.constant 1 : i32
      scf.for %scan3A_41 = %scan3A to %scan3A_32 step %scan3A_33  : i32 {
        %mul3A_42 = arith.constant 2 : i32
        %mul3A_43 = arith.muli %scan3A_41, %mul3A_42 : i32
        %add3A_44 = arith.constant 1 : i32
        %add3A_45 = arith.addi %mul3A_43, %add3A_44 : i32
        %gt3A = arith.constant 0 : i32
        %gt3A_46 = arith.cmpi sgt, %scan3A_41, %gt3A : i32
        %convert_element_type3A_47 = arith.extui %gt3A_46 : i1 to i32
        %cond3A_48 = arith.constant 0 : i32
        %cond3A_49 = arith.cmpi ne, %convert_element_type3A_47, %cond3A_48 : i32
        scf.if %cond3A_49 {
          %dma_wait3A_90 = arith.constant 0 : i32
          %dma_wait3A_91 = tpu.memref_slice %arg8[%mul3A_43, %dma_wait3A_90] : memref<64x128xi32, #tpu.memory_space<vmem>> -> memref<1x128xi32, #tpu.memory_space<vmem>>
          %dma_wait3A_92 = tpu.memref_squeeze %dma_wait3A_91 : memref<1x128xi32, #tpu.memory_space<vmem>> -> memref<128xi32, #tpu.memory_space<vmem>>
          %dma_wait3A_93 = arith.constant 0 : i32
          %dma_wait3A_94 = arith.constant 0 : i32
          %dma_wait3A_95 = tpu.memref_slice %arg11[%dma_wait3A_93, %dma_wait3A_94] : memref<10240x128xf32, #tpu.memory_space<vmem_shared>> -> memref<10240x128xf32, #tpu.memory_space<vmem_shared>>
          tpu.wait_indirect_dma semaphore(%arg15 : memref<!tpu.dma_semaphore, #tpu.memory_space<semaphore_mem>>) src(%arg10 : memref<128x128xf32, #tpu.memory_space<vmem>>) dst(%dma_wait3A_95 : memref<10240x128xf32, #tpu.memory_space<vmem_shared>>)
        } else {
        }
        %dma_start3A_50 = arith.constant 0 : i32
        %dma_start3A_51 = tpu.memref_slice %arg7[%add3A_45, %dma_start3A_50] : memref<64x128xi32, #tpu.memory_space<vmem>> -> memref<1x128xi32, #tpu.memory_space<vmem>>
        %dma_start3A_52 = tpu.memref_squeeze %dma_start3A_51 : memref<1x128xi32, #tpu.memory_space<vmem>> -> memref<128xi32, #tpu.memory_space<vmem>>
        %dma_start3A_53 = arith.constant 0 : i32
        %dma_start3A_54 = arith.constant 0 : i32
        %dma_start3A_55 = tpu.memref_slice %arg2[%dma_start3A_53, %dma_start3A_54] : memref<10240x128xf32, #tpu.memory_space<hbm>> -> memref<10240x128xf32, #tpu.memory_space<hbm>>
        tpu.enqueue_indirect_dma source(%dma_start3A_55 : memref<10240x128xf32, #tpu.memory_space<hbm>>) target(%arg10 : memref<128x128xf32, #tpu.memory_space<vmem>>) offsets(%dma_start3A_52 : memref<128xi32, #tpu.memory_space<vmem>>) semaphore(%arg13 : memref<!tpu.dma_semaphore, #tpu.memory_space<semaphore_mem>>)
        %dma_wait3A_56 = arith.constant 0 : i32
        %dma_wait3A_57 = tpu.memref_slice %arg7[%mul3A_43, %dma_wait3A_56] : memref<64x128xi32, #tpu.memory_space<vmem>> -> memref<1x128xi32, #tpu.memory_space<vmem>>
        %dma_wait3A_58 = tpu.memref_squeeze %dma_wait3A_57 : memref<1x128xi32, #tpu.memory_space<vmem>> -> memref<128xi32, #tpu.memory_space<vmem>>
        %dma_wait3A_59 = arith.constant 0 : i32
        %dma_wait3A_60 = arith.constant 0 : i32
        %dma_wait3A_61 = tpu.memref_slice %arg2[%dma_wait3A_59, %dma_wait3A_60] : memref<10240x128xf32, #tpu.memory_space<hbm>> -> memref<10240x128xf32, #tpu.memory_space<hbm>>
        tpu.wait_indirect_dma semaphore(%arg12 : memref<!tpu.dma_semaphore, #tpu.memory_space<semaphore_mem>>) src(%dma_wait3A_61 : memref<10240x128xf32, #tpu.memory_space<hbm>>) dst(%arg9 : memref<128x128xf32, #tpu.memory_space<vmem>>)
        %dma_start3A_62 = arith.constant 0 : i32
        %dma_start3A_63 = tpu.memref_slice %arg8[%mul3A_43, %dma_start3A_62] : memref<64x128xi32, #tpu.memory_space<vmem>> -> memref<1x128xi32, #tpu.memory_space<vmem>>
        %dma_start3A_64 = tpu.memref_squeeze %dma_start3A_63 : memref<1x128xi32, #tpu.memory_space<vmem>> -> memref<128xi32, #tpu.memory_space<vmem>>
        %dma_start3A_65 = arith.constant 0 : i32
        %dma_start3A_66 = arith.constant 0 : i32
        %dma_start3A_67 = tpu.memref_slice %arg11[%dma_start3A_65, %dma_start3A_66] : memref<10240x128xf32, #tpu.memory_space<vmem_shared>> -> memref<10240x128xf32, #tpu.memory_space<vmem_shared>>
        tpu.enqueue_indirect_dma source(%arg9 : memref<128x128xf32, #tpu.memory_space<vmem>>) target(%dma_start3A_67 : memref<10240x128xf32, #tpu.memory_space<vmem_shared>>) offsets(%dma_start3A_64 : memref<128xi32, #tpu.memory_space<vmem>>) semaphore(%arg14 : memref<!tpu.dma_semaphore, #tpu.memory_space<semaphore_mem>>) {add = true}
        %dma_wait3A_68 = arith.constant 0 : i32
        %dma_wait3A_69 = tpu.memref_slice %arg7[%add3A_45, %dma_wait3A_68] : memref<64x128xi32, #tpu.memory_space<vmem>> -> memref<1x128xi32, #tpu.memory_space<vmem>>
        %dma_wait3A_70 = tpu.memref_squeeze %dma_wait3A_69 : memref<1x128xi32, #tpu.memory_space<vmem>> -> memref<128xi32, #tpu.memory_space<vmem>>
        %dma_wait3A_71 = arith.constant 0 : i32
        %dma_wait3A_72 = arith.constant 0 : i32
        %dma_wait3A_73 = tpu.memref_slice %arg2[%dma_wait3A_71, %dma_wait3A_72] : memref<10240x128xf32, #tpu.memory_space<hbm>> -> memref<10240x128xf32, #tpu.memory_space<hbm>>
        tpu.wait_indirect_dma semaphore(%arg13 : memref<!tpu.dma_semaphore, #tpu.memory_space<semaphore_mem>>) src(%dma_wait3A_73 : memref<10240x128xf32, #tpu.memory_space<hbm>>) dst(%arg10 : memref<128x128xf32, #tpu.memory_space<vmem>>)
        %dma_wait3A_74 = arith.constant 0 : i32
        %dma_wait3A_75 = tpu.memref_slice %arg8[%mul3A_43, %dma_wait3A_74] : memref<64x128xi32, #tpu.memory_space<vmem>> -> memref<1x128xi32, #tpu.memory_space<vmem>>
        %dma_wait3A_76 = tpu.memref_squeeze %dma_wait3A_75 : memref<1x128xi32, #tpu.memory_space<vmem>> -> memref<128xi32, #tpu.memory_space<vmem>>
        %dma_wait3A_77 = arith.constant 0 : i32
        %dma_wait3A_78 = arith.constant 0 : i32
        %dma_wait3A_79 = tpu.memref_slice %arg11[%dma_wait3A_77, %dma_wait3A_78] : memref<10240x128xf32, #tpu.memory_space<vmem_shared>> -> memref<10240x128xf32, #tpu.memory_space<vmem_shared>>
        tpu.wait_indirect_dma semaphore(%arg14 : memref<!tpu.dma_semaphore, #tpu.memory_space<semaphore_mem>>) src(%arg9 : memref<128x128xf32, #tpu.memory_space<vmem>>) dst(%dma_wait3A_79 : memref<10240x128xf32, #tpu.memory_space<vmem_shared>>)
        %lt3A = arith.constant 7 : i32
        %lt3A_80 = arith.cmpi slt, %scan3A_41, %lt3A : i32
        %convert_element_type3A_81 = arith.extui %lt3A_80 : i1 to i32
        %cond3A_82 = arith.constant 0 : i32
        %cond3A_83 = arith.cmpi ne, %convert_element_type3A_81, %cond3A_82 : i32
        scf.if %cond3A_83 {
          %add3A_90 = arith.constant 2 : i32
          %add3A_91 = arith.addi %mul3A_43, %add3A_90 : i32
          %dma_start3A_92 = arith.constant 0 : i32
          %dma_start3A_93 = tpu.memref_slice %arg7[%add3A_91, %dma_start3A_92] : memref<64x128xi32, #tpu.memory_space<vmem>> -> memref<1x128xi32, #tpu.memory_space<vmem>>
          %dma_start3A_94 = tpu.memref_squeeze %dma_start3A_93 : memref<1x128xi32, #tpu.memory_space<vmem>> -> memref<128xi32, #tpu.memory_space<vmem>>
          %dma_start3A_95 = arith.constant 0 : i32
          %dma_start3A_96 = arith.constant 0 : i32
          %dma_start3A_97 = tpu.memref_slice %arg2[%dma_start3A_95, %dma_start3A_96] : memref<10240x128xf32, #tpu.memory_space<hbm>> -> memref<10240x128xf32, #tpu.memory_space<hbm>>
          tpu.enqueue_indirect_dma source(%dma_start3A_97 : memref<10240x128xf32, #tpu.memory_space<hbm>>) target(%arg9 : memref<128x128xf32, #tpu.memory_space<vmem>>) offsets(%dma_start3A_94 : memref<128xi32, #tpu.memory_space<vmem>>) semaphore(%arg12 : memref<!tpu.dma_semaphore, #tpu.memory_space<semaphore_mem>>)
        } else {
        }
        %dma_start3A_84 = arith.constant 0 : i32
        %dma_start3A_85 = tpu.memref_slice %arg8[%add3A_45, %dma_start3A_84] : memref<64x128xi32, #tpu.memory_space<vmem>> -> memref<1x128xi32, #tpu.memory_space<vmem>>
        %dma_start3A_86 = tpu.memref_squeeze %dma_start3A_85 : memref<1x128xi32, #tpu.memory_space<vmem>> -> memref<128xi32, #tpu.memory_space<vmem>>
        %dma_start3A_87 = arith.constant 0 : i32
        %dma_start3A_88 = arith.constant 0 : i32
        %dma_start3A_89 = tpu.memref_slice %arg11[%dma_start3A_87, %dma_start3A_88] : memref<10240x128xf32, #tpu.memory_space<vmem_shared>> -> memref<10240x128xf32, #tpu.memory_space<vmem_shared>>
        tpu.enqueue_indirect_dma source(%arg10 : memref<128x128xf32, #tpu.memory_space<vmem>>) target(%dma_start3A_89 : memref<10240x128xf32, #tpu.memory_space<vmem_shared>>) offsets(%dma_start3A_86 : memref<128xi32, #tpu.memory_space<vmem>>) semaphore(%arg15 : memref<!tpu.dma_semaphore, #tpu.memory_space<semaphore_mem>>) {add = true}
      }
      %scan3A_34 = arith.constant 8 : i32
      %dma_wait3A = arith.constant 0 : i32
      %dma_wait3A_35 = arith.constant 0 : i32
      %dma_wait3A_36 = tpu.memref_slice %arg8[%dma_wait3A, %dma_wait3A_35] : memref<64x128xi32, #tpu.memory_space<vmem>> -> memref<1x128xi32, #tpu.memory_space<vmem>>
      %dma_wait3A_37 = tpu.memref_squeeze %dma_wait3A_36 : memref<1x128xi32, #tpu.memory_space<vmem>> -> memref<128xi32, #tpu.memory_space<vmem>>
      %dma_wait3A_38 = arith.constant 0 : i32
      %dma_wait3A_39 = arith.constant 0 : i32
      %dma_wait3A_40 = tpu.memref_slice %arg11[%dma_wait3A_38, %dma_wait3A_39] : memref<10240x128xf32, #tpu.memory_space<vmem_shared>> -> memref<10240x128xf32, #tpu.memory_space<vmem_shared>>
      tpu.wait_indirect_dma semaphore(%arg15 : memref<!tpu.dma_semaphore, #tpu.memory_space<semaphore_mem>>) src(%arg10 : memref<128x128xf32, #tpu.memory_space<vmem>>) dst(%dma_wait3A_40 : memref<10240x128xf32, #tpu.memory_space<vmem_shared>>)
    } else {
    }
    %barrier3A_20 = arith.constant 0 : index
    tpu.barrier barrier_id(%barrier3A_20)
    %mul3A_21 = arith.constant 640 : i32
    %mul3A_22 = arith.muli %arg1, %mul3A_21 : i32
    %mul3A_23 = arith.constant 640 : i32
    %mul3A_24 = arith.muli %arg1, %mul3A_23 : i32
    "tpu.region"() ({
      %run_scoped3A = tpu.sem_alloc : memref<!tpu.dma_semaphore, #tpu.memory_space<semaphore_mem>>
      %dma_start3A = arith.constant 0 : i32
      %dma_start3A_25 = tpu.memref_slice %arg6[%arg0, %mul3A_24, %dma_start3A] : memref<2x10240x128xf32, #tpu.memory_space<hbm>> -> memref<1x640x128xf32, #tpu.memory_space<hbm>>
      %dma_start3A_26 = tpu.memref_squeeze %dma_start3A_25 : memref<1x640x128xf32, #tpu.memory_space<hbm>> -> memref<640x128xf32, #tpu.memory_space<hbm>>
      %dma_start3A_27 = arith.constant 0 : i32
      %dma_start3A_28 = tpu.memref_slice %arg11[%mul3A_22, %dma_start3A_27] : memref<10240x128xf32, #tpu.memory_space<vmem_shared>> -> memref<640x128xf32, #tpu.memory_space<vmem_shared>>
      tpu.enqueue_dma source(%dma_start3A_28 : memref<640x128xf32, #tpu.memory_space<vmem_shared>>) target(%dma_start3A_26 : memref<640x128xf32, #tpu.memory_space<hbm>>) target_semaphore(%run_scoped3A : memref<!tpu.dma_semaphore, #tpu.memory_space<semaphore_mem>>)
      %dma_wait3A = arith.constant 0 : i32
      %dma_wait3A_29 = tpu.memref_slice %arg6[%arg0, %mul3A_24, %dma_wait3A] : memref<2x10240x128xf32, #tpu.memory_space<hbm>> -> memref<1x640x128xf32, #tpu.memory_space<hbm>>
      %dma_wait3A_30 = tpu.memref_squeeze %dma_wait3A_29 : memref<1x640x128xf32, #tpu.memory_space<hbm>> -> memref<640x128xf32, #tpu.memory_space<hbm>>
      %dma_wait3A_31 = arith.constant 0 : i32
      %dma_wait3A_32 = tpu.memref_slice %arg11[%mul3A_22, %dma_wait3A_31] : memref<10240x128xf32, #tpu.memory_space<vmem_shared>> -> memref<640x128xf32, #tpu.memory_space<vmem_shared>>
      tpu.wait_dma2 semaphore(%run_scoped3A : memref<!tpu.dma_semaphore, #tpu.memory_space<semaphore_mem>>) src(%dma_wait3A_32 : memref<640x128xf32, #tpu.memory_space<vmem_shared>>) dst(%dma_wait3A_30 : memref<640x128xf32, #tpu.memory_space<hbm>>)
      tpu.yield
    }) : () -> ()
    return
  }
}

#map = affine_map<(d0, d1) -> (0, 0)>
#map1 = affine_map<(d0, d1) -> (0, 0, 0)>
module attributes {stable_mosaic.version = 14 : i64} {
  func.func @_sc_deg_body(%arg0: i32, %arg1: i32, %arg2: memref<1328x128xi32, #tpu.memory_space<hbm>>, %arg3: memref<10240x128xf32, #tpu.memory_space<hbm>>, %arg4: memref<128x128xf32, #tpu.memory_space<hbm>>, %arg5: memref<2x10240x128xf32, #tpu.memory_space<hbm>>, %arg6: memref<40x128xi32, #tpu.memory_space<vmem>>, %arg7: memref<128x128xf32, #tpu.memory_space<vmem>>, %arg8: memref<10240x128xf32, #tpu.memory_space<vmem_shared>>) attributes {dimension_semantics = [#tpu.dimension_semantics<core_parallel>, #tpu.dimension_semantics<subcore_parallel>], iteration_bounds = array<i64: 2, 16>, scalar_prefetch = 0 : i64, scratch_operands = 3 : i64, tpu.core_type = #tpu.core_type<sc_vector_subcore>, window_params = [{transform_indices = #map}, {transform_indices = #map}, {transform_indices = #map}, {transform_indices = #map1}]} {
    %mul3A = arith.constant 16 : i32
    %mul3A_0 = arith.muli %arg0, %mul3A : i32
    %add3A = arith.addi %mul3A_0, %arg1 : i32
    %mul3A_1 = arith.constant 640 : i32
    %mul3A_2 = arith.muli %arg1, %mul3A_1 : i32
    %mul3A_3 = arith.constant 640 : i32
    %mul3A_4 = arith.muli %arg1, %mul3A_3 : i32
    "tpu.region"() ({
      %run_scoped3A = tpu.sem_alloc : memref<!tpu.dma_semaphore, #tpu.memory_space<semaphore_mem>>
      %dma_start3A = arith.constant 0 : i32
      %dma_start3A_16 = tpu.memref_slice %arg8[%mul3A_4, %dma_start3A] : memref<10240x128xf32, #tpu.memory_space<vmem_shared>> -> memref<640x128xf32, #tpu.memory_space<vmem_shared>>
      %dma_start3A_17 = arith.constant 0 : i32
      %dma_start3A_18 = tpu.memref_slice %arg3[%mul3A_2, %dma_start3A_17] : memref<10240x128xf32, #tpu.memory_space<hbm>> -> memref<640x128xf32, #tpu.memory_space<hbm>>
      tpu.enqueue_dma source(%dma_start3A_18 : memref<640x128xf32, #tpu.memory_space<hbm>>) target(%dma_start3A_16 : memref<640x128xf32, #tpu.memory_space<vmem_shared>>) target_semaphore(%run_scoped3A : memref<!tpu.dma_semaphore, #tpu.memory_space<semaphore_mem>>)
      %dma_wait3A = arith.constant 0 : i32
      %dma_wait3A_19 = tpu.memref_slice %arg8[%mul3A_4, %dma_wait3A] : memref<10240x128xf32, #tpu.memory_space<vmem_shared>> -> memref<640x128xf32, #tpu.memory_space<vmem_shared>>
      %dma_wait3A_20 = arith.constant 0 : i32
      %dma_wait3A_21 = tpu.memref_slice %arg3[%mul3A_2, %dma_wait3A_20] : memref<10240x128xf32, #tpu.memory_space<hbm>> -> memref<640x128xf32, #tpu.memory_space<hbm>>
      tpu.wait_dma2 semaphore(%run_scoped3A : memref<!tpu.dma_semaphore, #tpu.memory_space<semaphore_mem>>) src(%dma_wait3A_21 : memref<640x128xf32, #tpu.memory_space<hbm>>) dst(%dma_wait3A_19 : memref<640x128xf32, #tpu.memory_space<vmem_shared>>)
      tpu.yield
    }) : () -> ()
    "tpu.region"() ({
      %run_scoped3A = tpu.sem_alloc : memref<!tpu.dma_semaphore, #tpu.memory_space<semaphore_mem>>
      tpu.enqueue_dma source(%arg4 : memref<128x128xf32, #tpu.memory_space<hbm>>) target(%arg7 : memref<128x128xf32, #tpu.memory_space<vmem>>) target_semaphore(%run_scoped3A : memref<!tpu.dma_semaphore, #tpu.memory_space<semaphore_mem>>)
      tpu.wait_dma2 semaphore(%run_scoped3A : memref<!tpu.dma_semaphore, #tpu.memory_space<semaphore_mem>>) src(%arg4 : memref<128x128xf32, #tpu.memory_space<hbm>>) dst(%arg7 : memref<128x128xf32, #tpu.memory_space<vmem>>)
      tpu.yield
    }) : () -> ()
    %barrier3A = arith.constant 0 : index
    tpu.barrier barrier_id(%barrier3A)
    %mul3A_5 = arith.constant 40 : i32
    %mul3A_6 = arith.muli %add3A, %mul3A_5 : i32
    "tpu.region"() ({
      %run_scoped3A = tpu.sem_alloc : memref<!tpu.dma_semaphore, #tpu.memory_space<semaphore_mem>>
      %dma_start3A = arith.constant 0 : i32
      %dma_start3A_16 = tpu.memref_slice %arg2[%mul3A_6, %dma_start3A] : memref<1328x128xi32, #tpu.memory_space<hbm>> -> memref<40x128xi32, #tpu.memory_space<hbm>>
      %dma_start3A_17 = arith.constant 0 : i32
      %dma_start3A_18 = tpu.memref_slice %arg2[%mul3A_6, %dma_start3A_17] : memref<1328x128xi32, #tpu.memory_space<hbm>> -> memref<40x128xi32, #tpu.memory_space<hbm>>
      tpu.enqueue_dma source(%dma_start3A_18 : memref<40x128xi32, #tpu.memory_space<hbm>>) target(%arg6 : memref<40x128xi32, #tpu.memory_space<vmem>>) target_semaphore(%run_scoped3A : memref<!tpu.dma_semaphore, #tpu.memory_space<semaphore_mem>>)
      %dma_wait3A = arith.constant 0 : i32
      %dma_wait3A_19 = tpu.memref_slice %arg2[%mul3A_6, %dma_wait3A] : memref<1328x128xi32, #tpu.memory_space<hbm>> -> memref<40x128xi32, #tpu.memory_space<hbm>>
      %dma_wait3A_20 = arith.constant 0 : i32
      %dma_wait3A_21 = tpu.memref_slice %arg2[%mul3A_6, %dma_wait3A_20] : memref<1328x128xi32, #tpu.memory_space<hbm>> -> memref<40x128xi32, #tpu.memory_space<hbm>>
      tpu.wait_dma2 semaphore(%run_scoped3A : memref<!tpu.dma_semaphore, #tpu.memory_space<semaphore_mem>>) src(%dma_wait3A_21 : memref<40x128xi32, #tpu.memory_space<hbm>>) dst(%arg6 : memref<40x128xi32, #tpu.memory_space<vmem>>)
      tpu.yield
    }) : () -> ()
    %scan3A = arith.constant 0 : i32
    %scan3A_7 = arith.constant 40 : i32
    %scan3A_8 = arith.addi %scan3A, %scan3A_7 : i32
    %scan3A_9 = arith.constant 1 : i32
    scf.for %scan3A_16 = %scan3A to %scan3A_8 step %scan3A_9  : i32 {
      "tpu.region"() ({
        %run_scoped3A = tpu.sem_alloc : memref<!tpu.dma_semaphore, #tpu.memory_space<semaphore_mem>>
        %dma_start3A = arith.constant 0 : i32
        %dma_start3A_17 = tpu.memref_slice %arg6[%scan3A_16, %dma_start3A] : memref<40x128xi32, #tpu.memory_space<vmem>> -> memref<1x128xi32, #tpu.memory_space<vmem>>
        %dma_start3A_18 = tpu.memref_squeeze %dma_start3A_17 : memref<1x128xi32, #tpu.memory_space<vmem>> -> memref<128xi32, #tpu.memory_space<vmem>>
        %dma_start3A_19 = arith.constant 0 : i32
        %dma_start3A_20 = arith.constant 0 : i32
        %dma_start3A_21 = tpu.memref_slice %arg8[%dma_start3A_19, %dma_start3A_20] : memref<10240x128xf32, #tpu.memory_space<vmem_shared>> -> memref<10240x128xf32, #tpu.memory_space<vmem_shared>>
        tpu.enqueue_indirect_dma source(%arg7 : memref<128x128xf32, #tpu.memory_space<vmem>>) target(%dma_start3A_21 : memref<10240x128xf32, #tpu.memory_space<vmem_shared>>) offsets(%dma_start3A_18 : memref<128xi32, #tpu.memory_space<vmem>>) semaphore(%run_scoped3A : memref<!tpu.dma_semaphore, #tpu.memory_space<semaphore_mem>>) {add = true}
        %dma_wait3A = arith.constant 0 : i32
        %dma_wait3A_22 = tpu.memref_slice %arg6[%scan3A_16, %dma_wait3A] : memref<40x128xi32, #tpu.memory_space<vmem>> -> memref<1x128xi32, #tpu.memory_space<vmem>>
        %dma_wait3A_23 = tpu.memref_squeeze %dma_wait3A_22 : memref<1x128xi32, #tpu.memory_space<vmem>> -> memref<128xi32, #tpu.memory_space<vmem>>
        %dma_wait3A_24 = arith.constant 0 : i32
        %dma_wait3A_25 = arith.constant 0 : i32
        %dma_wait3A_26 = tpu.memref_slice %arg8[%dma_wait3A_24, %dma_wait3A_25] : memref<10240x128xf32, #tpu.memory_space<vmem_shared>> -> memref<10240x128xf32, #tpu.memory_space<vmem_shared>>
        tpu.wait_indirect_dma semaphore(%run_scoped3A : memref<!tpu.dma_semaphore, #tpu.memory_space<semaphore_mem>>) src(%arg7 : memref<128x128xf32, #tpu.memory_space<vmem>>) dst(%dma_wait3A_26 : memref<10240x128xf32, #tpu.memory_space<vmem_shared>>)
        tpu.yield
      }) : () -> ()
    }
    %scan3A_10 = arith.constant 40 : i32
    %barrier3A_11 = arith.constant 0 : index
    tpu.barrier barrier_id(%barrier3A_11)
    %mul3A_12 = arith.constant 640 : i32
    %mul3A_13 = arith.muli %arg1, %mul3A_12 : i32
    %mul3A_14 = arith.constant 640 : i32
    %mul3A_15 = arith.muli %arg1, %mul3A_14 : i32
    "tpu.region"() ({
      %run_scoped3A = tpu.sem_alloc : memref<!tpu.dma_semaphore, #tpu.memory_space<semaphore_mem>>
      %dma_start3A = arith.constant 0 : i32
      %dma_start3A_16 = tpu.memref_slice %arg5[%arg0, %mul3A_15, %dma_start3A] : memref<2x10240x128xf32, #tpu.memory_space<hbm>> -> memref<1x640x128xf32, #tpu.memory_space<hbm>>
      %dma_start3A_17 = tpu.memref_squeeze %dma_start3A_16 : memref<1x640x128xf32, #tpu.memory_space<hbm>> -> memref<640x128xf32, #tpu.memory_space<hbm>>
      %dma_start3A_18 = arith.constant 0 : i32
      %dma_start3A_19 = tpu.memref_slice %arg8[%mul3A_13, %dma_start3A_18] : memref<10240x128xf32, #tpu.memory_space<vmem_shared>> -> memref<640x128xf32, #tpu.memory_space<vmem_shared>>
      tpu.enqueue_dma source(%dma_start3A_19 : memref<640x128xf32, #tpu.memory_space<vmem_shared>>) target(%dma_start3A_17 : memref<640x128xf32, #tpu.memory_space<hbm>>) target_semaphore(%run_scoped3A : memref<!tpu.dma_semaphore, #tpu.memory_space<semaphore_mem>>)
      %dma_wait3A = arith.constant 0 : i32
      %dma_wait3A_20 = tpu.memref_slice %arg5[%arg0, %mul3A_15, %dma_wait3A] : memref<2x10240x128xf32, #tpu.memory_space<hbm>> -> memref<1x640x128xf32, #tpu.memory_space<hbm>>
      %dma_wait3A_21 = tpu.memref_squeeze %dma_wait3A_20 : memref<1x640x128xf32, #tpu.memory_space<hbm>> -> memref<640x128xf32, #tpu.memory_space<hbm>>
      %dma_wait3A_22 = arith.constant 0 : i32
      %dma_wait3A_23 = tpu.memref_slice %arg8[%mul3A_13, %dma_wait3A_22] : memref<10240x128xf32, #tpu.memory_space<vmem_shared>> -> memref<640x128xf32, #tpu.memory_space<vmem_shared>>
      tpu.wait_dma2 semaphore(%run_scoped3A : memref<!tpu.dma_semaphore, #tpu.memory_space<semaphore_mem>>) src(%dma_wait3A_23 : memref<640x128xf32, #tpu.memory_space<vmem_shared>>) dst(%dma_wait3A_21 : memref<640x128xf32, #tpu.memory_space<hbm>>)
      tpu.yield
    }) : () -> ()
    return
  }
}

#map = affine_map<(d0, d1) -> (0, 0)>
#map1 = affine_map<(d0, d1) -> (0, 0, 0)>
module attributes {stable_mosaic.version = 14 : i64} {
  func.func @_sc_agg_body(%arg0: i32, %arg1: i32, %arg2: memref<10240x128xf32, #tpu.memory_space<hbm>>, %arg3: memref<1328x128xi32, #tpu.memory_space<hbm>>, %arg4: memref<1328x128xi32, #tpu.memory_space<hbm>>, %arg5: memref<10240x128xf32, #tpu.memory_space<hbm>>, %arg6: memref<2x10240x128xf32, #tpu.memory_space<hbm>>, %arg7: memref<64x128xi32, #tpu.memory_space<vmem>>, %arg8: memref<64x128xi32, #tpu.memory_space<vmem>>, %arg9: memref<128x128xf32, #tpu.memory_space<vmem>>, %arg10: memref<128x128xf32, #tpu.memory_space<vmem>>, %arg11: memref<10240x128xf32, #tpu.memory_space<vmem_shared>>, %arg12: memref<!tpu.dma_semaphore, #tpu.memory_space<semaphore_mem>>, %arg13: memref<!tpu.dma_semaphore, #tpu.memory_space<semaphore_mem>>, %arg14: memref<!tpu.dma_semaphore, #tpu.memory_space<semaphore_mem>>, %arg15: memref<!tpu.dma_semaphore, #tpu.memory_space<semaphore_mem>>) attributes {dimension_semantics = [#tpu.dimension_semantics<core_parallel>, #tpu.dimension_semantics<subcore_parallel>], iteration_bounds = array<i64: 2, 16>, scalar_prefetch = 0 : i64, scratch_operands = 9 : i64, tpu.core_type = #tpu.core_type<sc_vector_subcore>, window_params = [{transform_indices = #map}, {transform_indices = #map}, {transform_indices = #map}, {transform_indices = #map}, {transform_indices = #map1}]} {
    %mul3A = arith.constant 16 : i32
    %mul3A_0 = arith.muli %arg0, %mul3A : i32
    %add3A = arith.addi %mul3A_0, %arg1 : i32
    %mul3A_1 = arith.constant 640 : i32
    %mul3A_2 = arith.muli %arg1, %mul3A_1 : i32
    %mul3A_3 = arith.constant 640 : i32
    %mul3A_4 = arith.muli %arg1, %mul3A_3 : i32
    "tpu.region"() ({
      %run_scoped3A = tpu.sem_alloc : memref<!tpu.dma_semaphore, #tpu.memory_space<semaphore_mem>>
      %dma_start3A = arith.constant 0 : i32
      %dma_start3A_25 = tpu.memref_slice %arg11[%mul3A_4, %dma_start3A] : memref<10240x128xf32, #tpu.memory_space<vmem_shared>> -> memref<640x128xf32, #tpu.memory_space<vmem_shared>>
      %dma_start3A_26 = arith.constant 0 : i32
      %dma_start3A_27 = tpu.memref_slice %arg5[%mul3A_2, %dma_start3A_26] : memref<10240x128xf32, #tpu.memory_space<hbm>> -> memref<640x128xf32, #tpu.memory_space<hbm>>
      tpu.enqueue_dma source(%dma_start3A_27 : memref<640x128xf32, #tpu.memory_space<hbm>>) target(%dma_start3A_25 : memref<640x128xf32, #tpu.memory_space<vmem_shared>>) target_semaphore(%run_scoped3A : memref<!tpu.dma_semaphore, #tpu.memory_space<semaphore_mem>>)
      %dma_wait3A = arith.constant 0 : i32
      %dma_wait3A_28 = tpu.memref_slice %arg11[%mul3A_4, %dma_wait3A] : memref<10240x128xf32, #tpu.memory_space<vmem_shared>> -> memref<640x128xf32, #tpu.memory_space<vmem_shared>>
      %dma_wait3A_29 = arith.constant 0 : i32
      %dma_wait3A_30 = tpu.memref_slice %arg5[%mul3A_2, %dma_wait3A_29] : memref<10240x128xf32, #tpu.memory_space<hbm>> -> memref<640x128xf32, #tpu.memory_space<hbm>>
      tpu.wait_dma2 semaphore(%run_scoped3A : memref<!tpu.dma_semaphore, #tpu.memory_space<semaphore_mem>>) src(%dma_wait3A_30 : memref<640x128xf32, #tpu.memory_space<hbm>>) dst(%dma_wait3A_28 : memref<640x128xf32, #tpu.memory_space<vmem_shared>>)
      tpu.yield
    }) : () -> ()
    %barrier3A = arith.constant 0 : index
    tpu.barrier barrier_id(%barrier3A)
    %eq3A = arith.constant 0 : i32
    %eq3A_5 = arith.cmpi eq, %arg0, %eq3A : i32
    %mul3A_6 = arith.constant 64 : i32
    %mul3A_7 = arith.muli %arg1, %mul3A_6 : i32
    %mul3A_8 = arith.constant 16 : i32
    %mul3A_9 = arith.muli %arg1, %mul3A_8 : i32
    %add3A_10 = arith.constant 1024 : i32
    %add3A_11 = arith.addi %add3A_10, %mul3A_9 : i32
    %select_n3A = arith.select %eq3A_5, %mul3A_7, %add3A_11 : i32
    "tpu.region"() ({
      %run_scoped3A = tpu.sem_alloc : memref<!tpu.dma_semaphore, #tpu.memory_space<semaphore_mem>>
      %dma_start3A = arith.constant 0 : i32
      %dma_start3A_25 = tpu.memref_slice %arg3[%select_n3A, %dma_start3A] : memref<1328x128xi32, #tpu.memory_space<hbm>> -> memref<64x128xi32, #tpu.memory_space<hbm>>
      %dma_start3A_26 = arith.constant 0 : i32
      %dma_start3A_27 = tpu.memref_slice %arg3[%select_n3A, %dma_start3A_26] : memref<1328x128xi32, #tpu.memory_space<hbm>> -> memref<64x128xi32, #tpu.memory_space<hbm>>
      tpu.enqueue_dma source(%dma_start3A_27 : memref<64x128xi32, #tpu.memory_space<hbm>>) target(%arg7 : memref<64x128xi32, #tpu.memory_space<vmem>>) target_semaphore(%run_scoped3A : memref<!tpu.dma_semaphore, #tpu.memory_space<semaphore_mem>>)
      %dma_wait3A = arith.constant 0 : i32
      %dma_wait3A_28 = tpu.memref_slice %arg3[%select_n3A, %dma_wait3A] : memref<1328x128xi32, #tpu.memory_space<hbm>> -> memref<64x128xi32, #tpu.memory_space<hbm>>
      %dma_wait3A_29 = arith.constant 0 : i32
      %dma_wait3A_30 = tpu.memref_slice %arg3[%select_n3A, %dma_wait3A_29] : memref<1328x128xi32, #tpu.memory_space<hbm>> -> memref<64x128xi32, #tpu.memory_space<hbm>>
      tpu.wait_dma2 semaphore(%run_scoped3A : memref<!tpu.dma_semaphore, #tpu.memory_space<semaphore_mem>>) src(%dma_wait3A_30 : memref<64x128xi32, #tpu.memory_space<hbm>>) dst(%arg7 : memref<64x128xi32, #tpu.memory_space<vmem>>)
      tpu.yield
    }) : () -> ()
    "tpu.region"() ({
      %run_scoped3A = tpu.sem_alloc : memref<!tpu.dma_semaphore, #tpu.memory_space<semaphore_mem>>
      %dma_start3A = arith.constant 0 : i32
      %dma_start3A_25 = tpu.memref_slice %arg4[%select_n3A, %dma_start3A] : memref<1328x128xi32, #tpu.memory_space<hbm>> -> memref<64x128xi32, #tpu.memory_space<hbm>>
      %dma_start3A_26 = arith.constant 0 : i32
      %dma_start3A_27 = tpu.memref_slice %arg4[%select_n3A, %dma_start3A_26] : memref<1328x128xi32, #tpu.memory_space<hbm>> -> memref<64x128xi32, #tpu.memory_space<hbm>>
      tpu.enqueue_dma source(%dma_start3A_27 : memref<64x128xi32, #tpu.memory_space<hbm>>) target(%arg8 : memref<64x128xi32, #tpu.memory_space<vmem>>) target_semaphore(%run_scoped3A : memref<!tpu.dma_semaphore, #tpu.memory_space<semaphore_mem>>)
      %dma_wait3A = arith.constant 0 : i32
      %dma_wait3A_28 = tpu.memref_slice %arg4[%select_n3A, %dma_wait3A] : memref<1328x128xi32, #tpu.memory_space<hbm>> -> memref<64x128xi32, #tpu.memory_space<hbm>>
      %dma_wait3A_29 = arith.constant 0 : i32
      %dma_wait3A_30 = tpu.memref_slice %arg4[%select_n3A, %dma_wait3A_29] : memref<1328x128xi32, #tpu.memory_space<hbm>> -> memref<64x128xi32, #tpu.memory_space<hbm>>
      tpu.wait_dma2 semaphore(%run_scoped3A : memref<!tpu.dma_semaphore, #tpu.memory_space<semaphore_mem>>) src(%dma_wait3A_30 : memref<64x128xi32, #tpu.memory_space<hbm>>) dst(%arg8 : memref<64x128xi32, #tpu.memory_space<vmem>>)
      tpu.yield
    }) : () -> ()
    %eq3A_12 = arith.constant 0 : i32
    %eq3A_13 = arith.cmpi eq, %arg0, %eq3A_12 : i32
    %convert_element_type3A = arith.extui %eq3A_13 : i1 to i32
    %cond3A = arith.constant 0 : i32
    %cond3A_14 = arith.cmpi ne, %convert_element_type3A, %cond3A : i32
    scf.if %cond3A_14 {
      %dma_start3A = arith.constant 0 : i32
      %dma_start3A_25 = arith.constant 0 : i32
      %dma_start3A_26 = tpu.memref_slice %arg7[%dma_start3A, %dma_start3A_25] : memref<64x128xi32, #tpu.memory_space<vmem>> -> memref<1x128xi32, #tpu.memory_space<vmem>>
      %dma_start3A_27 = tpu.memref_squeeze %dma_start3A_26 : memref<1x128xi32, #tpu.memory_space<vmem>> -> memref<128xi32, #tpu.memory_space<vmem>>
      %dma_start3A_28 = arith.constant 0 : i32
      %dma_start3A_29 = arith.constant 0 : i32
      %dma_start3A_30 = tpu.memref_slice %arg2[%dma_start3A_28, %dma_start3A_29] : memref<10240x128xf32, #tpu.memory_space<hbm>> -> memref<10240x128xf32, #tpu.memory_space<hbm>>
      tpu.enqueue_indirect_dma source(%dma_start3A_30 : memref<10240x128xf32, #tpu.memory_space<hbm>>) target(%arg9 : memref<128x128xf32, #tpu.memory_space<vmem>>) offsets(%dma_start3A_27 : memref<128xi32, #tpu.memory_space<vmem>>) semaphore(%arg12 : memref<!tpu.dma_semaphore, #tpu.memory_space<semaphore_mem>>)
      %scan3A = arith.constant 0 : i32
      %scan3A_31 = arith.constant 32 : i32
      %scan3A_32 = arith.addi %scan3A, %scan3A_31 : i32
      %scan3A_33 = arith.constant 1 : i32
      scf.for %scan3A_41 = %scan3A to %scan3A_32 step %scan3A_33  : i32 {
        %mul3A_42 = arith.constant 2 : i32
        %mul3A_43 = arith.muli %scan3A_41, %mul3A_42 : i32
        %add3A_44 = arith.constant 1 : i32
        %add3A_45 = arith.addi %mul3A_43, %add3A_44 : i32
        %gt3A = arith.constant 0 : i32
        %gt3A_46 = arith.cmpi sgt, %scan3A_41, %gt3A : i32
        %convert_element_type3A_47 = arith.extui %gt3A_46 : i1 to i32
        %cond3A_48 = arith.constant 0 : i32
        %cond3A_49 = arith.cmpi ne, %convert_element_type3A_47, %cond3A_48 : i32
        scf.if %cond3A_49 {
          %dma_wait3A_90 = arith.constant 0 : i32
          %dma_wait3A_91 = tpu.memref_slice %arg8[%mul3A_43, %dma_wait3A_90] : memref<64x128xi32, #tpu.memory_space<vmem>> -> memref<1x128xi32, #tpu.memory_space<vmem>>
          %dma_wait3A_92 = tpu.memref_squeeze %dma_wait3A_91 : memref<1x128xi32, #tpu.memory_space<vmem>> -> memref<128xi32, #tpu.memory_space<vmem>>
          %dma_wait3A_93 = arith.constant 0 : i32
          %dma_wait3A_94 = arith.constant 0 : i32
          %dma_wait3A_95 = tpu.memref_slice %arg11[%dma_wait3A_93, %dma_wait3A_94] : memref<10240x128xf32, #tpu.memory_space<vmem_shared>> -> memref<10240x128xf32, #tpu.memory_space<vmem_shared>>
          tpu.wait_indirect_dma semaphore(%arg15 : memref<!tpu.dma_semaphore, #tpu.memory_space<semaphore_mem>>) src(%arg10 : memref<128x128xf32, #tpu.memory_space<vmem>>) dst(%dma_wait3A_95 : memref<10240x128xf32, #tpu.memory_space<vmem_shared>>)
        } else {
        }
        %dma_start3A_50 = arith.constant 0 : i32
        %dma_start3A_51 = tpu.memref_slice %arg7[%add3A_45, %dma_start3A_50] : memref<64x128xi32, #tpu.memory_space<vmem>> -> memref<1x128xi32, #tpu.memory_space<vmem>>
        %dma_start3A_52 = tpu.memref_squeeze %dma_start3A_51 : memref<1x128xi32, #tpu.memory_space<vmem>> -> memref<128xi32, #tpu.memory_space<vmem>>
        %dma_start3A_53 = arith.constant 0 : i32
        %dma_start3A_54 = arith.constant 0 : i32
        %dma_start3A_55 = tpu.memref_slice %arg2[%dma_start3A_53, %dma_start3A_54] : memref<10240x128xf32, #tpu.memory_space<hbm>> -> memref<10240x128xf32, #tpu.memory_space<hbm>>
        tpu.enqueue_indirect_dma source(%dma_start3A_55 : memref<10240x128xf32, #tpu.memory_space<hbm>>) target(%arg10 : memref<128x128xf32, #tpu.memory_space<vmem>>) offsets(%dma_start3A_52 : memref<128xi32, #tpu.memory_space<vmem>>) semaphore(%arg13 : memref<!tpu.dma_semaphore, #tpu.memory_space<semaphore_mem>>)
        %dma_wait3A_56 = arith.constant 0 : i32
        %dma_wait3A_57 = tpu.memref_slice %arg7[%mul3A_43, %dma_wait3A_56] : memref<64x128xi32, #tpu.memory_space<vmem>> -> memref<1x128xi32, #tpu.memory_space<vmem>>
        %dma_wait3A_58 = tpu.memref_squeeze %dma_wait3A_57 : memref<1x128xi32, #tpu.memory_space<vmem>> -> memref<128xi32, #tpu.memory_space<vmem>>
        %dma_wait3A_59 = arith.constant 0 : i32
        %dma_wait3A_60 = arith.constant 0 : i32
        %dma_wait3A_61 = tpu.memref_slice %arg2[%dma_wait3A_59, %dma_wait3A_60] : memref<10240x128xf32, #tpu.memory_space<hbm>> -> memref<10240x128xf32, #tpu.memory_space<hbm>>
        tpu.wait_indirect_dma semaphore(%arg12 : memref<!tpu.dma_semaphore, #tpu.memory_space<semaphore_mem>>) src(%dma_wait3A_61 : memref<10240x128xf32, #tpu.memory_space<hbm>>) dst(%arg9 : memref<128x128xf32, #tpu.memory_space<vmem>>)
        %dma_start3A_62 = arith.constant 0 : i32
        %dma_start3A_63 = tpu.memref_slice %arg8[%mul3A_43, %dma_start3A_62] : memref<64x128xi32, #tpu.memory_space<vmem>> -> memref<1x128xi32, #tpu.memory_space<vmem>>
        %dma_start3A_64 = tpu.memref_squeeze %dma_start3A_63 : memref<1x128xi32, #tpu.memory_space<vmem>> -> memref<128xi32, #tpu.memory_space<vmem>>
        %dma_start3A_65 = arith.constant 0 : i32
        %dma_start3A_66 = arith.constant 0 : i32
        %dma_start3A_67 = tpu.memref_slice %arg11[%dma_start3A_65, %dma_start3A_66] : memref<10240x128xf32, #tpu.memory_space<vmem_shared>> -> memref<10240x128xf32, #tpu.memory_space<vmem_shared>>
        tpu.enqueue_indirect_dma source(%arg9 : memref<128x128xf32, #tpu.memory_space<vmem>>) target(%dma_start3A_67 : memref<10240x128xf32, #tpu.memory_space<vmem_shared>>) offsets(%dma_start3A_64 : memref<128xi32, #tpu.memory_space<vmem>>) semaphore(%arg14 : memref<!tpu.dma_semaphore, #tpu.memory_space<semaphore_mem>>) {add = true}
        %dma_wait3A_68 = arith.constant 0 : i32
        %dma_wait3A_69 = tpu.memref_slice %arg7[%add3A_45, %dma_wait3A_68] : memref<64x128xi32, #tpu.memory_space<vmem>> -> memref<1x128xi32, #tpu.memory_space<vmem>>
        %dma_wait3A_70 = tpu.memref_squeeze %dma_wait3A_69 : memref<1x128xi32, #tpu.memory_space<vmem>> -> memref<128xi32, #tpu.memory_space<vmem>>
        %dma_wait3A_71 = arith.constant 0 : i32
        %dma_wait3A_72 = arith.constant 0 : i32
        %dma_wait3A_73 = tpu.memref_slice %arg2[%dma_wait3A_71, %dma_wait3A_72] : memref<10240x128xf32, #tpu.memory_space<hbm>> -> memref<10240x128xf32, #tpu.memory_space<hbm>>
        tpu.wait_indirect_dma semaphore(%arg13 : memref<!tpu.dma_semaphore, #tpu.memory_space<semaphore_mem>>) src(%dma_wait3A_73 : memref<10240x128xf32, #tpu.memory_space<hbm>>) dst(%arg10 : memref<128x128xf32, #tpu.memory_space<vmem>>)
        %dma_wait3A_74 = arith.constant 0 : i32
        %dma_wait3A_75 = tpu.memref_slice %arg8[%mul3A_43, %dma_wait3A_74] : memref<64x128xi32, #tpu.memory_space<vmem>> -> memref<1x128xi32, #tpu.memory_space<vmem>>
        %dma_wait3A_76 = tpu.memref_squeeze %dma_wait3A_75 : memref<1x128xi32, #tpu.memory_space<vmem>> -> memref<128xi32, #tpu.memory_space<vmem>>
        %dma_wait3A_77 = arith.constant 0 : i32
        %dma_wait3A_78 = arith.constant 0 : i32
        %dma_wait3A_79 = tpu.memref_slice %arg11[%dma_wait3A_77, %dma_wait3A_78] : memref<10240x128xf32, #tpu.memory_space<vmem_shared>> -> memref<10240x128xf32, #tpu.memory_space<vmem_shared>>
        tpu.wait_indirect_dma semaphore(%arg14 : memref<!tpu.dma_semaphore, #tpu.memory_space<semaphore_mem>>) src(%arg9 : memref<128x128xf32, #tpu.memory_space<vmem>>) dst(%dma_wait3A_79 : memref<10240x128xf32, #tpu.memory_space<vmem_shared>>)
        %lt3A = arith.constant 31 : i32
        %lt3A_80 = arith.cmpi slt, %scan3A_41, %lt3A : i32
        %convert_element_type3A_81 = arith.extui %lt3A_80 : i1 to i32
        %cond3A_82 = arith.constant 0 : i32
        %cond3A_83 = arith.cmpi ne, %convert_element_type3A_81, %cond3A_82 : i32
        scf.if %cond3A_83 {
          %add3A_90 = arith.constant 2 : i32
          %add3A_91 = arith.addi %mul3A_43, %add3A_90 : i32
          %dma_start3A_92 = arith.constant 0 : i32
          %dma_start3A_93 = tpu.memref_slice %arg7[%add3A_91, %dma_start3A_92] : memref<64x128xi32, #tpu.memory_space<vmem>> -> memref<1x128xi32, #tpu.memory_space<vmem>>
          %dma_start3A_94 = tpu.memref_squeeze %dma_start3A_93 : memref<1x128xi32, #tpu.memory_space<vmem>> -> memref<128xi32, #tpu.memory_space<vmem>>
          %dma_start3A_95 = arith.constant 0 : i32
          %dma_start3A_96 = arith.constant 0 : i32
          %dma_start3A_97 = tpu.memref_slice %arg2[%dma_start3A_95, %dma_start3A_96] : memref<10240x128xf32, #tpu.memory_space<hbm>> -> memref<10240x128xf32, #tpu.memory_space<hbm>>
          tpu.enqueue_indirect_dma source(%dma_start3A_97 : memref<10240x128xf32, #tpu.memory_space<hbm>>) target(%arg9 : memref<128x128xf32, #tpu.memory_space<vmem>>) offsets(%dma_start3A_94 : memref<128xi32, #tpu.memory_space<vmem>>) semaphore(%arg12 : memref<!tpu.dma_semaphore, #tpu.memory_space<semaphore_mem>>)
        } else {
        }
        %dma_start3A_84 = arith.constant 0 : i32
        %dma_start3A_85 = tpu.memref_slice %arg8[%add3A_45, %dma_start3A_84] : memref<64x128xi32, #tpu.memory_space<vmem>> -> memref<1x128xi32, #tpu.memory_space<vmem>>
        %dma_start3A_86 = tpu.memref_squeeze %dma_start3A_85 : memref<1x128xi32, #tpu.memory_space<vmem>> -> memref<128xi32, #tpu.memory_space<vmem>>
        %dma_start3A_87 = arith.constant 0 : i32
        %dma_start3A_88 = arith.constant 0 : i32
        %dma_start3A_89 = tpu.memref_slice %arg11[%dma_start3A_87, %dma_start3A_88] : memref<10240x128xf32, #tpu.memory_space<vmem_shared>> -> memref<10240x128xf32, #tpu.memory_space<vmem_shared>>
        tpu.enqueue_indirect_dma source(%arg10 : memref<128x128xf32, #tpu.memory_space<vmem>>) target(%dma_start3A_89 : memref<10240x128xf32, #tpu.memory_space<vmem_shared>>) offsets(%dma_start3A_86 : memref<128xi32, #tpu.memory_space<vmem>>) semaphore(%arg15 : memref<!tpu.dma_semaphore, #tpu.memory_space<semaphore_mem>>) {add = true}
      }
      %scan3A_34 = arith.constant 32 : i32
      %dma_wait3A = arith.constant 0 : i32
      %dma_wait3A_35 = arith.constant 0 : i32
      %dma_wait3A_36 = tpu.memref_slice %arg8[%dma_wait3A, %dma_wait3A_35] : memref<64x128xi32, #tpu.memory_space<vmem>> -> memref<1x128xi32, #tpu.memory_space<vmem>>
      %dma_wait3A_37 = tpu.memref_squeeze %dma_wait3A_36 : memref<1x128xi32, #tpu.memory_space<vmem>> -> memref<128xi32, #tpu.memory_space<vmem>>
      %dma_wait3A_38 = arith.constant 0 : i32
      %dma_wait3A_39 = arith.constant 0 : i32
      %dma_wait3A_40 = tpu.memref_slice %arg11[%dma_wait3A_38, %dma_wait3A_39] : memref<10240x128xf32, #tpu.memory_space<vmem_shared>> -> memref<10240x128xf32, #tpu.memory_space<vmem_shared>>
      tpu.wait_indirect_dma semaphore(%arg15 : memref<!tpu.dma_semaphore, #tpu.memory_space<semaphore_mem>>) src(%arg10 : memref<128x128xf32, #tpu.memory_space<vmem>>) dst(%dma_wait3A_40 : memref<10240x128xf32, #tpu.memory_space<vmem_shared>>)
    } else {
    }
    %eq3A_15 = arith.constant 1 : i32
    %eq3A_16 = arith.cmpi eq, %arg0, %eq3A_15 : i32
    %convert_element_type3A_17 = arith.extui %eq3A_16 : i1 to i32
    %cond3A_18 = arith.constant 0 : i32
    %cond3A_19 = arith.cmpi ne, %convert_element_type3A_17, %cond3A_18 : i32
    scf.if %cond3A_19 {
      %dma_start3A = arith.constant 0 : i32
      %dma_start3A_25 = arith.constant 0 : i32
      %dma_start3A_26 = tpu.memref_slice %arg7[%dma_start3A, %dma_start3A_25] : memref<64x128xi32, #tpu.memory_space<vmem>> -> memref<1x128xi32, #tpu.memory_space<vmem>>
      %dma_start3A_27 = tpu.memref_squeeze %dma_start3A_26 : memref<1x128xi32, #tpu.memory_space<vmem>> -> memref<128xi32, #tpu.memory_space<vmem>>
      %dma_start3A_28 = arith.constant 0 : i32
      %dma_start3A_29 = arith.constant 0 : i32
      %dma_start3A_30 = tpu.memref_slice %arg2[%dma_start3A_28, %dma_start3A_29] : memref<10240x128xf32, #tpu.memory_space<hbm>> -> memref<10240x128xf32, #tpu.memory_space<hbm>>
      tpu.enqueue_indirect_dma source(%dma_start3A_30 : memref<10240x128xf32, #tpu.memory_space<hbm>>) target(%arg9 : memref<128x128xf32, #tpu.memory_space<vmem>>) offsets(%dma_start3A_27 : memref<128xi32, #tpu.memory_space<vmem>>) semaphore(%arg12 : memref<!tpu.dma_semaphore, #tpu.memory_space<semaphore_mem>>)
      %scan3A = arith.constant 0 : i32
      %scan3A_31 = arith.constant 8 : i32
      %scan3A_32 = arith.addi %scan3A, %scan3A_31 : i32
      %scan3A_33 = arith.constant 1 : i32
      scf.for %scan3A_41 = %scan3A to %scan3A_32 step %scan3A_33  : i32 {
        %mul3A_42 = arith.constant 2 : i32
        %mul3A_43 = arith.muli %scan3A_41, %mul3A_42 : i32
        %add3A_44 = arith.constant 1 : i32
        %add3A_45 = arith.addi %mul3A_43, %add3A_44 : i32
        %gt3A = arith.constant 0 : i32
        %gt3A_46 = arith.cmpi sgt, %scan3A_41, %gt3A : i32
        %convert_element_type3A_47 = arith.extui %gt3A_46 : i1 to i32
        %cond3A_48 = arith.constant 0 : i32
        %cond3A_49 = arith.cmpi ne, %convert_element_type3A_47, %cond3A_48 : i32
        scf.if %cond3A_49 {
          %dma_wait3A_90 = arith.constant 0 : i32
          %dma_wait3A_91 = tpu.memref_slice %arg8[%mul3A_43, %dma_wait3A_90] : memref<64x128xi32, #tpu.memory_space<vmem>> -> memref<1x128xi32, #tpu.memory_space<vmem>>
          %dma_wait3A_92 = tpu.memref_squeeze %dma_wait3A_91 : memref<1x128xi32, #tpu.memory_space<vmem>> -> memref<128xi32, #tpu.memory_space<vmem>>
          %dma_wait3A_93 = arith.constant 0 : i32
          %dma_wait3A_94 = arith.constant 0 : i32
          %dma_wait3A_95 = tpu.memref_slice %arg11[%dma_wait3A_93, %dma_wait3A_94] : memref<10240x128xf32, #tpu.memory_space<vmem_shared>> -> memref<10240x128xf32, #tpu.memory_space<vmem_shared>>
          tpu.wait_indirect_dma semaphore(%arg15 : memref<!tpu.dma_semaphore, #tpu.memory_space<semaphore_mem>>) src(%arg10 : memref<128x128xf32, #tpu.memory_space<vmem>>) dst(%dma_wait3A_95 : memref<10240x128xf32, #tpu.memory_space<vmem_shared>>)
        } else {
        }
        %dma_start3A_50 = arith.constant 0 : i32
        %dma_start3A_51 = tpu.memref_slice %arg7[%add3A_45, %dma_start3A_50] : memref<64x128xi32, #tpu.memory_space<vmem>> -> memref<1x128xi32, #tpu.memory_space<vmem>>
        %dma_start3A_52 = tpu.memref_squeeze %dma_start3A_51 : memref<1x128xi32, #tpu.memory_space<vmem>> -> memref<128xi32, #tpu.memory_space<vmem>>
        %dma_start3A_53 = arith.constant 0 : i32
        %dma_start3A_54 = arith.constant 0 : i32
        %dma_start3A_55 = tpu.memref_slice %arg2[%dma_start3A_53, %dma_start3A_54] : memref<10240x128xf32, #tpu.memory_space<hbm>> -> memref<10240x128xf32, #tpu.memory_space<hbm>>
        tpu.enqueue_indirect_dma source(%dma_start3A_55 : memref<10240x128xf32, #tpu.memory_space<hbm>>) target(%arg10 : memref<128x128xf32, #tpu.memory_space<vmem>>) offsets(%dma_start3A_52 : memref<128xi32, #tpu.memory_space<vmem>>) semaphore(%arg13 : memref<!tpu.dma_semaphore, #tpu.memory_space<semaphore_mem>>)
        %dma_wait3A_56 = arith.constant 0 : i32
        %dma_wait3A_57 = tpu.memref_slice %arg7[%mul3A_43, %dma_wait3A_56] : memref<64x128xi32, #tpu.memory_space<vmem>> -> memref<1x128xi32, #tpu.memory_space<vmem>>
        %dma_wait3A_58 = tpu.memref_squeeze %dma_wait3A_57 : memref<1x128xi32, #tpu.memory_space<vmem>> -> memref<128xi32, #tpu.memory_space<vmem>>
        %dma_wait3A_59 = arith.constant 0 : i32
        %dma_wait3A_60 = arith.constant 0 : i32
        %dma_wait3A_61 = tpu.memref_slice %arg2[%dma_wait3A_59, %dma_wait3A_60] : memref<10240x128xf32, #tpu.memory_space<hbm>> -> memref<10240x128xf32, #tpu.memory_space<hbm>>
        tpu.wait_indirect_dma semaphore(%arg12 : memref<!tpu.dma_semaphore, #tpu.memory_space<semaphore_mem>>) src(%dma_wait3A_61 : memref<10240x128xf32, #tpu.memory_space<hbm>>) dst(%arg9 : memref<128x128xf32, #tpu.memory_space<vmem>>)
        %dma_start3A_62 = arith.constant 0 : i32
        %dma_start3A_63 = tpu.memref_slice %arg8[%mul3A_43, %dma_start3A_62] : memref<64x128xi32, #tpu.memory_space<vmem>> -> memref<1x128xi32, #tpu.memory_space<vmem>>
        %dma_start3A_64 = tpu.memref_squeeze %dma_start3A_63 : memref<1x128xi32, #tpu.memory_space<vmem>> -> memref<128xi32, #tpu.memory_space<vmem>>
        %dma_start3A_65 = arith.constant 0 : i32
        %dma_start3A_66 = arith.constant 0 : i32
        %dma_start3A_67 = tpu.memref_slice %arg11[%dma_start3A_65, %dma_start3A_66] : memref<10240x128xf32, #tpu.memory_space<vmem_shared>> -> memref<10240x128xf32, #tpu.memory_space<vmem_shared>>
        tpu.enqueue_indirect_dma source(%arg9 : memref<128x128xf32, #tpu.memory_space<vmem>>) target(%dma_start3A_67 : memref<10240x128xf32, #tpu.memory_space<vmem_shared>>) offsets(%dma_start3A_64 : memref<128xi32, #tpu.memory_space<vmem>>) semaphore(%arg14 : memref<!tpu.dma_semaphore, #tpu.memory_space<semaphore_mem>>) {add = true}
        %dma_wait3A_68 = arith.constant 0 : i32
        %dma_wait3A_69 = tpu.memref_slice %arg7[%add3A_45, %dma_wait3A_68] : memref<64x128xi32, #tpu.memory_space<vmem>> -> memref<1x128xi32, #tpu.memory_space<vmem>>
        %dma_wait3A_70 = tpu.memref_squeeze %dma_wait3A_69 : memref<1x128xi32, #tpu.memory_space<vmem>> -> memref<128xi32, #tpu.memory_space<vmem>>
        %dma_wait3A_71 = arith.constant 0 : i32
        %dma_wait3A_72 = arith.constant 0 : i32
        %dma_wait3A_73 = tpu.memref_slice %arg2[%dma_wait3A_71, %dma_wait3A_72] : memref<10240x128xf32, #tpu.memory_space<hbm>> -> memref<10240x128xf32, #tpu.memory_space<hbm>>
        tpu.wait_indirect_dma semaphore(%arg13 : memref<!tpu.dma_semaphore, #tpu.memory_space<semaphore_mem>>) src(%dma_wait3A_73 : memref<10240x128xf32, #tpu.memory_space<hbm>>) dst(%arg10 : memref<128x128xf32, #tpu.memory_space<vmem>>)
        %dma_wait3A_74 = arith.constant 0 : i32
        %dma_wait3A_75 = tpu.memref_slice %arg8[%mul3A_43, %dma_wait3A_74] : memref<64x128xi32, #tpu.memory_space<vmem>> -> memref<1x128xi32, #tpu.memory_space<vmem>>
        %dma_wait3A_76 = tpu.memref_squeeze %dma_wait3A_75 : memref<1x128xi32, #tpu.memory_space<vmem>> -> memref<128xi32, #tpu.memory_space<vmem>>
        %dma_wait3A_77 = arith.constant 0 : i32
        %dma_wait3A_78 = arith.constant 0 : i32
        %dma_wait3A_79 = tpu.memref_slice %arg11[%dma_wait3A_77, %dma_wait3A_78] : memref<10240x128xf32, #tpu.memory_space<vmem_shared>> -> memref<10240x128xf32, #tpu.memory_space<vmem_shared>>
        tpu.wait_indirect_dma semaphore(%arg14 : memref<!tpu.dma_semaphore, #tpu.memory_space<semaphore_mem>>) src(%arg9 : memref<128x128xf32, #tpu.memory_space<vmem>>) dst(%dma_wait3A_79 : memref<10240x128xf32, #tpu.memory_space<vmem_shared>>)
        %lt3A = arith.constant 7 : i32
        %lt3A_80 = arith.cmpi slt, %scan3A_41, %lt3A : i32
        %convert_element_type3A_81 = arith.extui %lt3A_80 : i1 to i32
        %cond3A_82 = arith.constant 0 : i32
        %cond3A_83 = arith.cmpi ne, %convert_element_type3A_81, %cond3A_82 : i32
        scf.if %cond3A_83 {
          %add3A_90 = arith.constant 2 : i32
          %add3A_91 = arith.addi %mul3A_43, %add3A_90 : i32
          %dma_start3A_92 = arith.constant 0 : i32
          %dma_start3A_93 = tpu.memref_slice %arg7[%add3A_91, %dma_start3A_92] : memref<64x128xi32, #tpu.memory_space<vmem>> -> memref<1x128xi32, #tpu.memory_space<vmem>>
          %dma_start3A_94 = tpu.memref_squeeze %dma_start3A_93 : memref<1x128xi32, #tpu.memory_space<vmem>> -> memref<128xi32, #tpu.memory_space<vmem>>
          %dma_start3A_95 = arith.constant 0 : i32
          %dma_start3A_96 = arith.constant 0 : i32
          %dma_start3A_97 = tpu.memref_slice %arg2[%dma_start3A_95, %dma_start3A_96] : memref<10240x128xf32, #tpu.memory_space<hbm>> -> memref<10240x128xf32, #tpu.memory_space<hbm>>
          tpu.enqueue_indirect_dma source(%dma_start3A_97 : memref<10240x128xf32, #tpu.memory_space<hbm>>) target(%arg9 : memref<128x128xf32, #tpu.memory_space<vmem>>) offsets(%dma_start3A_94 : memref<128xi32, #tpu.memory_space<vmem>>) semaphore(%arg12 : memref<!tpu.dma_semaphore, #tpu.memory_space<semaphore_mem>>)
        } else {
        }
        %dma_start3A_84 = arith.constant 0 : i32
        %dma_start3A_85 = tpu.memref_slice %arg8[%add3A_45, %dma_start3A_84] : memref<64x128xi32, #tpu.memory_space<vmem>> -> memref<1x128xi32, #tpu.memory_space<vmem>>
        %dma_start3A_86 = tpu.memref_squeeze %dma_start3A_85 : memref<1x128xi32, #tpu.memory_space<vmem>> -> memref<128xi32, #tpu.memory_space<vmem>>
        %dma_start3A_87 = arith.constant 0 : i32
        %dma_start3A_88 = arith.constant 0 : i32
        %dma_start3A_89 = tpu.memref_slice %arg11[%dma_start3A_87, %dma_start3A_88] : memref<10240x128xf32, #tpu.memory_space<vmem_shared>> -> memref<10240x128xf32, #tpu.memory_space<vmem_shared>>
        tpu.enqueue_indirect_dma source(%arg10 : memref<128x128xf32, #tpu.memory_space<vmem>>) target(%dma_start3A_89 : memref<10240x128xf32, #tpu.memory_space<vmem_shared>>) offsets(%dma_start3A_86 : memref<128xi32, #tpu.memory_space<vmem>>) semaphore(%arg15 : memref<!tpu.dma_semaphore, #tpu.memory_space<semaphore_mem>>) {add = true}
      }
      %scan3A_34 = arith.constant 8 : i32
      %dma_wait3A = arith.constant 0 : i32
      %dma_wait3A_35 = arith.constant 0 : i32
      %dma_wait3A_36 = tpu.memref_slice %arg8[%dma_wait3A, %dma_wait3A_35] : memref<64x128xi32, #tpu.memory_space<vmem>> -> memref<1x128xi32, #tpu.memory_space<vmem>>
      %dma_wait3A_37 = tpu.memref_squeeze %dma_wait3A_36 : memref<1x128xi32, #tpu.memory_space<vmem>> -> memref<128xi32, #tpu.memory_space<vmem>>
      %dma_wait3A_38 = arith.constant 0 : i32
      %dma_wait3A_39 = arith.constant 0 : i32
      %dma_wait3A_40 = tpu.memref_slice %arg11[%dma_wait3A_38, %dma_wait3A_39] : memref<10240x128xf32, #tpu.memory_space<vmem_shared>> -> memref<10240x128xf32, #tpu.memory_space<vmem_shared>>
      tpu.wait_indirect_dma semaphore(%arg15 : memref<!tpu.dma_semaphore, #tpu.memory_space<semaphore_mem>>) src(%arg10 : memref<128x128xf32, #tpu.memory_space<vmem>>) dst(%dma_wait3A_40 : memref<10240x128xf32, #tpu.memory_space<vmem_shared>>)
    } else {
    }
    %barrier3A_20 = arith.constant 0 : index
    tpu.barrier barrier_id(%barrier3A_20)
    %mul3A_21 = arith.constant 640 : i32
    %mul3A_22 = arith.muli %arg1, %mul3A_21 : i32
    %mul3A_23 = arith.constant 640 : i32
    %mul3A_24 = arith.muli %arg1, %mul3A_23 : i32
    "tpu.region"() ({
      %run_scoped3A = tpu.sem_alloc : memref<!tpu.dma_semaphore, #tpu.memory_space<semaphore_mem>>
      %dma_start3A = arith.constant 0 : i32
      %dma_start3A_25 = tpu.memref_slice %arg6[%arg0, %mul3A_24, %dma_start3A] : memref<2x10240x128xf32, #tpu.memory_space<hbm>> -> memref<1x640x128xf32, #tpu.memory_space<hbm>>
      %dma_start3A_26 = tpu.memref_squeeze %dma_start3A_25 : memref<1x640x128xf32, #tpu.memory_space<hbm>> -> memref<640x128xf32, #tpu.memory_space<hbm>>
      %dma_start3A_27 = arith.constant 0 : i32
      %dma_start3A_28 = tpu.memref_slice %arg11[%mul3A_22, %dma_start3A_27] : memref<10240x128xf32, #tpu.memory_space<vmem_shared>> -> memref<640x128xf32, #tpu.memory_space<vmem_shared>>
      tpu.enqueue_dma source(%dma_start3A_28 : memref<640x128xf32, #tpu.memory_space<vmem_shared>>) target(%dma_start3A_26 : memref<640x128xf32, #tpu.memory_space<hbm>>) target_semaphore(%run_scoped3A : memref<!tpu.dma_semaphore, #tpu.memory_space<semaphore_mem>>)
      %dma_wait3A = arith.constant 0 : i32
      %dma_wait3A_29 = tpu.memref_slice %arg6[%arg0, %mul3A_24, %dma_wait3A] : memref<2x10240x128xf32, #tpu.memory_space<hbm>> -> memref<1x640x128xf32, #tpu.memory_space<hbm>>
      %dma_wait3A_30 = tpu.memref_squeeze %dma_wait3A_29 : memref<1x640x128xf32, #tpu.memory_space<hbm>> -> memref<640x128xf32, #tpu.memory_space<hbm>>
      %dma_wait3A_31 = arith.constant 0 : i32
      %dma_wait3A_32 = tpu.memref_slice %arg11[%mul3A_22, %dma_wait3A_31] : memref<10240x128xf32, #tpu.memory_space<vmem_shared>> -> memref<640x128xf32, #tpu.memory_space<vmem_shared>>
      tpu.wait_dma2 semaphore(%run_scoped3A : memref<!tpu.dma_semaphore, #tpu.memory_space<semaphore_mem>>) src(%dma_wait3A_32 : memref<640x128xf32, #tpu.memory_space<vmem_shared>>) dst(%dma_wait3A_30 : memref<640x128xf32, #tpu.memory_space<hbm>>)
      tpu.yield
    }) : () -> ()
    return
  }
}

#map = affine_map<(d0, d1) -> (0, 0)>
#map1 = affine_map<(d0, d1) -> (0, 0, 0)>
module attributes {stable_mosaic.version = 14 : i64} {
  func.func @_sc_agg_body(%arg0: i32, %arg1: i32, %arg2: memref<10240x128xf32, #tpu.memory_space<hbm>>, %arg3: memref<1328x128xi32, #tpu.memory_space<hbm>>, %arg4: memref<1328x128xi32, #tpu.memory_space<hbm>>, %arg5: memref<10240x128xf32, #tpu.memory_space<hbm>>, %arg6: memref<2x10240x128xf32, #tpu.memory_space<hbm>>, %arg7: memref<64x128xi32, #tpu.memory_space<vmem>>, %arg8: memref<64x128xi32, #tpu.memory_space<vmem>>, %arg9: memref<128x128xf32, #tpu.memory_space<vmem>>, %arg10: memref<128x128xf32, #tpu.memory_space<vmem>>, %arg11: memref<10240x128xf32, #tpu.memory_space<vmem_shared>>, %arg12: memref<!tpu.dma_semaphore, #tpu.memory_space<semaphore_mem>>, %arg13: memref<!tpu.dma_semaphore, #tpu.memory_space<semaphore_mem>>, %arg14: memref<!tpu.dma_semaphore, #tpu.memory_space<semaphore_mem>>, %arg15: memref<!tpu.dma_semaphore, #tpu.memory_space<semaphore_mem>>) attributes {dimension_semantics = [#tpu.dimension_semantics<core_parallel>, #tpu.dimension_semantics<subcore_parallel>], iteration_bounds = array<i64: 2, 16>, scalar_prefetch = 0 : i64, scratch_operands = 9 : i64, tpu.core_type = #tpu.core_type<sc_vector_subcore>, window_params = [{transform_indices = #map}, {transform_indices = #map}, {transform_indices = #map}, {transform_indices = #map}, {transform_indices = #map1}]} {
    %mul3A = arith.constant 16 : i32
    %mul3A_0 = arith.muli %arg0, %mul3A : i32
    %add3A = arith.addi %mul3A_0, %arg1 : i32
    %mul3A_1 = arith.constant 640 : i32
    %mul3A_2 = arith.muli %arg1, %mul3A_1 : i32
    %mul3A_3 = arith.constant 640 : i32
    %mul3A_4 = arith.muli %arg1, %mul3A_3 : i32
    "tpu.region"() ({
      %run_scoped3A = tpu.sem_alloc : memref<!tpu.dma_semaphore, #tpu.memory_space<semaphore_mem>>
      %dma_start3A = arith.constant 0 : i32
      %dma_start3A_25 = tpu.memref_slice %arg11[%mul3A_4, %dma_start3A] : memref<10240x128xf32, #tpu.memory_space<vmem_shared>> -> memref<640x128xf32, #tpu.memory_space<vmem_shared>>
      %dma_start3A_26 = arith.constant 0 : i32
      %dma_start3A_27 = tpu.memref_slice %arg5[%mul3A_2, %dma_start3A_26] : memref<10240x128xf32, #tpu.memory_space<hbm>> -> memref<640x128xf32, #tpu.memory_space<hbm>>
      tpu.enqueue_dma source(%dma_start3A_27 : memref<640x128xf32, #tpu.memory_space<hbm>>) target(%dma_start3A_25 : memref<640x128xf32, #tpu.memory_space<vmem_shared>>) target_semaphore(%run_scoped3A : memref<!tpu.dma_semaphore, #tpu.memory_space<semaphore_mem>>)
      %dma_wait3A = arith.constant 0 : i32
      %dma_wait3A_28 = tpu.memref_slice %arg11[%mul3A_4, %dma_wait3A] : memref<10240x128xf32, #tpu.memory_space<vmem_shared>> -> memref<640x128xf32, #tpu.memory_space<vmem_shared>>
      %dma_wait3A_29 = arith.constant 0 : i32
      %dma_wait3A_30 = tpu.memref_slice %arg5[%mul3A_2, %dma_wait3A_29] : memref<10240x128xf32, #tpu.memory_space<hbm>> -> memref<640x128xf32, #tpu.memory_space<hbm>>
      tpu.wait_dma2 semaphore(%run_scoped3A : memref<!tpu.dma_semaphore, #tpu.memory_space<semaphore_mem>>) src(%dma_wait3A_30 : memref<640x128xf32, #tpu.memory_space<hbm>>) dst(%dma_wait3A_28 : memref<640x128xf32, #tpu.memory_space<vmem_shared>>)
      tpu.yield
    }) : () -> ()
    %barrier3A = arith.constant 0 : index
    tpu.barrier barrier_id(%barrier3A)
    %eq3A = arith.constant 0 : i32
    %eq3A_5 = arith.cmpi eq, %arg0, %eq3A : i32
    %mul3A_6 = arith.constant 64 : i32
    %mul3A_7 = arith.muli %arg1, %mul3A_6 : i32
    %mul3A_8 = arith.constant 16 : i32
    %mul3A_9 = arith.muli %arg1, %mul3A_8 : i32
    %add3A_10 = arith.constant 1024 : i32
    %add3A_11 = arith.addi %add3A_10, %mul3A_9 : i32
    %select_n3A = arith.select %eq3A_5, %mul3A_7, %add3A_11 : i32
    "tpu.region"() ({
      %run_scoped3A = tpu.sem_alloc : memref<!tpu.dma_semaphore, #tpu.memory_space<semaphore_mem>>
      %dma_start3A = arith.constant 0 : i32
      %dma_start3A_25 = tpu.memref_slice %arg3[%select_n3A, %dma_start3A] : memref<1328x128xi32, #tpu.memory_space<hbm>> -> memref<64x128xi32, #tpu.memory_space<hbm>>
      %dma_start3A_26 = arith.constant 0 : i32
      %dma_start3A_27 = tpu.memref_slice %arg3[%select_n3A, %dma_start3A_26] : memref<1328x128xi32, #tpu.memory_space<hbm>> -> memref<64x128xi32, #tpu.memory_space<hbm>>
      tpu.enqueue_dma source(%dma_start3A_27 : memref<64x128xi32, #tpu.memory_space<hbm>>) target(%arg7 : memref<64x128xi32, #tpu.memory_space<vmem>>) target_semaphore(%run_scoped3A : memref<!tpu.dma_semaphore, #tpu.memory_space<semaphore_mem>>)
      %dma_wait3A = arith.constant 0 : i32
      %dma_wait3A_28 = tpu.memref_slice %arg3[%select_n3A, %dma_wait3A] : memref<1328x128xi32, #tpu.memory_space<hbm>> -> memref<64x128xi32, #tpu.memory_space<hbm>>
      %dma_wait3A_29 = arith.constant 0 : i32
      %dma_wait3A_30 = tpu.memref_slice %arg3[%select_n3A, %dma_wait3A_29] : memref<1328x128xi32, #tpu.memory_space<hbm>> -> memref<64x128xi32, #tpu.memory_space<hbm>>
      tpu.wait_dma2 semaphore(%run_scoped3A : memref<!tpu.dma_semaphore, #tpu.memory_space<semaphore_mem>>) src(%dma_wait3A_30 : memref<64x128xi32, #tpu.memory_space<hbm>>) dst(%arg7 : memref<64x128xi32, #tpu.memory_space<vmem>>)
      tpu.yield
    }) : () -> ()
    "tpu.region"() ({
      %run_scoped3A = tpu.sem_alloc : memref<!tpu.dma_semaphore, #tpu.memory_space<semaphore_mem>>
      %dma_start3A = arith.constant 0 : i32
      %dma_start3A_25 = tpu.memref_slice %arg4[%select_n3A, %dma_start3A] : memref<1328x128xi32, #tpu.memory_space<hbm>> -> memref<64x128xi32, #tpu.memory_space<hbm>>
      %dma_start3A_26 = arith.constant 0 : i32
      %dma_start3A_27 = tpu.memref_slice %arg4[%select_n3A, %dma_start3A_26] : memref<1328x128xi32, #tpu.memory_space<hbm>> -> memref<64x128xi32, #tpu.memory_space<hbm>>
      tpu.enqueue_dma source(%dma_start3A_27 : memref<64x128xi32, #tpu.memory_space<hbm>>) target(%arg8 : memref<64x128xi32, #tpu.memory_space<vmem>>) target_semaphore(%run_scoped3A : memref<!tpu.dma_semaphore, #tpu.memory_space<semaphore_mem>>)
      %dma_wait3A = arith.constant 0 : i32
      %dma_wait3A_28 = tpu.memref_slice %arg4[%select_n3A, %dma_wait3A] : memref<1328x128xi32, #tpu.memory_space<hbm>> -> memref<64x128xi32, #tpu.memory_space<hbm>>
      %dma_wait3A_29 = arith.constant 0 : i32
      %dma_wait3A_30 = tpu.memref_slice %arg4[%select_n3A, %dma_wait3A_29] : memref<1328x128xi32, #tpu.memory_space<hbm>> -> memref<64x128xi32, #tpu.memory_space<hbm>>
      tpu.wait_dma2 semaphore(%run_scoped3A : memref<!tpu.dma_semaphore, #tpu.memory_space<semaphore_mem>>) src(%dma_wait3A_30 : memref<64x128xi32, #tpu.memory_space<hbm>>) dst(%arg8 : memref<64x128xi32, #tpu.memory_space<vmem>>)
      tpu.yield
    }) : () -> ()
    %eq3A_12 = arith.constant 0 : i32
    %eq3A_13 = arith.cmpi eq, %arg0, %eq3A_12 : i32
    %convert_element_type3A = arith.extui %eq3A_13 : i1 to i32
    %cond3A = arith.constant 0 : i32
    %cond3A_14 = arith.cmpi ne, %convert_element_type3A, %cond3A : i32
    scf.if %cond3A_14 {
      %dma_start3A = arith.constant 0 : i32
      %dma_start3A_25 = arith.constant 0 : i32
      %dma_start3A_26 = tpu.memref_slice %arg7[%dma_start3A, %dma_start3A_25] : memref<64x128xi32, #tpu.memory_space<vmem>> -> memref<1x128xi32, #tpu.memory_space<vmem>>
      %dma_start3A_27 = tpu.memref_squeeze %dma_start3A_26 : memref<1x128xi32, #tpu.memory_space<vmem>> -> memref<128xi32, #tpu.memory_space<vmem>>
      %dma_start3A_28 = arith.constant 0 : i32
      %dma_start3A_29 = arith.constant 0 : i32
      %dma_start3A_30 = tpu.memref_slice %arg2[%dma_start3A_28, %dma_start3A_29] : memref<10240x128xf32, #tpu.memory_space<hbm>> -> memref<10240x128xf32, #tpu.memory_space<hbm>>
      tpu.enqueue_indirect_dma source(%dma_start3A_30 : memref<10240x128xf32, #tpu.memory_space<hbm>>) target(%arg9 : memref<128x128xf32, #tpu.memory_space<vmem>>) offsets(%dma_start3A_27 : memref<128xi32, #tpu.memory_space<vmem>>) semaphore(%arg12 : memref<!tpu.dma_semaphore, #tpu.memory_space<semaphore_mem>>)
      %scan3A = arith.constant 0 : i32
      %scan3A_31 = arith.constant 32 : i32
      %scan3A_32 = arith.addi %scan3A, %scan3A_31 : i32
      %scan3A_33 = arith.constant 1 : i32
      scf.for %scan3A_41 = %scan3A to %scan3A_32 step %scan3A_33  : i32 {
        %mul3A_42 = arith.constant 2 : i32
        %mul3A_43 = arith.muli %scan3A_41, %mul3A_42 : i32
        %add3A_44 = arith.constant 1 : i32
        %add3A_45 = arith.addi %mul3A_43, %add3A_44 : i32
        %gt3A = arith.constant 0 : i32
        %gt3A_46 = arith.cmpi sgt, %scan3A_41, %gt3A : i32
        %convert_element_type3A_47 = arith.extui %gt3A_46 : i1 to i32
        %cond3A_48 = arith.constant 0 : i32
        %cond3A_49 = arith.cmpi ne, %convert_element_type3A_47, %cond3A_48 : i32
        scf.if %cond3A_49 {
          %dma_wait3A_90 = arith.constant 0 : i32
          %dma_wait3A_91 = tpu.memref_slice %arg8[%mul3A_43, %dma_wait3A_90] : memref<64x128xi32, #tpu.memory_space<vmem>> -> memref<1x128xi32, #tpu.memory_space<vmem>>
          %dma_wait3A_92 = tpu.memref_squeeze %dma_wait3A_91 : memref<1x128xi32, #tpu.memory_space<vmem>> -> memref<128xi32, #tpu.memory_space<vmem>>
          %dma_wait3A_93 = arith.constant 0 : i32
          %dma_wait3A_94 = arith.constant 0 : i32
          %dma_wait3A_95 = tpu.memref_slice %arg11[%dma_wait3A_93, %dma_wait3A_94] : memref<10240x128xf32, #tpu.memory_space<vmem_shared>> -> memref<10240x128xf32, #tpu.memory_space<vmem_shared>>
          tpu.wait_indirect_dma semaphore(%arg15 : memref<!tpu.dma_semaphore, #tpu.memory_space<semaphore_mem>>) src(%arg10 : memref<128x128xf32, #tpu.memory_space<vmem>>) dst(%dma_wait3A_95 : memref<10240x128xf32, #tpu.memory_space<vmem_shared>>)
        } else {
        }
        %dma_start3A_50 = arith.constant 0 : i32
        %dma_start3A_51 = tpu.memref_slice %arg7[%add3A_45, %dma_start3A_50] : memref<64x128xi32, #tpu.memory_space<vmem>> -> memref<1x128xi32, #tpu.memory_space<vmem>>
        %dma_start3A_52 = tpu.memref_squeeze %dma_start3A_51 : memref<1x128xi32, #tpu.memory_space<vmem>> -> memref<128xi32, #tpu.memory_space<vmem>>
        %dma_start3A_53 = arith.constant 0 : i32
        %dma_start3A_54 = arith.constant 0 : i32
        %dma_start3A_55 = tpu.memref_slice %arg2[%dma_start3A_53, %dma_start3A_54] : memref<10240x128xf32, #tpu.memory_space<hbm>> -> memref<10240x128xf32, #tpu.memory_space<hbm>>
        tpu.enqueue_indirect_dma source(%dma_start3A_55 : memref<10240x128xf32, #tpu.memory_space<hbm>>) target(%arg10 : memref<128x128xf32, #tpu.memory_space<vmem>>) offsets(%dma_start3A_52 : memref<128xi32, #tpu.memory_space<vmem>>) semaphore(%arg13 : memref<!tpu.dma_semaphore, #tpu.memory_space<semaphore_mem>>)
        %dma_wait3A_56 = arith.constant 0 : i32
        %dma_wait3A_57 = tpu.memref_slice %arg7[%mul3A_43, %dma_wait3A_56] : memref<64x128xi32, #tpu.memory_space<vmem>> -> memref<1x128xi32, #tpu.memory_space<vmem>>
        %dma_wait3A_58 = tpu.memref_squeeze %dma_wait3A_57 : memref<1x128xi32, #tpu.memory_space<vmem>> -> memref<128xi32, #tpu.memory_space<vmem>>
        %dma_wait3A_59 = arith.constant 0 : i32
        %dma_wait3A_60 = arith.constant 0 : i32
        %dma_wait3A_61 = tpu.memref_slice %arg2[%dma_wait3A_59, %dma_wait3A_60] : memref<10240x128xf32, #tpu.memory_space<hbm>> -> memref<10240x128xf32, #tpu.memory_space<hbm>>
        tpu.wait_indirect_dma semaphore(%arg12 : memref<!tpu.dma_semaphore, #tpu.memory_space<semaphore_mem>>) src(%dma_wait3A_61 : memref<10240x128xf32, #tpu.memory_space<hbm>>) dst(%arg9 : memref<128x128xf32, #tpu.memory_space<vmem>>)
        %dma_start3A_62 = arith.constant 0 : i32
        %dma_start3A_63 = tpu.memref_slice %arg8[%mul3A_43, %dma_start3A_62] : memref<64x128xi32, #tpu.memory_space<vmem>> -> memref<1x128xi32, #tpu.memory_space<vmem>>
        %dma_start3A_64 = tpu.memref_squeeze %dma_start3A_63 : memref<1x128xi32, #tpu.memory_space<vmem>> -> memref<128xi32, #tpu.memory_space<vmem>>
        %dma_start3A_65 = arith.constant 0 : i32
        %dma_start3A_66 = arith.constant 0 : i32
        %dma_start3A_67 = tpu.memref_slice %arg11[%dma_start3A_65, %dma_start3A_66] : memref<10240x128xf32, #tpu.memory_space<vmem_shared>> -> memref<10240x128xf32, #tpu.memory_space<vmem_shared>>
        tpu.enqueue_indirect_dma source(%arg9 : memref<128x128xf32, #tpu.memory_space<vmem>>) target(%dma_start3A_67 : memref<10240x128xf32, #tpu.memory_space<vmem_shared>>) offsets(%dma_start3A_64 : memref<128xi32, #tpu.memory_space<vmem>>) semaphore(%arg14 : memref<!tpu.dma_semaphore, #tpu.memory_space<semaphore_mem>>) {add = true}
        %dma_wait3A_68 = arith.constant 0 : i32
        %dma_wait3A_69 = tpu.memref_slice %arg7[%add3A_45, %dma_wait3A_68] : memref<64x128xi32, #tpu.memory_space<vmem>> -> memref<1x128xi32, #tpu.memory_space<vmem>>
        %dma_wait3A_70 = tpu.memref_squeeze %dma_wait3A_69 : memref<1x128xi32, #tpu.memory_space<vmem>> -> memref<128xi32, #tpu.memory_space<vmem>>
        %dma_wait3A_71 = arith.constant 0 : i32
        %dma_wait3A_72 = arith.constant 0 : i32
        %dma_wait3A_73 = tpu.memref_slice %arg2[%dma_wait3A_71, %dma_wait3A_72] : memref<10240x128xf32, #tpu.memory_space<hbm>> -> memref<10240x128xf32, #tpu.memory_space<hbm>>
        tpu.wait_indirect_dma semaphore(%arg13 : memref<!tpu.dma_semaphore, #tpu.memory_space<semaphore_mem>>) src(%dma_wait3A_73 : memref<10240x128xf32, #tpu.memory_space<hbm>>) dst(%arg10 : memref<128x128xf32, #tpu.memory_space<vmem>>)
        %dma_wait3A_74 = arith.constant 0 : i32
        %dma_wait3A_75 = tpu.memref_slice %arg8[%mul3A_43, %dma_wait3A_74] : memref<64x128xi32, #tpu.memory_space<vmem>> -> memref<1x128xi32, #tpu.memory_space<vmem>>
        %dma_wait3A_76 = tpu.memref_squeeze %dma_wait3A_75 : memref<1x128xi32, #tpu.memory_space<vmem>> -> memref<128xi32, #tpu.memory_space<vmem>>
        %dma_wait3A_77 = arith.constant 0 : i32
        %dma_wait3A_78 = arith.constant 0 : i32
        %dma_wait3A_79 = tpu.memref_slice %arg11[%dma_wait3A_77, %dma_wait3A_78] : memref<10240x128xf32, #tpu.memory_space<vmem_shared>> -> memref<10240x128xf32, #tpu.memory_space<vmem_shared>>
        tpu.wait_indirect_dma semaphore(%arg14 : memref<!tpu.dma_semaphore, #tpu.memory_space<semaphore_mem>>) src(%arg9 : memref<128x128xf32, #tpu.memory_space<vmem>>) dst(%dma_wait3A_79 : memref<10240x128xf32, #tpu.memory_space<vmem_shared>>)
        %lt3A = arith.constant 31 : i32
        %lt3A_80 = arith.cmpi slt, %scan3A_41, %lt3A : i32
        %convert_element_type3A_81 = arith.extui %lt3A_80 : i1 to i32
        %cond3A_82 = arith.constant 0 : i32
        %cond3A_83 = arith.cmpi ne, %convert_element_type3A_81, %cond3A_82 : i32
        scf.if %cond3A_83 {
          %add3A_90 = arith.constant 2 : i32
          %add3A_91 = arith.addi %mul3A_43, %add3A_90 : i32
          %dma_start3A_92 = arith.constant 0 : i32
          %dma_start3A_93 = tpu.memref_slice %arg7[%add3A_91, %dma_start3A_92] : memref<64x128xi32, #tpu.memory_space<vmem>> -> memref<1x128xi32, #tpu.memory_space<vmem>>
          %dma_start3A_94 = tpu.memref_squeeze %dma_start3A_93 : memref<1x128xi32, #tpu.memory_space<vmem>> -> memref<128xi32, #tpu.memory_space<vmem>>
          %dma_start3A_95 = arith.constant 0 : i32
          %dma_start3A_96 = arith.constant 0 : i32
          %dma_start3A_97 = tpu.memref_slice %arg2[%dma_start3A_95, %dma_start3A_96] : memref<10240x128xf32, #tpu.memory_space<hbm>> -> memref<10240x128xf32, #tpu.memory_space<hbm>>
          tpu.enqueue_indirect_dma source(%dma_start3A_97 : memref<10240x128xf32, #tpu.memory_space<hbm>>) target(%arg9 : memref<128x128xf32, #tpu.memory_space<vmem>>) offsets(%dma_start3A_94 : memref<128xi32, #tpu.memory_space<vmem>>) semaphore(%arg12 : memref<!tpu.dma_semaphore, #tpu.memory_space<semaphore_mem>>)
        } else {
        }
        %dma_start3A_84 = arith.constant 0 : i32
        %dma_start3A_85 = tpu.memref_slice %arg8[%add3A_45, %dma_start3A_84] : memref<64x128xi32, #tpu.memory_space<vmem>> -> memref<1x128xi32, #tpu.memory_space<vmem>>
        %dma_start3A_86 = tpu.memref_squeeze %dma_start3A_85 : memref<1x128xi32, #tpu.memory_space<vmem>> -> memref<128xi32, #tpu.memory_space<vmem>>
        %dma_start3A_87 = arith.constant 0 : i32
        %dma_start3A_88 = arith.constant 0 : i32
        %dma_start3A_89 = tpu.memref_slice %arg11[%dma_start3A_87, %dma_start3A_88] : memref<10240x128xf32, #tpu.memory_space<vmem_shared>> -> memref<10240x128xf32, #tpu.memory_space<vmem_shared>>
        tpu.enqueue_indirect_dma source(%arg10 : memref<128x128xf32, #tpu.memory_space<vmem>>) target(%dma_start3A_89 : memref<10240x128xf32, #tpu.memory_space<vmem_shared>>) offsets(%dma_start3A_86 : memref<128xi32, #tpu.memory_space<vmem>>) semaphore(%arg15 : memref<!tpu.dma_semaphore, #tpu.memory_space<semaphore_mem>>) {add = true}
      }
      %scan3A_34 = arith.constant 32 : i32
      %dma_wait3A = arith.constant 0 : i32
      %dma_wait3A_35 = arith.constant 0 : i32
      %dma_wait3A_36 = tpu.memref_slice %arg8[%dma_wait3A, %dma_wait3A_35] : memref<64x128xi32, #tpu.memory_space<vmem>> -> memref<1x128xi32, #tpu.memory_space<vmem>>
      %dma_wait3A_37 = tpu.memref_squeeze %dma_wait3A_36 : memref<1x128xi32, #tpu.memory_space<vmem>> -> memref<128xi32, #tpu.memory_space<vmem>>
      %dma_wait3A_38 = arith.constant 0 : i32
      %dma_wait3A_39 = arith.constant 0 : i32
      %dma_wait3A_40 = tpu.memref_slice %arg11[%dma_wait3A_38, %dma_wait3A_39] : memref<10240x128xf32, #tpu.memory_space<vmem_shared>> -> memref<10240x128xf32, #tpu.memory_space<vmem_shared>>
      tpu.wait_indirect_dma semaphore(%arg15 : memref<!tpu.dma_semaphore, #tpu.memory_space<semaphore_mem>>) src(%arg10 : memref<128x128xf32, #tpu.memory_space<vmem>>) dst(%dma_wait3A_40 : memref<10240x128xf32, #tpu.memory_space<vmem_shared>>)
    } else {
    }
    %eq3A_15 = arith.constant 1 : i32
    %eq3A_16 = arith.cmpi eq, %arg0, %eq3A_15 : i32
    %convert_element_type3A_17 = arith.extui %eq3A_16 : i1 to i32
    %cond3A_18 = arith.constant 0 : i32
    %cond3A_19 = arith.cmpi ne, %convert_element_type3A_17, %cond3A_18 : i32
    scf.if %cond3A_19 {
      %dma_start3A = arith.constant 0 : i32
      %dma_start3A_25 = arith.constant 0 : i32
      %dma_start3A_26 = tpu.memref_slice %arg7[%dma_start3A, %dma_start3A_25] : memref<64x128xi32, #tpu.memory_space<vmem>> -> memref<1x128xi32, #tpu.memory_space<vmem>>
      %dma_start3A_27 = tpu.memref_squeeze %dma_start3A_26 : memref<1x128xi32, #tpu.memory_space<vmem>> -> memref<128xi32, #tpu.memory_space<vmem>>
      %dma_start3A_28 = arith.constant 0 : i32
      %dma_start3A_29 = arith.constant 0 : i32
      %dma_start3A_30 = tpu.memref_slice %arg2[%dma_start3A_28, %dma_start3A_29] : memref<10240x128xf32, #tpu.memory_space<hbm>> -> memref<10240x128xf32, #tpu.memory_space<hbm>>
      tpu.enqueue_indirect_dma source(%dma_start3A_30 : memref<10240x128xf32, #tpu.memory_space<hbm>>) target(%arg9 : memref<128x128xf32, #tpu.memory_space<vmem>>) offsets(%dma_start3A_27 : memref<128xi32, #tpu.memory_space<vmem>>) semaphore(%arg12 : memref<!tpu.dma_semaphore, #tpu.memory_space<semaphore_mem>>)
      %scan3A = arith.constant 0 : i32
      %scan3A_31 = arith.constant 8 : i32
      %scan3A_32 = arith.addi %scan3A, %scan3A_31 : i32
      %scan3A_33 = arith.constant 1 : i32
      scf.for %scan3A_41 = %scan3A to %scan3A_32 step %scan3A_33  : i32 {
        %mul3A_42 = arith.constant 2 : i32
        %mul3A_43 = arith.muli %scan3A_41, %mul3A_42 : i32
        %add3A_44 = arith.constant 1 : i32
        %add3A_45 = arith.addi %mul3A_43, %add3A_44 : i32
        %gt3A = arith.constant 0 : i32
        %gt3A_46 = arith.cmpi sgt, %scan3A_41, %gt3A : i32
        %convert_element_type3A_47 = arith.extui %gt3A_46 : i1 to i32
        %cond3A_48 = arith.constant 0 : i32
        %cond3A_49 = arith.cmpi ne, %convert_element_type3A_47, %cond3A_48 : i32
        scf.if %cond3A_49 {
          %dma_wait3A_90 = arith.constant 0 : i32
          %dma_wait3A_91 = tpu.memref_slice %arg8[%mul3A_43, %dma_wait3A_90] : memref<64x128xi32, #tpu.memory_space<vmem>> -> memref<1x128xi32, #tpu.memory_space<vmem>>
          %dma_wait3A_92 = tpu.memref_squeeze %dma_wait3A_91 : memref<1x128xi32, #tpu.memory_space<vmem>> -> memref<128xi32, #tpu.memory_space<vmem>>
          %dma_wait3A_93 = arith.constant 0 : i32
          %dma_wait3A_94 = arith.constant 0 : i32
          %dma_wait3A_95 = tpu.memref_slice %arg11[%dma_wait3A_93, %dma_wait3A_94] : memref<10240x128xf32, #tpu.memory_space<vmem_shared>> -> memref<10240x128xf32, #tpu.memory_space<vmem_shared>>
          tpu.wait_indirect_dma semaphore(%arg15 : memref<!tpu.dma_semaphore, #tpu.memory_space<semaphore_mem>>) src(%arg10 : memref<128x128xf32, #tpu.memory_space<vmem>>) dst(%dma_wait3A_95 : memref<10240x128xf32, #tpu.memory_space<vmem_shared>>)
        } else {
        }
        %dma_start3A_50 = arith.constant 0 : i32
        %dma_start3A_51 = tpu.memref_slice %arg7[%add3A_45, %dma_start3A_50] : memref<64x128xi32, #tpu.memory_space<vmem>> -> memref<1x128xi32, #tpu.memory_space<vmem>>
        %dma_start3A_52 = tpu.memref_squeeze %dma_start3A_51 : memref<1x128xi32, #tpu.memory_space<vmem>> -> memref<128xi32, #tpu.memory_space<vmem>>
        %dma_start3A_53 = arith.constant 0 : i32
        %dma_start3A_54 = arith.constant 0 : i32
        %dma_start3A_55 = tpu.memref_slice %arg2[%dma_start3A_53, %dma_start3A_54] : memref<10240x128xf32, #tpu.memory_space<hbm>> -> memref<10240x128xf32, #tpu.memory_space<hbm>>
        tpu.enqueue_indirect_dma source(%dma_start3A_55 : memref<10240x128xf32, #tpu.memory_space<hbm>>) target(%arg10 : memref<128x128xf32, #tpu.memory_space<vmem>>) offsets(%dma_start3A_52 : memref<128xi32, #tpu.memory_space<vmem>>) semaphore(%arg13 : memref<!tpu.dma_semaphore, #tpu.memory_space<semaphore_mem>>)
        %dma_wait3A_56 = arith.constant 0 : i32
        %dma_wait3A_57 = tpu.memref_slice %arg7[%mul3A_43, %dma_wait3A_56] : memref<64x128xi32, #tpu.memory_space<vmem>> -> memref<1x128xi32, #tpu.memory_space<vmem>>
        %dma_wait3A_58 = tpu.memref_squeeze %dma_wait3A_57 : memref<1x128xi32, #tpu.memory_space<vmem>> -> memref<128xi32, #tpu.memory_space<vmem>>
        %dma_wait3A_59 = arith.constant 0 : i32
        %dma_wait3A_60 = arith.constant 0 : i32
        %dma_wait3A_61 = tpu.memref_slice %arg2[%dma_wait3A_59, %dma_wait3A_60] : memref<10240x128xf32, #tpu.memory_space<hbm>> -> memref<10240x128xf32, #tpu.memory_space<hbm>>
        tpu.wait_indirect_dma semaphore(%arg12 : memref<!tpu.dma_semaphore, #tpu.memory_space<semaphore_mem>>) src(%dma_wait3A_61 : memref<10240x128xf32, #tpu.memory_space<hbm>>) dst(%arg9 : memref<128x128xf32, #tpu.memory_space<vmem>>)
        %dma_start3A_62 = arith.constant 0 : i32
        %dma_start3A_63 = tpu.memref_slice %arg8[%mul3A_43, %dma_start3A_62] : memref<64x128xi32, #tpu.memory_space<vmem>> -> memref<1x128xi32, #tpu.memory_space<vmem>>
        %dma_start3A_64 = tpu.memref_squeeze %dma_start3A_63 : memref<1x128xi32, #tpu.memory_space<vmem>> -> memref<128xi32, #tpu.memory_space<vmem>>
        %dma_start3A_65 = arith.constant 0 : i32
        %dma_start3A_66 = arith.constant 0 : i32
        %dma_start3A_67 = tpu.memref_slice %arg11[%dma_start3A_65, %dma_start3A_66] : memref<10240x128xf32, #tpu.memory_space<vmem_shared>> -> memref<10240x128xf32, #tpu.memory_space<vmem_shared>>
        tpu.enqueue_indirect_dma source(%arg9 : memref<128x128xf32, #tpu.memory_space<vmem>>) target(%dma_start3A_67 : memref<10240x128xf32, #tpu.memory_space<vmem_shared>>) offsets(%dma_start3A_64 : memref<128xi32, #tpu.memory_space<vmem>>) semaphore(%arg14 : memref<!tpu.dma_semaphore, #tpu.memory_space<semaphore_mem>>) {add = true}
        %dma_wait3A_68 = arith.constant 0 : i32
        %dma_wait3A_69 = tpu.memref_slice %arg7[%add3A_45, %dma_wait3A_68] : memref<64x128xi32, #tpu.memory_space<vmem>> -> memref<1x128xi32, #tpu.memory_space<vmem>>
        %dma_wait3A_70 = tpu.memref_squeeze %dma_wait3A_69 : memref<1x128xi32, #tpu.memory_space<vmem>> -> memref<128xi32, #tpu.memory_space<vmem>>
        %dma_wait3A_71 = arith.constant 0 : i32
        %dma_wait3A_72 = arith.constant 0 : i32
        %dma_wait3A_73 = tpu.memref_slice %arg2[%dma_wait3A_71, %dma_wait3A_72] : memref<10240x128xf32, #tpu.memory_space<hbm>> -> memref<10240x128xf32, #tpu.memory_space<hbm>>
        tpu.wait_indirect_dma semaphore(%arg13 : memref<!tpu.dma_semaphore, #tpu.memory_space<semaphore_mem>>) src(%dma_wait3A_73 : memref<10240x128xf32, #tpu.memory_space<hbm>>) dst(%arg10 : memref<128x128xf32, #tpu.memory_space<vmem>>)
        %dma_wait3A_74 = arith.constant 0 : i32
        %dma_wait3A_75 = tpu.memref_slice %arg8[%mul3A_43, %dma_wait3A_74] : memref<64x128xi32, #tpu.memory_space<vmem>> -> memref<1x128xi32, #tpu.memory_space<vmem>>
        %dma_wait3A_76 = tpu.memref_squeeze %dma_wait3A_75 : memref<1x128xi32, #tpu.memory_space<vmem>> -> memref<128xi32, #tpu.memory_space<vmem>>
        %dma_wait3A_77 = arith.constant 0 : i32
        %dma_wait3A_78 = arith.constant 0 : i32
        %dma_wait3A_79 = tpu.memref_slice %arg11[%dma_wait3A_77, %dma_wait3A_78] : memref<10240x128xf32, #tpu.memory_space<vmem_shared>> -> memref<10240x128xf32, #tpu.memory_space<vmem_shared>>
        tpu.wait_indirect_dma semaphore(%arg14 : memref<!tpu.dma_semaphore, #tpu.memory_space<semaphore_mem>>) src(%arg9 : memref<128x128xf32, #tpu.memory_space<vmem>>) dst(%dma_wait3A_79 : memref<10240x128xf32, #tpu.memory_space<vmem_shared>>)
        %lt3A = arith.constant 7 : i32
        %lt3A_80 = arith.cmpi slt, %scan3A_41, %lt3A : i32
        %convert_element_type3A_81 = arith.extui %lt3A_80 : i1 to i32
        %cond3A_82 = arith.constant 0 : i32
        %cond3A_83 = arith.cmpi ne, %convert_element_type3A_81, %cond3A_82 : i32
        scf.if %cond3A_83 {
          %add3A_90 = arith.constant 2 : i32
          %add3A_91 = arith.addi %mul3A_43, %add3A_90 : i32
          %dma_start3A_92 = arith.constant 0 : i32
          %dma_start3A_93 = tpu.memref_slice %arg7[%add3A_91, %dma_start3A_92] : memref<64x128xi32, #tpu.memory_space<vmem>> -> memref<1x128xi32, #tpu.memory_space<vmem>>
          %dma_start3A_94 = tpu.memref_squeeze %dma_start3A_93 : memref<1x128xi32, #tpu.memory_space<vmem>> -> memref<128xi32, #tpu.memory_space<vmem>>
          %dma_start3A_95 = arith.constant 0 : i32
          %dma_start3A_96 = arith.constant 0 : i32
          %dma_start3A_97 = tpu.memref_slice %arg2[%dma_start3A_95, %dma_start3A_96] : memref<10240x128xf32, #tpu.memory_space<hbm>> -> memref<10240x128xf32, #tpu.memory_space<hbm>>
          tpu.enqueue_indirect_dma source(%dma_start3A_97 : memref<10240x128xf32, #tpu.memory_space<hbm>>) target(%arg9 : memref<128x128xf32, #tpu.memory_space<vmem>>) offsets(%dma_start3A_94 : memref<128xi32, #tpu.memory_space<vmem>>) semaphore(%arg12 : memref<!tpu.dma_semaphore, #tpu.memory_space<semaphore_mem>>)
        } else {
        }
        %dma_start3A_84 = arith.constant 0 : i32
        %dma_start3A_85 = tpu.memref_slice %arg8[%add3A_45, %dma_start3A_84] : memref<64x128xi32, #tpu.memory_space<vmem>> -> memref<1x128xi32, #tpu.memory_space<vmem>>
        %dma_start3A_86 = tpu.memref_squeeze %dma_start3A_85 : memref<1x128xi32, #tpu.memory_space<vmem>> -> memref<128xi32, #tpu.memory_space<vmem>>
        %dma_start3A_87 = arith.constant 0 : i32
        %dma_start3A_88 = arith.constant 0 : i32
        %dma_start3A_89 = tpu.memref_slice %arg11[%dma_start3A_87, %dma_start3A_88] : memref<10240x128xf32, #tpu.memory_space<vmem_shared>> -> memref<10240x128xf32, #tpu.memory_space<vmem_shared>>
        tpu.enqueue_indirect_dma source(%arg10 : memref<128x128xf32, #tpu.memory_space<vmem>>) target(%dma_start3A_89 : memref<10240x128xf32, #tpu.memory_space<vmem_shared>>) offsets(%dma_start3A_86 : memref<128xi32, #tpu.memory_space<vmem>>) semaphore(%arg15 : memref<!tpu.dma_semaphore, #tpu.memory_space<semaphore_mem>>) {add = true}
      }
      %scan3A_34 = arith.constant 8 : i32
      %dma_wait3A = arith.constant 0 : i32
      %dma_wait3A_35 = arith.constant 0 : i32
      %dma_wait3A_36 = tpu.memref_slice %arg8[%dma_wait3A, %dma_wait3A_35] : memref<64x128xi32, #tpu.memory_space<vmem>> -> memref<1x128xi32, #tpu.memory_space<vmem>>
      %dma_wait3A_37 = tpu.memref_squeeze %dma_wait3A_36 : memref<1x128xi32, #tpu.memory_space<vmem>> -> memref<128xi32, #tpu.memory_space<vmem>>
      %dma_wait3A_38 = arith.constant 0 : i32
      %dma_wait3A_39 = arith.constant 0 : i32
      %dma_wait3A_40 = tpu.memref_slice %arg11[%dma_wait3A_38, %dma_wait3A_39] : memref<10240x128xf32, #tpu.memory_space<vmem_shared>> -> memref<10240x128xf32, #tpu.memory_space<vmem_shared>>
      tpu.wait_indirect_dma semaphore(%arg15 : memref<!tpu.dma_semaphore, #tpu.memory_space<semaphore_mem>>) src(%arg10 : memref<128x128xf32, #tpu.memory_space<vmem>>) dst(%dma_wait3A_40 : memref<10240x128xf32, #tpu.memory_space<vmem_shared>>)
    } else {
    }
    %barrier3A_20 = arith.constant 0 : index
    tpu.barrier barrier_id(%barrier3A_20)
    %mul3A_21 = arith.constant 640 : i32
    %mul3A_22 = arith.muli %arg1, %mul3A_21 : i32
    %mul3A_23 = arith.constant 640 : i32
    %mul3A_24 = arith.muli %arg1, %mul3A_23 : i32
    "tpu.region"() ({
      %run_scoped3A = tpu.sem_alloc : memref<!tpu.dma_semaphore, #tpu.memory_space<semaphore_mem>>
      %dma_start3A = arith.constant 0 : i32
      %dma_start3A_25 = tpu.memref_slice %arg6[%arg0, %mul3A_24, %dma_start3A] : memref<2x10240x128xf32, #tpu.memory_space<hbm>> -> memref<1x640x128xf32, #tpu.memory_space<hbm>>
      %dma_start3A_26 = tpu.memref_squeeze %dma_start3A_25 : memref<1x640x128xf32, #tpu.memory_space<hbm>> -> memref<640x128xf32, #tpu.memory_space<hbm>>
      %dma_start3A_27 = arith.constant 0 : i32
      %dma_start3A_28 = tpu.memref_slice %arg11[%mul3A_22, %dma_start3A_27] : memref<10240x128xf32, #tpu.memory_space<vmem_shared>> -> memref<640x128xf32, #tpu.memory_space<vmem_shared>>
      tpu.enqueue_dma source(%dma_start3A_28 : memref<640x128xf32, #tpu.memory_space<vmem_shared>>) target(%dma_start3A_26 : memref<640x128xf32, #tpu.memory_space<hbm>>) target_semaphore(%run_scoped3A : memref<!tpu.dma_semaphore, #tpu.memory_space<semaphore_mem>>)
      %dma_wait3A = arith.constant 0 : i32
      %dma_wait3A_29 = tpu.memref_slice %arg6[%arg0, %mul3A_24, %dma_wait3A] : memref<2x10240x128xf32, #tpu.memory_space<hbm>> -> memref<1x640x128xf32, #tpu.memory_space<hbm>>
      %dma_wait3A_30 = tpu.memref_squeeze %dma_wait3A_29 : memref<1x640x128xf32, #tpu.memory_space<hbm>> -> memref<640x128xf32, #tpu.memory_space<hbm>>
      %dma_wait3A_31 = arith.constant 0 : i32
      %dma_wait3A_32 = tpu.memref_slice %arg11[%mul3A_22, %dma_wait3A_31] : memref<10240x128xf32, #tpu.memory_space<vmem_shared>> -> memref<640x128xf32, #tpu.memory_space<vmem_shared>>
      tpu.wait_dma2 semaphore(%run_scoped3A : memref<!tpu.dma_semaphore, #tpu.memory_space<semaphore_mem>>) src(%dma_wait3A_32 : memref<640x128xf32, #tpu.memory_space<vmem_shared>>) dst(%dma_wait3A_30 : memref<640x128xf32, #tpu.memory_space<hbm>>)
      tpu.yield
    }) : () -> ()
    return
  }
}

#map = affine_map<(d0, d1) -> (0, 0)>
#map1 = affine_map<(d0, d1) -> (0, 0, 0)>
module attributes {stable_mosaic.version = 14 : i64} {
  func.func @_sc_agg_body(%arg0: i32, %arg1: i32, %arg2: memref<10240x128xf32, #tpu.memory_space<hbm>>, %arg3: memref<1328x128xi32, #tpu.memory_space<hbm>>, %arg4: memref<1328x128xi32, #tpu.memory_space<hbm>>, %arg5: memref<10240x128xf32, #tpu.memory_space<hbm>>, %arg6: memref<2x10240x128xf32, #tpu.memory_space<hbm>>, %arg7: memref<64x128xi32, #tpu.memory_space<vmem>>, %arg8: memref<64x128xi32, #tpu.memory_space<vmem>>, %arg9: memref<128x128xf32, #tpu.memory_space<vmem>>, %arg10: memref<128x128xf32, #tpu.memory_space<vmem>>, %arg11: memref<10240x128xf32, #tpu.memory_space<vmem_shared>>, %arg12: memref<!tpu.dma_semaphore, #tpu.memory_space<semaphore_mem>>, %arg13: memref<!tpu.dma_semaphore, #tpu.memory_space<semaphore_mem>>, %arg14: memref<!tpu.dma_semaphore, #tpu.memory_space<semaphore_mem>>, %arg15: memref<!tpu.dma_semaphore, #tpu.memory_space<semaphore_mem>>) attributes {dimension_semantics = [#tpu.dimension_semantics<core_parallel>, #tpu.dimension_semantics<subcore_parallel>], iteration_bounds = array<i64: 2, 16>, scalar_prefetch = 0 : i64, scratch_operands = 9 : i64, tpu.core_type = #tpu.core_type<sc_vector_subcore>, window_params = [{transform_indices = #map}, {transform_indices = #map}, {transform_indices = #map}, {transform_indices = #map}, {transform_indices = #map1}]} {
    %mul3A = arith.constant 16 : i32
    %mul3A_0 = arith.muli %arg0, %mul3A : i32
    %add3A = arith.addi %mul3A_0, %arg1 : i32
    %mul3A_1 = arith.constant 640 : i32
    %mul3A_2 = arith.muli %arg1, %mul3A_1 : i32
    %mul3A_3 = arith.constant 640 : i32
    %mul3A_4 = arith.muli %arg1, %mul3A_3 : i32
    "tpu.region"() ({
      %run_scoped3A = tpu.sem_alloc : memref<!tpu.dma_semaphore, #tpu.memory_space<semaphore_mem>>
      %dma_start3A = arith.constant 0 : i32
      %dma_start3A_25 = tpu.memref_slice %arg11[%mul3A_4, %dma_start3A] : memref<10240x128xf32, #tpu.memory_space<vmem_shared>> -> memref<640x128xf32, #tpu.memory_space<vmem_shared>>
      %dma_start3A_26 = arith.constant 0 : i32
      %dma_start3A_27 = tpu.memref_slice %arg5[%mul3A_2, %dma_start3A_26] : memref<10240x128xf32, #tpu.memory_space<hbm>> -> memref<640x128xf32, #tpu.memory_space<hbm>>
      tpu.enqueue_dma source(%dma_start3A_27 : memref<640x128xf32, #tpu.memory_space<hbm>>) target(%dma_start3A_25 : memref<640x128xf32, #tpu.memory_space<vmem_shared>>) target_semaphore(%run_scoped3A : memref<!tpu.dma_semaphore, #tpu.memory_space<semaphore_mem>>)
      %dma_wait3A = arith.constant 0 : i32
      %dma_wait3A_28 = tpu.memref_slice %arg11[%mul3A_4, %dma_wait3A] : memref<10240x128xf32, #tpu.memory_space<vmem_shared>> -> memref<640x128xf32, #tpu.memory_space<vmem_shared>>
      %dma_wait3A_29 = arith.constant 0 : i32
      %dma_wait3A_30 = tpu.memref_slice %arg5[%mul3A_2, %dma_wait3A_29] : memref<10240x128xf32, #tpu.memory_space<hbm>> -> memref<640x128xf32, #tpu.memory_space<hbm>>
      tpu.wait_dma2 semaphore(%run_scoped3A : memref<!tpu.dma_semaphore, #tpu.memory_space<semaphore_mem>>) src(%dma_wait3A_30 : memref<640x128xf32, #tpu.memory_space<hbm>>) dst(%dma_wait3A_28 : memref<640x128xf32, #tpu.memory_space<vmem_shared>>)
      tpu.yield
    }) : () -> ()
    %barrier3A = arith.constant 0 : index
    tpu.barrier barrier_id(%barrier3A)
    %eq3A = arith.constant 0 : i32
    %eq3A_5 = arith.cmpi eq, %arg0, %eq3A : i32
    %mul3A_6 = arith.constant 64 : i32
    %mul3A_7 = arith.muli %arg1, %mul3A_6 : i32
    %mul3A_8 = arith.constant 16 : i32
    %mul3A_9 = arith.muli %arg1, %mul3A_8 : i32
    %add3A_10 = arith.constant 1024 : i32
    %add3A_11 = arith.addi %add3A_10, %mul3A_9 : i32
    %select_n3A = arith.select %eq3A_5, %mul3A_7, %add3A_11 : i32
    "tpu.region"() ({
      %run_scoped3A = tpu.sem_alloc : memref<!tpu.dma_semaphore, #tpu.memory_space<semaphore_mem>>
      %dma_start3A = arith.constant 0 : i32
      %dma_start3A_25 = tpu.memref_slice %arg3[%select_n3A, %dma_start3A] : memref<1328x128xi32, #tpu.memory_space<hbm>> -> memref<64x128xi32, #tpu.memory_space<hbm>>
      %dma_start3A_26 = arith.constant 0 : i32
      %dma_start3A_27 = tpu.memref_slice %arg3[%select_n3A, %dma_start3A_26] : memref<1328x128xi32, #tpu.memory_space<hbm>> -> memref<64x128xi32, #tpu.memory_space<hbm>>
      tpu.enqueue_dma source(%dma_start3A_27 : memref<64x128xi32, #tpu.memory_space<hbm>>) target(%arg7 : memref<64x128xi32, #tpu.memory_space<vmem>>) target_semaphore(%run_scoped3A : memref<!tpu.dma_semaphore, #tpu.memory_space<semaphore_mem>>)
      %dma_wait3A = arith.constant 0 : i32
      %dma_wait3A_28 = tpu.memref_slice %arg3[%select_n3A, %dma_wait3A] : memref<1328x128xi32, #tpu.memory_space<hbm>> -> memref<64x128xi32, #tpu.memory_space<hbm>>
      %dma_wait3A_29 = arith.constant 0 : i32
      %dma_wait3A_30 = tpu.memref_slice %arg3[%select_n3A, %dma_wait3A_29] : memref<1328x128xi32, #tpu.memory_space<hbm>> -> memref<64x128xi32, #tpu.memory_space<hbm>>
      tpu.wait_dma2 semaphore(%run_scoped3A : memref<!tpu.dma_semaphore, #tpu.memory_space<semaphore_mem>>) src(%dma_wait3A_30 : memref<64x128xi32, #tpu.memory_space<hbm>>) dst(%arg7 : memref<64x128xi32, #tpu.memory_space<vmem>>)
      tpu.yield
    }) : () -> ()
    "tpu.region"() ({
      %run_scoped3A = tpu.sem_alloc : memref<!tpu.dma_semaphore, #tpu.memory_space<semaphore_mem>>
      %dma_start3A = arith.constant 0 : i32
      %dma_start3A_25 = tpu.memref_slice %arg4[%select_n3A, %dma_start3A] : memref<1328x128xi32, #tpu.memory_space<hbm>> -> memref<64x128xi32, #tpu.memory_space<hbm>>
      %dma_start3A_26 = arith.constant 0 : i32
      %dma_start3A_27 = tpu.memref_slice %arg4[%select_n3A, %dma_start3A_26] : memref<1328x128xi32, #tpu.memory_space<hbm>> -> memref<64x128xi32, #tpu.memory_space<hbm>>
      tpu.enqueue_dma source(%dma_start3A_27 : memref<64x128xi32, #tpu.memory_space<hbm>>) target(%arg8 : memref<64x128xi32, #tpu.memory_space<vmem>>) target_semaphore(%run_scoped3A : memref<!tpu.dma_semaphore, #tpu.memory_space<semaphore_mem>>)
      %dma_wait3A = arith.constant 0 : i32
      %dma_wait3A_28 = tpu.memref_slice %arg4[%select_n3A, %dma_wait3A] : memref<1328x128xi32, #tpu.memory_space<hbm>> -> memref<64x128xi32, #tpu.memory_space<hbm>>
      %dma_wait3A_29 = arith.constant 0 : i32
      %dma_wait3A_30 = tpu.memref_slice %arg4[%select_n3A, %dma_wait3A_29] : memref<1328x128xi32, #tpu.memory_space<hbm>> -> memref<64x128xi32, #tpu.memory_space<hbm>>
      tpu.wait_dma2 semaphore(%run_scoped3A : memref<!tpu.dma_semaphore, #tpu.memory_space<semaphore_mem>>) src(%dma_wait3A_30 : memref<64x128xi32, #tpu.memory_space<hbm>>) dst(%arg8 : memref<64x128xi32, #tpu.memory_space<vmem>>)
      tpu.yield
    }) : () -> ()
    %eq3A_12 = arith.constant 0 : i32
    %eq3A_13 = arith.cmpi eq, %arg0, %eq3A_12 : i32
    %convert_element_type3A = arith.extui %eq3A_13 : i1 to i32
    %cond3A = arith.constant 0 : i32
    %cond3A_14 = arith.cmpi ne, %convert_element_type3A, %cond3A : i32
    scf.if %cond3A_14 {
      %dma_start3A = arith.constant 0 : i32
      %dma_start3A_25 = arith.constant 0 : i32
      %dma_start3A_26 = tpu.memref_slice %arg7[%dma_start3A, %dma_start3A_25] : memref<64x128xi32, #tpu.memory_space<vmem>> -> memref<1x128xi32, #tpu.memory_space<vmem>>
      %dma_start3A_27 = tpu.memref_squeeze %dma_start3A_26 : memref<1x128xi32, #tpu.memory_space<vmem>> -> memref<128xi32, #tpu.memory_space<vmem>>
      %dma_start3A_28 = arith.constant 0 : i32
      %dma_start3A_29 = arith.constant 0 : i32
      %dma_start3A_30 = tpu.memref_slice %arg2[%dma_start3A_28, %dma_start3A_29] : memref<10240x128xf32, #tpu.memory_space<hbm>> -> memref<10240x128xf32, #tpu.memory_space<hbm>>
      tpu.enqueue_indirect_dma source(%dma_start3A_30 : memref<10240x128xf32, #tpu.memory_space<hbm>>) target(%arg9 : memref<128x128xf32, #tpu.memory_space<vmem>>) offsets(%dma_start3A_27 : memref<128xi32, #tpu.memory_space<vmem>>) semaphore(%arg12 : memref<!tpu.dma_semaphore, #tpu.memory_space<semaphore_mem>>)
      %scan3A = arith.constant 0 : i32
      %scan3A_31 = arith.constant 32 : i32
      %scan3A_32 = arith.addi %scan3A, %scan3A_31 : i32
      %scan3A_33 = arith.constant 1 : i32
      scf.for %scan3A_41 = %scan3A to %scan3A_32 step %scan3A_33  : i32 {
        %mul3A_42 = arith.constant 2 : i32
        %mul3A_43 = arith.muli %scan3A_41, %mul3A_42 : i32
        %add3A_44 = arith.constant 1 : i32
        %add3A_45 = arith.addi %mul3A_43, %add3A_44 : i32
        %gt3A = arith.constant 0 : i32
        %gt3A_46 = arith.cmpi sgt, %scan3A_41, %gt3A : i32
        %convert_element_type3A_47 = arith.extui %gt3A_46 : i1 to i32
        %cond3A_48 = arith.constant 0 : i32
        %cond3A_49 = arith.cmpi ne, %convert_element_type3A_47, %cond3A_48 : i32
        scf.if %cond3A_49 {
          %dma_wait3A_90 = arith.constant 0 : i32
          %dma_wait3A_91 = tpu.memref_slice %arg8[%mul3A_43, %dma_wait3A_90] : memref<64x128xi32, #tpu.memory_space<vmem>> -> memref<1x128xi32, #tpu.memory_space<vmem>>
          %dma_wait3A_92 = tpu.memref_squeeze %dma_wait3A_91 : memref<1x128xi32, #tpu.memory_space<vmem>> -> memref<128xi32, #tpu.memory_space<vmem>>
          %dma_wait3A_93 = arith.constant 0 : i32
          %dma_wait3A_94 = arith.constant 0 : i32
          %dma_wait3A_95 = tpu.memref_slice %arg11[%dma_wait3A_93, %dma_wait3A_94] : memref<10240x128xf32, #tpu.memory_space<vmem_shared>> -> memref<10240x128xf32, #tpu.memory_space<vmem_shared>>
          tpu.wait_indirect_dma semaphore(%arg15 : memref<!tpu.dma_semaphore, #tpu.memory_space<semaphore_mem>>) src(%arg10 : memref<128x128xf32, #tpu.memory_space<vmem>>) dst(%dma_wait3A_95 : memref<10240x128xf32, #tpu.memory_space<vmem_shared>>)
        } else {
        }
        %dma_start3A_50 = arith.constant 0 : i32
        %dma_start3A_51 = tpu.memref_slice %arg7[%add3A_45, %dma_start3A_50] : memref<64x128xi32, #tpu.memory_space<vmem>> -> memref<1x128xi32, #tpu.memory_space<vmem>>
        %dma_start3A_52 = tpu.memref_squeeze %dma_start3A_51 : memref<1x128xi32, #tpu.memory_space<vmem>> -> memref<128xi32, #tpu.memory_space<vmem>>
        %dma_start3A_53 = arith.constant 0 : i32
        %dma_start3A_54 = arith.constant 0 : i32
        %dma_start3A_55 = tpu.memref_slice %arg2[%dma_start3A_53, %dma_start3A_54] : memref<10240x128xf32, #tpu.memory_space<hbm>> -> memref<10240x128xf32, #tpu.memory_space<hbm>>
        tpu.enqueue_indirect_dma source(%dma_start3A_55 : memref<10240x128xf32, #tpu.memory_space<hbm>>) target(%arg10 : memref<128x128xf32, #tpu.memory_space<vmem>>) offsets(%dma_start3A_52 : memref<128xi32, #tpu.memory_space<vmem>>) semaphore(%arg13 : memref<!tpu.dma_semaphore, #tpu.memory_space<semaphore_mem>>)
        %dma_wait3A_56 = arith.constant 0 : i32
        %dma_wait3A_57 = tpu.memref_slice %arg7[%mul3A_43, %dma_wait3A_56] : memref<64x128xi32, #tpu.memory_space<vmem>> -> memref<1x128xi32, #tpu.memory_space<vmem>>
        %dma_wait3A_58 = tpu.memref_squeeze %dma_wait3A_57 : memref<1x128xi32, #tpu.memory_space<vmem>> -> memref<128xi32, #tpu.memory_space<vmem>>
        %dma_wait3A_59 = arith.constant 0 : i32
        %dma_wait3A_60 = arith.constant 0 : i32
        %dma_wait3A_61 = tpu.memref_slice %arg2[%dma_wait3A_59, %dma_wait3A_60] : memref<10240x128xf32, #tpu.memory_space<hbm>> -> memref<10240x128xf32, #tpu.memory_space<hbm>>
        tpu.wait_indirect_dma semaphore(%arg12 : memref<!tpu.dma_semaphore, #tpu.memory_space<semaphore_mem>>) src(%dma_wait3A_61 : memref<10240x128xf32, #tpu.memory_space<hbm>>) dst(%arg9 : memref<128x128xf32, #tpu.memory_space<vmem>>)
        %dma_start3A_62 = arith.constant 0 : i32
        %dma_start3A_63 = tpu.memref_slice %arg8[%mul3A_43, %dma_start3A_62] : memref<64x128xi32, #tpu.memory_space<vmem>> -> memref<1x128xi32, #tpu.memory_space<vmem>>
        %dma_start3A_64 = tpu.memref_squeeze %dma_start3A_63 : memref<1x128xi32, #tpu.memory_space<vmem>> -> memref<128xi32, #tpu.memory_space<vmem>>
        %dma_start3A_65 = arith.constant 0 : i32
        %dma_start3A_66 = arith.constant 0 : i32
        %dma_start3A_67 = tpu.memref_slice %arg11[%dma_start3A_65, %dma_start3A_66] : memref<10240x128xf32, #tpu.memory_space<vmem_shared>> -> memref<10240x128xf32, #tpu.memory_space<vmem_shared>>
        tpu.enqueue_indirect_dma source(%arg9 : memref<128x128xf32, #tpu.memory_space<vmem>>) target(%dma_start3A_67 : memref<10240x128xf32, #tpu.memory_space<vmem_shared>>) offsets(%dma_start3A_64 : memref<128xi32, #tpu.memory_space<vmem>>) semaphore(%arg14 : memref<!tpu.dma_semaphore, #tpu.memory_space<semaphore_mem>>) {add = true}
        %dma_wait3A_68 = arith.constant 0 : i32
        %dma_wait3A_69 = tpu.memref_slice %arg7[%add3A_45, %dma_wait3A_68] : memref<64x128xi32, #tpu.memory_space<vmem>> -> memref<1x128xi32, #tpu.memory_space<vmem>>
        %dma_wait3A_70 = tpu.memref_squeeze %dma_wait3A_69 : memref<1x128xi32, #tpu.memory_space<vmem>> -> memref<128xi32, #tpu.memory_space<vmem>>
        %dma_wait3A_71 = arith.constant 0 : i32
        %dma_wait3A_72 = arith.constant 0 : i32
        %dma_wait3A_73 = tpu.memref_slice %arg2[%dma_wait3A_71, %dma_wait3A_72] : memref<10240x128xf32, #tpu.memory_space<hbm>> -> memref<10240x128xf32, #tpu.memory_space<hbm>>
        tpu.wait_indirect_dma semaphore(%arg13 : memref<!tpu.dma_semaphore, #tpu.memory_space<semaphore_mem>>) src(%dma_wait3A_73 : memref<10240x128xf32, #tpu.memory_space<hbm>>) dst(%arg10 : memref<128x128xf32, #tpu.memory_space<vmem>>)
        %dma_wait3A_74 = arith.constant 0 : i32
        %dma_wait3A_75 = tpu.memref_slice %arg8[%mul3A_43, %dma_wait3A_74] : memref<64x128xi32, #tpu.memory_space<vmem>> -> memref<1x128xi32, #tpu.memory_space<vmem>>
        %dma_wait3A_76 = tpu.memref_squeeze %dma_wait3A_75 : memref<1x128xi32, #tpu.memory_space<vmem>> -> memref<128xi32, #tpu.memory_space<vmem>>
        %dma_wait3A_77 = arith.constant 0 : i32
        %dma_wait3A_78 = arith.constant 0 : i32
        %dma_wait3A_79 = tpu.memref_slice %arg11[%dma_wait3A_77, %dma_wait3A_78] : memref<10240x128xf32, #tpu.memory_space<vmem_shared>> -> memref<10240x128xf32, #tpu.memory_space<vmem_shared>>
        tpu.wait_indirect_dma semaphore(%arg14 : memref<!tpu.dma_semaphore, #tpu.memory_space<semaphore_mem>>) src(%arg9 : memref<128x128xf32, #tpu.memory_space<vmem>>) dst(%dma_wait3A_79 : memref<10240x128xf32, #tpu.memory_space<vmem_shared>>)
        %lt3A = arith.constant 31 : i32
        %lt3A_80 = arith.cmpi slt, %scan3A_41, %lt3A : i32
        %convert_element_type3A_81 = arith.extui %lt3A_80 : i1 to i32
        %cond3A_82 = arith.constant 0 : i32
        %cond3A_83 = arith.cmpi ne, %convert_element_type3A_81, %cond3A_82 : i32
        scf.if %cond3A_83 {
          %add3A_90 = arith.constant 2 : i32
          %add3A_91 = arith.addi %mul3A_43, %add3A_90 : i32
          %dma_start3A_92 = arith.constant 0 : i32
          %dma_start3A_93 = tpu.memref_slice %arg7[%add3A_91, %dma_start3A_92] : memref<64x128xi32, #tpu.memory_space<vmem>> -> memref<1x128xi32, #tpu.memory_space<vmem>>
          %dma_start3A_94 = tpu.memref_squeeze %dma_start3A_93 : memref<1x128xi32, #tpu.memory_space<vmem>> -> memref<128xi32, #tpu.memory_space<vmem>>
          %dma_start3A_95 = arith.constant 0 : i32
          %dma_start3A_96 = arith.constant 0 : i32
          %dma_start3A_97 = tpu.memref_slice %arg2[%dma_start3A_95, %dma_start3A_96] : memref<10240x128xf32, #tpu.memory_space<hbm>> -> memref<10240x128xf32, #tpu.memory_space<hbm>>
          tpu.enqueue_indirect_dma source(%dma_start3A_97 : memref<10240x128xf32, #tpu.memory_space<hbm>>) target(%arg9 : memref<128x128xf32, #tpu.memory_space<vmem>>) offsets(%dma_start3A_94 : memref<128xi32, #tpu.memory_space<vmem>>) semaphore(%arg12 : memref<!tpu.dma_semaphore, #tpu.memory_space<semaphore_mem>>)
        } else {
        }
        %dma_start3A_84 = arith.constant 0 : i32
        %dma_start3A_85 = tpu.memref_slice %arg8[%add3A_45, %dma_start3A_84] : memref<64x128xi32, #tpu.memory_space<vmem>> -> memref<1x128xi32, #tpu.memory_space<vmem>>
        %dma_start3A_86 = tpu.memref_squeeze %dma_start3A_85 : memref<1x128xi32, #tpu.memory_space<vmem>> -> memref<128xi32, #tpu.memory_space<vmem>>
        %dma_start3A_87 = arith.constant 0 : i32
        %dma_start3A_88 = arith.constant 0 : i32
        %dma_start3A_89 = tpu.memref_slice %arg11[%dma_start3A_87, %dma_start3A_88] : memref<10240x128xf32, #tpu.memory_space<vmem_shared>> -> memref<10240x128xf32, #tpu.memory_space<vmem_shared>>
        tpu.enqueue_indirect_dma source(%arg10 : memref<128x128xf32, #tpu.memory_space<vmem>>) target(%dma_start3A_89 : memref<10240x128xf32, #tpu.memory_space<vmem_shared>>) offsets(%dma_start3A_86 : memref<128xi32, #tpu.memory_space<vmem>>) semaphore(%arg15 : memref<!tpu.dma_semaphore, #tpu.memory_space<semaphore_mem>>) {add = true}
      }
      %scan3A_34 = arith.constant 32 : i32
      %dma_wait3A = arith.constant 0 : i32
      %dma_wait3A_35 = arith.constant 0 : i32
      %dma_wait3A_36 = tpu.memref_slice %arg8[%dma_wait3A, %dma_wait3A_35] : memref<64x128xi32, #tpu.memory_space<vmem>> -> memref<1x128xi32, #tpu.memory_space<vmem>>
      %dma_wait3A_37 = tpu.memref_squeeze %dma_wait3A_36 : memref<1x128xi32, #tpu.memory_space<vmem>> -> memref<128xi32, #tpu.memory_space<vmem>>
      %dma_wait3A_38 = arith.constant 0 : i32
      %dma_wait3A_39 = arith.constant 0 : i32
      %dma_wait3A_40 = tpu.memref_slice %arg11[%dma_wait3A_38, %dma_wait3A_39] : memref<10240x128xf32, #tpu.memory_space<vmem_shared>> -> memref<10240x128xf32, #tpu.memory_space<vmem_shared>>
      tpu.wait_indirect_dma semaphore(%arg15 : memref<!tpu.dma_semaphore, #tpu.memory_space<semaphore_mem>>) src(%arg10 : memref<128x128xf32, #tpu.memory_space<vmem>>) dst(%dma_wait3A_40 : memref<10240x128xf32, #tpu.memory_space<vmem_shared>>)
    } else {
    }
    %eq3A_15 = arith.constant 1 : i32
    %eq3A_16 = arith.cmpi eq, %arg0, %eq3A_15 : i32
    %convert_element_type3A_17 = arith.extui %eq3A_16 : i1 to i32
    %cond3A_18 = arith.constant 0 : i32
    %cond3A_19 = arith.cmpi ne, %convert_element_type3A_17, %cond3A_18 : i32
    scf.if %cond3A_19 {
      %dma_start3A = arith.constant 0 : i32
      %dma_start3A_25 = arith.constant 0 : i32
      %dma_start3A_26 = tpu.memref_slice %arg7[%dma_start3A, %dma_start3A_25] : memref<64x128xi32, #tpu.memory_space<vmem>> -> memref<1x128xi32, #tpu.memory_space<vmem>>
      %dma_start3A_27 = tpu.memref_squeeze %dma_start3A_26 : memref<1x128xi32, #tpu.memory_space<vmem>> -> memref<128xi32, #tpu.memory_space<vmem>>
      %dma_start3A_28 = arith.constant 0 : i32
      %dma_start3A_29 = arith.constant 0 : i32
      %dma_start3A_30 = tpu.memref_slice %arg2[%dma_start3A_28, %dma_start3A_29] : memref<10240x128xf32, #tpu.memory_space<hbm>> -> memref<10240x128xf32, #tpu.memory_space<hbm>>
      tpu.enqueue_indirect_dma source(%dma_start3A_30 : memref<10240x128xf32, #tpu.memory_space<hbm>>) target(%arg9 : memref<128x128xf32, #tpu.memory_space<vmem>>) offsets(%dma_start3A_27 : memref<128xi32, #tpu.memory_space<vmem>>) semaphore(%arg12 : memref<!tpu.dma_semaphore, #tpu.memory_space<semaphore_mem>>)
      %scan3A = arith.constant 0 : i32
      %scan3A_31 = arith.constant 8 : i32
      %scan3A_32 = arith.addi %scan3A, %scan3A_31 : i32
      %scan3A_33 = arith.constant 1 : i32
      scf.for %scan3A_41 = %scan3A to %scan3A_32 step %scan3A_33  : i32 {
        %mul3A_42 = arith.constant 2 : i32
        %mul3A_43 = arith.muli %scan3A_41, %mul3A_42 : i32
        %add3A_44 = arith.constant 1 : i32
        %add3A_45 = arith.addi %mul3A_43, %add3A_44 : i32
        %gt3A = arith.constant 0 : i32
        %gt3A_46 = arith.cmpi sgt, %scan3A_41, %gt3A : i32
        %convert_element_type3A_47 = arith.extui %gt3A_46 : i1 to i32
        %cond3A_48 = arith.constant 0 : i32
        %cond3A_49 = arith.cmpi ne, %convert_element_type3A_47, %cond3A_48 : i32
        scf.if %cond3A_49 {
          %dma_wait3A_90 = arith.constant 0 : i32
          %dma_wait3A_91 = tpu.memref_slice %arg8[%mul3A_43, %dma_wait3A_90] : memref<64x128xi32, #tpu.memory_space<vmem>> -> memref<1x128xi32, #tpu.memory_space<vmem>>
          %dma_wait3A_92 = tpu.memref_squeeze %dma_wait3A_91 : memref<1x128xi32, #tpu.memory_space<vmem>> -> memref<128xi32, #tpu.memory_space<vmem>>
          %dma_wait3A_93 = arith.constant 0 : i32
          %dma_wait3A_94 = arith.constant 0 : i32
          %dma_wait3A_95 = tpu.memref_slice %arg11[%dma_wait3A_93, %dma_wait3A_94] : memref<10240x128xf32, #tpu.memory_space<vmem_shared>> -> memref<10240x128xf32, #tpu.memory_space<vmem_shared>>
          tpu.wait_indirect_dma semaphore(%arg15 : memref<!tpu.dma_semaphore, #tpu.memory_space<semaphore_mem>>) src(%arg10 : memref<128x128xf32, #tpu.memory_space<vmem>>) dst(%dma_wait3A_95 : memref<10240x128xf32, #tpu.memory_space<vmem_shared>>)
        } else {
        }
        %dma_start3A_50 = arith.constant 0 : i32
        %dma_start3A_51 = tpu.memref_slice %arg7[%add3A_45, %dma_start3A_50] : memref<64x128xi32, #tpu.memory_space<vmem>> -> memref<1x128xi32, #tpu.memory_space<vmem>>
        %dma_start3A_52 = tpu.memref_squeeze %dma_start3A_51 : memref<1x128xi32, #tpu.memory_space<vmem>> -> memref<128xi32, #tpu.memory_space<vmem>>
        %dma_start3A_53 = arith.constant 0 : i32
        %dma_start3A_54 = arith.constant 0 : i32
        %dma_start3A_55 = tpu.memref_slice %arg2[%dma_start3A_53, %dma_start3A_54] : memref<10240x128xf32, #tpu.memory_space<hbm>> -> memref<10240x128xf32, #tpu.memory_space<hbm>>
        tpu.enqueue_indirect_dma source(%dma_start3A_55 : memref<10240x128xf32, #tpu.memory_space<hbm>>) target(%arg10 : memref<128x128xf32, #tpu.memory_space<vmem>>) offsets(%dma_start3A_52 : memref<128xi32, #tpu.memory_space<vmem>>) semaphore(%arg13 : memref<!tpu.dma_semaphore, #tpu.memory_space<semaphore_mem>>)
        %dma_wait3A_56 = arith.constant 0 : i32
        %dma_wait3A_57 = tpu.memref_slice %arg7[%mul3A_43, %dma_wait3A_56] : memref<64x128xi32, #tpu.memory_space<vmem>> -> memref<1x128xi32, #tpu.memory_space<vmem>>
        %dma_wait3A_58 = tpu.memref_squeeze %dma_wait3A_57 : memref<1x128xi32, #tpu.memory_space<vmem>> -> memref<128xi32, #tpu.memory_space<vmem>>
        %dma_wait3A_59 = arith.constant 0 : i32
        %dma_wait3A_60 = arith.constant 0 : i32
        %dma_wait3A_61 = tpu.memref_slice %arg2[%dma_wait3A_59, %dma_wait3A_60] : memref<10240x128xf32, #tpu.memory_space<hbm>> -> memref<10240x128xf32, #tpu.memory_space<hbm>>
        tpu.wait_indirect_dma semaphore(%arg12 : memref<!tpu.dma_semaphore, #tpu.memory_space<semaphore_mem>>) src(%dma_wait3A_61 : memref<10240x128xf32, #tpu.memory_space<hbm>>) dst(%arg9 : memref<128x128xf32, #tpu.memory_space<vmem>>)
        %dma_start3A_62 = arith.constant 0 : i32
        %dma_start3A_63 = tpu.memref_slice %arg8[%mul3A_43, %dma_start3A_62] : memref<64x128xi32, #tpu.memory_space<vmem>> -> memref<1x128xi32, #tpu.memory_space<vmem>>
        %dma_start3A_64 = tpu.memref_squeeze %dma_start3A_63 : memref<1x128xi32, #tpu.memory_space<vmem>> -> memref<128xi32, #tpu.memory_space<vmem>>
        %dma_start3A_65 = arith.constant 0 : i32
        %dma_start3A_66 = arith.constant 0 : i32
        %dma_start3A_67 = tpu.memref_slice %arg11[%dma_start3A_65, %dma_start3A_66] : memref<10240x128xf32, #tpu.memory_space<vmem_shared>> -> memref<10240x128xf32, #tpu.memory_space<vmem_shared>>
        tpu.enqueue_indirect_dma source(%arg9 : memref<128x128xf32, #tpu.memory_space<vmem>>) target(%dma_start3A_67 : memref<10240x128xf32, #tpu.memory_space<vmem_shared>>) offsets(%dma_start3A_64 : memref<128xi32, #tpu.memory_space<vmem>>) semaphore(%arg14 : memref<!tpu.dma_semaphore, #tpu.memory_space<semaphore_mem>>) {add = true}
        %dma_wait3A_68 = arith.constant 0 : i32
        %dma_wait3A_69 = tpu.memref_slice %arg7[%add3A_45, %dma_wait3A_68] : memref<64x128xi32, #tpu.memory_space<vmem>> -> memref<1x128xi32, #tpu.memory_space<vmem>>
        %dma_wait3A_70 = tpu.memref_squeeze %dma_wait3A_69 : memref<1x128xi32, #tpu.memory_space<vmem>> -> memref<128xi32, #tpu.memory_space<vmem>>
        %dma_wait3A_71 = arith.constant 0 : i32
        %dma_wait3A_72 = arith.constant 0 : i32
        %dma_wait3A_73 = tpu.memref_slice %arg2[%dma_wait3A_71, %dma_wait3A_72] : memref<10240x128xf32, #tpu.memory_space<hbm>> -> memref<10240x128xf32, #tpu.memory_space<hbm>>
        tpu.wait_indirect_dma semaphore(%arg13 : memref<!tpu.dma_semaphore, #tpu.memory_space<semaphore_mem>>) src(%dma_wait3A_73 : memref<10240x128xf32, #tpu.memory_space<hbm>>) dst(%arg10 : memref<128x128xf32, #tpu.memory_space<vmem>>)
        %dma_wait3A_74 = arith.constant 0 : i32
        %dma_wait3A_75 = tpu.memref_slice %arg8[%mul3A_43, %dma_wait3A_74] : memref<64x128xi32, #tpu.memory_space<vmem>> -> memref<1x128xi32, #tpu.memory_space<vmem>>
        %dma_wait3A_76 = tpu.memref_squeeze %dma_wait3A_75 : memref<1x128xi32, #tpu.memory_space<vmem>> -> memref<128xi32, #tpu.memory_space<vmem>>
        %dma_wait3A_77 = arith.constant 0 : i32
        %dma_wait3A_78 = arith.constant 0 : i32
        %dma_wait3A_79 = tpu.memref_slice %arg11[%dma_wait3A_77, %dma_wait3A_78] : memref<10240x128xf32, #tpu.memory_space<vmem_shared>> -> memref<10240x128xf32, #tpu.memory_space<vmem_shared>>
        tpu.wait_indirect_dma semaphore(%arg14 : memref<!tpu.dma_semaphore, #tpu.memory_space<semaphore_mem>>) src(%arg9 : memref<128x128xf32, #tpu.memory_space<vmem>>) dst(%dma_wait3A_79 : memref<10240x128xf32, #tpu.memory_space<vmem_shared>>)
        %lt3A = arith.constant 7 : i32
        %lt3A_80 = arith.cmpi slt, %scan3A_41, %lt3A : i32
        %convert_element_type3A_81 = arith.extui %lt3A_80 : i1 to i32
        %cond3A_82 = arith.constant 0 : i32
        %cond3A_83 = arith.cmpi ne, %convert_element_type3A_81, %cond3A_82 : i32
        scf.if %cond3A_83 {
          %add3A_90 = arith.constant 2 : i32
          %add3A_91 = arith.addi %mul3A_43, %add3A_90 : i32
          %dma_start3A_92 = arith.constant 0 : i32
          %dma_start3A_93 = tpu.memref_slice %arg7[%add3A_91, %dma_start3A_92] : memref<64x128xi32, #tpu.memory_space<vmem>> -> memref<1x128xi32, #tpu.memory_space<vmem>>
          %dma_start3A_94 = tpu.memref_squeeze %dma_start3A_93 : memref<1x128xi32, #tpu.memory_space<vmem>> -> memref<128xi32, #tpu.memory_space<vmem>>
          %dma_start3A_95 = arith.constant 0 : i32
          %dma_start3A_96 = arith.constant 0 : i32
          %dma_start3A_97 = tpu.memref_slice %arg2[%dma_start3A_95, %dma_start3A_96] : memref<10240x128xf32, #tpu.memory_space<hbm>> -> memref<10240x128xf32, #tpu.memory_space<hbm>>
          tpu.enqueue_indirect_dma source(%dma_start3A_97 : memref<10240x128xf32, #tpu.memory_space<hbm>>) target(%arg9 : memref<128x128xf32, #tpu.memory_space<vmem>>) offsets(%dma_start3A_94 : memref<128xi32, #tpu.memory_space<vmem>>) semaphore(%arg12 : memref<!tpu.dma_semaphore, #tpu.memory_space<semaphore_mem>>)
        } else {
        }
        %dma_start3A_84 = arith.constant 0 : i32
        %dma_start3A_85 = tpu.memref_slice %arg8[%add3A_45, %dma_start3A_84] : memref<64x128xi32, #tpu.memory_space<vmem>> -> memref<1x128xi32, #tpu.memory_space<vmem>>
        %dma_start3A_86 = tpu.memref_squeeze %dma_start3A_85 : memref<1x128xi32, #tpu.memory_space<vmem>> -> memref<128xi32, #tpu.memory_space<vmem>>
        %dma_start3A_87 = arith.constant 0 : i32
        %dma_start3A_88 = arith.constant 0 : i32
        %dma_start3A_89 = tpu.memref_slice %arg11[%dma_start3A_87, %dma_start3A_88] : memref<10240x128xf32, #tpu.memory_space<vmem_shared>> -> memref<10240x128xf32, #tpu.memory_space<vmem_shared>>
        tpu.enqueue_indirect_dma source(%arg10 : memref<128x128xf32, #tpu.memory_space<vmem>>) target(%dma_start3A_89 : memref<10240x128xf32, #tpu.memory_space<vmem_shared>>) offsets(%dma_start3A_86 : memref<128xi32, #tpu.memory_space<vmem>>) semaphore(%arg15 : memref<!tpu.dma_semaphore, #tpu.memory_space<semaphore_mem>>) {add = true}
      }
      %scan3A_34 = arith.constant 8 : i32
      %dma_wait3A = arith.constant 0 : i32
      %dma_wait3A_35 = arith.constant 0 : i32
      %dma_wait3A_36 = tpu.memref_slice %arg8[%dma_wait3A, %dma_wait3A_35] : memref<64x128xi32, #tpu.memory_space<vmem>> -> memref<1x128xi32, #tpu.memory_space<vmem>>
      %dma_wait3A_37 = tpu.memref_squeeze %dma_wait3A_36 : memref<1x128xi32, #tpu.memory_space<vmem>> -> memref<128xi32, #tpu.memory_space<vmem>>
      %dma_wait3A_38 = arith.constant 0 : i32
      %dma_wait3A_39 = arith.constant 0 : i32
      %dma_wait3A_40 = tpu.memref_slice %arg11[%dma_wait3A_38, %dma_wait3A_39] : memref<10240x128xf32, #tpu.memory_space<vmem_shared>> -> memref<10240x128xf32, #tpu.memory_space<vmem_shared>>
      tpu.wait_indirect_dma semaphore(%arg15 : memref<!tpu.dma_semaphore, #tpu.memory_space<semaphore_mem>>) src(%arg10 : memref<128x128xf32, #tpu.memory_space<vmem>>) dst(%dma_wait3A_40 : memref<10240x128xf32, #tpu.memory_space<vmem_shared>>)
    } else {
    }
    %barrier3A_20 = arith.constant 0 : index
    tpu.barrier barrier_id(%barrier3A_20)
    %mul3A_21 = arith.constant 640 : i32
    %mul3A_22 = arith.muli %arg1, %mul3A_21 : i32
    %mul3A_23 = arith.constant 640 : i32
    %mul3A_24 = arith.muli %arg1, %mul3A_23 : i32
    "tpu.region"() ({
      %run_scoped3A = tpu.sem_alloc : memref<!tpu.dma_semaphore, #tpu.memory_space<semaphore_mem>>
      %dma_start3A = arith.constant 0 : i32
      %dma_start3A_25 = tpu.memref_slice %arg6[%arg0, %mul3A_24, %dma_start3A] : memref<2x10240x128xf32, #tpu.memory_space<hbm>> -> memref<1x640x128xf32, #tpu.memory_space<hbm>>
      %dma_start3A_26 = tpu.memref_squeeze %dma_start3A_25 : memref<1x640x128xf32, #tpu.memory_space<hbm>> -> memref<640x128xf32, #tpu.memory_space<hbm>>
      %dma_start3A_27 = arith.constant 0 : i32
      %dma_start3A_28 = tpu.memref_slice %arg11[%mul3A_22, %dma_start3A_27] : memref<10240x128xf32, #tpu.memory_space<vmem_shared>> -> memref<640x128xf32, #tpu.memory_space<vmem_shared>>
      tpu.enqueue_dma source(%dma_start3A_28 : memref<640x128xf32, #tpu.memory_space<vmem_shared>>) target(%dma_start3A_26 : memref<640x128xf32, #tpu.memory_space<hbm>>) target_semaphore(%run_scoped3A : memref<!tpu.dma_semaphore, #tpu.memory_space<semaphore_mem>>)
      %dma_wait3A = arith.constant 0 : i32
      %dma_wait3A_29 = tpu.memref_slice %arg6[%arg0, %mul3A_24, %dma_wait3A] : memref<2x10240x128xf32, #tpu.memory_space<hbm>> -> memref<1x640x128xf32, #tpu.memory_space<hbm>>
      %dma_wait3A_30 = tpu.memref_squeeze %dma_wait3A_29 : memref<1x640x128xf32, #tpu.memory_space<hbm>> -> memref<640x128xf32, #tpu.memory_space<hbm>>
      %dma_wait3A_31 = arith.constant 0 : i32
      %dma_wait3A_32 = tpu.memref_slice %arg11[%mul3A_22, %dma_wait3A_31] : memref<10240x128xf32, #tpu.memory_space<vmem_shared>> -> memref<640x128xf32, #tpu.memory_space<vmem_shared>>
      tpu.wait_dma2 semaphore(%run_scoped3A : memref<!tpu.dma_semaphore, #tpu.memory_space<semaphore_mem>>) src(%dma_wait3A_32 : memref<640x128xf32, #tpu.memory_space<vmem_shared>>) dst(%dma_wait3A_30 : memref<640x128xf32, #tpu.memory_space<hbm>>)
      tpu.yield
    }) : () -> ()
    return
  }
}

#map = affine_map<(d0, d1) -> (0, 0)>
module attributes {stable_mosaic.version = 14 : i64} {
  func.func @_sc_tail_gather_body(%arg0: i32, %arg1: i32, %arg2: memref<10000x128xf32, #tpu.memory_space<hbm>>, %arg3: memref<15625x128xf32, #tpu.memory_space<hbm>>, %arg4: memref<32x80xi32, #tpu.memory_space<hbm>>, %arg5: memref<32x80xi32, #tpu.memory_space<hbm>>, %arg6: memref<32x80xi32, #tpu.memory_space<hbm>>, %arg7: memref<2560x128xf32, #tpu.memory_space<hbm>>, %arg8: memref<2560x128xf32, #tpu.memory_space<hbm>>, %arg9: memref<2560x128xf32, #tpu.memory_space<hbm>>, %arg10: memref<32x80xi32, #tpu.memory_space<vmem>>, %arg11: memref<32x80xi32, #tpu.memory_space<vmem>>, %arg12: memref<32x80xi32, #tpu.memory_space<vmem>>, %arg13: memref<80x128xf32, #tpu.memory_space<vmem>>, %arg14: memref<80x128xf32, #tpu.memory_space<vmem>>, %arg15: memref<80x128xf32, #tpu.memory_space<vmem>>, %arg16: memref<!tpu.dma_semaphore, #tpu.memory_space<semaphore_mem>>) attributes {dimension_semantics = [#tpu.dimension_semantics<core_parallel>, #tpu.dimension_semantics<subcore_parallel>], iteration_bounds = array<i64: 2, 16>, scalar_prefetch = 0 : i64, scratch_operands = 7 : i64, tpu.core_type = #tpu.core_type<sc_vector_subcore>, window_params = [{transform_indices = #map}, {transform_indices = #map}, {transform_indices = #map}, {transform_indices = #map}, {transform_indices = #map}, {transform_indices = #map}, {transform_indices = #map}, {transform_indices = #map}]} {
    %mul3A = arith.constant 16 : i32
    %mul3A_0 = arith.muli %arg0, %mul3A : i32
    %add3A = arith.addi %mul3A_0, %arg1 : i32
    "tpu.region"() ({
      %run_scoped3A = tpu.sem_alloc : memref<!tpu.dma_semaphore, #tpu.memory_space<semaphore_mem>>
      tpu.enqueue_dma source(%arg4 : memref<32x80xi32, #tpu.memory_space<hbm>>) target(%arg10 : memref<32x80xi32, #tpu.memory_space<vmem>>) target_semaphore(%run_scoped3A : memref<!tpu.dma_semaphore, #tpu.memory_space<semaphore_mem>>)
      tpu.wait_dma2 semaphore(%run_scoped3A : memref<!tpu.dma_semaphore, #tpu.memory_space<semaphore_mem>>) src(%arg4 : memref<32x80xi32, #tpu.memory_space<hbm>>) dst(%arg10 : memref<32x80xi32, #tpu.memory_space<vmem>>)
      tpu.yield
    }) : () -> ()
    "tpu.region"() ({
      %run_scoped3A = tpu.sem_alloc : memref<!tpu.dma_semaphore, #tpu.memory_space<semaphore_mem>>
      tpu.enqueue_dma source(%arg5 : memref<32x80xi32, #tpu.memory_space<hbm>>) target(%arg11 : memref<32x80xi32, #tpu.memory_space<vmem>>) target_semaphore(%run_scoped3A : memref<!tpu.dma_semaphore, #tpu.memory_space<semaphore_mem>>)
      tpu.wait_dma2 semaphore(%run_scoped3A : memref<!tpu.dma_semaphore, #tpu.memory_space<semaphore_mem>>) src(%arg5 : memref<32x80xi32, #tpu.memory_space<hbm>>) dst(%arg11 : memref<32x80xi32, #tpu.memory_space<vmem>>)
      tpu.yield
    }) : () -> ()
    "tpu.region"() ({
      %run_scoped3A = tpu.sem_alloc : memref<!tpu.dma_semaphore, #tpu.memory_space<semaphore_mem>>
      tpu.enqueue_dma source(%arg6 : memref<32x80xi32, #tpu.memory_space<hbm>>) target(%arg12 : memref<32x80xi32, #tpu.memory_space<vmem>>) target_semaphore(%run_scoped3A : memref<!tpu.dma_semaphore, #tpu.memory_space<semaphore_mem>>)
      tpu.wait_dma2 semaphore(%run_scoped3A : memref<!tpu.dma_semaphore, #tpu.memory_space<semaphore_mem>>) src(%arg6 : memref<32x80xi32, #tpu.memory_space<hbm>>) dst(%arg12 : memref<32x80xi32, #tpu.memory_space<vmem>>)
      tpu.yield
    }) : () -> ()
    %dma_start3A = arith.constant 0 : i32
    %dma_start3A_1 = tpu.memref_slice %arg10[%add3A, %dma_start3A] : memref<32x80xi32, #tpu.memory_space<vmem>> -> memref<1x80xi32, #tpu.memory_space<vmem>>
    %dma_start3A_2 = tpu.memref_squeeze %dma_start3A_1 : memref<1x80xi32, #tpu.memory_space<vmem>> -> memref<80xi32, #tpu.memory_space<vmem>>
    %dma_start3A_3 = arith.constant 0 : i32
    %dma_start3A_4 = arith.constant 0 : i32
    %dma_start3A_5 = tpu.memref_slice %arg2[%dma_start3A_3, %dma_start3A_4] : memref<10000x128xf32, #tpu.memory_space<hbm>> -> memref<10000x128xf32, #tpu.memory_space<hbm>>
    tpu.enqueue_indirect_dma source(%dma_start3A_5 : memref<10000x128xf32, #tpu.memory_space<hbm>>) target(%arg13 : memref<80x128xf32, #tpu.memory_space<vmem>>) offsets(%dma_start3A_2 : memref<80xi32, #tpu.memory_space<vmem>>) semaphore(%arg16 : memref<!tpu.dma_semaphore, #tpu.memory_space<semaphore_mem>>)
    %dma_wait3A = arith.constant 0 : i32
    %dma_wait3A_6 = tpu.memref_slice %arg10[%add3A, %dma_wait3A] : memref<32x80xi32, #tpu.memory_space<vmem>> -> memref<1x80xi32, #tpu.memory_space<vmem>>
    %dma_wait3A_7 = tpu.memref_squeeze %dma_wait3A_6 : memref<1x80xi32, #tpu.memory_space<vmem>> -> memref<80xi32, #tpu.memory_space<vmem>>
    %dma_wait3A_8 = arith.constant 0 : i32
    %dma_wait3A_9 = arith.constant 0 : i32
    %dma_wait3A_10 = tpu.memref_slice %arg2[%dma_wait3A_8, %dma_wait3A_9] : memref<10000x128xf32, #tpu.memory_space<hbm>> -> memref<10000x128xf32, #tpu.memory_space<hbm>>
    tpu.wait_indirect_dma semaphore(%arg16 : memref<!tpu.dma_semaphore, #tpu.memory_space<semaphore_mem>>) src(%dma_wait3A_10 : memref<10000x128xf32, #tpu.memory_space<hbm>>) dst(%arg13 : memref<80x128xf32, #tpu.memory_space<vmem>>)
    %mul3A_11 = arith.constant 80 : i32
    %mul3A_12 = arith.muli %add3A, %mul3A_11 : i32
    "tpu.region"() ({
      %run_scoped3A = tpu.sem_alloc : memref<!tpu.dma_semaphore, #tpu.memory_space<semaphore_mem>>
      %dma_start3A_41 = arith.constant 0 : i32
      %dma_start3A_42 = tpu.memref_slice %arg7[%mul3A_12, %dma_start3A_41] : memref<2560x128xf32, #tpu.memory_space<hbm>> -> memref<80x128xf32, #tpu.memory_space<hbm>>
      %dma_start3A_43 = arith.constant 0 : i32
      %dma_start3A_44 = tpu.memref_slice %arg7[%mul3A_12, %dma_start3A_43] : memref<2560x128xf32, #tpu.memory_space<hbm>> -> memref<80x128xf32, #tpu.memory_space<hbm>>
      tpu.enqueue_dma source(%arg13 : memref<80x128xf32, #tpu.memory_space<vmem>>) target(%dma_start3A_44 : memref<80x128xf32, #tpu.memory_space<hbm>>) target_semaphore(%run_scoped3A : memref<!tpu.dma_semaphore, #tpu.memory_space<semaphore_mem>>)
      %dma_wait3A_45 = arith.constant 0 : i32
      %dma_wait3A_46 = tpu.memref_slice %arg7[%mul3A_12, %dma_wait3A_45] : memref<2560x128xf32, #tpu.memory_space<hbm>> -> memref<80x128xf32, #tpu.memory_space<hbm>>
      %dma_wait3A_47 = arith.constant 0 : i32
      %dma_wait3A_48 = tpu.memref_slice %arg7[%mul3A_12, %dma_wait3A_47] : memref<2560x128xf32, #tpu.memory_space<hbm>> -> memref<80x128xf32, #tpu.memory_space<hbm>>
      tpu.wait_dma2 semaphore(%run_scoped3A : memref<!tpu.dma_semaphore, #tpu.memory_space<semaphore_mem>>) src(%arg13 : memref<80x128xf32, #tpu.memory_space<vmem>>) dst(%dma_wait3A_48 : memref<80x128xf32, #tpu.memory_space<hbm>>)
      tpu.yield
    }) : () -> ()
    %dma_start3A_13 = arith.constant 0 : i32
    %dma_start3A_14 = tpu.memref_slice %arg11[%add3A, %dma_start3A_13] : memref<32x80xi32, #tpu.memory_space<vmem>> -> memref<1x80xi32, #tpu.memory_space<vmem>>
    %dma_start3A_15 = tpu.memref_squeeze %dma_start3A_14 : memref<1x80xi32, #tpu.memory_space<vmem>> -> memref<80xi32, #tpu.memory_space<vmem>>
    %dma_start3A_16 = arith.constant 0 : i32
    %dma_start3A_17 = arith.constant 0 : i32
    %dma_start3A_18 = tpu.memref_slice %arg2[%dma_start3A_16, %dma_start3A_17] : memref<10000x128xf32, #tpu.memory_space<hbm>> -> memref<10000x128xf32, #tpu.memory_space<hbm>>
    tpu.enqueue_indirect_dma source(%dma_start3A_18 : memref<10000x128xf32, #tpu.memory_space<hbm>>) target(%arg14 : memref<80x128xf32, #tpu.memory_space<vmem>>) offsets(%dma_start3A_15 : memref<80xi32, #tpu.memory_space<vmem>>) semaphore(%arg16 : memref<!tpu.dma_semaphore, #tpu.memory_space<semaphore_mem>>)
    %dma_wait3A_19 = arith.constant 0 : i32
    %dma_wait3A_20 = tpu.memref_slice %arg11[%add3A, %dma_wait3A_19] : memref<32x80xi32, #tpu.memory_space<vmem>> -> memref<1x80xi32, #tpu.memory_space<vmem>>
    %dma_wait3A_21 = tpu.memref_squeeze %dma_wait3A_20 : memref<1x80xi32, #tpu.memory_space<vmem>> -> memref<80xi32, #tpu.memory_space<vmem>>
    %dma_wait3A_22 = arith.constant 0 : i32
    %dma_wait3A_23 = arith.constant 0 : i32
    %dma_wait3A_24 = tpu.memref_slice %arg2[%dma_wait3A_22, %dma_wait3A_23] : memref<10000x128xf32, #tpu.memory_space<hbm>> -> memref<10000x128xf32, #tpu.memory_space<hbm>>
    tpu.wait_indirect_dma semaphore(%arg16 : memref<!tpu.dma_semaphore, #tpu.memory_space<semaphore_mem>>) src(%dma_wait3A_24 : memref<10000x128xf32, #tpu.memory_space<hbm>>) dst(%arg14 : memref<80x128xf32, #tpu.memory_space<vmem>>)
    %mul3A_25 = arith.constant 80 : i32
    %mul3A_26 = arith.muli %add3A, %mul3A_25 : i32
    "tpu.region"() ({
      %run_scoped3A = tpu.sem_alloc : memref<!tpu.dma_semaphore, #tpu.memory_space<semaphore_mem>>
      %dma_start3A_41 = arith.constant 0 : i32
      %dma_start3A_42 = tpu.memref_slice %arg8[%mul3A_26, %dma_start3A_41] : memref<2560x128xf32, #tpu.memory_space<hbm>> -> memref<80x128xf32, #tpu.memory_space<hbm>>
      %dma_start3A_43 = arith.constant 0 : i32
      %dma_start3A_44 = tpu.memref_slice %arg8[%mul3A_26, %dma_start3A_43] : memref<2560x128xf32, #tpu.memory_space<hbm>> -> memref<80x128xf32, #tpu.memory_space<hbm>>
      tpu.enqueue_dma source(%arg14 : memref<80x128xf32, #tpu.memory_space<vmem>>) target(%dma_start3A_44 : memref<80x128xf32, #tpu.memory_space<hbm>>) target_semaphore(%run_scoped3A : memref<!tpu.dma_semaphore, #tpu.memory_space<semaphore_mem>>)
      %dma_wait3A_45 = arith.constant 0 : i32
      %dma_wait3A_46 = tpu.memref_slice %arg8[%mul3A_26, %dma_wait3A_45] : memref<2560x128xf32, #tpu.memory_space<hbm>> -> memref<80x128xf32, #tpu.memory_space<hbm>>
      %dma_wait3A_47 = arith.constant 0 : i32
      %dma_wait3A_48 = tpu.memref_slice %arg8[%mul3A_26, %dma_wait3A_47] : memref<2560x128xf32, #tpu.memory_space<hbm>> -> memref<80x128xf32, #tpu.memory_space<hbm>>
      tpu.wait_dma2 semaphore(%run_scoped3A : memref<!tpu.dma_semaphore, #tpu.memory_space<semaphore_mem>>) src(%arg14 : memref<80x128xf32, #tpu.memory_space<vmem>>) dst(%dma_wait3A_48 : memref<80x128xf32, #tpu.memory_space<hbm>>)
      tpu.yield
    }) : () -> ()
    %dma_start3A_27 = arith.constant 0 : i32
    %dma_start3A_28 = tpu.memref_slice %arg12[%add3A, %dma_start3A_27] : memref<32x80xi32, #tpu.memory_space<vmem>> -> memref<1x80xi32, #tpu.memory_space<vmem>>
    %dma_start3A_29 = tpu.memref_squeeze %dma_start3A_28 : memref<1x80xi32, #tpu.memory_space<vmem>> -> memref<80xi32, #tpu.memory_space<vmem>>
    %dma_start3A_30 = arith.constant 0 : i32
    %dma_start3A_31 = arith.constant 0 : i32
    %dma_start3A_32 = tpu.memref_slice %arg3[%dma_start3A_30, %dma_start3A_31] : memref<15625x128xf32, #tpu.memory_space<hbm>> -> memref<15625x128xf32, #tpu.memory_space<hbm>>
    tpu.enqueue_indirect_dma source(%dma_start3A_32 : memref<15625x128xf32, #tpu.memory_space<hbm>>) target(%arg15 : memref<80x128xf32, #tpu.memory_space<vmem>>) offsets(%dma_start3A_29 : memref<80xi32, #tpu.memory_space<vmem>>) semaphore(%arg16 : memref<!tpu.dma_semaphore, #tpu.memory_space<semaphore_mem>>)
    %dma_wait3A_33 = arith.constant 0 : i32
    %dma_wait3A_34 = tpu.memref_slice %arg12[%add3A, %dma_wait3A_33] : memref<32x80xi32, #tpu.memory_space<vmem>> -> memref<1x80xi32, #tpu.memory_space<vmem>>
    %dma_wait3A_35 = tpu.memref_squeeze %dma_wait3A_34 : memref<1x80xi32, #tpu.memory_space<vmem>> -> memref<80xi32, #tpu.memory_space<vmem>>
    %dma_wait3A_36 = arith.constant 0 : i32
    %dma_wait3A_37 = arith.constant 0 : i32
    %dma_wait3A_38 = tpu.memref_slice %arg3[%dma_wait3A_36, %dma_wait3A_37] : memref<15625x128xf32, #tpu.memory_space<hbm>> -> memref<15625x128xf32, #tpu.memory_space<hbm>>
    tpu.wait_indirect_dma semaphore(%arg16 : memref<!tpu.dma_semaphore, #tpu.memory_space<semaphore_mem>>) src(%dma_wait3A_38 : memref<15625x128xf32, #tpu.memory_space<hbm>>) dst(%arg15 : memref<80x128xf32, #tpu.memory_space<vmem>>)
    %mul3A_39 = arith.constant 80 : i32
    %mul3A_40 = arith.muli %add3A, %mul3A_39 : i32
    "tpu.region"() ({
      %run_scoped3A = tpu.sem_alloc : memref<!tpu.dma_semaphore, #tpu.memory_space<semaphore_mem>>
      %dma_start3A_41 = arith.constant 0 : i32
      %dma_start3A_42 = tpu.memref_slice %arg9[%mul3A_40, %dma_start3A_41] : memref<2560x128xf32, #tpu.memory_space<hbm>> -> memref<80x128xf32, #tpu.memory_space<hbm>>
      %dma_start3A_43 = arith.constant 0 : i32
      %dma_start3A_44 = tpu.memref_slice %arg9[%mul3A_40, %dma_start3A_43] : memref<2560x128xf32, #tpu.memory_space<hbm>> -> memref<80x128xf32, #tpu.memory_space<hbm>>
      tpu.enqueue_dma source(%arg15 : memref<80x128xf32, #tpu.memory_space<vmem>>) target(%dma_start3A_44 : memref<80x128xf32, #tpu.memory_space<hbm>>) target_semaphore(%run_scoped3A : memref<!tpu.dma_semaphore, #tpu.memory_space<semaphore_mem>>)
      %dma_wait3A_45 = arith.constant 0 : i32
      %dma_wait3A_46 = tpu.memref_slice %arg9[%mul3A_40, %dma_wait3A_45] : memref<2560x128xf32, #tpu.memory_space<hbm>> -> memref<80x128xf32, #tpu.memory_space<hbm>>
      %dma_wait3A_47 = arith.constant 0 : i32
      %dma_wait3A_48 = tpu.memref_slice %arg9[%mul3A_40, %dma_wait3A_47] : memref<2560x128xf32, #tpu.memory_space<hbm>> -> memref<80x128xf32, #tpu.memory_space<hbm>>
      tpu.wait_dma2 semaphore(%run_scoped3A : memref<!tpu.dma_semaphore, #tpu.memory_space<semaphore_mem>>) src(%arg15 : memref<80x128xf32, #tpu.memory_space<vmem>>) dst(%dma_wait3A_48 : memref<80x128xf32, #tpu.memory_space<hbm>>)
      tpu.yield
    }) : () -> ()
    return
  }
}

module attributes {stable_mosaic.version = 14 : i64} {
  func.func @_prep_body(%arg0: memref<2x10240x128xf32, #tpu.memory_space<vmem>>, %arg1: memref<10240x128xf32, #tpu.memory_space<vmem>>) attributes {dimension_semantics = [], scalar_prefetch = 0 : i64, scratch_operands = 0 : i64, tpu.core_type = #tpu.core_type<tc>} {
    %get3A = arith.constant 0 : index
    %get3A_0 = arith.constant 0 : index
    %get3A_1 = arith.constant 0 : index
    %get3A_2 = vector.load %arg0[%get3A, %get3A_0, %get3A_1] : memref<2x10240x128xf32, #tpu.memory_space<vmem>>, vector<1x10240x128xf32>
    %get3A_3 = vector.shape_cast %get3A_2 : vector<1x10240x128xf32> to vector<10240x128xf32>
    %get3A_4 = arith.constant 1 : index
    %get3A_5 = arith.constant 0 : index
    %get3A_6 = arith.constant 0 : index
    %get3A_7 = vector.load %arg0[%get3A_4, %get3A_5, %get3A_6] : memref<2x10240x128xf32, #tpu.memory_space<vmem>>, vector<1x10240x128xf32>
    %get3A_8 = vector.shape_cast %get3A_7 : vector<1x10240x128xf32> to vector<10240x128xf32>
    %add3A = arith.addf %get3A_3, %get3A_8 : vector<10240x128xf32>
    %max3A = arith.constant 1.000000e+00 : f32
    %max3A_9 = vector.broadcast %max3A : f32 to vector<10240x128xf32>
    %max3A_10 = arith.maximumf %add3A, %max3A_9 : vector<10240x128xf32>
    %integer_pow3A = arith.constant 1.000000e+00 : f32
    %integer_pow3A_11 = vector.broadcast %integer_pow3A : f32 to vector<10240x128xf32>
    %integer_pow3A_12 = arith.divf %integer_pow3A_11, %max3A_10 : vector<10240x128xf32>
    %mul3A = arith.mulf %max3A_10, %integer_pow3A_12 : vector<10240x128xf32>
    %sub3A = arith.constant 2.000000e+00 : f32
    %sub3A_13 = vector.broadcast %sub3A : f32 to vector<10240x128xf32>
    %sub3A_14 = arith.subf %sub3A_13, %mul3A : vector<10240x128xf32>
    %mul3A_15 = arith.mulf %integer_pow3A_12, %sub3A_14 : vector<10240x128xf32>
    %mul3A_16 = arith.mulf %max3A_10, %mul3A_15 : vector<10240x128xf32>
    %sub3A_17 = arith.constant 2.000000e+00 : f32
    %sub3A_18 = vector.broadcast %sub3A_17 : f32 to vector<10240x128xf32>
    %sub3A_19 = arith.subf %sub3A_18, %mul3A_16 : vector<10240x128xf32>
    %mul3A_20 = arith.mulf %mul3A_15, %sub3A_19 : vector<10240x128xf32>
    %swap3A = arith.constant 0 : index
    %swap3A_21 = arith.constant 0 : index
    %swap3A_22 = vector.load %arg1[%swap3A, %swap3A_21] : memref<10240x128xf32, #tpu.memory_space<vmem>>, vector<10240x128xf32>
    tpu.vector_store %arg1[%swap3A, %swap3A_21], %mul3A_20 {strides = array<i32>} : memref<10240x128xf32, #tpu.memory_space<vmem>>, vector<10240x128xf32>,
    return
  }
}

module attributes {stable_mosaic.version = 14 : i64} {
  func.func @_layer_body(%arg0: memref<10240x128xf32, #tpu.memory_space<vmem>>, %arg1: memref<2x10240x128xf32, #tpu.memory_space<vmem>>, %arg2: memref<10000x1xf32, #tpu.memory_space<vmem>>, %arg3: memref<128x128xf32, #tpu.memory_space<vmem>>, %arg4: memref<1x128xf32, #tpu.memory_space<vmem>>, %arg5: memref<128x128xf32, #tpu.memory_space<vmem>>, %arg6: memref<1x128xf32, #tpu.memory_space<vmem>>, %arg7: memref<1x128xf32, #tpu.memory_space<vmem>>, %arg8: memref<1x128xf32, #tpu.memory_space<vmem>>, %arg9: memref<10240x128xf32, #tpu.memory_space<vmem>>) attributes {dimension_semantics = [], scalar_prefetch = 0 : i64, scratch_operands = 0 : i64, tpu.core_type = #tpu.core_type<tc>} {
    %get3A = arith.constant 0 : index
    %get3A_0 = arith.constant 0 : index
    %get3A_1 = arith.constant 0 : index
    %get3A_2 = vector.load %arg1[%get3A, %get3A_0, %get3A_1] : memref<2x10240x128xf32, #tpu.memory_space<vmem>>, vector<1x10000x128xf32>
    %get3A_3 = vector.shape_cast %get3A_2 : vector<1x10000x128xf32> to vector<10000x128xf32>
    %get3A_4 = arith.constant 1 : index
    %get3A_5 = arith.constant 0 : index
    %get3A_6 = arith.constant 0 : index
    %get3A_7 = vector.load %arg1[%get3A_4, %get3A_5, %get3A_6] : memref<2x10240x128xf32, #tpu.memory_space<vmem>>, vector<1x10000x128xf32>
    %get3A_8 = vector.shape_cast %get3A_7 : vector<1x10000x128xf32> to vector<10000x128xf32>
    %add3A = arith.addf %get3A_3, %get3A_8 : vector<10000x128xf32>
    %get3A_9 = arith.constant 0 : index
    %get3A_10 = arith.constant 0 : index
    %get3A_11 = vector.load %arg2[%get3A_9, %get3A_10] : memref<10000x1xf32, #tpu.memory_space<vmem>>, vector<10000x1xf32>
    %mul3A = vector.broadcast %get3A_11 : vector<10000x1xf32> to vector<10000x128xf32>
    %mul3A_12 = arith.mulf %add3A, %mul3A : vector<10000x128xf32>
    %get3A_13 = arith.constant 0 : index
    %get3A_14 = arith.constant 0 : index
    %get3A_15 = vector.load %arg0[%get3A_13, %get3A_14] : memref<10240x128xf32, #tpu.memory_space<vmem>>, vector<10000x128xf32>
    %add3A_16 = arith.addf %get3A_15, %mul3A_12 : vector<10000x128xf32>
    %get3A_17 = arith.constant 0 : index
    %get3A_18 = arith.constant 0 : index
    %get3A_19 = vector.load %arg3[%get3A_17, %get3A_18] : memref<128x128xf32, #tpu.memory_space<vmem>>, vector<128x128xf32>
    %dot_general3A = arith.constant dense<0.000000e+00> : vector<10000x128xf32>
    %dot_general3A_20 = tpu.matmul %add3A_16, %get3A_19, %dot_general3A {dimension_numbers = #tpu.dot_dimension_numbers<[1], [0], [0], [1], [0, 0, 1, 1], [], []>, transpose_lhs_hint = false} : vector<10000x128xf32>, vector<128x128xf32>, vector<10000x128xf32> -> vector<10000x128xf32>
    %get3A_21 = arith.constant 0 : index
    %get3A_22 = arith.constant 0 : index
    %get3A_23 = vector.load %arg4[%get3A_21, %get3A_22] : memref<1x128xf32, #tpu.memory_space<vmem>>, vector<1x128xf32>
    %add3A_24 = vector.broadcast %get3A_23 : vector<1x128xf32> to vector<10000x128xf32>
    %add3A_25 = arith.addf %dot_general3A_20, %add3A_24 : vector<10000x128xf32>
    %max3A = arith.constant 0.000000e+00 : f32
    %max3A_26 = vector.broadcast %max3A : f32 to vector<10000x128xf32>
    %max3A_27 = arith.maximumf %add3A_25, %max3A_26 : vector<10000x128xf32>
    %get3A_28 = arith.constant 0 : index
    %get3A_29 = arith.constant 0 : index
    %get3A_30 = vector.load %arg5[%get3A_28, %get3A_29] : memref<128x128xf32, #tpu.memory_space<vmem>>, vector<128x128xf32>
    %dot_general3A_31 = arith.constant dense<0.000000e+00> : vector<10000x128xf32>
    %dot_general3A_32 = tpu.matmul %max3A_27, %get3A_30, %dot_general3A_31 {dimension_numbers = #tpu.dot_dimension_numbers<[1], [0], [0], [1], [0, 0, 1, 1], [], []>, transpose_lhs_hint = false} : vector<10000x128xf32>, vector<128x128xf32>, vector<10000x128xf32> -> vector<10000x128xf32>
    %get3A_33 = arith.constant 0 : index
    %get3A_34 = arith.constant 0 : index
    %get3A_35 = vector.load %arg6[%get3A_33, %get3A_34] : memref<1x128xf32, #tpu.memory_space<vmem>>, vector<1x128xf32>
    %add3A_36 = vector.broadcast %get3A_35 : vector<1x128xf32> to vector<10000x128xf32>
    %add3A_37 = arith.addf %dot_general3A_32, %add3A_36 : vector<10000x128xf32>
    %max3A_38 = arith.constant 0.000000e+00 : f32
    %max3A_39 = vector.broadcast %max3A_38 : f32 to vector<10000x128xf32>
    %max3A_40 = arith.maximumf %add3A_37, %max3A_39 : vector<10000x128xf32>
    %reduce_sum3A = arith.constant dense<0.000000e+00> : vector<128xf32>
    %reduce_sum3A_41 = vector.multi_reduction <add>, %max3A_40, %reduce_sum3A [0] : vector<10000x128xf32> to vector<128xf32>
    %broadcast_in_dim3A = vector.shape_cast %reduce_sum3A_41 : vector<128xf32> to vector<1x128xf32>
    %div3A = arith.constant 1.000000e+04 : f32
    %div3A_42 = vector.broadcast %div3A : f32 to vector<1x128xf32>
    %div3A_43 = arith.divf %broadcast_in_dim3A, %div3A_42 : vector<1x128xf32>
    %sub3A = vector.broadcast %div3A_43 : vector<1x128xf32> to vector<10000x128xf32>
    %sub3A_44 = arith.subf %max3A_40, %sub3A : vector<10000x128xf32>
    %integer_pow3A = arith.mulf %sub3A_44, %sub3A_44 : vector<10000x128xf32>
    %reduce_sum3A_45 = arith.constant dense<0.000000e+00> : vector<128xf32>
    %reduce_sum3A_46 = vector.multi_reduction <add>, %integer_pow3A, %reduce_sum3A_45 [0] : vector<10000x128xf32> to vector<128xf32>
    %broadcast_in_dim3A_47 = vector.shape_cast %reduce_sum3A_46 : vector<128xf32> to vector<1x128xf32>
    %div3A_48 = arith.constant 1.000000e+04 : f32
    %div3A_49 = vector.broadcast %div3A_48 : f32 to vector<1x128xf32>
    %div3A_50 = arith.divf %broadcast_in_dim3A_47, %div3A_49 : vector<1x128xf32>
    %add3A_51 = arith.constant 9.99999974E-6 : f32
    %add3A_52 = vector.broadcast %add3A_51 : f32 to vector<1x128xf32>
    %add3A_53 = arith.addf %div3A_50, %add3A_52 : vector<1x128xf32>
    %rsqrt3A = math.rsqrt %add3A_53 : vector<1x128xf32>
    %mul3A_54 = arith.constant 5.000000e-01 : f32
    %mul3A_55 = vector.broadcast %mul3A_54 : f32 to vector<1x128xf32>
    %mul3A_56 = arith.mulf %mul3A_55, %add3A_53 : vector<1x128xf32>
    %mul3A_57 = arith.mulf %mul3A_56, %rsqrt3A : vector<1x128xf32>
    %mul3A_58 = arith.mulf %mul3A_57, %rsqrt3A : vector<1x128xf32>
    %sub3A_59 = arith.constant 1.500000e+00 : f32
    %sub3A_60 = vector.broadcast %sub3A_59 : f32 to vector<1x128xf32>
    %sub3A_61 = arith.subf %sub3A_60, %mul3A_58 : vector<1x128xf32>
    %mul3A_62 = arith.mulf %rsqrt3A, %sub3A_61 : vector<1x128xf32>
    %mul3A_63 = arith.constant 5.000000e-01 : f32
    %mul3A_64 = vector.broadcast %mul3A_63 : f32 to vector<1x128xf32>
    %mul3A_65 = arith.mulf %mul3A_64, %add3A_53 : vector<1x128xf32>
    %mul3A_66 = arith.mulf %mul3A_65, %mul3A_62 : vector<1x128xf32>
    %mul3A_67 = arith.mulf %mul3A_66, %mul3A_62 : vector<1x128xf32>
    %sub3A_68 = arith.constant 1.500000e+00 : f32
    %sub3A_69 = vector.broadcast %sub3A_68 : f32 to vector<1x128xf32>
    %sub3A_70 = arith.subf %sub3A_69, %mul3A_67 : vector<1x128xf32>
    %mul3A_71 = arith.mulf %mul3A_62, %sub3A_70 : vector<1x128xf32>
    %get3A_72 = arith.constant 0 : index
    %get3A_73 = arith.constant 0 : index
    %get3A_74 = vector.load %arg7[%get3A_72, %get3A_73] : memref<1x128xf32, #tpu.memory_space<vmem>>, vector<1x128xf32>
    %mul3A_75 = arith.mulf %mul3A_71, %get3A_74 : vector<1x128xf32>
    %sub3A_76 = vector.broadcast %div3A_43 : vector<1x128xf32> to vector<10000x128xf32>
    %sub3A_77 = arith.subf %max3A_40, %sub3A_76 : vector<10000x128xf32>
    %mul3A_78 = vector.broadcast %mul3A_75 : vector<1x128xf32> to vector<10000x128xf32>
    %mul3A_79 = arith.mulf %sub3A_77, %mul3A_78 : vector<10000x128xf32>
    %get3A_80 = arith.constant 0 : index
    %get3A_81 = arith.constant 0 : index
    %get3A_82 = vector.load %arg8[%get3A_80, %get3A_81] : memref<1x128xf32, #tpu.memory_space<vmem>>, vector<1x128xf32>
    %add3A_83 = vector.broadcast %get3A_82 : vector<1x128xf32> to vector<10000x128xf32>
    %add3A_84 = arith.addf %mul3A_79, %add3A_83 : vector<10000x128xf32>
    %swap3A = arith.constant 0 : index
    %swap3A_85 = arith.constant 0 : index
    %swap3A_86 = vector.load %arg9[%swap3A, %swap3A_85] : memref<10240x128xf32, #tpu.memory_space<vmem>>, vector<10000x128xf32>
    tpu.vector_store %arg9[%swap3A, %swap3A_85], %add3A_84 {strides = array<i32>} : memref<10240x128xf32, #tpu.memory_space<vmem>>, vector<10000x128xf32>,
    %broadcast_in_dim3A_87 = arith.constant 0.000000e+00 : f32
    %broadcast_in_dim3A_88 = vector.broadcast %broadcast_in_dim3A_87 : f32 to vector<240x128xf32>
    %swap3A_89 = arith.constant 10000 : index
    %swap3A_90 = arith.constant 0 : index
    %swap3A_91 = vector.load %arg9[%swap3A_89, %swap3A_90] : memref<10240x128xf32, #tpu.memory_space<vmem>>, vector<240x128xf32>
    tpu.vector_store %arg9[%swap3A_89, %swap3A_90], %broadcast_in_dim3A_88 {strides = array<i32>} : memref<10240x128xf32, #tpu.memory_space<vmem>>, vector<240x128xf32>,
    return
  }
}

module attributes {stable_mosaic.version = 14 : i64} {
  func.func @_policy_body(%arg0: i32, %arg1: memref<1000x128xf32, #tpu.memory_space<vmem>>, %arg2: memref<1000x128xf32, #tpu.memory_space<vmem>>, %arg3: memref<1000x128xf32, #tpu.memory_space<vmem>>, %arg4: memref<1000x128xf32, #tpu.memory_space<vmem>>, %arg5: memref<128x128xf32, #tpu.memory_space<vmem>>, %arg6: memref<128x128xf32, #tpu.memory_space<vmem>>, %arg7: memref<1x128xf32, #tpu.memory_space<vmem>>, %arg8: memref<128x128xf32, #tpu.memory_space<vmem>>, %arg9: memref<1x128xf32, #tpu.memory_space<vmem>>, %arg10: memref<2x128x128xf32, #tpu.memory_space<vmem>>, %arg11: memref<2x128xf32, #tpu.memory_space<vmem>>, %arg12: memref<2x128x128xf32, #tpu.memory_space<vmem>>, %arg13: memref<2x128xf32, #tpu.memory_space<vmem>>, %arg14: memref<1000x128xf32, #tpu.memory_space<vmem>>) attributes {dimension_semantics = [#tpu.dimension_semantics<arbitrary>], iteration_bounds = array<i64: 10>, scalar_prefetch = 0 : i64, scratch_operands = 0 : i64, tpu.core_type = #tpu.core_type<tc>, window_params = [{transform_indices = @transform_0, window_bounds = array<i64: 1000, 128>}, {transform_indices = @transform_1, window_bounds = array<i64: 1000, 128>}, {transform_indices = @transform_2, window_bounds = array<i64: 1000, 128>}, {transform_indices = @transform_3, window_bounds = array<i64: 1000, 128>}, {pipeline_mode = #tpu.pipeline_mode<synchronous>, transform_indices = @transform_4, window_bounds = array<i64: 128, 128>}, {pipeline_mode = #tpu.pipeline_mode<synchronous>, transform_indices = @transform_5, window_bounds = array<i64: 128, 128>}, {pipeline_mode = #tpu.pipeline_mode<synchronous>, transform_indices = @transform_6, window_bounds = array<i64: 1, 128>}, {pipeline_mode = #tpu.pipeline_mode<synchronous>, transform_indices = @transform_7, window_bounds = array<i64: 128, 128>}, {pipeline_mode = #tpu.pipeline_mode<synchronous>, transform_indices = @transform_8, window_bounds = array<i64: 1, 128>}, {pipeline_mode = #tpu.pipeline_mode<synchronous>, transform_indices = @transform_9, window_bounds = array<i64: 2, 128, 128>}, {pipeline_mode = #tpu.pipeline_mode<synchronous>, transform_indices = @transform_10, window_bounds = array<i64: 2, 128>}, {pipeline_mode = #tpu.pipeline_mode<synchronous>, transform_indices = @transform_11, window_bounds = array<i64: 2, 128, 128>}, {pipeline_mode = #tpu.pipeline_mode<synchronous>, transform_indices = @transform_12, window_bounds = array<i64: 2, 128>}, {transform_indices = @transform_13, window_bounds = array<i64: 1000, 128>}]} {
    %get3A = arith.constant 0 : index
    %get3A_0 = arith.constant 0 : index
    %get3A_1 = vector.load %arg1[%get3A, %get3A_0] : memref<1000x128xf32, #tpu.memory_space<vmem>>, vector<1000x128xf32>
    %get3A_2 = arith.constant 0 : index
    %get3A_3 = arith.constant 0 : index
    %get3A_4 = vector.load %arg2[%get3A_2, %get3A_3] : memref<1000x128xf32, #tpu.memory_space<vmem>>, vector<1000x128xf32>
    %add3A = arith.addf %get3A_1, %get3A_4 : vector<1000x128xf32>
    %get3A_5 = arith.constant 0 : index
    %get3A_6 = arith.constant 0 : index
    %get3A_7 = vector.load %arg3[%get3A_5, %get3A_6] : memref<1000x128xf32, #tpu.memory_space<vmem>>, vector<1000x128xf32>
    %add3A_8 = arith.addf %add3A, %get3A_7 : vector<1000x128xf32>
    %get3A_9 = arith.constant 0 : index
    %get3A_10 = arith.constant 0 : index
    %get3A_11 = vector.load %arg4[%get3A_9, %get3A_10] : memref<1000x128xf32, #tpu.memory_space<vmem>>, vector<1000x128xf32>
    %add3A_12 = arith.addf %add3A_8, %get3A_11 : vector<1000x128xf32>
    %iota3A = tpu.iota {dimensions = array<i32: 0>} : vector<5x1000xi32>
    %iota3A_13 = tpu.iota {dimensions = array<i32: 1>} : vector<5x1000xi32>
    %jit3A = arith.constant 200 : i32
    %div3A = vector.broadcast %jit3A : i32 to vector<5x1000xi32>
    %div3A_14 = arith.divsi %iota3A_13, %div3A : vector<5x1000xi32>
    %sign3A = arith.constant 0 : i32
    %sign3A_15 = vector.broadcast %sign3A : i32 to vector<5x1000xi32>
    %sign3A_16 = arith.cmpi sgt, %iota3A_13, %sign3A_15 : vector<5x1000xi32>
    %sign3A_17 = arith.extui %sign3A_16 : vector<5x1000xi1> to vector<5x1000xi32>
    %sign3A_18 = arith.constant 0 : i32
    %sign3A_19 = vector.broadcast %sign3A_18 : i32 to vector<5x1000xi32>
    %sign3A_20 = arith.cmpi slt, %iota3A_13, %sign3A_19 : vector<5x1000xi32>
    %sign3A_21 = arith.extui %sign3A_20 : vector<5x1000xi1> to vector<5x1000xi32>
    %sign3A_22 = arith.subi %sign3A_17, %sign3A_21 : vector<5x1000xi32>
    %sign3A_23 = arith.constant 0 : i32
    %sign3A_24 = arith.cmpi sgt, %jit3A, %sign3A_23 : i32
    %sign3A_25 = arith.extui %sign3A_24 : i1 to i32
    %sign3A_26 = arith.constant 0 : i32
    %sign3A_27 = arith.cmpi slt, %jit3A, %sign3A_26 : i32
    %sign3A_28 = arith.extui %sign3A_27 : i1 to i32
    %sign3A_29 = arith.subi %sign3A_25, %sign3A_28 : i32
    %ne3A = vector.broadcast %sign3A_29 : i32 to vector<5x1000xi32>
    %ne3A_30 = arith.cmpi ne, %sign3A_22, %ne3A : vector<5x1000xi32>
    %rem3A = vector.broadcast %jit3A : i32 to vector<5x1000xi32>
    %rem3A_31 = arith.remsi %iota3A_13, %rem3A : vector<5x1000xi32>
    %ne3A_32 = arith.constant 0 : i32
    %ne3A_33 = vector.broadcast %ne3A_32 : i32 to vector<5x1000xi32>
    %ne3A_34 = arith.cmpi ne, %rem3A_31, %ne3A_33 : vector<5x1000xi32>
    %and3A = arith.andi %ne3A_30, %ne3A_34 : vector<5x1000xi1>
    %sub3A = arith.constant 1 : i32
    %sub3A_35 = vector.broadcast %sub3A : i32 to vector<5x1000xi32>
    %sub3A_36 = arith.subi %div3A_14, %sub3A_35 : vector<5x1000xi32>
    %select_n3A = arith.select %and3A, %sub3A_36, %div3A_14 : vector<5x1000xi1>, vector<5x1000xi32>
    %eq3A = arith.cmpi eq, %iota3A, %select_n3A : vector<5x1000xi32>
    %jit3A_37 = arith.constant 5.000000e-03 : f32
    %jit3A_38 = arith.constant 0.000000e+00 : f32
    %broadcast_in_dim3A = vector.broadcast %jit3A_37 : f32 to vector<5x1000xf32>
    %broadcast_in_dim3A_39 = vector.broadcast %jit3A_38 : f32 to vector<5x1000xf32>
    %select_n3A_40 = arith.select %eq3A, %broadcast_in_dim3A, %broadcast_in_dim3A_39 : vector<5x1000xi1>, vector<5x1000xf32>
    %dot_general3A = arith.constant dense<0.000000e+00> : vector<5x128xf32>
    %dot_general3A_41 = tpu.matmul %select_n3A_40, %add3A_12, %dot_general3A {dimension_numbers = #tpu.dot_dimension_numbers<[1], [0], [0], [1], [0, 0, 1, 1], [], []>, transpose_lhs_hint = false} : vector<5x1000xf32>, vector<1000x128xf32>, vector<5x128xf32> -> vector<5x128xf32>
    %iota3A_42 = tpu.iota {dimensions = array<i32: 0>} : vector<1000x5xi32>
    %jit3A_43 = arith.constant 200 : i32
    %div3A_44 = vector.broadcast %jit3A_43 : i32 to vector<1000x5xi32>
    %div3A_45 = arith.divsi %iota3A_42, %div3A_44 : vector<1000x5xi32>
    %sign3A_46 = arith.constant 0 : i32
    %sign3A_47 = vector.broadcast %sign3A_46 : i32 to vector<1000x5xi32>
    %sign3A_48 = arith.cmpi sgt, %iota3A_42, %sign3A_47 : vector<1000x5xi32>
    %sign3A_49 = arith.extui %sign3A_48 : vector<1000x5xi1> to vector<1000x5xi32>
    %sign3A_50 = arith.constant 0 : i32
    %sign3A_51 = vector.broadcast %sign3A_50 : i32 to vector<1000x5xi32>
    %sign3A_52 = arith.cmpi slt, %iota3A_42, %sign3A_51 : vector<1000x5xi32>
    %sign3A_53 = arith.extui %sign3A_52 : vector<1000x5xi1> to vector<1000x5xi32>
    %sign3A_54 = arith.subi %sign3A_49, %sign3A_53 : vector<1000x5xi32>
    %sign3A_55 = arith.constant 0 : i32
    %sign3A_56 = arith.cmpi sgt, %jit3A_43, %sign3A_55 : i32
    %sign3A_57 = arith.extui %sign3A_56 : i1 to i32
    %sign3A_58 = arith.constant 0 : i32
    %sign3A_59 = arith.cmpi slt, %jit3A_43, %sign3A_58 : i32
    %sign3A_60 = arith.extui %sign3A_59 : i1 to i32
    %sign3A_61 = arith.subi %sign3A_57, %sign3A_60 : i32
    %ne3A_62 = vector.broadcast %sign3A_61 : i32 to vector<1000x5xi32>
    %ne3A_63 = arith.cmpi ne, %sign3A_54, %ne3A_62 : vector<1000x5xi32>
    %rem3A_64 = vector.broadcast %jit3A_43 : i32 to vector<1000x5xi32>
    %rem3A_65 = arith.remsi %iota3A_42, %rem3A_64 : vector<1000x5xi32>
    %ne3A_66 = arith.constant 0 : i32
    %ne3A_67 = vector.broadcast %ne3A_66 : i32 to vector<1000x5xi32>
    %ne3A_68 = arith.cmpi ne, %rem3A_65, %ne3A_67 : vector<1000x5xi32>
    %and3A_69 = arith.andi %ne3A_63, %ne3A_68 : vector<1000x5xi1>
    %sub3A_70 = arith.constant 1 : i32
    %sub3A_71 = vector.broadcast %sub3A_70 : i32 to vector<1000x5xi32>
    %sub3A_72 = arith.subi %div3A_45, %sub3A_71 : vector<1000x5xi32>
    %select_n3A_73 = arith.select %and3A_69, %sub3A_72, %div3A_45 : vector<1000x5xi1>, vector<1000x5xi32>
    %iota3A_74 = tpu.iota {dimensions = array<i32: 1>} : vector<1000x5xi32>
    %eq3A_75 = arith.cmpi eq, %select_n3A_73, %iota3A_74 : vector<1000x5xi32>
    %jit3A_76 = arith.constant 1.000000e+00 : f32
    %jit3A_77 = arith.constant 0.000000e+00 : f32
    %broadcast_in_dim3A_78 = vector.broadcast %jit3A_76 : f32 to vector<1000x5xf32>
    %broadcast_in_dim3A_79 = vector.broadcast %jit3A_77 : f32 to vector<1000x5xf32>
    %select_n3A_80 = arith.select %eq3A_75, %broadcast_in_dim3A_78, %broadcast_in_dim3A_79 : vector<1000x5xi1>, vector<1000x5xf32>
    %get3A_81 = arith.constant 0 : index
    %get3A_82 = arith.constant 0 : index
    %get3A_83 = vector.load %arg5[%get3A_81, %get3A_82] : memref<128x128xf32, #tpu.memory_space<vmem>>, vector<128x128xf32>
    %dot_general3A_84 = arith.constant dense<0.000000e+00> : vector<1000x128xf32>
    %dot_general3A_85 = tpu.matmul %add3A_12, %get3A_83, %dot_general3A_84 {dimension_numbers = #tpu.dot_dimension_numbers<[1], [0], [0], [1], [0, 0, 1, 1], [], []>, transpose_lhs_hint = false} : vector<1000x128xf32>, vector<128x128xf32>, vector<1000x128xf32> -> vector<1000x128xf32>
    %get3A_86 = arith.constant 0 : index
    %get3A_87 = arith.constant 0 : index
    %get3A_88 = vector.load %arg6[%get3A_86, %get3A_87] : memref<128x128xf32, #tpu.memory_space<vmem>>, vector<128x128xf32>
    %dot_general3A_89 = arith.constant dense<0.000000e+00> : vector<5x128xf32>
    %dot_general3A_90 = tpu.matmul %dot_general3A_41, %get3A_88, %dot_general3A_89 {dimension_numbers = #tpu.dot_dimension_numbers<[1], [0], [0], [1], [0, 0, 1, 1], [], []>, transpose_lhs_hint = false} : vector<5x128xf32>, vector<128x128xf32>, vector<5x128xf32> -> vector<5x128xf32>
    %dot_general3A_91 = arith.constant dense<0.000000e+00> : vector<1000x128xf32>
    %dot_general3A_92 = tpu.matmul %select_n3A_80, %dot_general3A_90, %dot_general3A_91 {dimension_numbers = #tpu.dot_dimension_numbers<[1], [0], [0], [1], [0, 0, 1, 1], [], []>, transpose_lhs_hint = false} : vector<1000x5xf32>, vector<5x128xf32>, vector<1000x128xf32> -> vector<1000x128xf32>
    %add3A_93 = arith.addf %dot_general3A_85, %dot_general3A_92 : vector<1000x128xf32>
    %get3A_94 = arith.constant 0 : index
    %get3A_95 = arith.constant 0 : index
    %get3A_96 = vector.load %arg7[%get3A_94, %get3A_95] : memref<1x128xf32, #tpu.memory_space<vmem>>, vector<1x128xf32>
    %add3A_97 = vector.broadcast %get3A_96 : vector<1x128xf32> to vector<1000x128xf32>
    %add3A_98 = arith.addf %add3A_93, %add3A_97 : vector<1000x128xf32>
    %tanh3A = math.tanh %add3A_98 : vector<1000x128xf32>
    %get3A_99 = arith.constant 0 : index
    %get3A_100 = arith.constant 0 : index
    %get3A_101 = vector.load %arg8[%get3A_99, %get3A_100] : memref<128x128xf32, #tpu.memory_space<vmem>>, vector<128x128xf32>
    %dot_general3A_102 = arith.constant dense<0.000000e+00> : vector<1000x128xf32>
    %dot_general3A_103 = tpu.matmul %tanh3A, %get3A_101, %dot_general3A_102 {dimension_numbers = #tpu.dot_dimension_numbers<[1], [0], [0], [1], [0, 0, 1, 1], [], []>, transpose_lhs_hint = false} : vector<1000x128xf32>, vector<128x128xf32>, vector<1000x128xf32> -> vector<1000x128xf32>
    %get3A_104 = arith.constant 0 : index
    %get3A_105 = arith.constant 0 : index
    %get3A_106 = vector.load %arg9[%get3A_104, %get3A_105] : memref<1x128xf32, #tpu.memory_space<vmem>>, vector<1x128xf32>
    %add3A_107 = vector.broadcast %get3A_106 : vector<1x128xf32> to vector<1000x128xf32>
    %add3A_108 = arith.addf %dot_general3A_103, %add3A_107 : vector<1000x128xf32>
    %get3A_109 = arith.constant 0 : index
    %get3A_110 = arith.constant 0 : index
    %get3A_111 = arith.constant 0 : index
    %get3A_112 = vector.load %arg10[%get3A_109, %get3A_110, %get3A_111] : memref<2x128x128xf32, #tpu.memory_space<vmem>>, vector<1x128x128xf32>
    %get3A_113 = vector.shape_cast %get3A_112 : vector<1x128x128xf32> to vector<128x128xf32>
    %dot_general3A_114 = arith.constant dense<0.000000e+00> : vector<1000x128xf32>
    %dot_general3A_115 = tpu.matmul %add3A_108, %get3A_113, %dot_general3A_114 {dimension_numbers = #tpu.dot_dimension_numbers<[1], [0], [0], [1], [0, 0, 1, 1], [], []>, transpose_lhs_hint = false} : vector<1000x128xf32>, vector<128x128xf32>, vector<1000x128xf32> -> vector<1000x128xf32>
    %get3A_116 = arith.constant 0 : index
    %get3A_117 = arith.constant 0 : index
    %get3A_118 = vector.load %arg11[%get3A_116, %get3A_117] : memref<2x128xf32, #tpu.memory_space<vmem>>, vector<1x128xf32>
    %add3A_119 = vector.broadcast %get3A_118 : vector<1x128xf32> to vector<1000x128xf32>
    %add3A_120 = arith.addf %dot_general3A_115, %add3A_119 : vector<1000x128xf32>
    %tanh3A_121 = math.tanh %add3A_120 : vector<1000x128xf32>
    %get3A_122 = arith.constant 0 : index
    %get3A_123 = arith.constant 0 : index
    %get3A_124 = arith.constant 0 : index
    %get3A_125 = vector.load %arg12[%get3A_122, %get3A_123, %get3A_124] : memref<2x128x128xf32, #tpu.memory_space<vmem>>, vector<1x128x128xf32>
    %get3A_126 = vector.shape_cast %get3A_125 : vector<1x128x128xf32> to vector<128x128xf32>
    %dot_general3A_127 = arith.constant dense<0.000000e+00> : vector<1000x128xf32>
    %dot_general3A_128 = tpu.matmul %tanh3A_121, %get3A_126, %dot_general3A_127 {dimension_numbers = #tpu.dot_dimension_numbers<[1], [0], [0], [1], [0, 0, 1, 1], [], []>, transpose_lhs_hint = false} : vector<1000x128xf32>, vector<128x128xf32>, vector<1000x128xf32> -> vector<1000x128xf32>
    %get3A_129 = arith.constant 0 : index
    %get3A_130 = arith.constant 0 : index
    %get3A_131 = vector.load %arg13[%get3A_129, %get3A_130] : memref<2x128xf32, #tpu.memory_space<vmem>>, vector<1x128xf32>
    %add3A_132 = vector.broadcast %get3A_131 : vector<1x128xf32> to vector<1000x128xf32>
    %add3A_133 = arith.addf %dot_general3A_128, %add3A_132 : vector<1000x128xf32>
    %get3A_134 = arith.constant 1 : index
    %get3A_135 = arith.constant 0 : index
    %get3A_136 = arith.constant 0 : index
    %get3A_137 = vector.load %arg10[%get3A_134, %get3A_135, %get3A_136] : memref<2x128x128xf32, #tpu.memory_space<vmem>>, vector<1x128x128xf32>
    %get3A_138 = vector.shape_cast %get3A_137 : vector<1x128x128xf32> to vector<128x128xf32>
    %dot_general3A_139 = arith.constant dense<0.000000e+00> : vector<1000x128xf32>
    %dot_general3A_140 = tpu.matmul %add3A_133, %get3A_138, %dot_general3A_139 {dimension_numbers = #tpu.dot_dimension_numbers<[1], [0], [0], [1], [0, 0, 1, 1], [], []>, transpose_lhs_hint = false} : vector<1000x128xf32>, vector<128x128xf32>, vector<1000x128xf32> -> vector<1000x128xf32>
    %get3A_141 = arith.constant 1 : index
    %get3A_142 = arith.constant 0 : index
    %get3A_143 = vector.load %arg11[%get3A_141, %get3A_142] : memref<2x128xf32, #tpu.memory_space<vmem>>, vector<1x128xf32>
    %add3A_144 = vector.broadcast %get3A_143 : vector<1x128xf32> to vector<1000x128xf32>
    %add3A_145 = arith.addf %dot_general3A_140, %add3A_144 : vector<1000x128xf32>
    %tanh3A_146 = math.tanh %add3A_145 : vector<1000x128xf32>
    %get3A_147 = arith.constant 1 : index
    %get3A_148 = arith.constant 0 : index
    %get3A_149 = arith.constant 0 : index
    %get3A_150 = vector.load %arg12[%get3A_147, %get3A_148, %get3A_149] : memref<2x128x128xf32, #tpu.memory_space<vmem>>, vector<1x128x128xf32>
    %get3A_151 = vector.shape_cast %get3A_150 : vector<1x128x128xf32> to vector<128x128xf32>
    %dot_general3A_152 = arith.constant dense<0.000000e+00> : vector<1000x128xf32>
    %dot_general3A_153 = tpu.matmul %tanh3A_146, %get3A_151, %dot_general3A_152 {dimension_numbers = #tpu.dot_dimension_numbers<[1], [0], [0], [1], [0, 0, 1, 1], [], []>, transpose_lhs_hint = false} : vector<1000x128xf32>, vector<128x128xf32>, vector<1000x128xf32> -> vector<1000x128xf32>
    %get3A_154 = arith.constant 1 : index
    %get3A_155 = arith.constant 0 : index
    %get3A_156 = vector.load %arg13[%get3A_154, %get3A_155] : memref<2x128xf32, #tpu.memory_space<vmem>>, vector<1x128xf32>
    %add3A_157 = vector.broadcast %get3A_156 : vector<1x128xf32> to vector<1000x128xf32>
    %add3A_158 = arith.addf %dot_general3A_153, %add3A_157 : vector<1000x128xf32>
    %swap3A = arith.constant 0 : index
    %swap3A_159 = arith.constant 0 : index
    %swap3A_160 = vector.load %arg14[%swap3A, %swap3A_159] : memref<1000x128xf32, #tpu.memory_space<vmem>>, vector<1000x128xf32>
    tpu.vector_store %arg14[%swap3A, %swap3A_159], %add3A_158 {strides = array<i32>} : memref<1000x128xf32, #tpu.memory_space<vmem>>, vector<1000x128xf32>,
    return
  }
  func.func @transform_0(%arg0: i32) -> (i32, i32) {
    %c0_i32 = arith.constant 0 : i32
    %c0_i32_0 = arith.constant 0 : i32
    return %arg0, %c0_i32 : i32, i32
  }
  func.func @transform_1(%arg0: i32) -> (i32, i32) {
    %c0_i32 = arith.constant 0 : i32
    %c0_i32_0 = arith.constant 0 : i32
    return %arg0, %c0_i32 : i32, i32
  }
  func.func @transform_2(%arg0: i32) -> (i32, i32) {
    %c0_i32 = arith.constant 0 : i32
    %c0_i32_0 = arith.constant 0 : i32
    return %arg0, %c0_i32 : i32, i32
  }
  func.func @transform_3(%arg0: i32) -> (i32, i32) {
    %c0_i32 = arith.constant 0 : i32
    %c0_i32_0 = arith.constant 0 : i32
    return %arg0, %c0_i32 : i32, i32
  }
  func.func @transform_4(%arg0: i32) -> (i32, i32) {
    %c0_i32 = arith.constant 0 : i32
    %c0_i32_0 = arith.constant 0 : i32
    %c0_i32_1 = arith.constant 0 : i32
    return %c0_i32, %c0_i32_0 : i32, i32
  }
  func.func @transform_5(%arg0: i32) -> (i32, i32) {
    %c0_i32 = arith.constant 0 : i32
    %c0_i32_0 = arith.constant 0 : i32
    %c0_i32_1 = arith.constant 0 : i32
    return %c0_i32, %c0_i32_0 : i32, i32
  }
  func.func @transform_6(%arg0: i32) -> (i32, i32) {
    %c0_i32 = arith.constant 0 : i32
    %c0_i32_0 = arith.constant 0 : i32
    %c0_i32_1 = arith.constant 0 : i32
    return %c0_i32, %c0_i32_0 : i32, i32
  }
  func.func @transform_7(%arg0: i32) -> (i32, i32) {
    %c0_i32 = arith.constant 0 : i32
    %c0_i32_0 = arith.constant 0 : i32
    %c0_i32_1 = arith.constant 0 : i32
    return %c0_i32, %c0_i32_0 : i32, i32
  }
  func.func @transform_8(%arg0: i32) -> (i32, i32) {
    %c0_i32 = arith.constant 0 : i32
    %c0_i32_0 = arith.constant 0 : i32
    %c0_i32_1 = arith.constant 0 : i32
    return %c0_i32, %c0_i32_0 : i32, i32
  }
  func.func @transform_9(%arg0: i32) -> (i32, i32, i32) {
    %c0_i32 = arith.constant 0 : i32
    %c0_i32_0 = arith.constant 0 : i32
    %c0_i32_1 = arith.constant 0 : i32
    %c0_i32_2 = arith.constant 0 : i32
    return %c0_i32, %c0_i32_0, %c0_i32_1 : i32, i32, i32
  }
  func.func @transform_10(%arg0: i32) -> (i32, i32) {
    %c0_i32 = arith.constant 0 : i32
    %c0_i32_0 = arith.constant 0 : i32
    %c0_i32_1 = arith.constant 0 : i32
    return %c0_i32, %c0_i32_0 : i32, i32
  }
  func.func @transform_11(%arg0: i32) -> (i32, i32, i32) {
    %c0_i32 = arith.constant 0 : i32
    %c0_i32_0 = arith.constant 0 : i32
    %c0_i32_1 = arith.constant 0 : i32
    %c0_i32_2 = arith.constant 0 : i32
    return %c0_i32, %c0_i32_0, %c0_i32_1 : i32, i32, i32
  }
  func.func @transform_12(%arg0: i32) -> (i32, i32) {
    %c0_i32 = arith.constant 0 : i32
    %c0_i32_0 = arith.constant 0 : i32
    %c0_i32_1 = arith.constant 0 : i32
    return %c0_i32, %c0_i32_0 : i32, i32
  }
  func.func @transform_13(%arg0: i32) -> (i32, i32) {
    %c0_i32 = arith.constant 0 : i32
    %c0_i32_0 = arith.constant 0 : i32
    return %arg0, %c0_i32 : i32, i32
  }
}

module attributes {stable_mosaic.version = 14 : i64} {
  func.func @_tail_body(%arg0: memref<50x50x128xf32, #tpu.memory_space<vmem>>, %arg1: memref<50x50x128xf32, #tpu.memory_space<vmem>>, %arg2: memref<50x50x128xf32, #tpu.memory_space<vmem>>, %arg3: memref<50x50xi32, #tpu.memory_space<vmem>>, %arg4: memref<50x50xi32, #tpu.memory_space<vmem>>, %arg5: memref<50x2xi32, #tpu.memory_space<vmem>>, %arg6: memref<50x1xf32, #tpu.memory_space<vmem>>) attributes {dimension_semantics = [], scalar_prefetch = 0 : i64, scratch_operands = 0 : i64, tpu.core_type = #tpu.core_type<tc>} {
    %get3A = arith.constant 0 : index
    %get3A_0 = arith.constant 0 : index
    %get3A_1 = arith.constant 0 : index
    %get3A_2 = vector.load %arg0[%get3A, %get3A_0, %get3A_1] : memref<50x50x128xf32, #tpu.memory_space<vmem>>, vector<50x50x128xf32>
    %get3A_3 = arith.constant 0 : index
    %get3A_4 = arith.constant 0 : index
    %get3A_5 = arith.constant 0 : index
    %get3A_6 = vector.load %arg1[%get3A_3, %get3A_4, %get3A_5] : memref<50x50x128xf32, #tpu.memory_space<vmem>>, vector<50x50x128xf32>
    %mul3A = arith.mulf %get3A_2, %get3A_6 : vector<50x50x128xf32>
    %reduce_sum3A = arith.constant dense<0.000000e+00> : vector<50x50xf32>
    %reduce_sum3A_7 = vector.multi_reduction <add>, %mul3A, %reduce_sum3A [2] : vector<50x50x128xf32> to vector<50x50xf32>
    %iota3A = tpu.iota {dimensions = array<i32: 2>} : vector<50x50x128xi32>
    %get3A_8 = arith.constant 0 : index
    %get3A_9 = arith.constant 0 : index
    %get3A_10 = vector.load %arg3[%get3A_8, %get3A_9] : memref<50x50xi32, #tpu.memory_space<vmem>>, vector<50x50xi32>
    %broadcast_in_dim3A = vector.shape_cast %get3A_10 : vector<50x50xi32> to vector<50x50x1xi32>
    %eq3A = vector.broadcast %broadcast_in_dim3A : vector<50x50x1xi32> to vector<50x50x128xi32>
    %eq3A_11 = arith.cmpi eq, %iota3A, %eq3A : vector<50x50x128xi32>
    %get3A_12 = arith.constant 0 : index
    %get3A_13 = arith.constant 0 : index
    %get3A_14 = arith.constant 0 : index
    %get3A_15 = vector.load %arg2[%get3A_12, %get3A_13, %get3A_14] : memref<50x50x128xf32, #tpu.memory_space<vmem>>, vector<50x50x128xf32>
    %jit3A = arith.constant 0.000000e+00 : f32
    %broadcast_in_dim3A_16 = vector.broadcast %jit3A : f32 to vector<50x50x128xf32>
    %select_n3A = arith.select %eq3A_11, %get3A_15, %broadcast_in_dim3A_16 : vector<50x50x128xi1>, vector<50x50x128xf32>
    %reduce_sum3A_17 = arith.constant dense<0.000000e+00> : vector<50x50xf32>
    %reduce_sum3A_18 = vector.multi_reduction <add>, %select_n3A, %reduce_sum3A_17 [2] : vector<50x50x128xf32> to vector<50x50xf32>
    %get3A_19 = arith.constant 0 : index
    %get3A_20 = arith.constant 0 : index
    %get3A_21 = vector.load %arg4[%get3A_19, %get3A_20] : memref<50x50xi32, #tpu.memory_space<vmem>>, vector<50x50xi32>
    %iota3A_22 = tpu.iota {dimensions = array<i32: 1>} : vector<50x50x50xi32>
    %iota3A_23 = tpu.iota {dimensions = array<i32: 2>} : vector<50x50x50xi32>
    %broadcast_in_dim3A_24 = vector.shape_cast %get3A_21 : vector<50x50xi32> to vector<50x50x1xi32>
    %broadcast_in_dim3A_25 = vector.shape_cast %get3A_21 : vector<50x50xi32> to vector<50x1x50xi32>
    %eq3A_26 = vector.broadcast %broadcast_in_dim3A_24 : vector<50x50x1xi32> to vector<50x50x50xi32>
    %eq3A_27 = vector.broadcast %broadcast_in_dim3A_25 : vector<50x1x50xi32> to vector<50x50x50xi32>
    %eq3A_28 = arith.cmpi eq, %eq3A_26, %eq3A_27 : vector<50x50x50xi32>
    %gt3A = arith.cmpi sgt, %iota3A_22, %iota3A_23 : vector<50x50x50xi32>
    %and3A = arith.andi %eq3A_28, %gt3A : vector<50x50x50xi1>
    %reduce_or3A = arith.constant 1.000000e+00 : f32
    %reduce_or3A_29 = arith.constant 0.000000e+00 : f32
    %reduce_or3A_30 = vector.broadcast %reduce_or3A : f32 to vector<50x50x50xf32>
    %reduce_or3A_31 = vector.broadcast %reduce_or3A_29 : f32 to vector<50x50x50xf32>
    %reduce_or3A_32 = arith.select %and3A, %reduce_or3A_30, %reduce_or3A_31 : vector<50x50x50xi1>, vector<50x50x50xf32>
    %reduce_or3A_33 = arith.constant dense<0xFF800000> : vector<50x50xf32>
    %reduce_or3A_34 = vector.multi_reduction <maximumf>, %reduce_or3A_32, %reduce_or3A_33 [2] : vector<50x50x50xf32> to vector<50x50xf32>
    %reduce_or3A_35 = arith.constant 0.000000e+00 : f32
    %reduce_or3A_36 = vector.broadcast %reduce_or3A_35 : f32 to vector<50x50xf32>
    %reduce_or3A_37 = arith.cmpf ogt, %reduce_or3A_34, %reduce_or3A_36 : vector<50x50xf32>
    %add3A = arith.addf %reduce_sum3A_7, %reduce_sum3A_18 : vector<50x50xf32>
    %reduce_max3A = arith.constant dense<0xFF800000> : vector<50xf32>
    %reduce_max3A_38 = vector.multi_reduction <maximumf>, %add3A, %reduce_max3A [1] : vector<50x50xf32> to vector<50xf32>
    %broadcast_in_dim3A_39 = vector.shape_cast %reduce_max3A_38 : vector<50xf32> to vector<50x1xf32>
    %iota3A_40 = tpu.iota {dimensions = array<i32: 1>} : vector<50x50xi32>
    %eq3A_41 = vector.broadcast %broadcast_in_dim3A_39 : vector<50x1xf32> to vector<50x50xf32>
    %eq3A_42 = arith.cmpf oeq, %add3A, %eq3A_41 : vector<50x50xf32>
    %jit3A_43 = arith.constant 50 : i32
    %broadcast_in_dim3A_44 = vector.broadcast %jit3A_43 : i32 to vector<50x50xi32>
    %select_n3A_45 = arith.select %eq3A_42, %iota3A_40, %broadcast_in_dim3A_44 : vector<50x50xi1>, vector<50x50xi32>
    %reduce_min3A = arith.constant dense<2147483647> : vector<50xi32>
    %reduce_min3A_46 = vector.multi_reduction <minsi>, %select_n3A_45, %reduce_min3A [1] : vector<50x50xi32> to vector<50xi32>
    %broadcast_in_dim3A_47 = vector.shape_cast %reduce_min3A_46 : vector<50xi32> to vector<50x1xi32>
    %eq3A_48 = vector.broadcast %broadcast_in_dim3A_47 : vector<50x1xi32> to vector<50x50xi32>
    %eq3A_49 = arith.cmpi eq, %iota3A_40, %eq3A_48 : vector<50x50xi32>
    %jit3A_50 = arith.constant 0 : i32
    %broadcast_in_dim3A_51 = vector.broadcast %jit3A_50 : i32 to vector<50x50xi32>
    %select_n3A_52 = arith.select %eq3A_49, %get3A_21, %broadcast_in_dim3A_51 : vector<50x50xi1>, vector<50x50xi32>
    %reduce_sum3A_53 = arith.constant dense<0> : vector<50xi32>
    %reduce_sum3A_54 = vector.multi_reduction <add>, %select_n3A_52, %reduce_sum3A_53 [1] : vector<50x50xi32> to vector<50xi32>
    %broadcast_in_dim3A_55 = vector.shape_cast %reduce_sum3A_54 : vector<50xi32> to vector<50x1xi32>
    %jit3A_56 = arith.constant 0.000000e+00 : f32
    %broadcast_in_dim3A_57 = vector.broadcast %jit3A_56 : f32 to vector<50x50xf32>
    %select_n3A_58 = arith.select %eq3A_49, %reduce_sum3A_7, %broadcast_in_dim3A_57 : vector<50x50xi1>, vector<50x50xf32>
    %reduce_sum3A_59 = arith.constant dense<0.000000e+00> : vector<50xf32>
    %reduce_sum3A_60 = vector.multi_reduction <add>, %select_n3A_58, %reduce_sum3A_59 [1] : vector<50x50xf32> to vector<50xf32>
    %broadcast_in_dim3A_61 = vector.shape_cast %reduce_sum3A_60 : vector<50xf32> to vector<50x1xf32>
    %jit3A_62 = arith.constant 0xFF800000 : f32
    %broadcast_in_dim3A_63 = vector.broadcast %jit3A_62 : f32 to vector<50x50xf32>
    %select_n3A_64 = arith.select %reduce_or3A_37, %broadcast_in_dim3A_63, %reduce_sum3A_7 : vector<50x50xi1>, vector<50x50xf32>
    %reduce_max3A_65 = arith.constant dense<0xFF800000> : vector<50xf32>
    %reduce_max3A_66 = vector.multi_reduction <maximumf>, %select_n3A_64, %reduce_max3A_65 [1] : vector<50x50xf32> to vector<50xf32>
    %broadcast_in_dim3A_67 = vector.shape_cast %reduce_max3A_66 : vector<50xf32> to vector<50x1xf32>
    %sub3A = vector.broadcast %broadcast_in_dim3A_67 : vector<50x1xf32> to vector<50x50xf32>
    %sub3A_68 = arith.subf %reduce_sum3A_7, %sub3A : vector<50x50xf32>
    %exp3A = math.exp %sub3A_68 : vector<50x50xf32>
    %jit3A_69 = arith.constant 0.000000e+00 : f32
    %broadcast_in_dim3A_70 = vector.broadcast %jit3A_69 : f32 to vector<50x50xf32>
    %select_n3A_71 = arith.select %reduce_or3A_37, %broadcast_in_dim3A_70, %exp3A : vector<50x50xi1>, vector<50x50xf32>
    %reduce_sum3A_72 = arith.constant dense<0.000000e+00> : vector<50xf32>
    %reduce_sum3A_73 = vector.multi_reduction <add>, %select_n3A_71, %reduce_sum3A_72 [1] : vector<50x50xf32> to vector<50xf32>
    %broadcast_in_dim3A_74 = vector.shape_cast %reduce_sum3A_73 : vector<50xf32> to vector<50x1xf32>
    %log3A = math.log %broadcast_in_dim3A_74 : vector<50x1xf32>
    %add3A_75 = arith.addf %broadcast_in_dim3A_67, %log3A : vector<50x1xf32>
    %sub3A_76 = arith.subf %broadcast_in_dim3A_61, %add3A_75 : vector<50x1xf32>
    %swap3A = arith.constant 0 : index
    %swap3A_77 = arith.constant 0 : index
    %swap3A_78 = vector.load %arg6[%swap3A, %swap3A_77] : memref<50x1xf32, #tpu.memory_space<vmem>>, vector<50x1xf32>
    tpu.vector_store %arg6[%swap3A, %swap3A_77], %sub3A_76 {strides = array<i32>} : memref<50x1xf32, #tpu.memory_space<vmem>>, vector<50x1xf32>,
    %jit3A_79 = arith.constant 200 : i32
    %div3A = vector.broadcast %jit3A_79 : i32 to vector<50x1xi32>
    %div3A_80 = arith.divsi %broadcast_in_dim3A_55, %div3A : vector<50x1xi32>
    %sign3A = arith.constant 0 : i32
    %sign3A_81 = vector.broadcast %sign3A : i32 to vector<50x1xi32>
    %sign3A_82 = arith.cmpi sgt, %broadcast_in_dim3A_55, %sign3A_81 : vector<50x1xi32>
    %sign3A_83 = arith.extui %sign3A_82 : vector<50x1xi1> to vector<50x1xi32>
    %sign3A_84 = arith.constant 0 : i32
    %sign3A_85 = vector.broadcast %sign3A_84 : i32 to vector<50x1xi32>
    %sign3A_86 = arith.cmpi slt, %broadcast_in_dim3A_55, %sign3A_85 : vector<50x1xi32>
    %sign3A_87 = arith.extui %sign3A_86 : vector<50x1xi1> to vector<50x1xi32>
    %sign3A_88 = arith.subi %sign3A_83, %sign3A_87 : vector<50x1xi32>
    %sign3A_89 = arith.constant 0 : i32
    %sign3A_90 = arith.cmpi sgt, %jit3A_79, %sign3A_89 : i32
    %sign3A_91 = arith.extui %sign3A_90 : i1 to i32
    %sign3A_92 = arith.constant 0 : i32
    %sign3A_93 = arith.cmpi slt, %jit3A_79, %sign3A_92 : i32
    %sign3A_94 = arith.extui %sign3A_93 : i1 to i32
    %sign3A_95 = arith.subi %sign3A_91, %sign3A_94 : i32
    %ne3A = vector.broadcast %sign3A_95 : i32 to vector<50x1xi32>
    %ne3A_96 = arith.cmpi ne, %sign3A_88, %ne3A : vector<50x1xi32>
    %rem3A = vector.broadcast %jit3A_79 : i32 to vector<50x1xi32>
    %rem3A_97 = arith.remsi %broadcast_in_dim3A_55, %rem3A : vector<50x1xi32>
    %ne3A_98 = arith.constant 0 : i32
    %ne3A_99 = vector.broadcast %ne3A_98 : i32 to vector<50x1xi32>
    %ne3A_100 = arith.cmpi ne, %rem3A_97, %ne3A_99 : vector<50x1xi32>
    %and3A_101 = arith.andi %ne3A_96, %ne3A_100 : vector<50x1xi1>
    %sub3A_102 = arith.constant 1 : i32
    %sub3A_103 = vector.broadcast %sub3A_102 : i32 to vector<50x1xi32>
    %sub3A_104 = arith.subi %div3A_80, %sub3A_103 : vector<50x1xi32>
    %select_n3A_105 = arith.select %and3A_101, %sub3A_104, %div3A_80 : vector<50x1xi1>, vector<50x1xi32>
    %swap3A_106 = arith.constant 0 : index
    %swap3A_107 = arith.constant 0 : index
    %swap3A_108 = vector.load %arg5[%swap3A_106, %swap3A_107] : memref<50x2xi32, #tpu.memory_space<vmem>>, vector<50x1xi32>
    tpu.vector_store %arg5[%swap3A_106, %swap3A_107], %select_n3A_105 {strides = array<i32>} : memref<50x2xi32, #tpu.memory_space<vmem>>, vector<50x1xi32>,
    %jit3A_109 = arith.constant 200 : i32
    %eq3A_110 = arith.constant 0 : i32
    %eq3A_111 = arith.cmpi eq, %jit3A_109, %eq3A_110 : i32
    %jit3A_112 = arith.constant 1 : i32
    %select_n3A_113 = arith.select %eq3A_111, %jit3A_112, %jit3A_109 : i32
    %rem3A_114 = vector.broadcast %select_n3A_113 : i32 to vector<50x1xi32>
    %rem3A_115 = arith.remsi %broadcast_in_dim3A_55, %rem3A_114 : vector<50x1xi32>
    %ne3A_116 = arith.constant 0 : i32
    %ne3A_117 = vector.broadcast %ne3A_116 : i32 to vector<50x1xi32>
    %ne3A_118 = arith.cmpi ne, %rem3A_115, %ne3A_117 : vector<50x1xi32>
    %lt3A = arith.constant 0 : i32
    %lt3A_119 = vector.broadcast %lt3A : i32 to vector<50x1xi32>
    %lt3A_120 = arith.cmpi slt, %rem3A_115, %lt3A_119 : vector<50x1xi32>
    %lt3A_121 = arith.constant 0 : i32
    %lt3A_122 = arith.cmpi slt, %select_n3A_113, %lt3A_121 : i32
    %ne3A_123 = vector.broadcast %lt3A_122 : i1 to vector<50x1xi1>
    %ne3A_124 = vector.broadcast %ne3A_123 : vector<50x1xi1> to vector<50x1xi1>
    %ne3A_125 = arith.xori %lt3A_120, %ne3A_124 : vector<50x1xi1>
    %and3A_126 = arith.andi %ne3A_125, %ne3A_118 : vector<50x1xi1>
    %add3A_127 = vector.broadcast %select_n3A_113 : i32 to vector<50x1xi32>
    %add3A_128 = arith.addi %rem3A_115, %add3A_127 : vector<50x1xi32>
    %select_n3A_129 = arith.select %and3A_126, %add3A_128, %rem3A_115 : vector<50x1xi1>, vector<50x1xi32>
    %swap3A_130 = arith.constant 0 : index
    %swap3A_131 = arith.constant 1 : index
    %swap3A_132 = vector.load %arg5[%swap3A_130, %swap3A_131] : memref<50x2xi32, #tpu.memory_space<vmem>>, vector<50x1xi32>
    tpu.vector_store %arg5[%swap3A_130, %swap3A_131], %select_n3A_129 {strides = array<i32>} : memref<50x2xi32, #tpu.memory_space<vmem>>, vector<50x1xi32>,
    return
  }
}

</mosaic_0001>

<sc_bundles>
// kernel: kernel.15.cloned.1.call-start
scs
__scs_entry_jumppad:
0x0: {  	(pc) =	sbr.rel $0x88, $3  }
0x1: {  	(tag) =	ssettag $0x0;
	lr =	simm.s32 $0x1  }
0x2: {  	[smem:$0x3F90] =	sst lr;
	_ =	strace $0xD0000000  }
0x3: {  	_ = 	snop  }
0x4: {  	_ = 	snop  }
0x5: {  	_ = 	snop  }
0x6: {  	_ = 	snop  }
0x7: {  	_ = 	snop  }
__scs_overlays_trampoline_lowered:
0x8: {  	[smem:$0x3F9F] =	sst s0  }
0x9: {  	[smem:$0x3FA0] =	sst s1  }
0xa: {  	[smem:$0x3FA1] =	sst s2  }
0xb: {  	[smem:$0x3FA2] =	sst s3  }
0xc: {  	[smem:$0x3FA3] =	sst s4  }
0xd: {  	[smem:$0x3FA4] =	sst s5  }
0xe: {  	[smem:$0x3FA5] =	sst s6  }
0xf: {  	[smem:$0x3FA6] =	sst s7  }
0x10: {  	[smem:$0x3FA7] =	sst s8  }
0x11: {  	[smem:$0x3FA8] =	sst s9;
	s0 =	simm.s32 @!p0 $0x0  }
0x12: {  	s1 =	sld [smem:$0x3F8E];
	s0 =	simm.s32 @p0 $0x1  }
0x13: {  	[smem:$0x3FA9] =	sst s0;
	s0 =	simm.s32 @!p1 $0x0  }
0x14: {  	s2 =	sld [smem:$0x3F8D];
	s0 =	simm.s32 @p1 $0x1  }
0x15: {  	[smem:$0x3FAA] =	sst s0;
	s0 =	simm.s32 @!p2 $0x0  }
0x16: {  	s3 =	sld [smem:$0x3FDB];
	s0 =	simm.s32 @p2 $0x1  }
0x17: {  	s4 =	simm.s32 $0x1BF5;
	[smem:$0x3FAC] =	sst s0  }
0x18: {  	s0 =	sld [smem:$0x3F8F];
	_ =	swait.ge [sflag:s4], $0x0  }
0x19: {  	s7 =	sld [smem:$0x3F90]  }
0x1a: {  	s8 =	sadd.s32 $0xFFFFE003, lr  }
0x1b: {  	s9 =	sadd.s32 $0xFFFFFEF7, lr;
	s5 =	simm.s32 $0xFFFFFFFF;
	p2 =	slt.u32 s8, $0xFFFFF086  }
0x1c: {  	p1 =	slt.u32 s9, $0xF7A;
	s5 =	simm.s32 @!p2 $0x0  }
0x1d: {  	s5 =	simm.s32 @p1 $0x1;
	p0 =	seq.s32 s7, s2  }
0x1e: {  	s7 =	smul.u32 @!p0 $0xF7A, s2;
	p2 =	seq.s32 @!p0 s5, $0x0  }
0x1f: {  	s9 =	smul.u32 $0xF7A, s1;
	s8 =	simm.s32 @!p0 $0x1BF5;
	p2 =	por !p2, p0  }
0x20: {  	[sflag:s8] =	ssyncset.s32 @!p0 $0xFFFFF086;
	s6 =	sadd.s32 @!p0 s3, s7;
	s7 =	simm.s32 @!p0 $0x108  }
0x21: {  	s3 =	sadd.s32 s3, s9;
	s6 =	sadd.s32 @!p0 $0x88, s6;
	s7 =	simm.s32 @p2 $0x1082  }
0x22: {  	[simem:s7], [sflag:s8] =	dma.local @!p0 [hbm:s6], $0xF7A  }
0x23: {  	s9 =	sor.u32 $0xD0000000, s2;
	s6 =	simm.s32 $0x108;
	_ =	swait.ge @!p0 [sflag:s8], $0x0  }
0x24: {  	s3 =	sadd.s32 $0x88, s3;
	s6 =	simm.s32 @!p1 $0x1082;
	[sflag:s4] =	ssyncset.s32 $0xFFFFF086  }
0x25: {  	[simem:s6], [sflag:s4] =	dma.local [hbm:s3], $0xF7A  }
0x26: {  	[smem:$0x3F90] =	sst s1;
	(tag) =	ssettag s2;
	_ =	strace s9  }
0x27: {  	s1 =	sld [smem:$0x3FA0]  }
0x28: {  	s2 =	sld [smem:$0x3FA1]  }
0x29: {  	s4 =	sld [smem:$0x3FA3]  }
0x2a: {  	p0 =	seq.s32 s5, $0x0;
	s5 =	sld [smem:$0x3FA4]  }
0x2b: {  	s6 =	sld [smem:$0x3FA5]  }
0x2c: {  	s7 =	sld [smem:$0x3FA6]  }
0x2d: {  	s3 =	simm.s32 $0x108;
	s8 =	sld [smem:$0x3FA7]  }
0x2e: {  	s3 =	simm.s32 @!p0 $0x1082;
	s9 =	sld [smem:$0x3FA8]  }
0x2f: {  	lr =	sadd.s32 s0, s3;
	s0 =	sld [smem:$0x3F9F]  }
0x30: {  	s3 =	sld [smem:$0x3FA2]  }
0x31: {  	[smem:$0x3FAB] =	sst s10  }
0x32: {  	s10 =	sld [smem:$0x3FA9];
	_ =	sdelay $0x3  }
0x33: {  	p0 =	seq.s32 s10, $0x1;
	s10 =	sld [smem:$0x3FAB];
	_ =	sdelay $0x3  }
0x34: {  	[smem:$0x3FAB] =	sst s10  }
0x35: {  	s10 =	sld [smem:$0x3FAA];
	_ =	sdelay $0x3  }
0x36: {  	p1 =	seq.s32 s10, $0x1;
	s10 =	sld [smem:$0x3FAB];
	_ =	sdelay $0x3  }
0x37: {  	[smem:$0x3FAB] =	sst s10  }
0x38: {  	s10 =	sld [smem:$0x3FAC]  }
0x39: {  	_ = 	snop;
	(pc) =	sbr.ind lr, $3  }
0x3a: {  	_ = 	snop  }
0x3b: {  	_ = 	snop  }
0x3c: {  	p2 =	seq.s32 s10, $0x1;
	s10 =	sld [smem:$0x3FAB]  }
0x3d: {  	_ =	shalt  }
0x3e: {  	_ =	shalt  }
0x3f: {  	_ =	shalt  }
0x40: {  	_ =	shalt  }
0x41: {  	_ =	shalt  }
0x42: {  	_ =	shalt  }
0x43: {  	_ =	shalt  }
0x44: {  	_ =	shalt  }
0x45: {  	_ =	shalt  }
0x46: {  	_ =	shalt  }
0x47: {  	_ =	shalt  }
0x48: {  	_ =	shalt  }
0x49: {  	_ =	shalt  }
0x4a: {  	_ =	shalt  }
0x4b: {  	_ =	shalt  }
0x4c: {  	_ =	shalt  }
0x4d: {  	_ =	shalt  }
0x4e: {  	_ =	shalt  }
0x4f: {  	_ =	shalt  }
0x50: {  	_ =	shalt  }
0x51: {  	_ =	shalt  }
0x52: {  	_ =	shalt  }
0x53: {  	_ =	shalt  }
0x54: {  	_ =	shalt  }
0x55: {  	_ =	shalt  }
0x56: {  	_ =	shalt  }
0x57: {  	_ =	shalt  }
0x58: {  	_ =	shalt  }
0x59: {  	_ =	shalt  }
0x5a: {  	_ =	shalt  }
0x5b: {  	_ =	shalt  }
0x5c: {  	_ =	shalt  }
0x5d: {  	_ =	shalt  }
0x5e: {  	_ =	shalt  }
0x5f: {  	_ =	shalt  }
0x60: {  	_ =	shalt  }
0x61: {  	_ =	shalt  }
0x62: {  	_ =	shalt  }
0x63: {  	_ =	shalt  }
0x64: {  	_ =	shalt  }
0x65: {  	_ =	shalt  }
0x66: {  	_ =	shalt  }
0x67: {  	_ =	shalt  }
0x68: {  	_ =	shalt  }
0x69: {  	_ =	shalt  }
0x6a: {  	_ =	shalt  }
0x6b: {  	_ =	shalt  }
0x6c: {  	_ =	shalt  }
0x6d: {  	_ =	shalt  }
0x6e: {  	_ =	shalt  }
0x6f: {  	_ =	shalt  }
0x70: {  	_ =	shalt  }
0x71: {  	_ =	shalt  }
0x72: {  	_ =	shalt  }
0x73: {  	_ =	shalt  }
0x74: {  	_ =	shalt  }
0x75: {  	_ =	shalt  }
0x76: {  	_ =	shalt  }
0x77: {  	_ =	shalt  }
0x78: {  	_ =	shalt  }
0x79: {  	_ =	shalt  }
0x7a: {  	_ =	shalt  }
0x7b: {  	_ =	shalt  }
0x7c: {  	_ =	shalt  }
0x7d: {  	_ =	shalt  }
0x7e: {  	_ =	shalt  }
0x7f: {  	_ =	shalt  }
0x80: {  	_ =	shalt  }
0x81: {  	_ =	shalt  }
0x82: {  	_ =	shalt  }
0x83: {  	_ =	shalt  }
0x84: {  	_ =	shalt  }
0x85: {  	_ =	shalt  }
0x86: {  	_ =	shalt  }
0x87: {  	_ =	shalt  }
.Lfunc_end0:
.L_simem_size_0:
called_computation_lowered:
.L_overlay_start_0:
0x88: {  	s2 =	sld [smem:$0x3FD9]  }
0x89: {  	s3 =	sld [smem:$0x3FFE];
	_ =	sdelay $0x1  }
0x8a: {  	s1 =	srdreg.scid  }
0x8b: {  	s0 =	sand.u32 $0x1, s1  }
0x8c: {  	s17 =	sshll.u32 s0, $0xA;
	s2 =	sadd.s32 s3, s2  }
0x8d: {  	s2 =	sadd.s32 s2, s17  }
0x8e: {  	[smem:$0x3FB7] =	sst s2  }
0x8f: {  	_ = 	snop  }
0x90: {  	(tm) =	ssettm $0x1  }
0x91: {  	s18 =	sld [smem:$0x3FFB];
	_ =	sdelay $0x3  }
0x92: {  	_ =	strace s18  }
0x93: {  	s2 =	sld [smem:$0x3FFC];
	_ =	sdelay $0x3  }
0x94: {  	_ =	strace s2  }
0x95: {  	s2 =	sld [smem:$0x3FFD];
	_ =	sdelay $0x3  }
0x96: {  	_ =	strace s2  }
0x97: {  	_ =	strace $0x8FFFFFFF  }
0x98: {  	s19 =	sld [smem:$0x3FDB];
	_ =	sdelay $0x1  }
0x99: {  	s20 =	simm.s32 $_scs_section_size  }
0x9a: {  	s4 =	simm.s32 $_size__tile_overlayer_lowered;
	s5 =	simm.s32 $_tile_overlayer_lowered  }
0x9b: {  	s6 =	simm.s32 $0x1BFF;
	s21 =	sshll.u32 s5, $0x1;
	s3 =	sadd.s32 s20, s19  }
0x9c: {  	s22 =	simm.s32 $0x0;
	s4 =	sshll.u32 s4, $0x1;
	s5 =	sadd.s32 s21, s3  }
0x9d: {  	[timem:s22], [sflag:s6] =	dma.local [hbm:s5], s4  }
0x9e: {  	_ =	swait.ge [sflag:s6], s4  }
0x9f: {  	s4 =	ssub.s32 $0x0, s4;
	[sflag:s6] =	ssyncset.done $0x0  }
0xa0: {  	[sflag:s6] =	ssyncadd.s32 s4;
	_ =	sdelay $0x1  }
0xa1: {  	s23 =	simm.s32 $0x1B8B  }
0xa2: {  	_ =	swait.ge [sflag:s23], $0x1  }
0xa3: {  	[sflag:s23] =	ssyncset.done $0x0  }
0xa4: {  	[sflag:s23] =	ssyncadd.s32 $0xFFFFFFFF  }
0xa5: {  	s4 =	sld [smem:$0x0]  }
0xa6: {  	s5 =	sand.u32 $0xFFFFFFFE, s1  }
0xa7: {  	p0 =	sne.s32 s1, s5  }
0xa8: {  	s5 =	sshll.u32 @p0 s5, $0xE  }
0xa9: {  	s5 =	sadd.s32 @p0 $0x11B8D, s5;
	s6 =	sshll.u32 @p0 s4, $0x11  }
0xaa: {  	s5 =	sor.u32 @p0 s6, s5  }
0xab: {  	[sflag:s5] =	ssyncadd.remote.s32 @p0 $0x1;
	_ =	sdelay $0x1  }
0xac: {  	s5 =	simm.s32 @p0 $0x1B8D  }
0xad: {  	_ =	swait.eq @p0 [sflag:s5], $0x1  }
0xae: {  	[sflag:s5] =	ssyncadd.s32 @p0 $0xFFFFFFFF  }
0xaf: {  	s6 =	sshll.u32 @!p0 s1, $0xE  }
0xb0: {  	s6 =	sor.u32 @!p0 $0x4000, s6;
	s5 =	simm.s32 @!p0 $0x1B8D  }
0xb1: {  	s4 =	sshll.u32 @!p0 s4, $0x11;
	s6 =	sadd.s32 @!p0 $0x11B8D, s6;
	_ =	swait.eq @!p0 [sflag:s5], $0x1  }
0xb2: {  	s4 =	sor.u32 @!p0 s4, s6;
	[sflag:s5] =	ssyncadd.s32 @!p0 $0xFFFFFFFF  }
0xb3: {  	s25 =	simm.s32 $0x1B8E;
	s24 =	sld [smem:$0x3FFE];
	[sflag:s4] =	ssyncadd.remote.s32 @!p0 $0x1  }
0xb4: {  	s26 =	simm.s32 $execute0_lowered;
	[smem:$0x3FD2] =	sst s25  }
0xb5: {  	s5 =	sshll.u32 s26, $0x1;
	_ =	strace $0x80000049;
	[dreg:$0x1] =	wrdreg $0xFFFFFFFF  }
0xb6: {  	s28 =	simm.s32 $_size_execute0_lowered;
	s3 =	sadd.s32 s3, s5;
	[dreg:$0x0] =	wrdreg $0x0  }
0xb7: {  	s5 =	sshll.u32 s28, $0x1;
	[dreg:$0x2] =	wrdreg s3  }
0xb8: {  	[dreg:$0x3] =	wrdreg s5  }
0xb9: {  	[dreg:$0x4] =	wrdreg $0xC0  }
0xba: {  	_ =	task [dreg:s22], $0x5FFFF  }
0xbb: {  	[dreg:$0x1] =	wrdreg $0xFFFFFFFF  }
0xbc: {  	[dreg:$0x0] =	wrdreg $0x60  }
0xbd: {  	[dreg:$0x2] =	wrdreg s24  }
0xbe: {  	[dreg:$0x3] =	wrdreg $0xC0000  }
0xbf: {  	[dreg:$0x4] =	wrdreg $0x9  }
0xc0: {  	_ =	task.clear_ibuf [dreg:s22], $0x5FFFF;
	_ =	strace $0x90000049  }
0xc1: {  	s29 =	simm.s32 $0x9;
	_ =	strace $0x8000004B  }
0xc2: {  	_ =	swait.ge [sflag:s29], $0x1  }
0xc3: {  	[sflag:s29] =	ssyncadd.s32 $0xFFFFFFFF  }
0xc4: {  	_ =	strace $0x9000004B  }
0xc5: {  	_ =	sfence  }
0xc6: {  	s30 =	sld [smem:$0x0];
	_ =	sdelay $0x2  }
0xc7: {  	s31 =	sshll.u32 s1, $0xD;
	s1 =	sshrl.u32 s1, $0x2  }
0xc8: {  	s4 =	sand.u32 $0x4000, s31;
	s1 =	sadd.s32 s1, s30  }
0xc9: {  	s0 =	sor.u32 s4, s0;
	s1 =	sshll.u32 s1, $0x11  }
0xca: {  	s0 =	sor.u32 s1, s0  }
0xcb: {  	s0 =	sadd.s32 $0x8F2B, s0  }
0xcc: {  	[sflag:s0] =	ssyncadd.remote.s32 $0x1  }
0xcd: {  	_ =	sfence.sel $0xFFFF  }
0xce: {  	[dreg:$0x0] =	wrdreg $0xFFFFFFFF;
	(pc) =	sbr.abs _section_cstart, $3  }
0xcf: {  	[dreg:$0x1] =	wrdreg $0xFFFFFFFF  }
0xd0: {  	_ =	task.clear_ibuf [dreg:s22], $0x2FFFF;
	_ =	strace $0x9FFFFFFF  }
0xd1: {  	(tm) =	ssettm $0x7FFFFFFF  }
tec
execute0_lowered:
.L_overlay_start_1:
0x0: {  	(tag) =	ssettag $0x1  }
0x1: {  	s0 =	rddreg [dreg:$0x0]  }
0x2: {  	s2 =	rddreg [dreg:$0x1]  }
0x3: {  	s1 =	srdreg.scid;
	s3 =	simm.s32 $0x0;
	s12 =	stileid.u32  }
0x4: {  	s13 =	simm.s32 $0x2000;
	s14 =	simm.s32 $0x80;
	s15 =	simm.s32 $0x4000  }
0x5: {  	s16 =	simm.s32 $0x8000;
	s17 =	simm.s32 $0x1;
	s18 =	simm.s32 $0x2  }
0x6: {  	s19 =	simm.s32 $0x3;
	s20 =	simm.s32 $0x100;
	s21 =	simm.s32 $0x2080  }
0x7: {  	s22 =	simm.s32 $0x4;
	s28 =	simm.s32 $0x780;
	s29 =	simm.s32 $0x2700  }
0x8: {  	s30 =	simm.s32 $0x0;
	s1 =	sand.u32 $0x1, s1;
	[smem:$0x7FF] =	sst s3  }
0x9: {  	s4 =	sshll.u32 s12, $0x8;
	s5 =	sshll.u32 s12, $0xA;
	s7 =	smul.u32 $0x14000, s12  }
0xa: {  	s9 =	smul.u32 $0x50000, s12;
	s31 =	sshll.u32 s12, $0x6;
	s12 =	simm.s32 $0x5  }
0xb: {  	p0 =	seq.s32 s1, $0x0;
	s6 =	sor.u32 $0x4000, s4;
	_ =	strace $0x8000004A  }
0xc: {  	s23 =	smul.u32 $0x140000, s1;
	s4 =	sadd.s32 $0x89C00, s0;
	s25 =	ssub.s32 $0x2, s1  }
0xd: {  	s6 =	smov.u32 @p0 s5;
	s24 =	sshrl.u32 s7, $0x3;
	s10 =	sshrl.u32 s25, $0x1  }
0xe: {  	s26 =	sshrl.u32 s9, $0x2;
	p0 =	sne.s32 s1, $0x0;
	s8 =	sadd.s32 s6, s0  }
0xf: {  	s5 =	sadd.s32 s7, s23;
	s6 =	sadd.s32 s24, s0;
	s10 =	ssub.s32 s25, s10  }
.Ltmp0:
0x10: {  	s11 =	sadd.s32 s26, s2;
	s23 =	simm.s32 $0x680;
	(pc) =	sbr.rel .LBB2_1-.Ltmp0, $4  }
0x11: {  	s24 =	simm.s32 $0x2600;
	s25 =	simm.s32 $0x700;
	s26 =	simm.s32 $0x2680  }
0x12: {  	s5 =	sshrl.u32 s5, $0x3;
	s7 =	sadd.s32 $0xC000, s8;
	s8 =	sadd.s32 $0x6C00, s8  }
0x13: {  	s10 =	smax.u32 s10, $0x1;
	s11 =	sshrl.u32 s11, $0x3;
	s0 =	sadd.s32 s5, s0  }
0x14: {  	s5 =	sadd.s32 $0x11400, s6;
	s6 =	sor.u32 $0x1C05, s31;
	s9 =	sadd.s32 $0xB1C00, s0  }
.LBB2_5:
0x15: {  	[tilespmem:s16], [sflag:$0x2] =	stream.indirect.gather [hbm4b:s4+s14], $0x80, s14, s14, $0xb8;
	v63 =	vld [tilespmem:$0x0]  }
0x16: {  	_ =	swait.ge [sflag:s17], $0x4000  }
0x17: {  	[sflag:s17] =	ssyncset.done $0x0  }
0x18: {  	[sflag:s17] =	ssyncadd.s32 $0xFFFFC000  }
0x19: {  	[spmem:s2] =	stream.indirect.scatter.add.f32 [tilespmem:s15], [sflag:$0x3], $0x80, s13, s14, $0xb8;
	v63 =	vld [tilespmem:$0x0]  }
0x1a: {  	_ =	swait.ge [sflag:s18], $0x4000  }
0x1b: {  	[sflag:s18] =	ssyncset.done $0x0  }
0x1c: {  	[sflag:s18] =	ssyncadd.s32 $0xFFFFC000  }
0x1d: {  	_ =	swait.ge [sflag:s19], $0x4000  }
0x1e: {  	[sflag:s19] =	ssyncset.done $0x0  }
0x1f: {  	[sflag:s19] =	ssyncadd.s32 $0xFFFFC000  }
0x20: {  	[tilespmem:s15], [sflag:$0x1] =	stream.indirect.gather [hbm4b:s4+s14], $0x80, s20, s14, $0xb8;
	v63 =	vld [tilespmem:$0x0]  }
0x21: {  	_ = 	snop  }
0x22: {  	[spmem:s2] =	stream.indirect.scatter.add.f32 [tilespmem:s16], [sflag:$0x4], $0x80, s21, s14, $0xb8;
	v63 =	vld [tilespmem:$0x0]  }
0x23: {  	_ =	swait.ge [sflag:s22], $0x4000  }
0x24: {  	[sflag:s22] =	ssyncset.done $0x0  }
0x25: {  	s0 =	simm.s32 $0x180;
	[sflag:s22] =	ssyncadd.s32 $0xFFFFC000  }
0x26: {  	[tilespmem:s16], [sflag:$0x2] =	stream.indirect.gather [hbm4b:s4+s14], $0x80, s0, s14, $0xb8;
	v63 =	vld [tilespmem:$0x0]  }
0x27: {  	_ =	swait.ge [sflag:s17], $0x4000  }
0x28: {  	[sflag:s17] =	ssyncset.done $0x0  }
0x29: {  	s31 =	simm.s32 $0x2100;
	[sflag:s17] =	ssyncadd.s32 $0xFFFFC000  }
0x2a: {  	[spmem:s2] =	stream.indirect.scatter.add.f32 [tilespmem:s15], [sflag:$0x3], $0x80, s31, s14, $0xb8;
	v63 =	vld [tilespmem:$0x0]  }
0x2b: {  	_ =	swait.ge [sflag:s18], $0x4000  }
0x2c: {  	[sflag:s18] =	ssyncset.done $0x0  }
0x2d: {  	[sflag:s18] =	ssyncadd.s32 $0xFFFFC000  }
0x2e: {  	_ =	swait.ge [sflag:s19], $0x4000  }
0x2f: {  	[sflag:s19] =	ssyncset.done $0x0  }
0x30: {  	s1 =	simm.s32 $0x200;
	[sflag:s19] =	ssyncadd.s32 $0xFFFFC000  }
0x31: {  	[tilespmem:s15], [sflag:$0x1] =	stream.indirect.gather [hbm4b:s4+s14], $0x80, s1, s14, $0xb8;
	v63 =	vld [tilespmem:$0x0]  }
0x32: {  	s31 =	simm.s32 $0x2180  }
0x33: {  	[spmem:s2] =	stream.indirect.scatter.add.f32 [tilespmem:s16], [sflag:$0x4], $0x80, s31, s14, $0xb8;
	v63 =	vld [tilespmem:$0x0]  }
0x34: {  	_ =	swait.ge [sflag:s22], $0x4000  }
0x35: {  	[sflag:s22] =	ssyncset.done $0x0  }
0x36: {  	s1 =	simm.s32 $0x280;
	[sflag:s22] =	ssyncadd.s32 $0xFFFFC000  }
0x37: {  	[tilespmem:s16], [sflag:$0x2] =	stream.indirect.gather [hbm4b:s4+s14], $0x80, s1, s14, $0xb8;
	v63 =	vld [tilespmem:$0x0]  }
0x38: {  	_ =	swait.ge [sflag:s17], $0x4000  }
0x39: {  	[sflag:s17] =	ssyncset.done $0x0  }
0x3a: {  	s31 =	simm.s32 $0x2200;
	[sflag:s17] =	ssyncadd.s32 $0xFFFFC000  }
0x3b: {  	[spmem:s2] =	stream.indirect.scatter.add.f32 [tilespmem:s15], [sflag:$0x3], $0x80, s31, s14, $0xb8;
	v63 =	vld [tilespmem:$0x0]  }
0x3c: {  	_ =	swait.ge [sflag:s18], $0x4000  }
0x3d: {  	[sflag:s18] =	ssyncset.done $0x0  }
0x3e: {  	[sflag:s18] =	ssyncadd.s32 $0xFFFFC000  }
0x3f: {  	_ =	swait.ge [sflag:s19], $0x4000  }
0x40: {  	[sflag:s19] =	ssyncset.done $0x0  }
0x41: {  	s1 =	simm.s32 $0x300;
	[sflag:s19] =	ssyncadd.s32 $0xFFFFC000  }
0x42: {  	[tilespmem:s15], [sflag:$0x1] =	stream.indirect.gather [hbm4b:s4+s14], $0x80, s1, s14, $0xb8;
	v63 =	vld [tilespmem:$0x0]  }
0x43: {  	s31 =	simm.s32 $0x2280  }
0x44: {  	[spmem:s2] =	stream.indirect.scatter.add.f32 [tilespmem:s16], [sflag:$0x4], $0x80, s31, s14, $0xb8;
	v63 =	vld [tilespmem:$0x0]  }
0x45: {  	_ =	swait.ge [sflag:s22], $0x4000  }
0x46: {  	[sflag:s22] =	ssyncset.done $0x0  }
0x47: {  	s1 =	simm.s32 $0x380;
	[sflag:s22] =	ssyncadd.s32 $0xFFFFC000  }
0x48: {  	[tilespmem:s16], [sflag:$0x2] =	stream.indirect.gather [hbm4b:s4+s14], $0x80, s1, s14, $0xb8;
	v63 =	vld [tilespmem:$0x0]  }
0x49: {  	_ =	swait.ge [sflag:s17], $0x4000  }
0x4a: {  	[sflag:s17] =	ssyncset.done $0x0  }
0x4b: {  	s31 =	simm.s32 $0x2300;
	[sflag:s17] =	ssyncadd.s32 $0xFFFFC000  }
0x4c: {  	[spmem:s2] =	stream.indirect.scatter.add.f32 [tilespmem:s15], [sflag:$0x3], $0x80, s31, s14, $0xb8;
	v63 =	vld [tilespmem:$0x0]  }
0x4d: {  	_ =	swait.ge [sflag:s18], $0x4000  }
0x4e: {  	[sflag:s18] =	ssyncset.done $0x0  }
0x4f: {  	[sflag:s18] =	ssyncadd.s32 $0xFFFFC000  }
0x50: {  	_ =	swait.ge [sflag:s19], $0x4000  }
0x51: {  	[sflag:s19] =	ssyncset.done $0x0  }
0x52: {  	s1 =	simm.s32 $0x400;
	[sflag:s19] =	ssyncadd.s32 $0xFFFFC000  }
0x53: {  	[tilespmem:s15], [sflag:$0x1] =	stream.indirect.gather [hbm4b:s4+s14], $0x80, s1, s14, $0xb8;
	v63 =	vld [tilespmem:$0x0]  }
0x54: {  	s31 =	simm.s32 $0x2380  }
0x55: {  	[spmem:s2] =	stream.indirect.scatter.add.f32 [tilespmem:s16], [sflag:$0x4], $0x80, s31, s14, $0xb8;
	v63 =	vld [tilespmem:$0x0]  }
0x56: {  	_ =	swait.ge [sflag:s22], $0x4000  }
0x57: {  	[sflag:s22] =	ssyncset.done $0x0  }
0x58: {  	s1 =	simm.s32 $0x480;
	[sflag:s22] =	ssyncadd.s32 $0xFFFFC000  }
0x59: {  	[tilespmem:s16], [sflag:$0x2] =	stream.indirect.gather [hbm4b:s4+s14], $0x80, s1, s14, $0xb8;
	v63 =	vld [tilespmem:$0x0]  }
0x5a: {  	_ =	swait.ge [sflag:s17], $0x4000  }
0x5b: {  	[sflag:s17] =	ssyncset.done $0x0  }
0x5c: {  	s31 =	simm.s32 $0x2400;
	[sflag:s17] =	ssyncadd.s32 $0xFFFFC000  }
0x5d: {  	[spmem:s2] =	stream.indirect.scatter.add.f32 [tilespmem:s15], [sflag:$0x3], $0x80, s31, s14, $0xb8;
	v63 =	vld [tilespmem:$0x0]  }
0x5e: {  	_ =	swait.ge [sflag:s18], $0x4000  }
0x5f: {  	[sflag:s18] =	ssyncset.done $0x0  }
0x60: {  	[sflag:s18] =	ssyncadd.s32 $0xFFFFC000  }
0x61: {  	_ =	swait.ge [sflag:s19], $0x4000  }
0x62: {  	[sflag:s19] =	ssyncset.done $0x0  }
0x63: {  	s1 =	simm.s32 $0x500;
	[sflag:s19] =	ssyncadd.s32 $0xFFFFC000  }
0x64: {  	[tilespmem:s15], [sflag:$0x1] =	stream.indirect.gather [hbm4b:s4+s14], $0x80, s1, s14, $0xb8;
	v63 =	vld [tilespmem:$0x0]  }
0x65: {  	s31 =	simm.s32 $0x2480  }
0x66: {  	[spmem:s2] =	stream.indirect.scatter.add.f32 [tilespmem:s16], [sflag:$0x4], $0x80, s31, s14, $0xb8;
	v63 =	vld [tilespmem:$0x0]  }
0x67: {  	_ =	swait.ge [sflag:s22], $0x4000  }
0x68: {  	[sflag:s22] =	ssyncset.done $0x0  }
0x69: {  	s1 =	simm.s32 $0x580;
	[sflag:s22] =	ssyncadd.s32 $0xFFFFC000  }
0x6a: {  	[tilespmem:s16], [sflag:$0x2] =	stream.indirect.gather [hbm4b:s4+s14], $0x80, s1, s14, $0xb8;
	v63 =	vld [tilespmem:$0x0]  }
0x6b: {  	_ =	swait.ge [sflag:s17], $0x4000  }
0x6c: {  	[sflag:s17] =	ssyncset.done $0x0  }
0x6d: {  	s31 =	simm.s32 $0x2500;
	[sflag:s17] =	ssyncadd.s32 $0xFFFFC000  }
0x6e: {  	[spmem:s2] =	stream.indirect.scatter.add.f32 [tilespmem:s15], [sflag:$0x3], $0x80, s31, s14, $0xb8;
	v63 =	vld [tilespmem:$0x0]  }
0x6f: {  	_ =	swait.ge [sflag:s18], $0x4000  }
0x70: {  	[sflag:s18] =	ssyncset.done $0x0  }
0x71: {  	[sflag:s18] =	ssyncadd.s32 $0xFFFFC000  }
0x72: {  	_ =	swait.ge [sflag:s19], $0x4000  }
0x73: {  	[sflag:s19] =	ssyncset.done $0x0  }
0x74: {  	s1 =	simm.s32 $0x600;
	[sflag:s19] =	ssyncadd.s32 $0xFFFFC000  }
0x75: {  	[tilespmem:s15], [sflag:$0x1] =	stream.indirect.gather [hbm4b:s4+s14], $0x80, s1, s14, $0xb8;
	v63 =	vld [tilespmem:$0x0]  }
0x76: {  	s31 =	simm.s32 $0x2580  }
0x77: {  	[spmem:s2] =	stream.indirect.scatter.add.f32 [tilespmem:s16], [sflag:$0x4], $0x80, s31, s14, $0xb8;
	v63 =	vld [tilespmem:$0x0]  }
0x78: {  	_ =	swait.ge [sflag:s22], $0x4000  }
0x79: {  	[sflag:s22] =	ssyncset.done $0x0  }
0x7a: {  	[sflag:s22] =	ssyncadd.s32 $0xFFFFC000  }
0x7b: {  	[tilespmem:s16], [sflag:$0x2] =	stream.indirect.gather [hbm4b:s4+s14], $0x80, s23, s14, $0xb8;
	v63 =	vld [tilespmem:$0x0]  }
0x7c: {  	_ =	swait.ge [sflag:s17], $0x4000  }
0x7d: {  	[sflag:s17] =	ssyncset.done $0x0  }
0x7e: {  	[sflag:s17] =	ssyncadd.s32 $0xFFFFC000  }
0x7f: {  	[spmem:s2] =	stream.indirect.scatter.add.f32 [tilespmem:s15], [sflag:$0x3], $0x80, s24, s14, $0xb8;
	v63 =	vld [tilespmem:$0x0]  }
0x80: {  	_ =	swait.ge [sflag:s18], $0x4000  }
0x81: {  	[sflag:s18] =	ssyncset.done $0x0  }
0x82: {  	[sflag:s18] =	ssyncadd.s32 $0xFFFFC000  }
0x83: {  	_ =	swait.ge [sflag:s19], $0x4000  }
0x84: {  	[sflag:s19] =	ssyncset.done $0x0  }
0x85: {  	[sflag:s19] =	ssyncadd.s32 $0xFFFFC000  }
0x86: {  	[tilespmem:s15], [sflag:$0x1] =	stream.indirect.gather [hbm4b:s4+s14], $0x80, s25, s14, $0xb8;
	v63 =	vld [tilespmem:$0x0]  }
0x87: {  	_ = 	snop  }
0x88: {  	[spmem:s2] =	stream.indirect.scatter.add.f32 [tilespmem:s16], [sflag:$0x4], $0x80, s26, s14, $0xb8;
	v63 =	vld [tilespmem:$0x0]  }
0x89: {  	_ =	swait.ge [sflag:s22], $0x4000  }
0x8a: {  	[sflag:s22] =	ssyncset.done $0x0  }
0x8b: {  	[sflag:s22] =	ssyncadd.s32 $0xFFFFC000  }
0x8c: {  	[tilespmem:s16], [sflag:$0x2] =	stream.indirect.gather [hbm4b:s4+s14], $0x80, s28, s14, $0xb8;
	v63 =	vld [tilespmem:$0x0]  }
0x8d: {  	_ =	swait.ge [sflag:s17], $0x4000  }
0x8e: {  	[sflag:s17] =	ssyncset.done $0x0  }
0x8f: {  	[sflag:s17] =	ssyncadd.s32 $0xFFFFC000  }
0x90: {  	[spmem:s2] =	stream.indirect.scatter.add.f32 [tilespmem:s15], [sflag:$0x3], $0x80, s29, s14, $0xb8;
	v63 =	vld [tilespmem:$0x0]  }
0x91: {  	_ =	swait.ge [sflag:s18], $0x4000  }
0x92: {  	[sflag:s18] =	ssyncset.done $0x0  }
0x93: {  	[sflag:s18] =	ssyncadd.s32 $0xFFFFC000  }
0x94: {  	_ =	swait.ge [sflag:s19], $0x4000  }
0x95: {  	[sflag:s19] =	ssyncset.done $0x0  }
0x96: {  	s1 =	simm.s32 $0x2780;
	[sflag:s19] =	ssyncadd.s32 $0xFFFFC000  }
.LBB2_6:
0x97: {  	[spmem:s2] =	stream.indirect.scatter.add.f32 [tilespmem:s16], [sflag:$0x4], $0x80, s1, s14, $0xb8;
	v63 =	vld [tilespmem:$0x0]  }
0x98: {  	_ =	swait.ge [sflag:s22], $0x4000  }
0x99: {  	s30 =	sadd.s32 $0x1, s30;
	[sflag:s22] =	ssyncset.done $0x0  }
0x9a: {  	p1 =	sne.s32 s30, s10;
	[sflag:s22] =	ssyncadd.s32 $0xFFFFC000  }
.Ltmp1:
0x9b: {  	[bflag:$0x0] =	sbarrier.arrive $0xFFFF;
	(pc) =	sbr.rel @!p1 .LBB2_7-.Ltmp1, $4  }
0x9c: {  	[hbm:s9], [sflag:s6] =	dma.local [spmem:s11], $0x2800  }
0x9d: {  	_ =	swait.ge [sflag:s12], $0x2800  }
0x9e: {  	[sflag:s12] =	ssyncset.done $0x0  }
0x9f: {  	[sflag:s12] =	ssyncadd.s32 $0xFFFFD800  }
.LBB2_1:
0xa0: {  	[spmem:s11], [sflag:s6] =	dma.local [hbm:s5], $0x2800  }
0xa1: {  	_ =	swait.ge [sflag:s12], $0x2800  }
0xa2: {  	[sflag:s12] =	ssyncset.done $0x0  }
0xa3: {  	[sflag:s12] =	ssyncadd.s32 $0xFFFFD800  }
0xa4: {  	[bflag:$0x0] =	sbarrier.arrive $0xFFFF  }
0xa5: {  	[tilespmem:s3], [sflag:$0x5] =	stream.linear.gather [hbm4b:s7+s3], $0x2000, $0x38;
	v63 =	vld [tilespmem:$0x0]  }
0xa6: {  	_ =	swait.ge [sflag:s12], $0x2000  }
0xa7: {  	[sflag:s12] =	ssyncset.done $0x0  }
0xa8: {  	[sflag:s12] =	ssyncadd.s32 $0xFFFFE000  }
0xa9: {  	[tilespmem:s13], [sflag:$0x5] =	stream.linear.gather [hbm4b:s8+s3], $0x2000, $0x38;
	v63 =	vld [tilespmem:$0x0]  }
.Ltmp2:
0xaa: {  	_ = 	snop;
	(pc) =	sbr.rel @p0 .LBB2_5-.Ltmp2, $4  }
0xab: {  	_ =	swait.ge [sflag:s12], $0x2000  }
0xac: {  	[sflag:s12] =	ssyncset.done $0x0  }
0xad: {  	[sflag:s12] =	ssyncadd.s32 $0xFFFFE000  }
0xae: {  	[tilespmem:s15], [sflag:$0x1] =	stream.indirect.gather [hbm4b:s4+s14], $0x80, s3, s14, $0xb8;
	v63 =	vld [tilespmem:$0x0]  }
0xaf: {  	[tilespmem:s16], [sflag:$0x2] =	stream.indirect.gather [hbm4b:s4+s14], $0x80, s14, s14, $0xb8;
	v63 =	vld [tilespmem:$0x0]  }
0xb0: {  	_ =	swait.ge [sflag:s17], $0x4000  }
0xb1: {  	[sflag:s17] =	ssyncset.done $0x0  }
0xb2: {  	[sflag:s17] =	ssyncadd.s32 $0xFFFFC000  }
0xb3: {  	[spmem:s2] =	stream.indirect.scatter.add.f32 [tilespmem:s15], [sflag:$0x3], $0x80, s13, s14, $0xb8;
	v63 =	vld [tilespmem:$0x0]  }
0xb4: {  	_ =	swait.ge [sflag:s18], $0x4000  }
0xb5: {  	[sflag:s18] =	ssyncset.done $0x0  }
0xb6: {  	[sflag:s18] =	ssyncadd.s32 $0xFFFFC000  }
0xb7: {  	_ =	swait.ge [sflag:s19], $0x4000  }
0xb8: {  	[sflag:s19] =	ssyncset.done $0x0  }
0xb9: {  	[sflag:s19] =	ssyncadd.s32 $0xFFFFC000  }
0xba: {  	[tilespmem:s15], [sflag:$0x1] =	stream.indirect.gather [hbm4b:s4+s14], $0x80, s20, s14, $0xb8;
	v63 =	vld [tilespmem:$0x0]  }
0xbb: {  	s31 =	simm.s32 $0xFFFF8800  }
0xbc: {  	[spmem:s2] =	stream.indirect.scatter.add.f32 [tilespmem:s16], [sflag:$0x4], $0x80, s21, s14, $0xb8;
	v63 =	vld [tilespmem:$0x0]  }
.LBB2_3:
0xbd: {  	_ =	swait.ge [sflag:s22], $0x4000  }
0xbe: {  	s0 =	sshra.s32 s31, $0x2;
	[sflag:s22] =	ssyncset.done $0x0  }
0xbf: {  	s1 =	sadd.s32 $0x1F80, s0;
	[sflag:s22] =	ssyncadd.s32 $0xFFFFC000  }
0xc0: {  	[tilespmem:s16], [sflag:$0x2] =	stream.indirect.gather [hbm4b:s4+s14], $0x80, s1, s14, $0xb8;
	v63 =	vld [tilespmem:$0x0]  }
0xc1: {  	_ =	swait.ge [sflag:s17], $0x4000  }
0xc2: {  	[sflag:s17] =	ssyncset.done $0x0  }
0xc3: {  	s1 =	sadd.s32 $0x3F00, s0;
	[sflag:s17] =	ssyncadd.s32 $0xFFFFC000  }
0xc4: {  	[spmem:s2] =	stream.indirect.scatter.add.f32 [tilespmem:s15], [sflag:$0x3], $0x80, s1, s14, $0xb8;
	v63 =	vld [tilespmem:$0x0]  }
0xc5: {  	p1 =	seq.s32 s31, $0x0;
	_ =	swait.ge [sflag:s18], $0x4000  }
.Ltmp3:
0xc6: {  	[sflag:s18] =	ssyncset.done $0x0;
	(pc) =	sbr.rel @p1 .LBB2_6-.Ltmp3, $4  }
0xc7: {  	[sflag:s18] =	ssyncadd.s32 $0xFFFFC000  }
0xc8: {  	_ =	swait.ge [sflag:s19], $0x4000  }
0xc9: {  	[sflag:s19] =	ssyncset.done $0x0  }
0xca: {  	s1 =	sadd.s32 $0x3F80, s0;
	[sflag:s19] =	ssyncadd.s32 $0xFFFFC000  }
.Ltmp4:
0xcb: {  	(pc) =	sbr.rel .LBB2_3-.Ltmp4, $4  }
0xcc: {  	s0 =	sadd.s32 $0x2000, s0  }
0xcd: {  	[tilespmem:s15], [sflag:$0x1] =	stream.indirect.gather [hbm4b:s4+s14], $0x80, s0, s14, $0xb8;
	v63 =	vld [tilespmem:$0x0]  }
0xce: {  	s31 =	sadd.s32 $0x400, s31  }
0xcf: {  	[spmem:s2] =	stream.indirect.scatter.add.f32 [tilespmem:s16], [sflag:$0x4], $0x80, s1, s14, $0xb8;
	v63 =	vld [tilespmem:$0x0]  }
.LBB2_7:
0xd0: {  	_ =	sfence.sel $0x180000  }
0xd1: {  	[bflag:$0x0] =	sbarrier.arrive $0xFFFF  }
0xd2: {  	_ =	strace $0x9000004A  }
0xd3: {  	s0 =	stileid.u32;
	[bflag:$0x2] =	sbarrier.arrive $0xFFFF  }
0xd4: {  	p0 =	sne.s32 s0, $0x0;
	s0 =	rddreg [dreg:$0x2]  }
0xd5: {  	s0 =	sadd.s32 @!p0 $0x100000, s0  }
0xd6: {  	[sflag:s0] =	ssyncadd.tile.s32 @!p0 $0x1;
	_ =	shalt  }
.Lfunc_end2:
_tile_overlayer_lowered:
.L_overlay_start_2:
0xd7: {  	(tag) =	ssettag $0x2  }
0xd8: {  	s0 =	rddreg [dreg:$0x0];
	s2 =	stileid.u32  }
0xd9: {  	s1 =	rddreg [dreg:$0x1];
	p0 =	sne.s32 s2, $0x0  }
0xda: {  	s3 =	rddreg [dreg:$0x2];
	[bflag:$0x3] =	sbarrier.arrive $0xFFFF;
	s2 =	simm.s32 @!p0 $0x1C05  }
0xdb: {  	[timem:s3], [sflag:s2] =	dma.local @!p0 [hbm:s0], s1  }
0xdc: {  	s0 =	simm.s32 @!p0 $0x5  }
0xdd: {  	_ =	swait.ge @!p0 [sflag:s0], s1  }
0xde: {  	s1 =	ssub.s32 @!p0 $0x0, s1;
	[sflag:s0] =	ssyncset.done @!p0 $0x0  }
0xdf: {  	[sflag:s0] =	ssyncadd.s32 @!p0 s1  }
0xe0: {  	[bflag:$0x3] =	sbarrier.arrive $0xFFFF  }
0xe1: {  	_ =	shalt  }

// kernel: kernel.18.cloned.1.call-start
scs
__scs_entry_jumppad:
0x0: {  	(pc) =	sbr.rel $0x88, $3  }
0x1: {  	(tag) =	ssettag $0x0;
	lr =	simm.s32 $0x1  }
0x2: {  	[smem:$0x3F90] =	sst lr;
	_ =	strace $0xD0000000  }
0x3: {  	_ = 	snop  }
0x4: {  	_ = 	snop  }
0x5: {  	_ = 	snop  }
0x6: {  	_ = 	snop  }
0x7: {  	_ = 	snop  }
__scs_overlays_trampoline_lowered:
0x8: {  	[smem:$0x3F9F] =	sst s0  }
0x9: {  	[smem:$0x3FA0] =	sst s1  }
0xa: {  	[smem:$0x3FA1] =	sst s2  }
0xb: {  	[smem:$0x3FA2] =	sst s3  }
0xc: {  	[smem:$0x3FA3] =	sst s4  }
0xd: {  	[smem:$0x3FA4] =	sst s5  }
0xe: {  	[smem:$0x3FA5] =	sst s6  }
0xf: {  	[smem:$0x3FA6] =	sst s7  }
0x10: {  	[smem:$0x3FA7] =	sst s8  }
0x11: {  	[smem:$0x3FA8] =	sst s9;
	s0 =	simm.s32 @!p0 $0x0  }
0x12: {  	s1 =	sld [smem:$0x3F8E];
	s0 =	simm.s32 @p0 $0x1  }
0x13: {  	[smem:$0x3FA9] =	sst s0;
	s0 =	simm.s32 @!p1 $0x0  }
0x14: {  	s2 =	sld [smem:$0x3F8D];
	s0 =	simm.s32 @p1 $0x1  }
0x15: {  	[smem:$0x3FAA] =	sst s0;
	s0 =	simm.s32 @!p2 $0x0  }
0x16: {  	s3 =	sld [smem:$0x3FDB];
	s0 =	simm.s32 @p2 $0x1  }
0x17: {  	s4 =	simm.s32 $0x1BF5;
	[smem:$0x3FAC] =	sst s0  }
0x18: {  	s0 =	sld [smem:$0x3F8F];
	_ =	swait.ge [sflag:s4], $0x0  }
0x19: {  	s7 =	sld [smem:$0x3F90]  }
0x1a: {  	s8 =	sadd.s32 $0xFFFFE003, lr  }
0x1b: {  	s9 =	sadd.s32 $0xFFFFFEF7, lr;
	s5 =	simm.s32 $0xFFFFFFFF;
	p2 =	slt.u32 s8, $0xFFFFF086  }
0x1c: {  	p1 =	slt.u32 s9, $0xF7A;
	s5 =	simm.s32 @!p2 $0x0  }
0x1d: {  	s5 =	simm.s32 @p1 $0x1;
	p0 =	seq.s32 s7, s2  }
0x1e: {  	s7 =	smul.u32 @!p0 $0xF7A, s2;
	p2 =	seq.s32 @!p0 s5, $0x0  }
0x1f: {  	s9 =	smul.u32 $0xF7A, s1;
	s8 =	simm.s32 @!p0 $0x1BF5;
	p2 =	por !p2, p0  }
0x20: {  	[sflag:s8] =	ssyncset.s32 @!p0 $0xFFFFF086;
	s6 =	sadd.s32 @!p0 s3, s7;
	s7 =	simm.s32 @!p0 $0x108  }
0x21: {  	s3 =	sadd.s32 s3, s9;
	s6 =	sadd.s32 @!p0 $0x88, s6;
	s7 =	simm.s32 @p2 $0x1082  }
0x22: {  	[simem:s7], [sflag:s8] =	dma.local @!p0 [hbm:s6], $0xF7A  }
0x23: {  	s9 =	sor.u32 $0xD0000000, s2;
	s6 =	simm.s32 $0x108;
	_ =	swait.ge @!p0 [sflag:s8], $0x0  }
0x24: {  	s3 =	sadd.s32 $0x88, s3;
	s6 =	simm.s32 @!p1 $0x1082;
	[sflag:s4] =	ssyncset.s32 $0xFFFFF086  }
0x25: {  	[simem:s6], [sflag:s4] =	dma.local [hbm:s3], $0xF7A  }
0x26: {  	[smem:$0x3F90] =	sst s1;
	(tag) =	ssettag s2;
	_ =	strace s9  }
0x27: {  	s1 =	sld [smem:$0x3FA0]  }
0x28: {  	s2 =	sld [smem:$0x3FA1]  }
0x29: {  	s4 =	sld [smem:$0x3FA3]  }
0x2a: {  	p0 =	seq.s32 s5, $0x0;
	s5 =	sld [smem:$0x3FA4]  }
0x2b: {  	s6 =	sld [smem:$0x3FA5]  }
0x2c: {  	s7 =	sld [smem:$0x3FA6]  }
0x2d: {  	s3 =	simm.s32 $0x108;
	s8 =	sld [smem:$0x3FA7]  }
0x2e: {  	s3 =	simm.s32 @!p0 $0x1082;
	s9 =	sld [smem:$0x3FA8]  }
0x2f: {  	lr =	sadd.s32 s0, s3;
	s0 =	sld [smem:$0x3F9F]  }
0x30: {  	s3 =	sld [smem:$0x3FA2]  }
0x31: {  	[smem:$0x3FAB] =	sst s10  }
0x32: {  	s10 =	sld [smem:$0x3FA9];
	_ =	sdelay $0x3  }
0x33: {  	p0 =	seq.s32 s10, $0x1;
	s10 =	sld [smem:$0x3FAB];
	_ =	sdelay $0x3  }
0x34: {  	[smem:$0x3FAB] =	sst s10  }
0x35: {  	s10 =	sld [smem:$0x3FAA];
	_ =	sdelay $0x3  }
0x36: {  	p1 =	seq.s32 s10, $0x1;
	s10 =	sld [smem:$0x3FAB];
	_ =	sdelay $0x3  }
0x37: {  	[smem:$0x3FAB] =	sst s10  }
0x38: {  	s10 =	sld [smem:$0x3FAC]  }
0x39: {  	_ = 	snop;
	(pc) =	sbr.ind lr, $3  }
0x3a: {  	_ = 	snop  }
0x3b: {  	_ = 	snop  }
0x3c: {  	p2 =	seq.s32 s10, $0x1;
	s10 =	sld [smem:$0x3FAB]  }
0x3d: {  	_ =	shalt  }
0x3e: {  	_ =	shalt  }
0x3f: {  	_ =	shalt  }
0x40: {  	_ =	shalt  }
0x41: {  	_ =	shalt  }
0x42: {  	_ =	shalt  }
0x43: {  	_ =	shalt  }
0x44: {  	_ =	shalt  }
0x45: {  	_ =	shalt  }
0x46: {  	_ =	shalt  }
0x47: {  	_ =	shalt  }
0x48: {  	_ =	shalt  }
0x49: {  	_ =	shalt  }
0x4a: {  	_ =	shalt  }
0x4b: {  	_ =	shalt  }
0x4c: {  	_ =	shalt  }
0x4d: {  	_ =	shalt  }
0x4e: {  	_ =	shalt  }
0x4f: {  	_ =	shalt  }
0x50: {  	_ =	shalt  }
0x51: {  	_ =	shalt  }
0x52: {  	_ =	shalt  }
0x53: {  	_ =	shalt  }
0x54: {  	_ =	shalt  }
0x55: {  	_ =	shalt  }
0x56: {  	_ =	shalt  }
0x57: {  	_ =	shalt  }
0x58: {  	_ =	shalt  }
0x59: {  	_ =	shalt  }
0x5a: {  	_ =	shalt  }
0x5b: {  	_ =	shalt  }
0x5c: {  	_ =	shalt  }
0x5d: {  	_ =	shalt  }
0x5e: {  	_ =	shalt  }
0x5f: {  	_ =	shalt  }
0x60: {  	_ =	shalt  }
0x61: {  	_ =	shalt  }
0x62: {  	_ =	shalt  }
0x63: {  	_ =	shalt  }
0x64: {  	_ =	shalt  }
0x65: {  	_ =	shalt  }
0x66: {  	_ =	shalt  }
0x67: {  	_ =	shalt  }
0x68: {  	_ =	shalt  }
0x69: {  	_ =	shalt  }
0x6a: {  	_ =	shalt  }
0x6b: {  	_ =	shalt  }
0x6c: {  	_ =	shalt  }
0x6d: {  	_ =	shalt  }
0x6e: {  	_ =	shalt  }
0x6f: {  	_ =	shalt  }
0x70: {  	_ =	shalt  }
0x71: {  	_ =	shalt  }
0x72: {  	_ =	shalt  }
0x73: {  	_ =	shalt  }
0x74: {  	_ =	shalt  }
0x75: {  	_ =	shalt  }
0x76: {  	_ =	shalt  }
0x77: {  	_ =	shalt  }
0x78: {  	_ =	shalt  }
0x79: {  	_ =	shalt  }
0x7a: {  	_ =	shalt  }
0x7b: {  	_ =	shalt  }
0x7c: {  	_ =	shalt  }
0x7d: {  	_ =	shalt  }
0x7e: {  	_ =	shalt  }
0x7f: {  	_ =	shalt  }
0x80: {  	_ =	shalt  }
0x81: {  	_ =	shalt  }
0x82: {  	_ =	shalt  }
0x83: {  	_ =	shalt  }
0x84: {  	_ =	shalt  }
0x85: {  	_ =	shalt  }
0x86: {  	_ =	shalt  }
0x87: {  	_ =	shalt  }
.Lfunc_end0:
.L_simem_size_0:
called_computation.1_lowered:
.L_overlay_start_0:
0x88: {  	s2 =	sld [smem:$0x3FD9]  }
0x89: {  	s3 =	sld [smem:$0x3FFE];
	_ =	sdelay $0x1  }
0x8a: {  	s1 =	srdreg.scid  }
0x8b: {  	s0 =	sand.u32 $0x1, s1  }
0x8c: {  	s16 =	sshll.u32 s0, $0xA;
	s2 =	sadd.s32 s3, s2  }
0x8d: {  	s2 =	sadd.s32 s2, s16  }
0x8e: {  	[smem:$0x3FB7] =	sst s2  }
0x8f: {  	_ = 	snop  }
0x90: {  	(tm) =	ssettm $0x1  }
0x91: {  	s17 =	sld [smem:$0x3FFB];
	_ =	sdelay $0x3  }
0x92: {  	_ =	strace s17  }
0x93: {  	s2 =	sld [smem:$0x3FFC];
	_ =	sdelay $0x3  }
0x94: {  	_ =	strace s2  }
0x95: {  	s2 =	sld [smem:$0x3FFD];
	_ =	sdelay $0x3  }
0x96: {  	_ =	strace s2  }
0x97: {  	_ =	strace $0x8FFFFFFF  }
0x98: {  	s18 =	sld [smem:$0x3FDB];
	_ =	sdelay $0x1  }
0x99: {  	s19 =	simm.s32 $_scs_section_size  }
0x9a: {  	s4 =	simm.s32 $_size__tile_overlayer_lowered;
	s5 =	simm.s32 $_tile_overlayer_lowered  }
0x9b: {  	s22 =	simm.s32 $0x1BFF;
	s21 =	sshll.u32 s5, $0x1;
	s2 =	sadd.s32 s19, s18  }
0x9c: {  	s6 =	simm.s32 $0x0;
	s20 =	sshll.u32 s4, $0x1;
	s4 =	sadd.s32 s21, s2  }
0x9d: {  	[timem:s6], [sflag:s22] =	dma.local [hbm:s4], s20  }
0x9e: {  	_ =	swait.ge [sflag:s22], s20  }
0x9f: {  	s3 =	ssub.s32 $0x0, s20;
	[sflag:s22] =	ssyncset.done $0x0  }
0xa0: {  	[sflag:s22] =	ssyncadd.s32 s3;
	_ =	sdelay $0x1  }
0xa1: {  	s23 =	simm.s32 $0x1B8B  }
0xa2: {  	_ =	swait.ge [sflag:s23], $0x1  }
0xa3: {  	[sflag:s23] =	ssyncset.done $0x0  }
0xa4: {  	s25 =	simm.s32 $0x1B8E;
	s24 =	sld [smem:$0x3FFE];
	[sflag:s23] =	ssyncadd.s32 $0xFFFFFFFF  }
0xa5: {  	s26 =	simm.s32 $execute0_lowered;
	[smem:$0x3FD2] =	sst s25  }
0xa6: {  	s4 =	sshll.u32 s26, $0x1;
	_ =	strace $0x80000046;
	[dreg:$0x1] =	wrdreg $0xFFFFFFFF  }
0xa7: {  	s28 =	simm.s32 $_size_execute0_lowered;
	s2 =	sadd.s32 s2, s4;
	[dreg:$0x0] =	wrdreg $0x0  }
0xa8: {  	s4 =	sshll.u32 s28, $0x1;
	[dreg:$0x2] =	wrdreg s2  }
0xa9: {  	[dreg:$0x3] =	wrdreg s4  }
0xaa: {  	[dreg:$0x4] =	wrdreg $0xC0  }
0xab: {  	_ =	task [dreg:s6], $0x5FFFF  }
0xac: {  	[dreg:$0x1] =	wrdreg $0xFFFFFFFF  }
0xad: {  	[dreg:$0x0] =	wrdreg $0x60  }
0xae: {  	[dreg:$0x2] =	wrdreg s24  }
0xaf: {  	[dreg:$0x3] =	wrdreg $0x54000  }
0xb0: {  	[dreg:$0x4] =	wrdreg $0xA  }
0xb1: {  	_ =	task.clear_ibuf [dreg:s6], $0x5FFFF;
	_ =	strace $0x90000046  }
0xb2: {  	s29 =	simm.s32 $0xA;
	_ =	strace $0x80000048  }
0xb3: {  	_ =	swait.ge [sflag:s29], $0x1  }
0xb4: {  	[sflag:s29] =	ssyncadd.s32 $0xFFFFFFFF  }
0xb5: {  	_ =	strace $0x90000048  }
0xb6: {  	_ =	sfence  }
0xb7: {  	s30 =	sld [smem:$0x0];
	_ =	sdelay $0x2  }
0xb8: {  	s31 =	sshll.u32 s1, $0xD;
	s1 =	sshrl.u32 s1, $0x2  }
0xb9: {  	s3 =	sand.u32 $0x4000, s31;
	s1 =	sadd.s32 s1, s30  }
0xba: {  	s0 =	sor.u32 s3, s0;
	s1 =	sshll.u32 s1, $0x11  }
0xbb: {  	s0 =	sor.u32 s1, s0  }
0xbc: {  	s0 =	sadd.s32 $0x8F2B, s0  }
0xbd: {  	[sflag:s0] =	ssyncadd.remote.s32 $0x1  }
0xbe: {  	_ =	sfence.sel $0xFFFF  }
0xbf: {  	[dreg:$0x0] =	wrdreg $0xFFFFFFFF;
	(pc) =	sbr.abs _section_cstart, $3  }
0xc0: {  	[dreg:$0x1] =	wrdreg $0xFFFFFFFF  }
0xc1: {  	_ =	task.clear_ibuf [dreg:s6], $0x2FFFF;
	_ =	strace $0x9FFFFFFF  }
0xc2: {  	(tm) =	ssettm $0x7FFFFFFF  }
0xc3: {  	_ =	shalt  }
tec
execute0_lowered:
.L_overlay_start_1:
0x0: {  	(tag) =	ssettag $0x1  }
0x1: {  	s0 =	srdreg.scid;
	s5 =	rddreg [dreg:$0x0]  }
0x2: {  	s2 =	rddreg [dreg:$0x1];
	s4 =	sand.u32 $0x1, s0;
	s0 =	stileid.u32  }
0x3: {  	s3 =	simm.s32 $0x0;
	s14 =	simm.s32 $0x0;
	s7 =	smul.u32 $0x14000, s0  }
0x4: {  	[smem:$0x7FF] =	sst s3;
	s1 =	sshll.u32 s4, $0x4;
	s9 =	smul.u32 $0x140000, s4  }
0x5: {  	s28 =	ssub.s32 $0x2, s4;
	s29 =	smul.u32 $0x50000, s0;
	s4 =	sadd.s32 $0x39400, s5  }
0x6: {  	s31 =	sshll.u32 s0, $0x6;
	s6 =	sor.u32 s0, s1;
	s1 =	rddreg [dreg:$0x2]  }
0x7: {  	_ =	strace $0x80000047;
	s11 =	sshrl.u32 s28, $0x1;
	s6 =	smul.u32 $0x280, s6  }
0x8: {  	s8 =	sshrl.u32 s7, $0x3;
	s7 =	sadd.s32 s7, s9;
	s11 =	ssub.s32 s28, s11  }
0x9: {  	s30 =	sshrl.u32 s29, $0x2;
	s26 =	sadd.s32 s8, s5;
	s7 =	sshrl.u32 s7, $0x3  }
0xa: {  	s13 =	sadd.s32 s30, s2;
	s9 =	smax.u32 s11, $0x1;
	s11 =	simm.s32 $0x1  }
0xb: {  	s10 =	sadd.s32 s6, s5;
	s12 =	sadd.s32 s7, s5;
	s5 =	sadd.s32 $0x11400, s26  }
0xc: {  	s6 =	sor.u32 $0x1C01, s31;
	s7 =	sadd.s32 $0x6C00, s10;
	s8 =	sadd.s32 $0x39C00, s12  }
0xd: {  	s10 =	sshrl.u32 s13, $0x3;
	s12 =	simm.s32 $0x1400;
	s13 =	simm.s32 $0x80  }
.LBB2_1:
0xe: {  	[spmem:s10], [sflag:s6] =	dma.local [hbm:s5], $0x2800  }
0xf: {  	_ =	swait.ge [sflag:s11], $0x2800  }
0x10: {  	[sflag:s11] =	ssyncset.done $0x0  }
0x11: {  	[sflag:s11] =	ssyncadd.s32 $0xFFFFD800  }
0x12: {  	[tilespmem:s12], [sflag:$0x1] =	stream.linear.gather [hbm4b:s4+s3], $0x4000, $0x38;
	[tilespmem:$0x19400] =	vst v63  }
0x13: {  	_ =	swait.ge [sflag:s11], $0x4000  }
0x14: {  	[sflag:s11] =	ssyncset.done $0x0  }
0x15: {  	[sflag:s11] =	ssyncadd.s32 $0xFFFFC000  }
0x16: {  	[bflag:$0x0] =	sbarrier.arrive $0xFFFF  }
0x17: {  	[tilespmem:s3], [sflag:$0x1] =	stream.linear.gather [hbm4b:s7+s3], $0x1400, $0x38;
	[tilespmem:$0x19400] =	vst v63  }
0x18: {  	_ =	swait.ge [sflag:s11], $0x1400  }
0x19: {  	[sflag:s11] =	ssyncset.done $0x0  }
0x1a: {  	s15 =	simm.s32 $0x0;
	[sflag:s11] =	ssyncadd.s32 $0xFFFFEC00  }
0x1b: {  	[spmem:s2] =	stream.indirect.scatter.add.f32 [tilespmem:s12], [sflag:$0x1], $0x80, s15, s13, $0xb8;
	[tilespmem:$0x19400] =	vst v63  }
0x1c: {  	_ =	swait.ge [sflag:s11], $0x4000  }
0x1d: {  	s15 =	simm.s32 $0x200;
	[sflag:s11] =	ssyncset.done $0x0  }
.LBB2_2:
0x1e: {  	s16 =	sshra.s32 s15, $0x2;
	[sflag:s11] =	ssyncadd.s32 $0xFFFFC000;
	p0 =	sne.s32 s15, $0x4E00  }
0x1f: {  	[spmem:s2] =	stream.indirect.scatter.add.f32 [tilespmem:s12], [sflag:$0x1], $0x80, s16, s13, $0xb8;
	[tilespmem:$0x19400] =	vst v63  }
.Ltmp0:
0x20: {  	_ = 	snop;
	(pc) =	sbr.rel @p0 .LBB2_2-.Ltmp0, $4  }
0x21: {  	_ = 	snop  }
0x22: {  	s15 =	sadd.s32 $0x200, s15  }
0x23: {  	_ =	swait.ge [sflag:s11], $0x4000  }
0x24: {  	[sflag:s11] =	ssyncset.done $0x0  }
0x25: {  	s14 =	sadd.s32 $0x1, s14  }
0x26: {  	[sflag:s11] =	ssyncadd.s32 $0xFFFFC000;
	p0 =	sne.s32 s14, s9  }
.Ltmp1:
0x27: {  	[bflag:$0x0] =	sbarrier.arrive $0xFFFF;
	(pc) =	sbr.rel @p0 .LBB2_1-.Ltmp1, $4  }
0x28: {  	[hbm:s8], [sflag:s6] =	dma.local [spmem:s10], $0x2800  }
0x29: {  	_ =	swait.ge [sflag:s11], $0x2800  }
0x2a: {  	[sflag:s11] =	ssyncset.done $0x0  }
0x2b: {  	[sflag:s11] =	ssyncadd.s32 $0xFFFFD800  }
0x2c: {  	_ =	sfence.sel $0x180000  }
0x2d: {  	[bflag:$0x0] =	sbarrier.arrive $0xFFFF  }
0x2e: {  	p0 =	sne.s32 s0, $0x0;
	_ =	strace $0x90000047  }
0x2f: {  	s0 =	sadd.s32 @!p0 $0x100000, s1;
	[bflag:$0x2] =	sbarrier.arrive $0xFFFF  }
0x30: {  	[sflag:s0] =	ssyncadd.tile.s32 @!p0 $0x1;
	_ =	shalt  }
.Lfunc_end2:
_tile_overlayer_lowered:
.L_overlay_start_2:
0x31: {  	(tag) =	ssettag $0x2  }
0x32: {  	s0 =	rddreg [dreg:$0x0];
	s2 =	stileid.u32  }
0x33: {  	s1 =	rddreg [dreg:$0x1];
	p0 =	sne.s32 s2, $0x0  }
0x34: {  	s3 =	rddreg [dreg:$0x2];
	[bflag:$0x3] =	sbarrier.arrive $0xFFFF;
	s2 =	simm.s32 @!p0 $0x1C01  }
0x35: {  	[timem:s3], [sflag:s2] =	dma.local @!p0 [hbm:s0], s1  }
0x36: {  	s0 =	simm.s32 @!p0 $0x1  }
0x37: {  	_ =	swait.ge @!p0 [sflag:s0], s1  }
0x38: {  	s1 =	ssub.s32 @!p0 $0x0, s1;
	[sflag:s0] =	ssyncset.done @!p0 $0x0  }
0x39: {  	[sflag:s0] =	ssyncadd.s32 @!p0 s1  }
0x3a: {  	[bflag:$0x3] =	sbarrier.arrive $0xFFFF  }
0x3b: {  	_ =	shalt  }

// kernel: kernel.21.cloned.1.call-start
scs
__scs_entry_jumppad:
0x0: {  	(pc) =	sbr.rel $0x88, $3  }
0x1: {  	(tag) =	ssettag $0x0;
	lr =	simm.s32 $0x1  }
0x2: {  	[smem:$0x3F90] =	sst lr;
	_ =	strace $0xD0000000  }
0x3: {  	_ = 	snop  }
0x4: {  	_ = 	snop  }
0x5: {  	_ = 	snop  }
0x6: {  	_ = 	snop  }
0x7: {  	_ = 	snop  }
__scs_overlays_trampoline_lowered:
0x8: {  	[smem:$0x3F9F] =	sst s0  }
0x9: {  	[smem:$0x3FA0] =	sst s1  }
0xa: {  	[smem:$0x3FA1] =	sst s2  }
0xb: {  	[smem:$0x3FA2] =	sst s3  }
0xc: {  	[smem:$0x3FA3] =	sst s4  }
0xd: {  	[smem:$0x3FA4] =	sst s5  }
0xe: {  	[smem:$0x3FA5] =	sst s6  }
0xf: {  	[smem:$0x3FA6] =	sst s7  }
0x10: {  	[smem:$0x3FA7] =	sst s8  }
0x11: {  	[smem:$0x3FA8] =	sst s9;
	s0 =	simm.s32 @!p0 $0x0  }
0x12: {  	s1 =	sld [smem:$0x3F8E];
	s0 =	simm.s32 @p0 $0x1  }
0x13: {  	[smem:$0x3FA9] =	sst s0;
	s0 =	simm.s32 @!p1 $0x0  }
0x14: {  	s2 =	sld [smem:$0x3F8D];
	s0 =	simm.s32 @p1 $0x1  }
0x15: {  	[smem:$0x3FAA] =	sst s0;
	s0 =	simm.s32 @!p2 $0x0  }
0x16: {  	s3 =	sld [smem:$0x3FDB];
	s0 =	simm.s32 @p2 $0x1  }
0x17: {  	s4 =	simm.s32 $0x1BF5;
	[smem:$0x3FAC] =	sst s0  }
0x18: {  	s0 =	sld [smem:$0x3F8F];
	_ =	swait.ge [sflag:s4], $0x0  }
0x19: {  	s7 =	sld [smem:$0x3F90]  }
0x1a: {  	s8 =	sadd.s32 $0xFFFFE003, lr  }
0x1b: {  	s9 =	sadd.s32 $0xFFFFFEF7, lr;
	s5 =	simm.s32 $0xFFFFFFFF;
	p2 =	slt.u32 s8, $0xFFFFF086  }
0x1c: {  	p1 =	slt.u32 s9, $0xF7A;
	s5 =	simm.s32 @!p2 $0x0  }
0x1d: {  	s5 =	simm.s32 @p1 $0x1;
	p0 =	seq.s32 s7, s2  }
0x1e: {  	s7 =	smul.u32 @!p0 $0xF7A, s2;
	p2 =	seq.s32 @!p0 s5, $0x0  }
0x1f: {  	s9 =	smul.u32 $0xF7A, s1;
	s8 =	simm.s32 @!p0 $0x1BF5;
	p2 =	por !p2, p0  }
0x20: {  	[sflag:s8] =	ssyncset.s32 @!p0 $0xFFFFF086;
	s6 =	sadd.s32 @!p0 s3, s7;
	s7 =	simm.s32 @!p0 $0x108  }
0x21: {  	s3 =	sadd.s32 s3, s9;
	s6 =	sadd.s32 @!p0 $0x88, s6;
	s7 =	simm.s32 @p2 $0x1082  }
0x22: {  	[simem:s7], [sflag:s8] =	dma.local @!p0 [hbm:s6], $0xF7A  }
0x23: {  	s9 =	sor.u32 $0xD0000000, s2;
	s6 =	simm.s32 $0x108;
	_ =	swait.ge @!p0 [sflag:s8], $0x0  }
0x24: {  	s3 =	sadd.s32 $0x88, s3;
	s6 =	simm.s32 @!p1 $0x1082;
	[sflag:s4] =	ssyncset.s32 $0xFFFFF086  }
0x25: {  	[simem:s6], [sflag:s4] =	dma.local [hbm:s3], $0xF7A  }
0x26: {  	[smem:$0x3F90] =	sst s1;
	(tag) =	ssettag s2;
	_ =	strace s9  }
0x27: {  	s1 =	sld [smem:$0x3FA0]  }
0x28: {  	s2 =	sld [smem:$0x3FA1]  }
0x29: {  	s4 =	sld [smem:$0x3FA3]  }
0x2a: {  	p0 =	seq.s32 s5, $0x0;
	s5 =	sld [smem:$0x3FA4]  }
0x2b: {  	s6 =	sld [smem:$0x3FA5]  }
0x2c: {  	s7 =	sld [smem:$0x3FA6]  }
0x2d: {  	s3 =	simm.s32 $0x108;
	s8 =	sld [smem:$0x3FA7]  }
0x2e: {  	s3 =	simm.s32 @!p0 $0x1082;
	s9 =	sld [smem:$0x3FA8]  }
0x2f: {  	lr =	sadd.s32 s0, s3;
	s0 =	sld [smem:$0x3F9F]  }
0x30: {  	s3 =	sld [smem:$0x3FA2]  }
0x31: {  	[smem:$0x3FAB] =	sst s10  }
0x32: {  	s10 =	sld [smem:$0x3FA9];
	_ =	sdelay $0x3  }
0x33: {  	p0 =	seq.s32 s10, $0x1;
	s10 =	sld [smem:$0x3FAB];
	_ =	sdelay $0x3  }
0x34: {  	[smem:$0x3FAB] =	sst s10  }
0x35: {  	s10 =	sld [smem:$0x3FAA];
	_ =	sdelay $0x3  }
0x36: {  	p1 =	seq.s32 s10, $0x1;
	s10 =	sld [smem:$0x3FAB];
	_ =	sdelay $0x3  }
0x37: {  	[smem:$0x3FAB] =	sst s10  }
0x38: {  	s10 =	sld [smem:$0x3FAC]  }
0x39: {  	_ = 	snop;
	(pc) =	sbr.ind lr, $3  }
0x3a: {  	_ = 	snop  }
0x3b: {  	_ = 	snop  }
0x3c: {  	p2 =	seq.s32 s10, $0x1;
	s10 =	sld [smem:$0x3FAB]  }
0x3d: {  	_ =	shalt  }
0x3e: {  	_ =	shalt  }
0x3f: {  	_ =	shalt  }
0x40: {  	_ =	shalt  }
0x41: {  	_ =	shalt  }
0x42: {  	_ =	shalt  }
0x43: {  	_ =	shalt  }
0x44: {  	_ =	shalt  }
0x45: {  	_ =	shalt  }
0x46: {  	_ =	shalt  }
0x47: {  	_ =	shalt  }
0x48: {  	_ =	shalt  }
0x49: {  	_ =	shalt  }
0x4a: {  	_ =	shalt  }
0x4b: {  	_ =	shalt  }
0x4c: {  	_ =	shalt  }
0x4d: {  	_ =	shalt  }
0x4e: {  	_ =	shalt  }
0x4f: {  	_ =	shalt  }
0x50: {  	_ =	shalt  }
0x51: {  	_ =	shalt  }
0x52: {  	_ =	shalt  }
0x53: {  	_ =	shalt  }
0x54: {  	_ =	shalt  }
0x55: {  	_ =	shalt  }
0x56: {  	_ =	shalt  }
0x57: {  	_ =	shalt  }
0x58: {  	_ =	shalt  }
0x59: {  	_ =	shalt  }
0x5a: {  	_ =	shalt  }
0x5b: {  	_ =	shalt  }
0x5c: {  	_ =	shalt  }
0x5d: {  	_ =	shalt  }
0x5e: {  	_ =	shalt  }
0x5f: {  	_ =	shalt  }
0x60: {  	_ =	shalt  }
0x61: {  	_ =	shalt  }
0x62: {  	_ =	shalt  }
0x63: {  	_ =	shalt  }
0x64: {  	_ =	shalt  }
0x65: {  	_ =	shalt  }
0x66: {  	_ =	shalt  }
0x67: {  	_ =	shalt  }
0x68: {  	_ =	shalt  }
0x69: {  	_ =	shalt  }
0x6a: {  	_ =	shalt  }
0x6b: {  	_ =	shalt  }
0x6c: {  	_ =	shalt  }
0x6d: {  	_ =	shalt  }
0x6e: {  	_ =	shalt  }
0x6f: {  	_ =	shalt  }
0x70: {  	_ =	shalt  }
0x71: {  	_ =	shalt  }
0x72: {  	_ =	shalt  }
0x73: {  	_ =	shalt  }
0x74: {  	_ =	shalt  }
0x75: {  	_ =	shalt  }
0x76: {  	_ =	shalt  }
0x77: {  	_ =	shalt  }
0x78: {  	_ =	shalt  }
0x79: {  	_ =	shalt  }
0x7a: {  	_ =	shalt  }
0x7b: {  	_ =	shalt  }
0x7c: {  	_ =	shalt  }
0x7d: {  	_ =	shalt  }
0x7e: {  	_ =	shalt  }
0x7f: {  	_ =	shalt  }
0x80: {  	_ =	shalt  }
0x81: {  	_ =	shalt  }
0x82: {  	_ =	shalt  }
0x83: {  	_ =	shalt  }
0x84: {  	_ =	shalt  }
0x85: {  	_ =	shalt  }
0x86: {  	_ =	shalt  }
0x87: {  	_ =	shalt  }
.Lfunc_end0:
.L_simem_size_0:
called_computation.2_lowered:
.L_overlay_start_0:
0x88: {  	s2 =	sld [smem:$0x3FD9]  }
0x89: {  	s3 =	sld [smem:$0x3FFE];
	_ =	sdelay $0x1  }
0x8a: {  	s1 =	srdreg.scid  }
0x8b: {  	s0 =	sand.u32 $0x1, s1  }
0x8c: {  	s16 =	sshll.u32 s0, $0xA;
	s2 =	sadd.s32 s3, s2  }
0x8d: {  	s2 =	sadd.s32 s2, s16  }
0x8e: {  	[smem:$0x3FB7] =	sst s2  }
0x8f: {  	_ = 	snop  }
0x90: {  	(tm) =	ssettm $0x1  }
0x91: {  	s17 =	sld [smem:$0x3FFB];
	_ =	sdelay $0x3  }
0x92: {  	_ =	strace s17  }
0x93: {  	s2 =	sld [smem:$0x3FFC];
	_ =	sdelay $0x3  }
0x94: {  	_ =	strace s2  }
0x95: {  	s2 =	sld [smem:$0x3FFD];
	_ =	sdelay $0x3  }
0x96: {  	_ =	strace s2  }
0x97: {  	_ =	strace $0x8FFFFFFF  }
0x98: {  	s18 =	sld [smem:$0x3FDB];
	_ =	sdelay $0x1  }
0x99: {  	s19 =	simm.s32 $_scs_section_size  }
0x9a: {  	s4 =	simm.s32 $_size__tile_overlayer_lowered;
	s5 =	simm.s32 $_tile_overlayer_lowered  }
0x9b: {  	s22 =	simm.s32 $0x1BFF;
	s21 =	sshll.u32 s5, $0x1;
	s2 =	sadd.s32 s19, s18  }
0x9c: {  	s6 =	simm.s32 $0x0;
	s20 =	sshll.u32 s4, $0x1;
	s4 =	sadd.s32 s21, s2  }
0x9d: {  	[timem:s6], [sflag:s22] =	dma.local [hbm:s4], s20  }
0x9e: {  	_ =	swait.ge [sflag:s22], s20  }
0x9f: {  	s3 =	ssub.s32 $0x0, s20;
	[sflag:s22] =	ssyncset.done $0x0  }
0xa0: {  	[sflag:s22] =	ssyncadd.s32 s3;
	_ =	sdelay $0x1  }
0xa1: {  	s23 =	simm.s32 $0x1B8B  }
0xa2: {  	_ =	swait.ge [sflag:s23], $0x1  }
0xa3: {  	[sflag:s23] =	ssyncset.done $0x0  }
0xa4: {  	s25 =	simm.s32 $0x1B8E;
	s24 =	sld [smem:$0x3FFE];
	[sflag:s23] =	ssyncadd.s32 $0xFFFFFFFF  }
0xa5: {  	s26 =	simm.s32 $execute0_lowered;
	[smem:$0x3FD2] =	sst s25  }
0xa6: {  	s4 =	sshll.u32 s26, $0x1;
	_ =	strace $0x8000004C;
	[dreg:$0x1] =	wrdreg $0xFFFFFFFF  }
0xa7: {  	s28 =	simm.s32 $_size_execute0_lowered;
	s2 =	sadd.s32 s2, s4;
	[dreg:$0x0] =	wrdreg $0x0  }
0xa8: {  	s4 =	sshll.u32 s28, $0x1;
	[dreg:$0x2] =	wrdreg s2  }
0xa9: {  	[dreg:$0x3] =	wrdreg s4  }
0xaa: {  	[dreg:$0x4] =	wrdreg $0xC0  }
0xab: {  	_ =	task [dreg:s6], $0x5FFFF  }
0xac: {  	[dreg:$0x1] =	wrdreg $0xFFFFFFFF  }
0xad: {  	[dreg:$0x0] =	wrdreg $0x60  }
0xae: {  	[dreg:$0x2] =	wrdreg s24  }
0xaf: {  	[dreg:$0x3] =	wrdreg $0xC0000  }
0xb0: {  	[dreg:$0x4] =	wrdreg $0x9  }
0xb1: {  	_ =	task.clear_ibuf [dreg:s6], $0x5FFFF;
	_ =	strace $0x9000004C  }
0xb2: {  	s29 =	simm.s32 $0x9;
	_ =	strace $0x8000004E  }
0xb3: {  	_ =	swait.ge [sflag:s29], $0x1  }
0xb4: {  	[sflag:s29] =	ssyncadd.s32 $0xFFFFFFFF  }
0xb5: {  	_ =	strace $0x9000004E  }
0xb6: {  	_ =	sfence  }
0xb7: {  	s30 =	sld [smem:$0x0];
	_ =	sdelay $0x2  }
0xb8: {  	s31 =	sshll.u32 s1, $0xD;
	s1 =	sshrl.u32 s1, $0x2  }
0xb9: {  	s3 =	sand.u32 $0x4000, s31;
	s1 =	sadd.s32 s1, s30  }
0xba: {  	s0 =	sor.u32 s3, s0;
	s1 =	sshll.u32 s1, $0x11  }
0xbb: {  	s0 =	sor.u32 s1, s0  }
0xbc: {  	s0 =	sadd.s32 $0x8F2B, s0  }
0xbd: {  	[sflag:s0] =	ssyncadd.remote.s32 $0x1  }
0xbe: {  	_ =	sfence.sel $0xFFFF  }
0xbf: {  	[dreg:$0x0] =	wrdreg $0xFFFFFFFF;
	(pc) =	sbr.abs _section_cstart, $3  }
0xc0: {  	[dreg:$0x1] =	wrdreg $0xFFFFFFFF  }
0xc1: {  	_ =	task.clear_ibuf [dreg:s6], $0x2FFFF;
	_ =	strace $0x9FFFFFFF  }
0xc2: {  	(tm) =	ssettm $0x7FFFFFFF  }
0xc3: {  	_ =	shalt  }
tec
execute0_lowered:
.L_overlay_start_1:
0x0: {  	(tag) =	ssettag $0x1  }
0x1: {  	s0 =	rddreg [dreg:$0x0]  }
0x2: {  	s2 =	rddreg [dreg:$0x1]  }
0x3: {  	s1 =	srdreg.scid;
	s3 =	simm.s32 $0x0;
	s12 =	stileid.u32  }
0x4: {  	s13 =	simm.s32 $0x2000;
	s14 =	simm.s32 $0x80;
	s15 =	simm.s32 $0x4000  }
0x5: {  	s16 =	simm.s32 $0x8000;
	s17 =	simm.s32 $0x1;
	s18 =	simm.s32 $0x2  }
0x6: {  	s19 =	simm.s32 $0x3;
	s20 =	simm.s32 $0x100;
	s21 =	simm.s32 $0x2080  }
0x7: {  	s22 =	simm.s32 $0x4;
	s28 =	simm.s32 $0x780;
	s29 =	simm.s32 $0x2700  }
0x8: {  	s30 =	simm.s32 $0x0;
	s1 =	sand.u32 $0x1, s1;
	[smem:$0x7FF] =	sst s3  }
0x9: {  	s4 =	sshll.u32 s12, $0x8;
	s5 =	sshll.u32 s12, $0xA;
	s7 =	smul.u32 $0x14000, s12  }
0xa: {  	s9 =	smul.u32 $0x50000, s12;
	s31 =	sshll.u32 s12, $0x6;
	s12 =	simm.s32 $0x5  }
0xb: {  	p0 =	seq.s32 s1, $0x0;
	s6 =	sor.u32 $0x4000, s4;
	_ =	strace $0x8000004D  }
0xc: {  	s23 =	smul.u32 $0x140000, s1;
	s4 =	sadd.s32 $0x60600, s0;
	s25 =	ssub.s32 $0x2, s1  }
0xd: {  	s6 =	smov.u32 @p0 s5;
	s24 =	sshrl.u32 s7, $0x3;
	s10 =	sshrl.u32 s25, $0x1  }
0xe: {  	s26 =	sshrl.u32 s9, $0x2;
	p0 =	sne.s32 s1, $0x0;
	s8 =	sadd.s32 s6, s0  }
0xf: {  	s5 =	sadd.s32 s7, s23;
	s6 =	sadd.s32 s24, s0;
	s10 =	ssub.s32 s25, s10  }
.Ltmp0:
0x10: {  	s11 =	sadd.s32 s26, s2;
	s23 =	simm.s32 $0x680;
	(pc) =	sbr.rel .LBB2_1-.Ltmp0, $4  }
0x11: {  	s24 =	simm.s32 $0x2600;
	s25 =	simm.s32 $0x700;
	s26 =	simm.s32 $0x2680  }
0x12: {  	s5 =	sshrl.u32 s5, $0x3;
	s7 =	sadd.s32 $0xC000, s8;
	s8 =	sadd.s32 $0x6C00, s8  }
0x13: {  	s10 =	smax.u32 s10, $0x1;
	s11 =	sshrl.u32 s11, $0x3;
	s0 =	sadd.s32 s5, s0  }
0x14: {  	s5 =	sadd.s32 $0x11400, s6;
	s6 =	sor.u32 $0x1C05, s31;
	s9 =	sadd.s32 $0x88600, s0  }
.LBB2_5:
0x15: {  	[tilespmem:s16], [sflag:$0x2] =	stream.indirect.gather [hbm4b:s4+s14], $0x80, s14, s14, $0xb8;
	v63 =	vld [tilespmem:$0x0]  }
0x16: {  	_ =	swait.ge [sflag:s17], $0x4000  }
0x17: {  	[sflag:s17] =	ssyncset.done $0x0  }
0x18: {  	[sflag:s17] =	ssyncadd.s32 $0xFFFFC000  }
0x19: {  	[spmem:s2] =	stream.indirect.scatter.add.f32 [tilespmem:s15], [sflag:$0x3], $0x80, s13, s14, $0xb8;
	v63 =	vld [tilespmem:$0x0]  }
0x1a: {  	_ =	swait.ge [sflag:s18], $0x4000  }
0x1b: {  	[sflag:s18] =	ssyncset.done $0x0  }
0x1c: {  	[sflag:s18] =	ssyncadd.s32 $0xFFFFC000  }
0x1d: {  	_ =	swait.ge [sflag:s19], $0x4000  }
0x1e: {  	[sflag:s19] =	ssyncset.done $0x0  }
0x1f: {  	[sflag:s19] =	ssyncadd.s32 $0xFFFFC000  }
0x20: {  	[tilespmem:s15], [sflag:$0x1] =	stream.indirect.gather [hbm4b:s4+s14], $0x80, s20, s14, $0xb8;
	v63 =	vld [tilespmem:$0x0]  }
0x21: {  	_ = 	snop  }
0x22: {  	[spmem:s2] =	stream.indirect.scatter.add.f32 [tilespmem:s16], [sflag:$0x4], $0x80, s21, s14, $0xb8;
	v63 =	vld [tilespmem:$0x0]  }
0x23: {  	_ =	swait.ge [sflag:s22], $0x4000  }
0x24: {  	[sflag:s22] =	ssyncset.done $0x0  }
0x25: {  	s0 =	simm.s32 $0x180;
	[sflag:s22] =	ssyncadd.s32 $0xFFFFC000  }
0x26: {  	[tilespmem:s16], [sflag:$0x2] =	stream.indirect.gather [hbm4b:s4+s14], $0x80, s0, s14, $0xb8;
	v63 =	vld [tilespmem:$0x0]  }
0x27: {  	_ =	swait.ge [sflag:s17], $0x4000  }
0x28: {  	[sflag:s17] =	ssyncset.done $0x0  }
0x29: {  	s31 =	simm.s32 $0x2100;
	[sflag:s17] =	ssyncadd.s32 $0xFFFFC000  }
0x2a: {  	[spmem:s2] =	stream.indirect.scatter.add.f32 [tilespmem:s15], [sflag:$0x3], $0x80, s31, s14, $0xb8;
	v63 =	vld [tilespmem:$0x0]  }
0x2b: {  	_ =	swait.ge [sflag:s18], $0x4000  }
0x2c: {  	[sflag:s18] =	ssyncset.done $0x0  }
0x2d: {  	[sflag:s18] =	ssyncadd.s32 $0xFFFFC000  }
0x2e: {  	_ =	swait.ge [sflag:s19], $0x4000  }
0x2f: {  	[sflag:s19] =	ssyncset.done $0x0  }
0x30: {  	s1 =	simm.s32 $0x200;
	[sflag:s19] =	ssyncadd.s32 $0xFFFFC000  }
0x31: {  	[tilespmem:s15], [sflag:$0x1] =	stream.indirect.gather [hbm4b:s4+s14], $0x80, s1, s14, $0xb8;
	v63 =	vld [tilespmem:$0x0]  }
0x32: {  	s31 =	simm.s32 $0x2180  }
0x33: {  	[spmem:s2] =	stream.indirect.scatter.add.f32 [tilespmem:s16], [sflag:$0x4], $0x80, s31, s14, $0xb8;
	v63 =	vld [tilespmem:$0x0]  }
0x34: {  	_ =	swait.ge [sflag:s22], $0x4000  }
0x35: {  	[sflag:s22] =	ssyncset.done $0x0  }
0x36: {  	s1 =	simm.s32 $0x280;
	[sflag:s22] =	ssyncadd.s32 $0xFFFFC000  }
0x37: {  	[tilespmem:s16], [sflag:$0x2] =	stream.indirect.gather [hbm4b:s4+s14], $0x80, s1, s14, $0xb8;
	v63 =	vld [tilespmem:$0x0]  }
0x38: {  	_ =	swait.ge [sflag:s17], $0x4000  }
0x39: {  	[sflag:s17] =	ssyncset.done $0x0  }
0x3a: {  	s31 =	simm.s32 $0x2200;
	[sflag:s17] =	ssyncadd.s32 $0xFFFFC000  }
0x3b: {  	[spmem:s2] =	stream.indirect.scatter.add.f32 [tilespmem:s15], [sflag:$0x3], $0x80, s31, s14, $0xb8;
	v63 =	vld [tilespmem:$0x0]  }
0x3c: {  	_ =	swait.ge [sflag:s18], $0x4000  }
0x3d: {  	[sflag:s18] =	ssyncset.done $0x0  }
0x3e: {  	[sflag:s18] =	ssyncadd.s32 $0xFFFFC000  }
0x3f: {  	_ =	swait.ge [sflag:s19], $0x4000  }
0x40: {  	[sflag:s19] =	ssyncset.done $0x0  }
0x41: {  	s1 =	simm.s32 $0x300;
	[sflag:s19] =	ssyncadd.s32 $0xFFFFC000  }
0x42: {  	[tilespmem:s15], [sflag:$0x1] =	stream.indirect.gather [hbm4b:s4+s14], $0x80, s1, s14, $0xb8;
	v63 =	vld [tilespmem:$0x0]  }
0x43: {  	s31 =	simm.s32 $0x2280  }
0x44: {  	[spmem:s2] =	stream.indirect.scatter.add.f32 [tilespmem:s16], [sflag:$0x4], $0x80, s31, s14, $0xb8;
	v63 =	vld [tilespmem:$0x0]  }
0x45: {  	_ =	swait.ge [sflag:s22], $0x4000  }
0x46: {  	[sflag:s22] =	ssyncset.done $0x0  }
0x47: {  	s1 =	simm.s32 $0x380;
	[sflag:s22] =	ssyncadd.s32 $0xFFFFC000  }
0x48: {  	[tilespmem:s16], [sflag:$0x2] =	stream.indirect.gather [hbm4b:s4+s14], $0x80, s1, s14, $0xb8;
	v63 =	vld [tilespmem:$0x0]  }
0x49: {  	_ =	swait.ge [sflag:s17], $0x4000  }
0x4a: {  	[sflag:s17] =	ssyncset.done $0x0  }
0x4b: {  	s31 =	simm.s32 $0x2300;
	[sflag:s17] =	ssyncadd.s32 $0xFFFFC000  }
0x4c: {  	[spmem:s2] =	stream.indirect.scatter.add.f32 [tilespmem:s15], [sflag:$0x3], $0x80, s31, s14, $0xb8;
	v63 =	vld [tilespmem:$0x0]  }
0x4d: {  	_ =	swait.ge [sflag:s18], $0x4000  }
0x4e: {  	[sflag:s18] =	ssyncset.done $0x0  }
0x4f: {  	[sflag:s18] =	ssyncadd.s32 $0xFFFFC000  }
0x50: {  	_ =	swait.ge [sflag:s19], $0x4000  }
0x51: {  	[sflag:s19] =	ssyncset.done $0x0  }
0x52: {  	s1 =	simm.s32 $0x400;
	[sflag:s19] =	ssyncadd.s32 $0xFFFFC000  }
0x53: {  	[tilespmem:s15], [sflag:$0x1] =	stream.indirect.gather [hbm4b:s4+s14], $0x80, s1, s14, $0xb8;
	v63 =	vld [tilespmem:$0x0]  }
0x54: {  	s31 =	simm.s32 $0x2380  }
0x55: {  	[spmem:s2] =	stream.indirect.scatter.add.f32 [tilespmem:s16], [sflag:$0x4], $0x80, s31, s14, $0xb8;
	v63 =	vld [tilespmem:$0x0]  }
0x56: {  	_ =	swait.ge [sflag:s22], $0x4000  }
0x57: {  	[sflag:s22] =	ssyncset.done $0x0  }
0x58: {  	s1 =	simm.s32 $0x480;
	[sflag:s22] =	ssyncadd.s32 $0xFFFFC000  }
0x59: {  	[tilespmem:s16], [sflag:$0x2] =	stream.indirect.gather [hbm4b:s4+s14], $0x80, s1, s14, $0xb8;
	v63 =	vld [tilespmem:$0x0]  }
0x5a: {  	_ =	swait.ge [sflag:s17], $0x4000  }
0x5b: {  	[sflag:s17] =	ssyncset.done $0x0  }
0x5c: {  	s31 =	simm.s32 $0x2400;
	[sflag:s17] =	ssyncadd.s32 $0xFFFFC000  }
0x5d: {  	[spmem:s2] =	stream.indirect.scatter.add.f32 [tilespmem:s15], [sflag:$0x3], $0x80, s31, s14, $0xb8;
	v63 =	vld [tilespmem:$0x0]  }
0x5e: {  	_ =	swait.ge [sflag:s18], $0x4000  }
0x5f: {  	[sflag:s18] =	ssyncset.done $0x0  }
0x60: {  	[sflag:s18] =	ssyncadd.s32 $0xFFFFC000  }
0x61: {  	_ =	swait.ge [sflag:s19], $0x4000  }
0x62: {  	[sflag:s19] =	ssyncset.done $0x0  }
0x63: {  	s1 =	simm.s32 $0x500;
	[sflag:s19] =	ssyncadd.s32 $0xFFFFC000  }
0x64: {  	[tilespmem:s15], [sflag:$0x1] =	stream.indirect.gather [hbm4b:s4+s14], $0x80, s1, s14, $0xb8;
	v63 =	vld [tilespmem:$0x0]  }
0x65: {  	s31 =	simm.s32 $0x2480  }
0x66: {  	[spmem:s2] =	stream.indirect.scatter.add.f32 [tilespmem:s16], [sflag:$0x4], $0x80, s31, s14, $0xb8;
	v63 =	vld [tilespmem:$0x0]  }
0x67: {  	_ =	swait.ge [sflag:s22], $0x4000  }
0x68: {  	[sflag:s22] =	ssyncset.done $0x0  }
0x69: {  	s1 =	simm.s32 $0x580;
	[sflag:s22] =	ssyncadd.s32 $0xFFFFC000  }
0x6a: {  	[tilespmem:s16], [sflag:$0x2] =	stream.indirect.gather [hbm4b:s4+s14], $0x80, s1, s14, $0xb8;
	v63 =	vld [tilespmem:$0x0]  }
0x6b: {  	_ =	swait.ge [sflag:s17], $0x4000  }
0x6c: {  	[sflag:s17] =	ssyncset.done $0x0  }
0x6d: {  	s31 =	simm.s32 $0x2500;
	[sflag:s17] =	ssyncadd.s32 $0xFFFFC000  }
0x6e: {  	[spmem:s2] =	stream.indirect.scatter.add.f32 [tilespmem:s15], [sflag:$0x3], $0x80, s31, s14, $0xb8;
	v63 =	vld [tilespmem:$0x0]  }
0x6f: {  	_ =	swait.ge [sflag:s18], $0x4000  }
0x70: {  	[sflag:s18] =	ssyncset.done $0x0  }
0x71: {  	[sflag:s18] =	ssyncadd.s32 $0xFFFFC000  }
0x72: {  	_ =	swait.ge [sflag:s19], $0x4000  }
0x73: {  	[sflag:s19] =	ssyncset.done $0x0  }
0x74: {  	s1 =	simm.s32 $0x600;
	[sflag:s19] =	ssyncadd.s32 $0xFFFFC000  }
0x75: {  	[tilespmem:s15], [sflag:$0x1] =	stream.indirect.gather [hbm4b:s4+s14], $0x80, s1, s14, $0xb8;
	v63 =	vld [tilespmem:$0x0]  }
0x76: {  	s31 =	simm.s32 $0x2580  }
0x77: {  	[spmem:s2] =	stream.indirect.scatter.add.f32 [tilespmem:s16], [sflag:$0x4], $0x80, s31, s14, $0xb8;
	v63 =	vld [tilespmem:$0x0]  }
0x78: {  	_ =	swait.ge [sflag:s22], $0x4000  }
0x79: {  	[sflag:s22] =	ssyncset.done $0x0  }
0x7a: {  	[sflag:s22] =	ssyncadd.s32 $0xFFFFC000  }
0x7b: {  	[tilespmem:s16], [sflag:$0x2] =	stream.indirect.gather [hbm4b:s4+s14], $0x80, s23, s14, $0xb8;
	v63 =	vld [tilespmem:$0x0]  }
0x7c: {  	_ =	swait.ge [sflag:s17], $0x4000  }
0x7d: {  	[sflag:s17] =	ssyncset.done $0x0  }
0x7e: {  	[sflag:s17] =	ssyncadd.s32 $0xFFFFC000  }
0x7f: {  	[spmem:s2] =	stream.indirect.scatter.add.f32 [tilespmem:s15], [sflag:$0x3], $0x80, s24, s14, $0xb8;
	v63 =	vld [tilespmem:$0x0]  }
0x80: {  	_ =	swait.ge [sflag:s18], $0x4000  }
0x81: {  	[sflag:s18] =	ssyncset.done $0x0  }
0x82: {  	[sflag:s18] =	ssyncadd.s32 $0xFFFFC000  }
0x83: {  	_ =	swait.ge [sflag:s19], $0x4000  }
0x84: {  	[sflag:s19] =	ssyncset.done $0x0  }
0x85: {  	[sflag:s19] =	ssyncadd.s32 $0xFFFFC000  }
0x86: {  	[tilespmem:s15], [sflag:$0x1] =	stream.indirect.gather [hbm4b:s4+s14], $0x80, s25, s14, $0xb8;
	v63 =	vld [tilespmem:$0x0]  }
0x87: {  	_ = 	snop  }
0x88: {  	[spmem:s2] =	stream.indirect.scatter.add.f32 [tilespmem:s16], [sflag:$0x4], $0x80, s26, s14, $0xb8;
	v63 =	vld [tilespmem:$0x0]  }
0x89: {  	_ =	swait.ge [sflag:s22], $0x4000  }
0x8a: {  	[sflag:s22] =	ssyncset.done $0x0  }
0x8b: {  	[sflag:s22] =	ssyncadd.s32 $0xFFFFC000  }
0x8c: {  	[tilespmem:s16], [sflag:$0x2] =	stream.indirect.gather [hbm4b:s4+s14], $0x80, s28, s14, $0xb8;
	v63 =	vld [tilespmem:$0x0]  }
0x8d: {  	_ =	swait.ge [sflag:s17], $0x4000  }
0x8e: {  	[sflag:s17] =	ssyncset.done $0x0  }
0x8f: {  	[sflag:s17] =	ssyncadd.s32 $0xFFFFC000  }
0x90: {  	[spmem:s2] =	stream.indirect.scatter.add.f32 [tilespmem:s15], [sflag:$0x3], $0x80, s29, s14, $0xb8;
	v63 =	vld [tilespmem:$0x0]  }
0x91: {  	_ =	swait.ge [sflag:s18], $0x4000  }
0x92: {  	[sflag:s18] =	ssyncset.done $0x0  }
0x93: {  	[sflag:s18] =	ssyncadd.s32 $0xFFFFC000  }
0x94: {  	_ =	swait.ge [sflag:s19], $0x4000  }
0x95: {  	[sflag:s19] =	ssyncset.done $0x0  }
0x96: {  	s1 =	simm.s32 $0x2780;
	[sflag:s19] =	ssyncadd.s32 $0xFFFFC000  }
.LBB2_6:
0x97: {  	[spmem:s2] =	stream.indirect.scatter.add.f32 [tilespmem:s16], [sflag:$0x4], $0x80, s1, s14, $0xb8;
	v63 =	vld [tilespmem:$0x0]  }
0x98: {  	_ =	swait.ge [sflag:s22], $0x4000  }
0x99: {  	s30 =	sadd.s32 $0x1, s30;
	[sflag:s22] =	ssyncset.done $0x0  }
0x9a: {  	p1 =	sne.s32 s30, s10;
	[sflag:s22] =	ssyncadd.s32 $0xFFFFC000  }
.Ltmp1:
0x9b: {  	[bflag:$0x0] =	sbarrier.arrive $0xFFFF;
	(pc) =	sbr.rel @!p1 .LBB2_7-.Ltmp1, $4  }
0x9c: {  	[hbm:s9], [sflag:s6] =	dma.local [spmem:s11], $0x2800  }
0x9d: {  	_ =	swait.ge [sflag:s12], $0x2800  }
0x9e: {  	[sflag:s12] =	ssyncset.done $0x0  }
0x9f: {  	[sflag:s12] =	ssyncadd.s32 $0xFFFFD800  }
.LBB2_1:
0xa0: {  	[spmem:s11], [sflag:s6] =	dma.local [hbm:s5], $0x2800  }
0xa1: {  	_ =	swait.ge [sflag:s12], $0x2800  }
0xa2: {  	[sflag:s12] =	ssyncset.done $0x0  }
0xa3: {  	[sflag:s12] =	ssyncadd.s32 $0xFFFFD800  }
0xa4: {  	[bflag:$0x0] =	sbarrier.arrive $0xFFFF  }
0xa5: {  	[tilespmem:s3], [sflag:$0x5] =	stream.linear.gather [hbm4b:s7+s3], $0x2000, $0x38;
	v63 =	vld [tilespmem:$0x0]  }
0xa6: {  	_ =	swait.ge [sflag:s12], $0x2000  }
0xa7: {  	[sflag:s12] =	ssyncset.done $0x0  }
0xa8: {  	[sflag:s12] =	ssyncadd.s32 $0xFFFFE000  }
0xa9: {  	[tilespmem:s13], [sflag:$0x5] =	stream.linear.gather [hbm4b:s8+s3], $0x2000, $0x38;
	v63 =	vld [tilespmem:$0x0]  }
.Ltmp2:
0xaa: {  	_ = 	snop;
	(pc) =	sbr.rel @p0 .LBB2_5-.Ltmp2, $4  }
0xab: {  	_ =	swait.ge [sflag:s12], $0x2000  }
0xac: {  	[sflag:s12] =	ssyncset.done $0x0  }
0xad: {  	[sflag:s12] =	ssyncadd.s32 $0xFFFFE000  }
0xae: {  	[tilespmem:s15], [sflag:$0x1] =	stream.indirect.gather [hbm4b:s4+s14], $0x80, s3, s14, $0xb8;
	v63 =	vld [tilespmem:$0x0]  }
0xaf: {  	[tilespmem:s16], [sflag:$0x2] =	stream.indirect.gather [hbm4b:s4+s14], $0x80, s14, s14, $0xb8;
	v63 =	vld [tilespmem:$0x0]  }
0xb0: {  	_ =	swait.ge [sflag:s17], $0x4000  }
0xb1: {  	[sflag:s17] =	ssyncset.done $0x0  }
0xb2: {  	[sflag:s17] =	ssyncadd.s32 $0xFFFFC000  }
0xb3: {  	[spmem:s2] =	stream.indirect.scatter.add.f32 [tilespmem:s15], [sflag:$0x3], $0x80, s13, s14, $0xb8;
	v63 =	vld [tilespmem:$0x0]  }
0xb4: {  	_ =	swait.ge [sflag:s18], $0x4000  }
0xb5: {  	[sflag:s18] =	ssyncset.done $0x0  }
0xb6: {  	[sflag:s18] =	ssyncadd.s32 $0xFFFFC000  }
0xb7: {  	_ =	swait.ge [sflag:s19], $0x4000  }
0xb8: {  	[sflag:s19] =	ssyncset.done $0x0  }
0xb9: {  	[sflag:s19] =	ssyncadd.s32 $0xFFFFC000  }
0xba: {  	[tilespmem:s15], [sflag:$0x1] =	stream.indirect.gather [hbm4b:s4+s14], $0x80, s20, s14, $0xb8;
	v63 =	vld [tilespmem:$0x0]  }
0xbb: {  	s31 =	simm.s32 $0xFFFF8800  }
0xbc: {  	[spmem:s2] =	stream.indirect.scatter.add.f32 [tilespmem:s16], [sflag:$0x4], $0x80, s21, s14, $0xb8;
	v63 =	vld [tilespmem:$0x0]  }
.LBB2_3:
0xbd: {  	_ =	swait.ge [sflag:s22], $0x4000  }
0xbe: {  	s0 =	sshra.s32 s31, $0x2;
	[sflag:s22] =	ssyncset.done $0x0  }
0xbf: {  	s1 =	sadd.s32 $0x1F80, s0;
	[sflag:s22] =	ssyncadd.s32 $0xFFFFC000  }
0xc0: {  	[tilespmem:s16], [sflag:$0x2] =	stream.indirect.gather [hbm4b:s4+s14], $0x80, s1, s14, $0xb8;
	v63 =	vld [tilespmem:$0x0]  }
0xc1: {  	_ =	swait.ge [sflag:s17], $0x4000  }
0xc2: {  	[sflag:s17] =	ssyncset.done $0x0  }
0xc3: {  	s1 =	sadd.s32 $0x3F00, s0;
	[sflag:s17] =	ssyncadd.s32 $0xFFFFC000  }
0xc4: {  	[spmem:s2] =	stream.indirect.scatter.add.f32 [tilespmem:s15], [sflag:$0x3], $0x80, s1, s14, $0xb8;
	v63 =	vld [tilespmem:$0x0]  }
0xc5: {  	p1 =	seq.s32 s31, $0x0;
	_ =	swait.ge [sflag:s18], $0x4000  }
.Ltmp3:
0xc6: {  	[sflag:s18] =	ssyncset.done $0x0;
	(pc) =	sbr.rel @p1 .LBB2_6-.Ltmp3, $4  }
0xc7: {  	[sflag:s18] =	ssyncadd.s32 $0xFFFFC000  }
0xc8: {  	_ =	swait.ge [sflag:s19], $0x4000  }
0xc9: {  	[sflag:s19] =	ssyncset.done $0x0  }
0xca: {  	s1 =	sadd.s32 $0x3F80, s0;
	[sflag:s19] =	ssyncadd.s32 $0xFFFFC000  }
.Ltmp4:
0xcb: {  	(pc) =	sbr.rel .LBB2_3-.Ltmp4, $4  }
0xcc: {  	s0 =	sadd.s32 $0x2000, s0  }
0xcd: {  	[tilespmem:s15], [sflag:$0x1] =	stream.indirect.gather [hbm4b:s4+s14], $0x80, s0, s14, $0xb8;
	v63 =	vld [tilespmem:$0x0]  }
0xce: {  	s31 =	sadd.s32 $0x400, s31  }
0xcf: {  	[spmem:s2] =	stream.indirect.scatter.add.f32 [tilespmem:s16], [sflag:$0x4], $0x80, s1, s14, $0xb8;
	v63 =	vld [tilespmem:$0x0]  }
.LBB2_7:
0xd0: {  	_ =	sfence.sel $0x180000  }
0xd1: {  	[bflag:$0x0] =	sbarrier.arrive $0xFFFF  }
0xd2: {  	_ =	strace $0x9000004D  }
0xd3: {  	s0 =	stileid.u32;
	[bflag:$0x2] =	sbarrier.arrive $0xFFFF  }
0xd4: {  	p0 =	sne.s32 s0, $0x0;
	s0 =	rddreg [dreg:$0x2]  }
0xd5: {  	s0 =	sadd.s32 @!p0 $0x100000, s0  }
0xd6: {  	[sflag:s0] =	ssyncadd.tile.s32 @!p0 $0x1;
	_ =	shalt  }
.Lfunc_end2:
_tile_overlayer_lowered:
.L_overlay_start_2:
0xd7: {  	(tag) =	ssettag $0x2  }
0xd8: {  	s0 =	rddreg [dreg:$0x0];
	s2 =	stileid.u32  }
0xd9: {  	s1 =	rddreg [dreg:$0x1];
	p0 =	sne.s32 s2, $0x0  }
0xda: {  	s3 =	rddreg [dreg:$0x2];
	[bflag:$0x3] =	sbarrier.arrive $0xFFFF;
	s2 =	simm.s32 @!p0 $0x1C05  }
0xdb: {  	[timem:s3], [sflag:s2] =	dma.local @!p0 [hbm:s0], s1  }
0xdc: {  	s0 =	simm.s32 @!p0 $0x5  }
0xdd: {  	_ =	swait.ge @!p0 [sflag:s0], s1  }
0xde: {  	s1 =	ssub.s32 @!p0 $0x0, s1;
	[sflag:s0] =	ssyncset.done @!p0 $0x0  }
0xdf: {  	[sflag:s0] =	ssyncadd.s32 @!p0 s1  }
0xe0: {  	[bflag:$0x3] =	sbarrier.arrive $0xFFFF  }
0xe1: {  	_ =	shalt  }

// kernel: kernel.24.cloned.1.call-start
scs
__scs_entry_jumppad:
0x0: {  	(pc) =	sbr.rel $0x88, $3  }
0x1: {  	(tag) =	ssettag $0x0;
	lr =	simm.s32 $0x1  }
0x2: {  	[smem:$0x3F90] =	sst lr;
	_ =	strace $0xD0000000  }
0x3: {  	_ = 	snop  }
0x4: {  	_ = 	snop  }
0x5: {  	_ = 	snop  }
0x6: {  	_ = 	snop  }
0x7: {  	_ = 	snop  }
__scs_overlays_trampoline_lowered:
0x8: {  	[smem:$0x3F9F] =	sst s0  }
0x9: {  	[smem:$0x3FA0] =	sst s1  }
0xa: {  	[smem:$0x3FA1] =	sst s2  }
0xb: {  	[smem:$0x3FA2] =	sst s3  }
0xc: {  	[smem:$0x3FA3] =	sst s4  }
0xd: {  	[smem:$0x3FA4] =	sst s5  }
0xe: {  	[smem:$0x3FA5] =	sst s6  }
0xf: {  	[smem:$0x3FA6] =	sst s7  }
0x10: {  	[smem:$0x3FA7] =	sst s8  }
0x11: {  	[smem:$0x3FA8] =	sst s9;
	s0 =	simm.s32 @!p0 $0x0  }
0x12: {  	s1 =	sld [smem:$0x3F8E];
	s0 =	simm.s32 @p0 $0x1  }
0x13: {  	[smem:$0x3FA9] =	sst s0;
	s0 =	simm.s32 @!p1 $0x0  }
0x14: {  	s2 =	sld [smem:$0x3F8D];
	s0 =	simm.s32 @p1 $0x1  }
0x15: {  	[smem:$0x3FAA] =	sst s0;
	s0 =	simm.s32 @!p2 $0x0  }
0x16: {  	s3 =	sld [smem:$0x3FDB];
	s0 =	simm.s32 @p2 $0x1  }
0x17: {  	s4 =	simm.s32 $0x1BF5;
	[smem:$0x3FAC] =	sst s0  }
0x18: {  	s0 =	sld [smem:$0x3F8F];
	_ =	swait.ge [sflag:s4], $0x0  }
0x19: {  	s7 =	sld [smem:$0x3F90]  }
0x1a: {  	s8 =	sadd.s32 $0xFFFFE003, lr  }
0x1b: {  	s9 =	sadd.s32 $0xFFFFFEF7, lr;
	s5 =	simm.s32 $0xFFFFFFFF;
	p2 =	slt.u32 s8, $0xFFFFF086  }
0x1c: {  	p1 =	slt.u32 s9, $0xF7A;
	s5 =	simm.s32 @!p2 $0x0  }
0x1d: {  	s5 =	simm.s32 @p1 $0x1;
	p0 =	seq.s32 s7, s2  }
0x1e: {  	s7 =	smul.u32 @!p0 $0xF7A, s2;
	p2 =	seq.s32 @!p0 s5, $0x0  }
0x1f: {  	s9 =	smul.u32 $0xF7A, s1;
	s8 =	simm.s32 @!p0 $0x1BF5;
	p2 =	por !p2, p0  }
0x20: {  	[sflag:s8] =	ssyncset.s32 @!p0 $0xFFFFF086;
	s6 =	sadd.s32 @!p0 s3, s7;
	s7 =	simm.s32 @!p0 $0x108  }
0x21: {  	s3 =	sadd.s32 s3, s9;
	s6 =	sadd.s32 @!p0 $0x88, s6;
	s7 =	simm.s32 @p2 $0x1082  }
0x22: {  	[simem:s7], [sflag:s8] =	dma.local @!p0 [hbm:s6], $0xF7A  }
0x23: {  	s9 =	sor.u32 $0xD0000000, s2;
	s6 =	simm.s32 $0x108;
	_ =	swait.ge @!p0 [sflag:s8], $0x0  }
0x24: {  	s3 =	sadd.s32 $0x88, s3;
	s6 =	simm.s32 @!p1 $0x1082;
	[sflag:s4] =	ssyncset.s32 $0xFFFFF086  }
0x25: {  	[simem:s6], [sflag:s4] =	dma.local [hbm:s3], $0xF7A  }
0x26: {  	[smem:$0x3F90] =	sst s1;
	(tag) =	ssettag s2;
	_ =	strace s9  }
0x27: {  	s1 =	sld [smem:$0x3FA0]  }
0x28: {  	s2 =	sld [smem:$0x3FA1]  }
0x29: {  	s4 =	sld [smem:$0x3FA3]  }
0x2a: {  	p0 =	seq.s32 s5, $0x0;
	s5 =	sld [smem:$0x3FA4]  }
0x2b: {  	s6 =	sld [smem:$0x3FA5]  }
0x2c: {  	s7 =	sld [smem:$0x3FA6]  }
0x2d: {  	s3 =	simm.s32 $0x108;
	s8 =	sld [smem:$0x3FA7]  }
0x2e: {  	s3 =	simm.s32 @!p0 $0x1082;
	s9 =	sld [smem:$0x3FA8]  }
0x2f: {  	lr =	sadd.s32 s0, s3;
	s0 =	sld [smem:$0x3F9F]  }
0x30: {  	s3 =	sld [smem:$0x3FA2]  }
0x31: {  	[smem:$0x3FAB] =	sst s10  }
0x32: {  	s10 =	sld [smem:$0x3FA9];
	_ =	sdelay $0x3  }
0x33: {  	p0 =	seq.s32 s10, $0x1;
	s10 =	sld [smem:$0x3FAB];
	_ =	sdelay $0x3  }
0x34: {  	[smem:$0x3FAB] =	sst s10  }
0x35: {  	s10 =	sld [smem:$0x3FAA];
	_ =	sdelay $0x3  }
0x36: {  	p1 =	seq.s32 s10, $0x1;
	s10 =	sld [smem:$0x3FAB];
	_ =	sdelay $0x3  }
0x37: {  	[smem:$0x3FAB] =	sst s10  }
0x38: {  	s10 =	sld [smem:$0x3FAC]  }
0x39: {  	_ = 	snop;
	(pc) =	sbr.ind lr, $3  }
0x3a: {  	_ = 	snop  }
0x3b: {  	_ = 	snop  }
0x3c: {  	p2 =	seq.s32 s10, $0x1;
	s10 =	sld [smem:$0x3FAB]  }
0x3d: {  	_ =	shalt  }
0x3e: {  	_ =	shalt  }
0x3f: {  	_ =	shalt  }
0x40: {  	_ =	shalt  }
0x41: {  	_ =	shalt  }
0x42: {  	_ =	shalt  }
0x43: {  	_ =	shalt  }
0x44: {  	_ =	shalt  }
0x45: {  	_ =	shalt  }
0x46: {  	_ =	shalt  }
0x47: {  	_ =	shalt  }
0x48: {  	_ =	shalt  }
0x49: {  	_ =	shalt  }
0x4a: {  	_ =	shalt  }
0x4b: {  	_ =	shalt  }
0x4c: {  	_ =	shalt  }
0x4d: {  	_ =	shalt  }
0x4e: {  	_ =	shalt  }
0x4f: {  	_ =	shalt  }
0x50: {  	_ =	shalt  }
0x51: {  	_ =	shalt  }
0x52: {  	_ =	shalt  }
0x53: {  	_ =	shalt  }
0x54: {  	_ =	shalt  }
0x55: {  	_ =	shalt  }
0x56: {  	_ =	shalt  }
0x57: {  	_ =	shalt  }
0x58: {  	_ =	shalt  }
0x59: {  	_ =	shalt  }
0x5a: {  	_ =	shalt  }
0x5b: {  	_ =	shalt  }
0x5c: {  	_ =	shalt  }
0x5d: {  	_ =	shalt  }
0x5e: {  	_ =	shalt  }
0x5f: {  	_ =	shalt  }
0x60: {  	_ =	shalt  }
0x61: {  	_ =	shalt  }
0x62: {  	_ =	shalt  }
0x63: {  	_ =	shalt  }
0x64: {  	_ =	shalt  }
0x65: {  	_ =	shalt  }
0x66: {  	_ =	shalt  }
0x67: {  	_ =	shalt  }
0x68: {  	_ =	shalt  }
0x69: {  	_ =	shalt  }
0x6a: {  	_ =	shalt  }
0x6b: {  	_ =	shalt  }
0x6c: {  	_ =	shalt  }
0x6d: {  	_ =	shalt  }
0x6e: {  	_ =	shalt  }
0x6f: {  	_ =	shalt  }
0x70: {  	_ =	shalt  }
0x71: {  	_ =	shalt  }
0x72: {  	_ =	shalt  }
0x73: {  	_ =	shalt  }
0x74: {  	_ =	shalt  }
0x75: {  	_ =	shalt  }
0x76: {  	_ =	shalt  }
0x77: {  	_ =	shalt  }
0x78: {  	_ =	shalt  }
0x79: {  	_ =	shalt  }
0x7a: {  	_ =	shalt  }
0x7b: {  	_ =	shalt  }
0x7c: {  	_ =	shalt  }
0x7d: {  	_ =	shalt  }
0x7e: {  	_ =	shalt  }
0x7f: {  	_ =	shalt  }
0x80: {  	_ =	shalt  }
0x81: {  	_ =	shalt  }
0x82: {  	_ =	shalt  }
0x83: {  	_ =	shalt  }
0x84: {  	_ =	shalt  }
0x85: {  	_ =	shalt  }
0x86: {  	_ =	shalt  }
0x87: {  	_ =	shalt  }
.Lfunc_end0:
.L_simem_size_0:
called_computation.3_lowered:
.L_overlay_start_0:
0x88: {  	s2 =	sld [smem:$0x3FD9]  }
0x89: {  	s3 =	sld [smem:$0x3FFE];
	_ =	sdelay $0x1  }
0x8a: {  	s1 =	srdreg.scid  }
0x8b: {  	s0 =	sand.u32 $0x1, s1  }
0x8c: {  	s16 =	sshll.u32 s0, $0xA;
	s2 =	sadd.s32 s3, s2  }
0x8d: {  	s2 =	sadd.s32 s2, s16  }
0x8e: {  	[smem:$0x3FB7] =	sst s2  }
0x8f: {  	_ = 	snop  }
0x90: {  	(tm) =	ssettm $0x1  }
0x91: {  	s17 =	sld [smem:$0x3FFB];
	_ =	sdelay $0x3  }
0x92: {  	_ =	strace s17  }
0x93: {  	s2 =	sld [smem:$0x3FFC];
	_ =	sdelay $0x3  }
0x94: {  	_ =	strace s2  }
0x95: {  	s2 =	sld [smem:$0x3FFD];
	_ =	sdelay $0x3  }
0x96: {  	_ =	strace s2  }
0x97: {  	_ =	strace $0x8FFFFFFF  }
0x98: {  	s18 =	sld [smem:$0x3FDB];
	_ =	sdelay $0x1  }
0x99: {  	s19 =	simm.s32 $_scs_section_size  }
0x9a: {  	s4 =	simm.s32 $_size__tile_overlayer_lowered;
	s5 =	simm.s32 $_tile_overlayer_lowered  }
0x9b: {  	s22 =	simm.s32 $0x1BFF;
	s21 =	sshll.u32 s5, $0x1;
	s2 =	sadd.s32 s19, s18  }
0x9c: {  	s6 =	simm.s32 $0x0;
	s20 =	sshll.u32 s4, $0x1;
	s4 =	sadd.s32 s21, s2  }
0x9d: {  	[timem:s6], [sflag:s22] =	dma.local [hbm:s4], s20  }
0x9e: {  	_ =	swait.ge [sflag:s22], s20  }
0x9f: {  	s3 =	ssub.s32 $0x0, s20;
	[sflag:s22] =	ssyncset.done $0x0  }
0xa0: {  	[sflag:s22] =	ssyncadd.s32 s3;
	_ =	sdelay $0x1  }
0xa1: {  	s23 =	simm.s32 $0x1B8B  }
0xa2: {  	_ =	swait.ge [sflag:s23], $0x1  }
0xa3: {  	[sflag:s23] =	ssyncset.done $0x0  }
0xa4: {  	s25 =	simm.s32 $0x1B8E;
	s24 =	sld [smem:$0x3FFE];
	[sflag:s23] =	ssyncadd.s32 $0xFFFFFFFF  }
0xa5: {  	s26 =	simm.s32 $execute0_lowered;
	[smem:$0x3FD2] =	sst s25  }
0xa6: {  	s4 =	sshll.u32 s26, $0x1;
	_ =	strace $0x8000004F;
	[dreg:$0x1] =	wrdreg $0xFFFFFFFF  }
0xa7: {  	s28 =	simm.s32 $_size_execute0_lowered;
	s2 =	sadd.s32 s2, s4;
	[dreg:$0x0] =	wrdreg $0x0  }
0xa8: {  	s4 =	sshll.u32 s28, $0x1;
	[dreg:$0x2] =	wrdreg s2  }
0xa9: {  	[dreg:$0x3] =	wrdreg s4  }
0xaa: {  	[dreg:$0x4] =	wrdreg $0xC0  }
0xab: {  	_ =	task [dreg:s6], $0x5FFFF  }
0xac: {  	[dreg:$0x1] =	wrdreg $0xFFFFFFFF  }
0xad: {  	[dreg:$0x0] =	wrdreg $0x60  }
0xae: {  	[dreg:$0x2] =	wrdreg s24  }
0xaf: {  	[dreg:$0x3] =	wrdreg $0xC0000  }
0xb0: {  	[dreg:$0x4] =	wrdreg $0x9  }
0xb1: {  	_ =	task.clear_ibuf [dreg:s6], $0x5FFFF;
	_ =	strace $0x9000004F  }
0xb2: {  	s29 =	simm.s32 $0x9;
	_ =	strace $0x80000051  }
0xb3: {  	_ =	swait.ge [sflag:s29], $0x1  }
0xb4: {  	[sflag:s29] =	ssyncadd.s32 $0xFFFFFFFF  }
0xb5: {  	_ =	strace $0x90000051  }
0xb6: {  	_ =	sfence  }
0xb7: {  	s30 =	sld [smem:$0x0];
	_ =	sdelay $0x2  }
0xb8: {  	s31 =	sshll.u32 s1, $0xD;
	s1 =	sshrl.u32 s1, $0x2  }
0xb9: {  	s3 =	sand.u32 $0x4000, s31;
	s1 =	sadd.s32 s1, s30  }
0xba: {  	s0 =	sor.u32 s3, s0;
	s1 =	sshll.u32 s1, $0x11  }
0xbb: {  	s0 =	sor.u32 s1, s0  }
0xbc: {  	s0 =	sadd.s32 $0x8F2B, s0  }
0xbd: {  	[sflag:s0] =	ssyncadd.remote.s32 $0x1  }
0xbe: {  	_ =	sfence.sel $0xFFFF  }
0xbf: {  	[dreg:$0x0] =	wrdreg $0xFFFFFFFF;
	(pc) =	sbr.abs _section_cstart, $3  }
0xc0: {  	[dreg:$0x1] =	wrdreg $0xFFFFFFFF  }
0xc1: {  	_ =	task.clear_ibuf [dreg:s6], $0x2FFFF;
	_ =	strace $0x9FFFFFFF  }
0xc2: {  	(tm) =	ssettm $0x7FFFFFFF  }
0xc3: {  	_ =	shalt  }
tec
execute0_lowered:
.L_overlay_start_1:
0x0: {  	(tag) =	ssettag $0x1  }
0x1: {  	s0 =	rddreg [dreg:$0x0]  }
0x2: {  	s2 =	rddreg [dreg:$0x1]  }
0x3: {  	s1 =	srdreg.scid;
	s3 =	simm.s32 $0x0;
	s12 =	stileid.u32  }
0x4: {  	s13 =	simm.s32 $0x2000;
	s14 =	simm.s32 $0x80;
	s15 =	simm.s32 $0x4000  }
0x5: {  	s16 =	simm.s32 $0x8000;
	s17 =	simm.s32 $0x1;
	s18 =	simm.s32 $0x2  }
0x6: {  	s19 =	simm.s32 $0x3;
	s20 =	simm.s32 $0x100;
	s21 =	simm.s32 $0x2080  }
0x7: {  	s22 =	simm.s32 $0x4;
	s28 =	simm.s32 $0x780;
	s29 =	simm.s32 $0x2700  }
0x8: {  	s30 =	simm.s32 $0x0;
	s1 =	sand.u32 $0x1, s1;
	[smem:$0x7FF] =	sst s3  }
0x9: {  	s4 =	sshll.u32 s12, $0x8;
	s5 =	sshll.u32 s12, $0xA;
	s7 =	smul.u32 $0x14000, s12  }
0xa: {  	s9 =	smul.u32 $0x50000, s12;
	s31 =	sshll.u32 s12, $0x6;
	s12 =	simm.s32 $0x5  }
0xb: {  	p0 =	seq.s32 s1, $0x0;
	s6 =	sor.u32 $0x4000, s4;
	_ =	strace $0x80000050  }
0xc: {  	s23 =	smul.u32 $0x140000, s1;
	s4 =	sadd.s32 $0x60600, s0;
	s25 =	ssub.s32 $0x2, s1  }
0xd: {  	s6 =	smov.u32 @p0 s5;
	s24 =	sshrl.u32 s7, $0x3;
	s10 =	sshrl.u32 s25, $0x1  }
0xe: {  	s26 =	sshrl.u32 s9, $0x2;
	p0 =	sne.s32 s1, $0x0;
	s8 =	sadd.s32 s6, s0  }
0xf: {  	s5 =	sadd.s32 s7, s23;
	s6 =	sadd.s32 s24, s0;
	s10 =	ssub.s32 s25, s10  }
.Ltmp0:
0x10: {  	s11 =	sadd.s32 s26, s2;
	s23 =	simm.s32 $0x680;
	(pc) =	sbr.rel .LBB2_1-.Ltmp0, $4  }
0x11: {  	s24 =	simm.s32 $0x2600;
	s25 =	simm.s32 $0x700;
	s26 =	simm.s32 $0x2680  }
0x12: {  	s5 =	sshrl.u32 s5, $0x3;
	s7 =	sadd.s32 $0xC000, s8;
	s8 =	sadd.s32 $0x6C00, s8  }
0x13: {  	s10 =	smax.u32 s10, $0x1;
	s11 =	sshrl.u32 s11, $0x3;
	s0 =	sadd.s32 s5, s0  }
0x14: {  	s5 =	sadd.s32 $0x11400, s6;
	s6 =	sor.u32 $0x1C05, s31;
	s9 =	sadd.s32 $0x88600, s0  }
.LBB2_5:
0x15: {  	[tilespmem:s16], [sflag:$0x2] =	stream.indirect.gather [hbm4b:s4+s14], $0x80, s14, s14, $0xb8;
	v63 =	vld [tilespmem:$0x0]  }
0x16: {  	_ =	swait.ge [sflag:s17], $0x4000  }
0x17: {  	[sflag:s17] =	ssyncset.done $0x0  }
0x18: {  	[sflag:s17] =	ssyncadd.s32 $0xFFFFC000  }
0x19: {  	[spmem:s2] =	stream.indirect.scatter.add.f32 [tilespmem:s15], [sflag:$0x3], $0x80, s13, s14, $0xb8;
	v63 =	vld [tilespmem:$0x0]  }
0x1a: {  	_ =	swait.ge [sflag:s18], $0x4000  }
0x1b: {  	[sflag:s18] =	ssyncset.done $0x0  }
0x1c: {  	[sflag:s18] =	ssyncadd.s32 $0xFFFFC000  }
0x1d: {  	_ =	swait.ge [sflag:s19], $0x4000  }
0x1e: {  	[sflag:s19] =	ssyncset.done $0x0  }
0x1f: {  	[sflag:s19] =	ssyncadd.s32 $0xFFFFC000  }
0x20: {  	[tilespmem:s15], [sflag:$0x1] =	stream.indirect.gather [hbm4b:s4+s14], $0x80, s20, s14, $0xb8;
	v63 =	vld [tilespmem:$0x0]  }
0x21: {  	_ = 	snop  }
0x22: {  	[spmem:s2] =	stream.indirect.scatter.add.f32 [tilespmem:s16], [sflag:$0x4], $0x80, s21, s14, $0xb8;
	v63 =	vld [tilespmem:$0x0]  }
0x23: {  	_ =	swait.ge [sflag:s22], $0x4000  }
0x24: {  	[sflag:s22] =	ssyncset.done $0x0  }
0x25: {  	s0 =	simm.s32 $0x180;
	[sflag:s22] =	ssyncadd.s32 $0xFFFFC000  }
0x26: {  	[tilespmem:s16], [sflag:$0x2] =	stream.indirect.gather [hbm4b:s4+s14], $0x80, s0, s14, $0xb8;
	v63 =	vld [tilespmem:$0x0]  }
0x27: {  	_ =	swait.ge [sflag:s17], $0x4000  }
0x28: {  	[sflag:s17] =	ssyncset.done $0x0  }
0x29: {  	s31 =	simm.s32 $0x2100;
	[sflag:s17] =	ssyncadd.s32 $0xFFFFC000  }
0x2a: {  	[spmem:s2] =	stream.indirect.scatter.add.f32 [tilespmem:s15], [sflag:$0x3], $0x80, s31, s14, $0xb8;
	v63 =	vld [tilespmem:$0x0]  }
0x2b: {  	_ =	swait.ge [sflag:s18], $0x4000  }
0x2c: {  	[sflag:s18] =	ssyncset.done $0x0  }
0x2d: {  	[sflag:s18] =	ssyncadd.s32 $0xFFFFC000  }
0x2e: {  	_ =	swait.ge [sflag:s19], $0x4000  }
0x2f: {  	[sflag:s19] =	ssyncset.done $0x0  }
0x30: {  	s1 =	simm.s32 $0x200;
	[sflag:s19] =	ssyncadd.s32 $0xFFFFC000  }
0x31: {  	[tilespmem:s15], [sflag:$0x1] =	stream.indirect.gather [hbm4b:s4+s14], $0x80, s1, s14, $0xb8;
	v63 =	vld [tilespmem:$0x0]  }
0x32: {  	s31 =	simm.s32 $0x2180  }
0x33: {  	[spmem:s2] =	stream.indirect.scatter.add.f32 [tilespmem:s16], [sflag:$0x4], $0x80, s31, s14, $0xb8;
	v63 =	vld [tilespmem:$0x0]  }
0x34: {  	_ =	swait.ge [sflag:s22], $0x4000  }
0x35: {  	[sflag:s22] =	ssyncset.done $0x0  }
0x36: {  	s1 =	simm.s32 $0x280;
	[sflag:s22] =	ssyncadd.s32 $0xFFFFC000  }
0x37: {  	[tilespmem:s16], [sflag:$0x2] =	stream.indirect.gather [hbm4b:s4+s14], $0x80, s1, s14, $0xb8;
	v63 =	vld [tilespmem:$0x0]  }
0x38: {  	_ =	swait.ge [sflag:s17], $0x4000  }
0x39: {  	[sflag:s17] =	ssyncset.done $0x0  }
0x3a: {  	s31 =	simm.s32 $0x2200;
	[sflag:s17] =	ssyncadd.s32 $0xFFFFC000  }
0x3b: {  	[spmem:s2] =	stream.indirect.scatter.add.f32 [tilespmem:s15], [sflag:$0x3], $0x80, s31, s14, $0xb8;
	v63 =	vld [tilespmem:$0x0]  }
0x3c: {  	_ =	swait.ge [sflag:s18], $0x4000  }
0x3d: {  	[sflag:s18] =	ssyncset.done $0x0  }
0x3e: {  	[sflag:s18] =	ssyncadd.s32 $0xFFFFC000  }
0x3f: {  	_ =	swait.ge [sflag:s19], $0x4000  }
0x40: {  	[sflag:s19] =	ssyncset.done $0x0  }
0x41: {  	s1 =	simm.s32 $0x300;
	[sflag:s19] =	ssyncadd.s32 $0xFFFFC000  }
0x42: {  	[tilespmem:s15], [sflag:$0x1] =	stream.indirect.gather [hbm4b:s4+s14], $0x80, s1, s14, $0xb8;
	v63 =	vld [tilespmem:$0x0]  }
0x43: {  	s31 =	simm.s32 $0x2280  }
0x44: {  	[spmem:s2] =	stream.indirect.scatter.add.f32 [tilespmem:s16], [sflag:$0x4], $0x80, s31, s14, $0xb8;
	v63 =	vld [tilespmem:$0x0]  }
0x45: {  	_ =	swait.ge [sflag:s22], $0x4000  }
0x46: {  	[sflag:s22] =	ssyncset.done $0x0  }
0x47: {  	s1 =	simm.s32 $0x380;
	[sflag:s22] =	ssyncadd.s32 $0xFFFFC000  }
0x48: {  	[tilespmem:s16], [sflag:$0x2] =	stream.indirect.gather [hbm4b:s4+s14], $0x80, s1, s14, $0xb8;
	v63 =	vld [tilespmem:$0x0]  }
0x49: {  	_ =	swait.ge [sflag:s17], $0x4000  }
0x4a: {  	[sflag:s17] =	ssyncset.done $0x0  }
0x4b: {  	s31 =	simm.s32 $0x2300;
	[sflag:s17] =	ssyncadd.s32 $0xFFFFC000  }
0x4c: {  	[spmem:s2] =	stream.indirect.scatter.add.f32 [tilespmem:s15], [sflag:$0x3], $0x80, s31, s14, $0xb8;
	v63 =	vld [tilespmem:$0x0]  }
0x4d: {  	_ =	swait.ge [sflag:s18], $0x4000  }
0x4e: {  	[sflag:s18] =	ssyncset.done $0x0  }
0x4f: {  	[sflag:s18] =	ssyncadd.s32 $0xFFFFC000  }
0x50: {  	_ =	swait.ge [sflag:s19], $0x4000  }
0x51: {  	[sflag:s19] =	ssyncset.done $0x0  }
0x52: {  	s1 =	simm.s32 $0x400;
	[sflag:s19] =	ssyncadd.s32 $0xFFFFC000  }
0x53: {  	[tilespmem:s15], [sflag:$0x1] =	stream.indirect.gather [hbm4b:s4+s14], $0x80, s1, s14, $0xb8;
	v63 =	vld [tilespmem:$0x0]  }
0x54: {  	s31 =	simm.s32 $0x2380  }
0x55: {  	[spmem:s2] =	stream.indirect.scatter.add.f32 [tilespmem:s16], [sflag:$0x4], $0x80, s31, s14, $0xb8;
	v63 =	vld [tilespmem:$0x0]  }
0x56: {  	_ =	swait.ge [sflag:s22], $0x4000  }
0x57: {  	[sflag:s22] =	ssyncset.done $0x0  }
0x58: {  	s1 =	simm.s32 $0x480;
	[sflag:s22] =	ssyncadd.s32 $0xFFFFC000  }
0x59: {  	[tilespmem:s16], [sflag:$0x2] =	stream.indirect.gather [hbm4b:s4+s14], $0x80, s1, s14, $0xb8;
	v63 =	vld [tilespmem:$0x0]  }
0x5a: {  	_ =	swait.ge [sflag:s17], $0x4000  }
0x5b: {  	[sflag:s17] =	ssyncset.done $0x0  }
0x5c: {  	s31 =	simm.s32 $0x2400;
	[sflag:s17] =	ssyncadd.s32 $0xFFFFC000  }
0x5d: {  	[spmem:s2] =	stream.indirect.scatter.add.f32 [tilespmem:s15], [sflag:$0x3], $0x80, s31, s14, $0xb8;
	v63 =	vld [tilespmem:$0x0]  }
0x5e: {  	_ =	swait.ge [sflag:s18], $0x4000  }
0x5f: {  	[sflag:s18] =	ssyncset.done $0x0  }
0x60: {  	[sflag:s18] =	ssyncadd.s32 $0xFFFFC000  }
0x61: {  	_ =	swait.ge [sflag:s19], $0x4000  }
0x62: {  	[sflag:s19] =	ssyncset.done $0x0  }
0x63: {  	s1 =	simm.s32 $0x500;
	[sflag:s19] =	ssyncadd.s32 $0xFFFFC000  }
0x64: {  	[tilespmem:s15], [sflag:$0x1] =	stream.indirect.gather [hbm4b:s4+s14], $0x80, s1, s14, $0xb8;
	v63 =	vld [tilespmem:$0x0]  }
0x65: {  	s31 =	simm.s32 $0x2480  }
0x66: {  	[spmem:s2] =	stream.indirect.scatter.add.f32 [tilespmem:s16], [sflag:$0x4], $0x80, s31, s14, $0xb8;
	v63 =	vld [tilespmem:$0x0]  }
0x67: {  	_ =	swait.ge [sflag:s22], $0x4000  }
0x68: {  	[sflag:s22] =	ssyncset.done $0x0  }
0x69: {  	s1 =	simm.s32 $0x580;
	[sflag:s22] =	ssyncadd.s32 $0xFFFFC000  }
0x6a: {  	[tilespmem:s16], [sflag:$0x2] =	stream.indirect.gather [hbm4b:s4+s14], $0x80, s1, s14, $0xb8;
	v63 =	vld [tilespmem:$0x0]  }
0x6b: {  	_ =	swait.ge [sflag:s17], $0x4000  }
0x6c: {  	[sflag:s17] =	ssyncset.done $0x0  }
0x6d: {  	s31 =	simm.s32 $0x2500;
	[sflag:s17] =	ssyncadd.s32 $0xFFFFC000  }
0x6e: {  	[spmem:s2] =	stream.indirect.scatter.add.f32 [tilespmem:s15], [sflag:$0x3], $0x80, s31, s14, $0xb8;
	v63 =	vld [tilespmem:$0x0]  }
0x6f: {  	_ =	swait.ge [sflag:s18], $0x4000  }
0x70: {  	[sflag:s18] =	ssyncset.done $0x0  }
0x71: {  	[sflag:s18] =	ssyncadd.s32 $0xFFFFC000  }
0x72: {  	_ =	swait.ge [sflag:s19], $0x4000  }
0x73: {  	[sflag:s19] =	ssyncset.done $0x0  }
0x74: {  	s1 =	simm.s32 $0x600;
	[sflag:s19] =	ssyncadd.s32 $0xFFFFC000  }
0x75: {  	[tilespmem:s15], [sflag:$0x1] =	stream.indirect.gather [hbm4b:s4+s14], $0x80, s1, s14, $0xb8;
	v63 =	vld [tilespmem:$0x0]  }
0x76: {  	s31 =	simm.s32 $0x2580  }
0x77: {  	[spmem:s2] =	stream.indirect.scatter.add.f32 [tilespmem:s16], [sflag:$0x4], $0x80, s31, s14, $0xb8;
	v63 =	vld [tilespmem:$0x0]  }
0x78: {  	_ =	swait.ge [sflag:s22], $0x4000  }
0x79: {  	[sflag:s22] =	ssyncset.done $0x0  }
0x7a: {  	[sflag:s22] =	ssyncadd.s32 $0xFFFFC000  }
0x7b: {  	[tilespmem:s16], [sflag:$0x2] =	stream.indirect.gather [hbm4b:s4+s14], $0x80, s23, s14, $0xb8;
	v63 =	vld [tilespmem:$0x0]  }
0x7c: {  	_ =	swait.ge [sflag:s17], $0x4000  }
0x7d: {  	[sflag:s17] =	ssyncset.done $0x0  }
0x7e: {  	[sflag:s17] =	ssyncadd.s32 $0xFFFFC000  }
0x7f: {  	[spmem:s2] =	stream.indirect.scatter.add.f32 [tilespmem:s15], [sflag:$0x3], $0x80, s24, s14, $0xb8;
	v63 =	vld [tilespmem:$0x0]  }
0x80: {  	_ =	swait.ge [sflag:s18], $0x4000  }
0x81: {  	[sflag:s18] =	ssyncset.done $0x0  }
0x82: {  	[sflag:s18] =	ssyncadd.s32 $0xFFFFC000  }
0x83: {  	_ =	swait.ge [sflag:s19], $0x4000  }
0x84: {  	[sflag:s19] =	ssyncset.done $0x0  }
0x85: {  	[sflag:s19] =	ssyncadd.s32 $0xFFFFC000  }
0x86: {  	[tilespmem:s15], [sflag:$0x1] =	stream.indirect.gather [hbm4b:s4+s14], $0x80, s25, s14, $0xb8;
	v63 =	vld [tilespmem:$0x0]  }
0x87: {  	_ = 	snop  }
0x88: {  	[spmem:s2] =	stream.indirect.scatter.add.f32 [tilespmem:s16], [sflag:$0x4], $0x80, s26, s14, $0xb8;
	v63 =	vld [tilespmem:$0x0]  }
0x89: {  	_ =	swait.ge [sflag:s22], $0x4000  }
0x8a: {  	[sflag:s22] =	ssyncset.done $0x0  }
0x8b: {  	[sflag:s22] =	ssyncadd.s32 $0xFFFFC000  }
0x8c: {  	[tilespmem:s16], [sflag:$0x2] =	stream.indirect.gather [hbm4b:s4+s14], $0x80, s28, s14, $0xb8;
	v63 =	vld [tilespmem:$0x0]  }
0x8d: {  	_ =	swait.ge [sflag:s17], $0x4000  }
0x8e: {  	[sflag:s17] =	ssyncset.done $0x0  }
0x8f: {  	[sflag:s17] =	ssyncadd.s32 $0xFFFFC000  }
0x90: {  	[spmem:s2] =	stream.indirect.scatter.add.f32 [tilespmem:s15], [sflag:$0x3], $0x80, s29, s14, $0xb8;
	v63 =	vld [tilespmem:$0x0]  }
0x91: {  	_ =	swait.ge [sflag:s18], $0x4000  }
0x92: {  	[sflag:s18] =	ssyncset.done $0x0  }
0x93: {  	[sflag:s18] =	ssyncadd.s32 $0xFFFFC000  }
0x94: {  	_ =	swait.ge [sflag:s19], $0x4000  }
0x95: {  	[sflag:s19] =	ssyncset.done $0x0  }
0x96: {  	s1 =	simm.s32 $0x2780;
	[sflag:s19] =	ssyncadd.s32 $0xFFFFC000  }
.LBB2_6:
0x97: {  	[spmem:s2] =	stream.indirect.scatter.add.f32 [tilespmem:s16], [sflag:$0x4], $0x80, s1, s14, $0xb8;
	v63 =	vld [tilespmem:$0x0]  }
0x98: {  	_ =	swait.ge [sflag:s22], $0x4000  }
0x99: {  	s30 =	sadd.s32 $0x1, s30;
	[sflag:s22] =	ssyncset.done $0x0  }
0x9a: {  	p1 =	sne.s32 s30, s10;
	[sflag:s22] =	ssyncadd.s32 $0xFFFFC000  }
.Ltmp1:
0x9b: {  	[bflag:$0x0] =	sbarrier.arrive $0xFFFF;
	(pc) =	sbr.rel @!p1 .LBB2_7-.Ltmp1, $4  }
0x9c: {  	[hbm:s9], [sflag:s6] =	dma.local [spmem:s11], $0x2800  }
0x9d: {  	_ =	swait.ge [sflag:s12], $0x2800  }
0x9e: {  	[sflag:s12] =	ssyncset.done $0x0  }
0x9f: {  	[sflag:s12] =	ssyncadd.s32 $0xFFFFD800  }
.LBB2_1:
0xa0: {  	[spmem:s11], [sflag:s6] =	dma.local [hbm:s5], $0x2800  }
0xa1: {  	_ =	swait.ge [sflag:s12], $0x2800  }
0xa2: {  	[sflag:s12] =	ssyncset.done $0x0  }
0xa3: {  	[sflag:s12] =	ssyncadd.s32 $0xFFFFD800  }
0xa4: {  	[bflag:$0x0] =	sbarrier.arrive $0xFFFF  }
0xa5: {  	[tilespmem:s3], [sflag:$0x5] =	stream.linear.gather [hbm4b:s7+s3], $0x2000, $0x38;
	v63 =	vld [tilespmem:$0x0]  }
0xa6: {  	_ =	swait.ge [sflag:s12], $0x2000  }
0xa7: {  	[sflag:s12] =	ssyncset.done $0x0  }
0xa8: {  	[sflag:s12] =	ssyncadd.s32 $0xFFFFE000  }
0xa9: {  	[tilespmem:s13], [sflag:$0x5] =	stream.linear.gather [hbm4b:s8+s3], $0x2000, $0x38;
	v63 =	vld [tilespmem:$0x0]  }
.Ltmp2:
0xaa: {  	_ = 	snop;
	(pc) =	sbr.rel @p0 .LBB2_5-.Ltmp2, $4  }
0xab: {  	_ =	swait.ge [sflag:s12], $0x2000  }
0xac: {  	[sflag:s12] =	ssyncset.done $0x0  }
0xad: {  	[sflag:s12] =	ssyncadd.s32 $0xFFFFE000  }
0xae: {  	[tilespmem:s15], [sflag:$0x1] =	stream.indirect.gather [hbm4b:s4+s14], $0x80, s3, s14, $0xb8;
	v63 =	vld [tilespmem:$0x0]  }
0xaf: {  	[tilespmem:s16], [sflag:$0x2] =	stream.indirect.gather [hbm4b:s4+s14], $0x80, s14, s14, $0xb8;
	v63 =	vld [tilespmem:$0x0]  }
0xb0: {  	_ =	swait.ge [sflag:s17], $0x4000  }
0xb1: {  	[sflag:s17] =	ssyncset.done $0x0  }
0xb2: {  	[sflag:s17] =	ssyncadd.s32 $0xFFFFC000  }
0xb3: {  	[spmem:s2] =	stream.indirect.scatter.add.f32 [tilespmem:s15], [sflag:$0x3], $0x80, s13, s14, $0xb8;
	v63 =	vld [tilespmem:$0x0]  }
0xb4: {  	_ =	swait.ge [sflag:s18], $0x4000  }
0xb5: {  	[sflag:s18] =	ssyncset.done $0x0  }
0xb6: {  	[sflag:s18] =	ssyncadd.s32 $0xFFFFC000  }
0xb7: {  	_ =	swait.ge [sflag:s19], $0x4000  }
0xb8: {  	[sflag:s19] =	ssyncset.done $0x0  }
0xb9: {  	[sflag:s19] =	ssyncadd.s32 $0xFFFFC000  }
0xba: {  	[tilespmem:s15], [sflag:$0x1] =	stream.indirect.gather [hbm4b:s4+s14], $0x80, s20, s14, $0xb8;
	v63 =	vld [tilespmem:$0x0]  }
0xbb: {  	s31 =	simm.s32 $0xFFFF8800  }
0xbc: {  	[spmem:s2] =	stream.indirect.scatter.add.f32 [tilespmem:s16], [sflag:$0x4], $0x80, s21, s14, $0xb8;
	v63 =	vld [tilespmem:$0x0]  }
.LBB2_3:
0xbd: {  	_ =	swait.ge [sflag:s22], $0x4000  }
0xbe: {  	s0 =	sshra.s32 s31, $0x2;
	[sflag:s22] =	ssyncset.done $0x0  }
0xbf: {  	s1 =	sadd.s32 $0x1F80, s0;
	[sflag:s22] =	ssyncadd.s32 $0xFFFFC000  }
0xc0: {  	[tilespmem:s16], [sflag:$0x2] =	stream.indirect.gather [hbm4b:s4+s14], $0x80, s1, s14, $0xb8;
	v63 =	vld [tilespmem:$0x0]  }
0xc1: {  	_ =	swait.ge [sflag:s17], $0x4000  }
0xc2: {  	[sflag:s17] =	ssyncset.done $0x0  }
0xc3: {  	s1 =	sadd.s32 $0x3F00, s0;
	[sflag:s17] =	ssyncadd.s32 $0xFFFFC000  }
0xc4: {  	[spmem:s2] =	stream.indirect.scatter.add.f32 [tilespmem:s15], [sflag:$0x3], $0x80, s1, s14, $0xb8;
	v63 =	vld [tilespmem:$0x0]  }
0xc5: {  	p1 =	seq.s32 s31, $0x0;
	_ =	swait.ge [sflag:s18], $0x4000  }
.Ltmp3:
0xc6: {  	[sflag:s18] =	ssyncset.done $0x0;
	(pc) =	sbr.rel @p1 .LBB2_6-.Ltmp3, $4  }
0xc7: {  	[sflag:s18] =	ssyncadd.s32 $0xFFFFC000  }
0xc8: {  	_ =	swait.ge [sflag:s19], $0x4000  }
0xc9: {  	[sflag:s19] =	ssyncset.done $0x0  }
0xca: {  	s1 =	sadd.s32 $0x3F80, s0;
	[sflag:s19] =	ssyncadd.s32 $0xFFFFC000  }
.Ltmp4:
0xcb: {  	(pc) =	sbr.rel .LBB2_3-.Ltmp4, $4  }
0xcc: {  	s0 =	sadd.s32 $0x2000, s0  }
0xcd: {  	[tilespmem:s15], [sflag:$0x1] =	stream.indirect.gather [hbm4b:s4+s14], $0x80, s0, s14, $0xb8;
	v63 =	vld [tilespmem:$0x0]  }
0xce: {  	s31 =	sadd.s32 $0x400, s31  }
0xcf: {  	[spmem:s2] =	stream.indirect.scatter.add.f32 [tilespmem:s16], [sflag:$0x4], $0x80, s1, s14, $0xb8;
	v63 =	vld [tilespmem:$0x0]  }
.LBB2_7:
0xd0: {  	_ =	sfence.sel $0x180000  }
0xd1: {  	[bflag:$0x0] =	sbarrier.arrive $0xFFFF  }
0xd2: {  	_ =	strace $0x90000050  }
0xd3: {  	s0 =	stileid.u32;
	[bflag:$0x2] =	sbarrier.arrive $0xFFFF  }
0xd4: {  	p0 =	sne.s32 s0, $0x0;
	s0 =	rddreg [dreg:$0x2]  }
0xd5: {  	s0 =	sadd.s32 @!p0 $0x100000, s0  }
0xd6: {  	[sflag:s0] =	ssyncadd.tile.s32 @!p0 $0x1;
	_ =	shalt  }
.Lfunc_end2:
_tile_overlayer_lowered:
.L_overlay_start_2:
0xd7: {  	(tag) =	ssettag $0x2  }
0xd8: {  	s0 =	rddreg [dreg:$0x0];
	s2 =	stileid.u32  }
0xd9: {  	s1 =	rddreg [dreg:$0x1];
	p0 =	sne.s32 s2, $0x0  }
0xda: {  	s3 =	rddreg [dreg:$0x2];
	[bflag:$0x3] =	sbarrier.arrive $0xFFFF;
	s2 =	simm.s32 @!p0 $0x1C05  }
0xdb: {  	[timem:s3], [sflag:s2] =	dma.local @!p0 [hbm:s0], s1  }
0xdc: {  	s0 =	simm.s32 @!p0 $0x5  }
0xdd: {  	_ =	swait.ge @!p0 [sflag:s0], s1  }
0xde: {  	s1 =	ssub.s32 @!p0 $0x0, s1;
	[sflag:s0] =	ssyncset.done @!p0 $0x0  }
0xdf: {  	[sflag:s0] =	ssyncadd.s32 @!p0 s1  }
0xe0: {  	[bflag:$0x3] =	sbarrier.arrive $0xFFFF  }
0xe1: {  	_ =	shalt  }

// kernel: kernel.27.cloned.1.call-start
scs
__scs_entry_jumppad:
0x0: {  	(pc) =	sbr.rel $0x88, $3  }
0x1: {  	(tag) =	ssettag $0x0;
	lr =	simm.s32 $0x1  }
0x2: {  	[smem:$0x3F90] =	sst lr;
	_ =	strace $0xD0000000  }
0x3: {  	_ = 	snop  }
0x4: {  	_ = 	snop  }
0x5: {  	_ = 	snop  }
0x6: {  	_ = 	snop  }
0x7: {  	_ = 	snop  }
__scs_overlays_trampoline_lowered:
0x8: {  	[smem:$0x3F9F] =	sst s0  }
0x9: {  	[smem:$0x3FA0] =	sst s1  }
0xa: {  	[smem:$0x3FA1] =	sst s2  }
0xb: {  	[smem:$0x3FA2] =	sst s3  }
0xc: {  	[smem:$0x3FA3] =	sst s4  }
0xd: {  	[smem:$0x3FA4] =	sst s5  }
0xe: {  	[smem:$0x3FA5] =	sst s6  }
0xf: {  	[smem:$0x3FA6] =	sst s7  }
0x10: {  	[smem:$0x3FA7] =	sst s8  }
0x11: {  	[smem:$0x3FA8] =	sst s9;
	s0 =	simm.s32 @!p0 $0x0  }
0x12: {  	s1 =	sld [smem:$0x3F8E];
	s0 =	simm.s32 @p0 $0x1  }
0x13: {  	[smem:$0x3FA9] =	sst s0;
	s0 =	simm.s32 @!p1 $0x0  }
0x14: {  	s2 =	sld [smem:$0x3F8D];
	s0 =	simm.s32 @p1 $0x1  }
0x15: {  	[smem:$0x3FAA] =	sst s0;
	s0 =	simm.s32 @!p2 $0x0  }
0x16: {  	s3 =	sld [smem:$0x3FDB];
	s0 =	simm.s32 @p2 $0x1  }
0x17: {  	s4 =	simm.s32 $0x1BF5;
	[smem:$0x3FAC] =	sst s0  }
0x18: {  	s0 =	sld [smem:$0x3F8F];
	_ =	swait.ge [sflag:s4], $0x0  }
0x19: {  	s7 =	sld [smem:$0x3F90]  }
0x1a: {  	s8 =	sadd.s32 $0xFFFFE003, lr  }
0x1b: {  	s9 =	sadd.s32 $0xFFFFFEF7, lr;
	s5 =	simm.s32 $0xFFFFFFFF;
	p2 =	slt.u32 s8, $0xFFFFF086  }
0x1c: {  	p1 =	slt.u32 s9, $0xF7A;
	s5 =	simm.s32 @!p2 $0x0  }
0x1d: {  	s5 =	simm.s32 @p1 $0x1;
	p0 =	seq.s32 s7, s2  }
0x1e: {  	s7 =	smul.u32 @!p0 $0xF7A, s2;
	p2 =	seq.s32 @!p0 s5, $0x0  }
0x1f: {  	s9 =	smul.u32 $0xF7A, s1;
	s8 =	simm.s32 @!p0 $0x1BF5;
	p2 =	por !p2, p0  }
0x20: {  	[sflag:s8] =	ssyncset.s32 @!p0 $0xFFFFF086;
	s6 =	sadd.s32 @!p0 s3, s7;
	s7 =	simm.s32 @!p0 $0x108  }
0x21: {  	s3 =	sadd.s32 s3, s9;
	s6 =	sadd.s32 @!p0 $0x88, s6;
	s7 =	simm.s32 @p2 $0x1082  }
0x22: {  	[simem:s7], [sflag:s8] =	dma.local @!p0 [hbm:s6], $0xF7A  }
0x23: {  	s9 =	sor.u32 $0xD0000000, s2;
	s6 =	simm.s32 $0x108;
	_ =	swait.ge @!p0 [sflag:s8], $0x0  }
0x24: {  	s3 =	sadd.s32 $0x88, s3;
	s6 =	simm.s32 @!p1 $0x1082;
	[sflag:s4] =	ssyncset.s32 $0xFFFFF086  }
0x25: {  	[simem:s6], [sflag:s4] =	dma.local [hbm:s3], $0xF7A  }
0x26: {  	[smem:$0x3F90] =	sst s1;
	(tag) =	ssettag s2;
	_ =	strace s9  }
0x27: {  	s1 =	sld [smem:$0x3FA0]  }
0x28: {  	s2 =	sld [smem:$0x3FA1]  }
0x29: {  	s4 =	sld [smem:$0x3FA3]  }
0x2a: {  	p0 =	seq.s32 s5, $0x0;
	s5 =	sld [smem:$0x3FA4]  }
0x2b: {  	s6 =	sld [smem:$0x3FA5]  }
0x2c: {  	s7 =	sld [smem:$0x3FA6]  }
0x2d: {  	s3 =	simm.s32 $0x108;
	s8 =	sld [smem:$0x3FA7]  }
0x2e: {  	s3 =	simm.s32 @!p0 $0x1082;
	s9 =	sld [smem:$0x3FA8]  }
0x2f: {  	lr =	sadd.s32 s0, s3;
	s0 =	sld [smem:$0x3F9F]  }
0x30: {  	s3 =	sld [smem:$0x3FA2]  }
0x31: {  	[smem:$0x3FAB] =	sst s10  }
0x32: {  	s10 =	sld [smem:$0x3FA9];
	_ =	sdelay $0x3  }
0x33: {  	p0 =	seq.s32 s10, $0x1;
	s10 =	sld [smem:$0x3FAB];
	_ =	sdelay $0x3  }
0x34: {  	[smem:$0x3FAB] =	sst s10  }
0x35: {  	s10 =	sld [smem:$0x3FAA];
	_ =	sdelay $0x3  }
0x36: {  	p1 =	seq.s32 s10, $0x1;
	s10 =	sld [smem:$0x3FAB];
	_ =	sdelay $0x3  }
0x37: {  	[smem:$0x3FAB] =	sst s10  }
0x38: {  	s10 =	sld [smem:$0x3FAC]  }
0x39: {  	_ = 	snop;
	(pc) =	sbr.ind lr, $3  }
0x3a: {  	_ = 	snop  }
0x3b: {  	_ = 	snop  }
0x3c: {  	p2 =	seq.s32 s10, $0x1;
	s10 =	sld [smem:$0x3FAB]  }
0x3d: {  	_ =	shalt  }
0x3e: {  	_ =	shalt  }
0x3f: {  	_ =	shalt  }
0x40: {  	_ =	shalt  }
0x41: {  	_ =	shalt  }
0x42: {  	_ =	shalt  }
0x43: {  	_ =	shalt  }
0x44: {  	_ =	shalt  }
0x45: {  	_ =	shalt  }
0x46: {  	_ =	shalt  }
0x47: {  	_ =	shalt  }
0x48: {  	_ =	shalt  }
0x49: {  	_ =	shalt  }
0x4a: {  	_ =	shalt  }
0x4b: {  	_ =	shalt  }
0x4c: {  	_ =	shalt  }
0x4d: {  	_ =	shalt  }
0x4e: {  	_ =	shalt  }
0x4f: {  	_ =	shalt  }
0x50: {  	_ =	shalt  }
0x51: {  	_ =	shalt  }
0x52: {  	_ =	shalt  }
0x53: {  	_ =	shalt  }
0x54: {  	_ =	shalt  }
0x55: {  	_ =	shalt  }
0x56: {  	_ =	shalt  }
0x57: {  	_ =	shalt  }
0x58: {  	_ =	shalt  }
0x59: {  	_ =	shalt  }
0x5a: {  	_ =	shalt  }
0x5b: {  	_ =	shalt  }
0x5c: {  	_ =	shalt  }
0x5d: {  	_ =	shalt  }
0x5e: {  	_ =	shalt  }
0x5f: {  	_ =	shalt  }
0x60: {  	_ =	shalt  }
0x61: {  	_ =	shalt  }
0x62: {  	_ =	shalt  }
0x63: {  	_ =	shalt  }
0x64: {  	_ =	shalt  }
0x65: {  	_ =	shalt  }
0x66: {  	_ =	shalt  }
0x67: {  	_ =	shalt  }
0x68: {  	_ =	shalt  }
0x69: {  	_ =	shalt  }
0x6a: {  	_ =	shalt  }
0x6b: {  	_ =	shalt  }
0x6c: {  	_ =	shalt  }
0x6d: {  	_ =	shalt  }
0x6e: {  	_ =	shalt  }
0x6f: {  	_ =	shalt  }
0x70: {  	_ =	shalt  }
0x71: {  	_ =	shalt  }
0x72: {  	_ =	shalt  }
0x73: {  	_ =	shalt  }
0x74: {  	_ =	shalt  }
0x75: {  	_ =	shalt  }
0x76: {  	_ =	shalt  }
0x77: {  	_ =	shalt  }
0x78: {  	_ =	shalt  }
0x79: {  	_ =	shalt  }
0x7a: {  	_ =	shalt  }
0x7b: {  	_ =	shalt  }
0x7c: {  	_ =	shalt  }
0x7d: {  	_ =	shalt  }
0x7e: {  	_ =	shalt  }
0x7f: {  	_ =	shalt  }
0x80: {  	_ =	shalt  }
0x81: {  	_ =	shalt  }
0x82: {  	_ =	shalt  }
0x83: {  	_ =	shalt  }
0x84: {  	_ =	shalt  }
0x85: {  	_ =	shalt  }
0x86: {  	_ =	shalt  }
0x87: {  	_ =	shalt  }
.Lfunc_end0:
.L_simem_size_0:
called_computation.4_lowered:
.L_overlay_start_0:
0x88: {  	s2 =	sld [smem:$0x3FD9]  }
0x89: {  	s3 =	sld [smem:$0x3FFE];
	_ =	sdelay $0x1  }
0x8a: {  	s1 =	srdreg.scid  }
0x8b: {  	s0 =	sand.u32 $0x1, s1  }
0x8c: {  	s16 =	sshll.u32 s0, $0xA;
	s2 =	sadd.s32 s3, s2  }
0x8d: {  	s2 =	sadd.s32 s2, s16  }
0x8e: {  	[smem:$0x3FB7] =	sst s2  }
0x8f: {  	_ = 	snop  }
0x90: {  	(tm) =	ssettm $0x1  }
0x91: {  	s17 =	sld [smem:$0x3FFB];
	_ =	sdelay $0x3  }
0x92: {  	_ =	strace s17  }
0x93: {  	s2 =	sld [smem:$0x3FFC];
	_ =	sdelay $0x3  }
0x94: {  	_ =	strace s2  }
0x95: {  	s2 =	sld [smem:$0x3FFD];
	_ =	sdelay $0x3  }
0x96: {  	_ =	strace s2  }
0x97: {  	_ =	strace $0x8FFFFFFF  }
0x98: {  	s18 =	sld [smem:$0x3FDB];
	_ =	sdelay $0x1  }
0x99: {  	s19 =	simm.s32 $_scs_section_size  }
0x9a: {  	s4 =	simm.s32 $_size__tile_overlayer_lowered;
	s5 =	simm.s32 $_tile_overlayer_lowered  }
0x9b: {  	s22 =	simm.s32 $0x1BFF;
	s21 =	sshll.u32 s5, $0x1;
	s2 =	sadd.s32 s19, s18  }
0x9c: {  	s6 =	simm.s32 $0x0;
	s20 =	sshll.u32 s4, $0x1;
	s4 =	sadd.s32 s21, s2  }
0x9d: {  	[timem:s6], [sflag:s22] =	dma.local [hbm:s4], s20  }
0x9e: {  	_ =	swait.ge [sflag:s22], s20  }
0x9f: {  	s3 =	ssub.s32 $0x0, s20;
	[sflag:s22] =	ssyncset.done $0x0  }
0xa0: {  	[sflag:s22] =	ssyncadd.s32 s3;
	_ =	sdelay $0x1  }
0xa1: {  	s23 =	simm.s32 $0x1B8B  }
0xa2: {  	_ =	swait.ge [sflag:s23], $0x1  }
0xa3: {  	[sflag:s23] =	ssyncset.done $0x0  }
0xa4: {  	s25 =	simm.s32 $0x1B8E;
	s24 =	sld [smem:$0x3FFE];
	[sflag:s23] =	ssyncadd.s32 $0xFFFFFFFF  }
0xa5: {  	s26 =	simm.s32 $execute0_lowered;
	[smem:$0x3FD2] =	sst s25  }
0xa6: {  	s4 =	sshll.u32 s26, $0x1;
	_ =	strace $0x80000052;
	[dreg:$0x1] =	wrdreg $0xFFFFFFFF  }
0xa7: {  	s28 =	simm.s32 $_size_execute0_lowered;
	s2 =	sadd.s32 s2, s4;
	[dreg:$0x0] =	wrdreg $0x0  }
0xa8: {  	s4 =	sshll.u32 s28, $0x1;
	[dreg:$0x2] =	wrdreg s2  }
0xa9: {  	[dreg:$0x3] =	wrdreg s4  }
0xaa: {  	[dreg:$0x4] =	wrdreg $0xC0  }
0xab: {  	_ =	task [dreg:s6], $0x5FFFF  }
0xac: {  	[dreg:$0x1] =	wrdreg $0xFFFFFFFF  }
0xad: {  	[dreg:$0x0] =	wrdreg $0x60  }
0xae: {  	[dreg:$0x2] =	wrdreg s24  }
0xaf: {  	[dreg:$0x3] =	wrdreg $0xC0000  }
0xb0: {  	[dreg:$0x4] =	wrdreg $0x9  }
0xb1: {  	_ =	task.clear_ibuf [dreg:s6], $0x5FFFF;
	_ =	strace $0x90000052  }
0xb2: {  	s29 =	simm.s32 $0x9;
	_ =	strace $0x80000054  }
0xb3: {  	_ =	swait.ge [sflag:s29], $0x1  }
0xb4: {  	[sflag:s29] =	ssyncadd.s32 $0xFFFFFFFF  }
0xb5: {  	_ =	strace $0x90000054  }
0xb6: {  	_ =	sfence  }
0xb7: {  	s30 =	sld [smem:$0x0];
	_ =	sdelay $0x2  }
0xb8: {  	s31 =	sshll.u32 s1, $0xD;
	s1 =	sshrl.u32 s1, $0x2  }
0xb9: {  	s3 =	sand.u32 $0x4000, s31;
	s1 =	sadd.s32 s1, s30  }
0xba: {  	s0 =	sor.u32 s3, s0;
	s1 =	sshll.u32 s1, $0x11  }
0xbb: {  	s0 =	sor.u32 s1, s0  }
0xbc: {  	s0 =	sadd.s32 $0x8F2B, s0  }
0xbd: {  	[sflag:s0] =	ssyncadd.remote.s32 $0x1  }
0xbe: {  	_ =	sfence.sel $0xFFFF  }
0xbf: {  	[dreg:$0x0] =	wrdreg $0xFFFFFFFF;
	(pc) =	sbr.abs _section_cstart, $3  }
0xc0: {  	[dreg:$0x1] =	wrdreg $0xFFFFFFFF  }
0xc1: {  	_ =	task.clear_ibuf [dreg:s6], $0x2FFFF;
	_ =	strace $0x9FFFFFFF  }
0xc2: {  	(tm) =	ssettm $0x7FFFFFFF  }
0xc3: {  	_ =	shalt  }
tec
execute0_lowered:
.L_overlay_start_1:
0x0: {  	(tag) =	ssettag $0x1  }
0x1: {  	s0 =	rddreg [dreg:$0x0]  }
0x2: {  	s2 =	rddreg [dreg:$0x1]  }
0x3: {  	s1 =	srdreg.scid;
	s3 =	simm.s32 $0x0;
	s12 =	stileid.u32  }
0x4: {  	s13 =	simm.s32 $0x2000;
	s14 =	simm.s32 $0x80;
	s15 =	simm.s32 $0x4000  }
0x5: {  	s16 =	simm.s32 $0x8000;
	s17 =	simm.s32 $0x1;
	s18 =	simm.s32 $0x2  }
0x6: {  	s19 =	simm.s32 $0x3;
	s20 =	simm.s32 $0x100;
	s21 =	simm.s32 $0x2080  }
0x7: {  	s22 =	simm.s32 $0x4;
	s28 =	simm.s32 $0x780;
	s29 =	simm.s32 $0x2700  }
0x8: {  	s30 =	simm.s32 $0x0;
	s1 =	sand.u32 $0x1, s1;
	[smem:$0x7FF] =	sst s3  }
0x9: {  	s4 =	sshll.u32 s12, $0x8;
	s5 =	sshll.u32 s12, $0xA;
	s7 =	smul.u32 $0x14000, s12  }
0xa: {  	s9 =	smul.u32 $0x50000, s12;
	s31 =	sshll.u32 s12, $0x6;
	s12 =	simm.s32 $0x5  }
0xb: {  	p0 =	seq.s32 s1, $0x0;
	s6 =	sor.u32 $0x4000, s4;
	_ =	strace $0x80000053  }
0xc: {  	s23 =	smul.u32 $0x140000, s1;
	s4 =	sadd.s32 $0x60600, s0;
	s25 =	ssub.s32 $0x2, s1  }
0xd: {  	s6 =	smov.u32 @p0 s5;
	s24 =	sshrl.u32 s7, $0x3;
	s10 =	sshrl.u32 s25, $0x1  }
0xe: {  	s26 =	sshrl.u32 s9, $0x2;
	p0 =	sne.s32 s1, $0x0;
	s8 =	sadd.s32 s6, s0  }
0xf: {  	s5 =	sadd.s32 s7, s23;
	s6 =	sadd.s32 s24, s0;
	s10 =	ssub.s32 s25, s10  }
.Ltmp0:
0x10: {  	s11 =	sadd.s32 s26, s2;
	s23 =	simm.s32 $0x680;
	(pc) =	sbr.rel .LBB2_1-.Ltmp0, $4  }
0x11: {  	s24 =	simm.s32 $0x2600;
	s25 =	simm.s32 $0x700;
	s26 =	simm.s32 $0x2680  }
0x12: {  	s5 =	sshrl.u32 s5, $0x3;
	s7 =	sadd.s32 $0xC000, s8;
	s8 =	sadd.s32 $0x6C00, s8  }
0x13: {  	s10 =	smax.u32 s10, $0x1;
	s11 =	sshrl.u32 s11, $0x3;
	s0 =	sadd.s32 s5, s0  }
0x14: {  	s5 =	sadd.s32 $0x11400, s6;
	s6 =	sor.u32 $0x1C05, s31;
	s9 =	sadd.s32 $0x88600, s0  }
.LBB2_5:
0x15: {  	[tilespmem:s16], [sflag:$0x2] =	stream.indirect.gather [hbm4b:s4+s14], $0x80, s14, s14, $0xb8;
	v63 =	vld [tilespmem:$0x0]  }
0x16: {  	_ =	swait.ge [sflag:s17], $0x4000  }
0x17: {  	[sflag:s17] =	ssyncset.done $0x0  }
0x18: {  	[sflag:s17] =	ssyncadd.s32 $0xFFFFC000  }
0x19: {  	[spmem:s2] =	stream.indirect.scatter.add.f32 [tilespmem:s15], [sflag:$0x3], $0x80, s13, s14, $0xb8;
	v63 =	vld [tilespmem:$0x0]  }
0x1a: {  	_ =	swait.ge [sflag:s18], $0x4000  }
0x1b: {  	[sflag:s18] =	ssyncset.done $0x0  }
0x1c: {  	[sflag:s18] =	ssyncadd.s32 $0xFFFFC000  }
0x1d: {  	_ =	swait.ge [sflag:s19], $0x4000  }
0x1e: {  	[sflag:s19] =	ssyncset.done $0x0  }
0x1f: {  	[sflag:s19] =	ssyncadd.s32 $0xFFFFC000  }
0x20: {  	[tilespmem:s15], [sflag:$0x1] =	stream.indirect.gather [hbm4b:s4+s14], $0x80, s20, s14, $0xb8;
	v63 =	vld [tilespmem:$0x0]  }
0x21: {  	_ = 	snop  }
0x22: {  	[spmem:s2] =	stream.indirect.scatter.add.f32 [tilespmem:s16], [sflag:$0x4], $0x80, s21, s14, $0xb8;
	v63 =	vld [tilespmem:$0x0]  }
0x23: {  	_ =	swait.ge [sflag:s22], $0x4000  }
0x24: {  	[sflag:s22] =	ssyncset.done $0x0  }
0x25: {  	s0 =	simm.s32 $0x180;
	[sflag:s22] =	ssyncadd.s32 $0xFFFFC000  }
0x26: {  	[tilespmem:s16], [sflag:$0x2] =	stream.indirect.gather [hbm4b:s4+s14], $0x80, s0, s14, $0xb8;
	v63 =	vld [tilespmem:$0x0]  }
0x27: {  	_ =	swait.ge [sflag:s17], $0x4000  }
0x28: {  	[sflag:s17] =	ssyncset.done $0x0  }
0x29: {  	s31 =	simm.s32 $0x2100;
	[sflag:s17] =	ssyncadd.s32 $0xFFFFC000  }
0x2a: {  	[spmem:s2] =	stream.indirect.scatter.add.f32 [tilespmem:s15], [sflag:$0x3], $0x80, s31, s14, $0xb8;
	v63 =	vld [tilespmem:$0x0]  }
0x2b: {  	_ =	swait.ge [sflag:s18], $0x4000  }
0x2c: {  	[sflag:s18] =	ssyncset.done $0x0  }
0x2d: {  	[sflag:s18] =	ssyncadd.s32 $0xFFFFC000  }
0x2e: {  	_ =	swait.ge [sflag:s19], $0x4000  }
0x2f: {  	[sflag:s19] =	ssyncset.done $0x0  }
0x30: {  	s1 =	simm.s32 $0x200;
	[sflag:s19] =	ssyncadd.s32 $0xFFFFC000  }
0x31: {  	[tilespmem:s15], [sflag:$0x1] =	stream.indirect.gather [hbm4b:s4+s14], $0x80, s1, s14, $0xb8;
	v63 =	vld [tilespmem:$0x0]  }
0x32: {  	s31 =	simm.s32 $0x2180  }
0x33: {  	[spmem:s2] =	stream.indirect.scatter.add.f32 [tilespmem:s16], [sflag:$0x4], $0x80, s31, s14, $0xb8;
	v63 =	vld [tilespmem:$0x0]  }
0x34: {  	_ =	swait.ge [sflag:s22], $0x4000  }
0x35: {  	[sflag:s22] =	ssyncset.done $0x0  }
0x36: {  	s1 =	simm.s32 $0x280;
	[sflag:s22] =	ssyncadd.s32 $0xFFFFC000  }
0x37: {  	[tilespmem:s16], [sflag:$0x2] =	stream.indirect.gather [hbm4b:s4+s14], $0x80, s1, s14, $0xb8;
	v63 =	vld [tilespmem:$0x0]  }
0x38: {  	_ =	swait.ge [sflag:s17], $0x4000  }
0x39: {  	[sflag:s17] =	ssyncset.done $0x0  }
0x3a: {  	s31 =	simm.s32 $0x2200;
	[sflag:s17] =	ssyncadd.s32 $0xFFFFC000  }
0x3b: {  	[spmem:s2] =	stream.indirect.scatter.add.f32 [tilespmem:s15], [sflag:$0x3], $0x80, s31, s14, $0xb8;
	v63 =	vld [tilespmem:$0x0]  }
0x3c: {  	_ =	swait.ge [sflag:s18], $0x4000  }
0x3d: {  	[sflag:s18] =	ssyncset.done $0x0  }
0x3e: {  	[sflag:s18] =	ssyncadd.s32 $0xFFFFC000  }
0x3f: {  	_ =	swait.ge [sflag:s19], $0x4000  }
0x40: {  	[sflag:s19] =	ssyncset.done $0x0  }
0x41: {  	s1 =	simm.s32 $0x300;
	[sflag:s19] =	ssyncadd.s32 $0xFFFFC000  }
0x42: {  	[tilespmem:s15], [sflag:$0x1] =	stream.indirect.gather [hbm4b:s4+s14], $0x80, s1, s14, $0xb8;
	v63 =	vld [tilespmem:$0x0]  }
0x43: {  	s31 =	simm.s32 $0x2280  }
0x44: {  	[spmem:s2] =	stream.indirect.scatter.add.f32 [tilespmem:s16], [sflag:$0x4], $0x80, s31, s14, $0xb8;
	v63 =	vld [tilespmem:$0x0]  }
0x45: {  	_ =	swait.ge [sflag:s22], $0x4000  }
0x46: {  	[sflag:s22] =	ssyncset.done $0x0  }
0x47: {  	s1 =	simm.s32 $0x380;
	[sflag:s22] =	ssyncadd.s32 $0xFFFFC000  }
0x48: {  	[tilespmem:s16], [sflag:$0x2] =	stream.indirect.gather [hbm4b:s4+s14], $0x80, s1, s14, $0xb8;
	v63 =	vld [tilespmem:$0x0]  }
0x49: {  	_ =	swait.ge [sflag:s17], $0x4000  }
0x4a: {  	[sflag:s17] =	ssyncset.done $0x0  }
0x4b: {  	s31 =	simm.s32 $0x2300;
	[sflag:s17] =	ssyncadd.s32 $0xFFFFC000  }
0x4c: {  	[spmem:s2] =	stream.indirect.scatter.add.f32 [tilespmem:s15], [sflag:$0x3], $0x80, s31, s14, $0xb8;
	v63 =	vld [tilespmem:$0x0]  }
0x4d: {  	_ =	swait.ge [sflag:s18], $0x4000  }
0x4e: {  	[sflag:s18] =	ssyncset.done $0x0  }
0x4f: {  	[sflag:s18] =	ssyncadd.s32 $0xFFFFC000  }
0x50: {  	_ =	swait.ge [sflag:s19], $0x4000  }
0x51: {  	[sflag:s19] =	ssyncset.done $0x0  }
0x52: {  	s1 =	simm.s32 $0x400;
	[sflag:s19] =	ssyncadd.s32 $0xFFFFC000  }
0x53: {  	[tilespmem:s15], [sflag:$0x1] =	stream.indirect.gather [hbm4b:s4+s14], $0x80, s1, s14, $0xb8;
	v63 =	vld [tilespmem:$0x0]  }
0x54: {  	s31 =	simm.s32 $0x2380  }
0x55: {  	[spmem:s2] =	stream.indirect.scatter.add.f32 [tilespmem:s16], [sflag:$0x4], $0x80, s31, s14, $0xb8;
	v63 =	vld [tilespmem:$0x0]  }
0x56: {  	_ =	swait.ge [sflag:s22], $0x4000  }
0x57: {  	[sflag:s22] =	ssyncset.done $0x0  }
0x58: {  	s1 =	simm.s32 $0x480;
	[sflag:s22] =	ssyncadd.s32 $0xFFFFC000  }
0x59: {  	[tilespmem:s16], [sflag:$0x2] =	stream.indirect.gather [hbm4b:s4+s14], $0x80, s1, s14, $0xb8;
	v63 =	vld [tilespmem:$0x0]  }
0x5a: {  	_ =	swait.ge [sflag:s17], $0x4000  }
0x5b: {  	[sflag:s17] =	ssyncset.done $0x0  }
0x5c: {  	s31 =	simm.s32 $0x2400;
	[sflag:s17] =	ssyncadd.s32 $0xFFFFC000  }
0x5d: {  	[spmem:s2] =	stream.indirect.scatter.add.f32 [tilespmem:s15], [sflag:$0x3], $0x80, s31, s14, $0xb8;
	v63 =	vld [tilespmem:$0x0]  }
0x5e: {  	_ =	swait.ge [sflag:s18], $0x4000  }
0x5f: {  	[sflag:s18] =	ssyncset.done $0x0  }
0x60: {  	[sflag:s18] =	ssyncadd.s32 $0xFFFFC000  }
0x61: {  	_ =	swait.ge [sflag:s19], $0x4000  }
0x62: {  	[sflag:s19] =	ssyncset.done $0x0  }
0x63: {  	s1 =	simm.s32 $0x500;
	[sflag:s19] =	ssyncadd.s32 $0xFFFFC000  }
0x64: {  	[tilespmem:s15], [sflag:$0x1] =	stream.indirect.gather [hbm4b:s4+s14], $0x80, s1, s14, $0xb8;
	v63 =	vld [tilespmem:$0x0]  }
0x65: {  	s31 =	simm.s32 $0x2480  }
0x66: {  	[spmem:s2] =	stream.indirect.scatter.add.f32 [tilespmem:s16], [sflag:$0x4], $0x80, s31, s14, $0xb8;
	v63 =	vld [tilespmem:$0x0]  }
0x67: {  	_ =	swait.ge [sflag:s22], $0x4000  }
0x68: {  	[sflag:s22] =	ssyncset.done $0x0  }
0x69: {  	s1 =	simm.s32 $0x580;
	[sflag:s22] =	ssyncadd.s32 $0xFFFFC000  }
0x6a: {  	[tilespmem:s16], [sflag:$0x2] =	stream.indirect.gather [hbm4b:s4+s14], $0x80, s1, s14, $0xb8;
	v63 =	vld [tilespmem:$0x0]  }
0x6b: {  	_ =	swait.ge [sflag:s17], $0x4000  }
0x6c: {  	[sflag:s17] =	ssyncset.done $0x0  }
0x6d: {  	s31 =	simm.s32 $0x2500;
	[sflag:s17] =	ssyncadd.s32 $0xFFFFC000  }
0x6e: {  	[spmem:s2] =	stream.indirect.scatter.add.f32 [tilespmem:s15], [sflag:$0x3], $0x80, s31, s14, $0xb8;
	v63 =	vld [tilespmem:$0x0]  }
0x6f: {  	_ =	swait.ge [sflag:s18], $0x4000  }
0x70: {  	[sflag:s18] =	ssyncset.done $0x0  }
0x71: {  	[sflag:s18] =	ssyncadd.s32 $0xFFFFC000  }
0x72: {  	_ =	swait.ge [sflag:s19], $0x4000  }
0x73: {  	[sflag:s19] =	ssyncset.done $0x0  }
0x74: {  	s1 =	simm.s32 $0x600;
	[sflag:s19] =	ssyncadd.s32 $0xFFFFC000  }
0x75: {  	[tilespmem:s15], [sflag:$0x1] =	stream.indirect.gather [hbm4b:s4+s14], $0x80, s1, s14, $0xb8;
	v63 =	vld [tilespmem:$0x0]  }
0x76: {  	s31 =	simm.s32 $0x2580  }
0x77: {  	[spmem:s2] =	stream.indirect.scatter.add.f32 [tilespmem:s16], [sflag:$0x4], $0x80, s31, s14, $0xb8;
	v63 =	vld [tilespmem:$0x0]  }
0x78: {  	_ =	swait.ge [sflag:s22], $0x4000  }
0x79: {  	[sflag:s22] =	ssyncset.done $0x0  }
0x7a: {  	[sflag:s22] =	ssyncadd.s32 $0xFFFFC000  }
0x7b: {  	[tilespmem:s16], [sflag:$0x2] =	stream.indirect.gather [hbm4b:s4+s14], $0x80, s23, s14, $0xb8;
	v63 =	vld [tilespmem:$0x0]  }
0x7c: {  	_ =	swait.ge [sflag:s17], $0x4000  }
0x7d: {  	[sflag:s17] =	ssyncset.done $0x0  }
0x7e: {  	[sflag:s17] =	ssyncadd.s32 $0xFFFFC000  }
0x7f: {  	[spmem:s2] =	stream.indirect.scatter.add.f32 [tilespmem:s15], [sflag:$0x3], $0x80, s24, s14, $0xb8;
	v63 =	vld [tilespmem:$0x0]  }
0x80: {  	_ =	swait.ge [sflag:s18], $0x4000  }
0x81: {  	[sflag:s18] =	ssyncset.done $0x0  }
0x82: {  	[sflag:s18] =	ssyncadd.s32 $0xFFFFC000  }
0x83: {  	_ =	swait.ge [sflag:s19], $0x4000  }
0x84: {  	[sflag:s19] =	ssyncset.done $0x0  }
0x85: {  	[sflag:s19] =	ssyncadd.s32 $0xFFFFC000  }
0x86: {  	[tilespmem:s15], [sflag:$0x1] =	stream.indirect.gather [hbm4b:s4+s14], $0x80, s25, s14, $0xb8;
	v63 =	vld [tilespmem:$0x0]  }
0x87: {  	_ = 	snop  }
0x88: {  	[spmem:s2] =	stream.indirect.scatter.add.f32 [tilespmem:s16], [sflag:$0x4], $0x80, s26, s14, $0xb8;
	v63 =	vld [tilespmem:$0x0]  }
0x89: {  	_ =	swait.ge [sflag:s22], $0x4000  }
0x8a: {  	[sflag:s22] =	ssyncset.done $0x0  }
0x8b: {  	[sflag:s22] =	ssyncadd.s32 $0xFFFFC000  }
0x8c: {  	[tilespmem:s16], [sflag:$0x2] =	stream.indirect.gather [hbm4b:s4+s14], $0x80, s28, s14, $0xb8;
	v63 =	vld [tilespmem:$0x0]  }
0x8d: {  	_ =	swait.ge [sflag:s17], $0x4000  }
0x8e: {  	[sflag:s17] =	ssyncset.done $0x0  }
0x8f: {  	[sflag:s17] =	ssyncadd.s32 $0xFFFFC000  }
0x90: {  	[spmem:s2] =	stream.indirect.scatter.add.f32 [tilespmem:s15], [sflag:$0x3], $0x80, s29, s14, $0xb8;
	v63 =	vld [tilespmem:$0x0]  }
0x91: {  	_ =	swait.ge [sflag:s18], $0x4000  }
0x92: {  	[sflag:s18] =	ssyncset.done $0x0  }
0x93: {  	[sflag:s18] =	ssyncadd.s32 $0xFFFFC000  }
0x94: {  	_ =	swait.ge [sflag:s19], $0x4000  }
0x95: {  	[sflag:s19] =	ssyncset.done $0x0  }
0x96: {  	s1 =	simm.s32 $0x2780;
	[sflag:s19] =	ssyncadd.s32 $0xFFFFC000  }
.LBB2_6:
0x97: {  	[spmem:s2] =	stream.indirect.scatter.add.f32 [tilespmem:s16], [sflag:$0x4], $0x80, s1, s14, $0xb8;
	v63 =	vld [tilespmem:$0x0]  }
0x98: {  	_ =	swait.ge [sflag:s22], $0x4000  }
0x99: {  	s30 =	sadd.s32 $0x1, s30;
	[sflag:s22] =	ssyncset.done $0x0  }
0x9a: {  	p1 =	sne.s32 s30, s10;
	[sflag:s22] =	ssyncadd.s32 $0xFFFFC000  }
.Ltmp1:
0x9b: {  	[bflag:$0x0] =	sbarrier.arrive $0xFFFF;
	(pc) =	sbr.rel @!p1 .LBB2_7-.Ltmp1, $4  }
0x9c: {  	[hbm:s9], [sflag:s6] =	dma.local [spmem:s11], $0x2800  }
0x9d: {  	_ =	swait.ge [sflag:s12], $0x2800  }
0x9e: {  	[sflag:s12] =	ssyncset.done $0x0  }
0x9f: {  	[sflag:s12] =	ssyncadd.s32 $0xFFFFD800  }
.LBB2_1:
0xa0: {  	[spmem:s11], [sflag:s6] =	dma.local [hbm:s5], $0x2800  }
0xa1: {  	_ =	swait.ge [sflag:s12], $0x2800  }
0xa2: {  	[sflag:s12] =	ssyncset.done $0x0  }
0xa3: {  	[sflag:s12] =	ssyncadd.s32 $0xFFFFD800  }
0xa4: {  	[bflag:$0x0] =	sbarrier.arrive $0xFFFF  }
0xa5: {  	[tilespmem:s3], [sflag:$0x5] =	stream.linear.gather [hbm4b:s7+s3], $0x2000, $0x38;
	v63 =	vld [tilespmem:$0x0]  }
0xa6: {  	_ =	swait.ge [sflag:s12], $0x2000  }
0xa7: {  	[sflag:s12] =	ssyncset.done $0x0  }
0xa8: {  	[sflag:s12] =	ssyncadd.s32 $0xFFFFE000  }
0xa9: {  	[tilespmem:s13], [sflag:$0x5] =	stream.linear.gather [hbm4b:s8+s3], $0x2000, $0x38;
	v63 =	vld [tilespmem:$0x0]  }
.Ltmp2:
0xaa: {  	_ = 	snop;
	(pc) =	sbr.rel @p0 .LBB2_5-.Ltmp2, $4  }
0xab: {  	_ =	swait.ge [sflag:s12], $0x2000  }
0xac: {  	[sflag:s12] =	ssyncset.done $0x0  }
0xad: {  	[sflag:s12] =	ssyncadd.s32 $0xFFFFE000  }
0xae: {  	[tilespmem:s15], [sflag:$0x1] =	stream.indirect.gather [hbm4b:s4+s14], $0x80, s3, s14, $0xb8;
	v63 =	vld [tilespmem:$0x0]  }
0xaf: {  	[tilespmem:s16], [sflag:$0x2] =	stream.indirect.gather [hbm4b:s4+s14], $0x80, s14, s14, $0xb8;
	v63 =	vld [tilespmem:$0x0]  }
0xb0: {  	_ =	swait.ge [sflag:s17], $0x4000  }
0xb1: {  	[sflag:s17] =	ssyncset.done $0x0  }
0xb2: {  	[sflag:s17] =	ssyncadd.s32 $0xFFFFC000  }
0xb3: {  	[spmem:s2] =	stream.indirect.scatter.add.f32 [tilespmem:s15], [sflag:$0x3], $0x80, s13, s14, $0xb8;
	v63 =	vld [tilespmem:$0x0]  }
0xb4: {  	_ =	swait.ge [sflag:s18], $0x4000  }
0xb5: {  	[sflag:s18] =	ssyncset.done $0x0  }
0xb6: {  	[sflag:s18] =	ssyncadd.s32 $0xFFFFC000  }
0xb7: {  	_ =	swait.ge [sflag:s19], $0x4000  }
0xb8: {  	[sflag:s19] =	ssyncset.done $0x0  }
0xb9: {  	[sflag:s19] =	ssyncadd.s32 $0xFFFFC000  }
0xba: {  	[tilespmem:s15], [sflag:$0x1] =	stream.indirect.gather [hbm4b:s4+s14], $0x80, s20, s14, $0xb8;
	v63 =	vld [tilespmem:$0x0]  }
0xbb: {  	s31 =	simm.s32 $0xFFFF8800  }
0xbc: {  	[spmem:s2] =	stream.indirect.scatter.add.f32 [tilespmem:s16], [sflag:$0x4], $0x80, s21, s14, $0xb8;
	v63 =	vld [tilespmem:$0x0]  }
.LBB2_3:
0xbd: {  	_ =	swait.ge [sflag:s22], $0x4000  }
0xbe: {  	s0 =	sshra.s32 s31, $0x2;
	[sflag:s22] =	ssyncset.done $0x0  }
0xbf: {  	s1 =	sadd.s32 $0x1F80, s0;
	[sflag:s22] =	ssyncadd.s32 $0xFFFFC000  }
0xc0: {  	[tilespmem:s16], [sflag:$0x2] =	stream.indirect.gather [hbm4b:s4+s14], $0x80, s1, s14, $0xb8;
	v63 =	vld [tilespmem:$0x0]  }
0xc1: {  	_ =	swait.ge [sflag:s17], $0x4000  }
0xc2: {  	[sflag:s17] =	ssyncset.done $0x0  }
0xc3: {  	s1 =	sadd.s32 $0x3F00, s0;
	[sflag:s17] =	ssyncadd.s32 $0xFFFFC000  }
0xc4: {  	[spmem:s2] =	stream.indirect.scatter.add.f32 [tilespmem:s15], [sflag:$0x3], $0x80, s1, s14, $0xb8;
	v63 =	vld [tilespmem:$0x0]  }
0xc5: {  	p1 =	seq.s32 s31, $0x0;
	_ =	swait.ge [sflag:s18], $0x4000  }
.Ltmp3:
0xc6: {  	[sflag:s18] =	ssyncset.done $0x0;
	(pc) =	sbr.rel @p1 .LBB2_6-.Ltmp3, $4  }
0xc7: {  	[sflag:s18] =	ssyncadd.s32 $0xFFFFC000  }
0xc8: {  	_ =	swait.ge [sflag:s19], $0x4000  }
0xc9: {  	[sflag:s19] =	ssyncset.done $0x0  }
0xca: {  	s1 =	sadd.s32 $0x3F80, s0;
	[sflag:s19] =	ssyncadd.s32 $0xFFFFC000  }
.Ltmp4:
0xcb: {  	(pc) =	sbr.rel .LBB2_3-.Ltmp4, $4  }
0xcc: {  	s0 =	sadd.s32 $0x2000, s0  }
0xcd: {  	[tilespmem:s15], [sflag:$0x1] =	stream.indirect.gather [hbm4b:s4+s14], $0x80, s0, s14, $0xb8;
	v63 =	vld [tilespmem:$0x0]  }
0xce: {  	s31 =	sadd.s32 $0x400, s31  }
0xcf: {  	[spmem:s2] =	stream.indirect.scatter.add.f32 [tilespmem:s16], [sflag:$0x4], $0x80, s1, s14, $0xb8;
	v63 =	vld [tilespmem:$0x0]  }
.LBB2_7:
0xd0: {  	_ =	sfence.sel $0x180000  }
0xd1: {  	[bflag:$0x0] =	sbarrier.arrive $0xFFFF  }
0xd2: {  	_ =	strace $0x90000053  }
0xd3: {  	s0 =	stileid.u32;
	[bflag:$0x2] =	sbarrier.arrive $0xFFFF  }
0xd4: {  	p0 =	sne.s32 s0, $0x0;
	s0 =	rddreg [dreg:$0x2]  }
0xd5: {  	s0 =	sadd.s32 @!p0 $0x100000, s0  }
0xd6: {  	[sflag:s0] =	ssyncadd.tile.s32 @!p0 $0x1;
	_ =	shalt  }
.Lfunc_end2:
_tile_overlayer_lowered:
.L_overlay_start_2:
0xd7: {  	(tag) =	ssettag $0x2  }
0xd8: {  	s0 =	rddreg [dreg:$0x0];
	s2 =	stileid.u32  }
0xd9: {  	s1 =	rddreg [dreg:$0x1];
	p0 =	sne.s32 s2, $0x0  }
0xda: {  	s3 =	rddreg [dreg:$0x2];
	[bflag:$0x3] =	sbarrier.arrive $0xFFFF;
	s2 =	simm.s32 @!p0 $0x1C05  }
0xdb: {  	[timem:s3], [sflag:s2] =	dma.local @!p0 [hbm:s0], s1  }
0xdc: {  	s0 =	simm.s32 @!p0 $0x5  }
0xdd: {  	_ =	swait.ge @!p0 [sflag:s0], s1  }
0xde: {  	s1 =	ssub.s32 @!p0 $0x0, s1;
	[sflag:s0] =	ssyncset.done @!p0 $0x0  }
0xdf: {  	[sflag:s0] =	ssyncadd.s32 @!p0 s1  }
0xe0: {  	[bflag:$0x3] =	sbarrier.arrive $0xFFFF  }
0xe1: {  	_ =	shalt  }

// kernel: kernel.30.cloned.1.call-start
scs
__scs_entry_jumppad:
0x0: {  	(pc) =	sbr.rel $0x88, $3  }
0x1: {  	(tag) =	ssettag $0x0;
	lr =	simm.s32 $0x1  }
0x2: {  	[smem:$0x3F90] =	sst lr;
	_ =	strace $0xD0000000  }
0x3: {  	_ = 	snop  }
0x4: {  	_ = 	snop  }
0x5: {  	_ = 	snop  }
0x6: {  	_ = 	snop  }
0x7: {  	_ = 	snop  }
__scs_overlays_trampoline_lowered:
0x8: {  	[smem:$0x3F9F] =	sst s0  }
0x9: {  	[smem:$0x3FA0] =	sst s1  }
0xa: {  	[smem:$0x3FA1] =	sst s2  }
0xb: {  	[smem:$0x3FA2] =	sst s3  }
0xc: {  	[smem:$0x3FA3] =	sst s4  }
0xd: {  	[smem:$0x3FA4] =	sst s5  }
0xe: {  	[smem:$0x3FA5] =	sst s6  }
0xf: {  	[smem:$0x3FA6] =	sst s7  }
0x10: {  	[smem:$0x3FA7] =	sst s8  }
0x11: {  	[smem:$0x3FA8] =	sst s9;
	s0 =	simm.s32 @!p0 $0x0  }
0x12: {  	s1 =	sld [smem:$0x3F8E];
	s0 =	simm.s32 @p0 $0x1  }
0x13: {  	[smem:$0x3FA9] =	sst s0;
	s0 =	simm.s32 @!p1 $0x0  }
0x14: {  	s2 =	sld [smem:$0x3F8D];
	s0 =	simm.s32 @p1 $0x1  }
0x15: {  	[smem:$0x3FAA] =	sst s0;
	s0 =	simm.s32 @!p2 $0x0  }
0x16: {  	s3 =	sld [smem:$0x3FDB];
	s0 =	simm.s32 @p2 $0x1  }
0x17: {  	s4 =	simm.s32 $0x1BF5;
	[smem:$0x3FAC] =	sst s0  }
0x18: {  	s0 =	sld [smem:$0x3F8F];
	_ =	swait.ge [sflag:s4], $0x0  }
0x19: {  	s7 =	sld [smem:$0x3F90]  }
0x1a: {  	s8 =	sadd.s32 $0xFFFFE003, lr  }
0x1b: {  	s9 =	sadd.s32 $0xFFFFFEF7, lr;
	s5 =	simm.s32 $0xFFFFFFFF;
	p2 =	slt.u32 s8, $0xFFFFF086  }
0x1c: {  	p1 =	slt.u32 s9, $0xF7A;
	s5 =	simm.s32 @!p2 $0x0  }
0x1d: {  	s5 =	simm.s32 @p1 $0x1;
	p0 =	seq.s32 s7, s2  }
0x1e: {  	s7 =	smul.u32 @!p0 $0xF7A, s2;
	p2 =	seq.s32 @!p0 s5, $0x0  }
0x1f: {  	s9 =	smul.u32 $0xF7A, s1;
	s8 =	simm.s32 @!p0 $0x1BF5;
	p2 =	por !p2, p0  }
0x20: {  	[sflag:s8] =	ssyncset.s32 @!p0 $0xFFFFF086;
	s6 =	sadd.s32 @!p0 s3, s7;
	s7 =	simm.s32 @!p0 $0x108  }
0x21: {  	s3 =	sadd.s32 s3, s9;
	s6 =	sadd.s32 @!p0 $0x88, s6;
	s7 =	simm.s32 @p2 $0x1082  }
0x22: {  	[simem:s7], [sflag:s8] =	dma.local @!p0 [hbm:s6], $0xF7A  }
0x23: {  	s9 =	sor.u32 $0xD0000000, s2;
	s6 =	simm.s32 $0x108;
	_ =	swait.ge @!p0 [sflag:s8], $0x0  }
0x24: {  	s3 =	sadd.s32 $0x88, s3;
	s6 =	simm.s32 @!p1 $0x1082;
	[sflag:s4] =	ssyncset.s32 $0xFFFFF086  }
0x25: {  	[simem:s6], [sflag:s4] =	dma.local [hbm:s3], $0xF7A  }
0x26: {  	[smem:$0x3F90] =	sst s1;
	(tag) =	ssettag s2;
	_ =	strace s9  }
0x27: {  	s1 =	sld [smem:$0x3FA0]  }
0x28: {  	s2 =	sld [smem:$0x3FA1]  }
0x29: {  	s4 =	sld [smem:$0x3FA3]  }
0x2a: {  	p0 =	seq.s32 s5, $0x0;
	s5 =	sld [smem:$0x3FA4]  }
0x2b: {  	s6 =	sld [smem:$0x3FA5]  }
0x2c: {  	s7 =	sld [smem:$0x3FA6]  }
0x2d: {  	s3 =	simm.s32 $0x108;
	s8 =	sld [smem:$0x3FA7]  }
0x2e: {  	s3 =	simm.s32 @!p0 $0x1082;
	s9 =	sld [smem:$0x3FA8]  }
0x2f: {  	lr =	sadd.s32 s0, s3;
	s0 =	sld [smem:$0x3F9F]  }
0x30: {  	s3 =	sld [smem:$0x3FA2]  }
0x31: {  	[smem:$0x3FAB] =	sst s10  }
0x32: {  	s10 =	sld [smem:$0x3FA9];
	_ =	sdelay $0x3  }
0x33: {  	p0 =	seq.s32 s10, $0x1;
	s10 =	sld [smem:$0x3FAB];
	_ =	sdelay $0x3  }
0x34: {  	[smem:$0x3FAB] =	sst s10  }
0x35: {  	s10 =	sld [smem:$0x3FAA];
	_ =	sdelay $0x3  }
0x36: {  	p1 =	seq.s32 s10, $0x1;
	s10 =	sld [smem:$0x3FAB];
	_ =	sdelay $0x3  }
0x37: {  	[smem:$0x3FAB] =	sst s10  }
0x38: {  	s10 =	sld [smem:$0x3FAC]  }
0x39: {  	_ = 	snop;
	(pc) =	sbr.ind lr, $3  }
0x3a: {  	_ = 	snop  }
0x3b: {  	_ = 	snop  }
0x3c: {  	p2 =	seq.s32 s10, $0x1;
	s10 =	sld [smem:$0x3FAB]  }
0x3d: {  	_ =	shalt  }
0x3e: {  	_ =	shalt  }
0x3f: {  	_ =	shalt  }
0x40: {  	_ =	shalt  }
0x41: {  	_ =	shalt  }
0x42: {  	_ =	shalt  }
0x43: {  	_ =	shalt  }
0x44: {  	_ =	shalt  }
0x45: {  	_ =	shalt  }
0x46: {  	_ =	shalt  }
0x47: {  	_ =	shalt  }
0x48: {  	_ =	shalt  }
0x49: {  	_ =	shalt  }
0x4a: {  	_ =	shalt  }
0x4b: {  	_ =	shalt  }
0x4c: {  	_ =	shalt  }
0x4d: {  	_ =	shalt  }
0x4e: {  	_ =	shalt  }
0x4f: {  	_ =	shalt  }
0x50: {  	_ =	shalt  }
0x51: {  	_ =	shalt  }
0x52: {  	_ =	shalt  }
0x53: {  	_ =	shalt  }
0x54: {  	_ =	shalt  }
0x55: {  	_ =	shalt  }
0x56: {  	_ =	shalt  }
0x57: {  	_ =	shalt  }
0x58: {  	_ =	shalt  }
0x59: {  	_ =	shalt  }
0x5a: {  	_ =	shalt  }
0x5b: {  	_ =	shalt  }
0x5c: {  	_ =	shalt  }
0x5d: {  	_ =	shalt  }
0x5e: {  	_ =	shalt  }
0x5f: {  	_ =	shalt  }
0x60: {  	_ =	shalt  }
0x61: {  	_ =	shalt  }
0x62: {  	_ =	shalt  }
0x63: {  	_ =	shalt  }
0x64: {  	_ =	shalt  }
0x65: {  	_ =	shalt  }
0x66: {  	_ =	shalt  }
0x67: {  	_ =	shalt  }
0x68: {  	_ =	shalt  }
0x69: {  	_ =	shalt  }
0x6a: {  	_ =	shalt  }
0x6b: {  	_ =	shalt  }
0x6c: {  	_ =	shalt  }
0x6d: {  	_ =	shalt  }
0x6e: {  	_ =	shalt  }
0x6f: {  	_ =	shalt  }
0x70: {  	_ =	shalt  }
0x71: {  	_ =	shalt  }
0x72: {  	_ =	shalt  }
0x73: {  	_ =	shalt  }
0x74: {  	_ =	shalt  }
0x75: {  	_ =	shalt  }
0x76: {  	_ =	shalt  }
0x77: {  	_ =	shalt  }
0x78: {  	_ =	shalt  }
0x79: {  	_ =	shalt  }
0x7a: {  	_ =	shalt  }
0x7b: {  	_ =	shalt  }
0x7c: {  	_ =	shalt  }
0x7d: {  	_ =	shalt  }
0x7e: {  	_ =	shalt  }
0x7f: {  	_ =	shalt  }
0x80: {  	_ =	shalt  }
0x81: {  	_ =	shalt  }
0x82: {  	_ =	shalt  }
0x83: {  	_ =	shalt  }
0x84: {  	_ =	shalt  }
0x85: {  	_ =	shalt  }
0x86: {  	_ =	shalt  }
0x87: {  	_ =	shalt  }
.Lfunc_end0:
.L_simem_size_0:
called_computation.5_lowered:
.L_overlay_start_0:
0x88: {  	s2 =	sld [smem:$0x3FD9]  }
0x89: {  	s3 =	sld [smem:$0x3FFE];
	_ =	sdelay $0x1  }
0x8a: {  	s1 =	srdreg.scid  }
0x8b: {  	s0 =	sand.u32 $0x1, s1  }
0x8c: {  	s16 =	sshll.u32 s0, $0xA;
	s2 =	sadd.s32 s3, s2  }
0x8d: {  	s2 =	sadd.s32 s2, s16  }
0x8e: {  	[smem:$0x3FB7] =	sst s2  }
0x8f: {  	_ = 	snop  }
0x90: {  	(tm) =	ssettm $0x1  }
0x91: {  	s17 =	sld [smem:$0x3FFB];
	_ =	sdelay $0x3  }
0x92: {  	_ =	strace s17  }
0x93: {  	s2 =	sld [smem:$0x3FFC];
	_ =	sdelay $0x3  }
0x94: {  	_ =	strace s2  }
0x95: {  	s2 =	sld [smem:$0x3FFD];
	_ =	sdelay $0x3  }
0x96: {  	_ =	strace s2  }
0x97: {  	_ =	strace $0x8FFFFFFF  }
0x98: {  	s18 =	sld [smem:$0x3FDB];
	_ =	sdelay $0x1  }
0x99: {  	s19 =	simm.s32 $_scs_section_size  }
0x9a: {  	s4 =	simm.s32 $_size__tile_overlayer_lowered;
	s5 =	simm.s32 $_tile_overlayer_lowered  }
0x9b: {  	s22 =	simm.s32 $0x1BFF;
	s21 =	sshll.u32 s5, $0x1;
	s2 =	sadd.s32 s19, s18  }
0x9c: {  	s6 =	simm.s32 $0x0;
	s20 =	sshll.u32 s4, $0x1;
	s4 =	sadd.s32 s21, s2  }
0x9d: {  	[timem:s6], [sflag:s22] =	dma.local [hbm:s4], s20  }
0x9e: {  	_ =	swait.ge [sflag:s22], s20  }
0x9f: {  	s3 =	ssub.s32 $0x0, s20;
	[sflag:s22] =	ssyncset.done $0x0  }
0xa0: {  	[sflag:s22] =	ssyncadd.s32 s3;
	_ =	sdelay $0x1  }
0xa1: {  	s23 =	simm.s32 $0x1B8B  }
0xa2: {  	_ =	swait.ge [sflag:s23], $0x1  }
0xa3: {  	[sflag:s23] =	ssyncset.done $0x0  }
0xa4: {  	s25 =	simm.s32 $0x1B8E;
	s24 =	sld [smem:$0x3FFE];
	[sflag:s23] =	ssyncadd.s32 $0xFFFFFFFF  }
0xa5: {  	s26 =	simm.s32 $execute0_lowered;
	[smem:$0x3FD2] =	sst s25  }
0xa6: {  	s4 =	sshll.u32 s26, $0x1;
	_ =	strace $0x80000055;
	[dreg:$0x1] =	wrdreg $0xFFFFFFFF  }
0xa7: {  	s28 =	simm.s32 $_size_execute0_lowered;
	s2 =	sadd.s32 s2, s4;
	[dreg:$0x0] =	wrdreg $0x0  }
0xa8: {  	s4 =	sshll.u32 s28, $0x1;
	[dreg:$0x2] =	wrdreg s2  }
0xa9: {  	[dreg:$0x3] =	wrdreg s4  }
0xaa: {  	[dreg:$0x4] =	wrdreg $0xC0  }
0xab: {  	_ =	task [dreg:s6], $0x5FFFF  }
0xac: {  	[dreg:$0x1] =	wrdreg $0xFFFFFFFF  }
0xad: {  	[dreg:$0x0] =	wrdreg $0x60  }
0xae: {  	[dreg:$0x2] =	wrdreg s24  }
0xaf: {  	[dreg:$0x3] =	wrdreg $0x9  }
0xb0: {  	_ =	task.clear_ibuf [dreg:s6], $0x4FFFF;
	_ =	strace $0x90000055  }
0xb1: {  	s29 =	simm.s32 $0x9;
	_ =	strace $0x80000057  }
0xb2: {  	_ =	swait.ge [sflag:s29], $0x1  }
0xb3: {  	[sflag:s29] =	ssyncadd.s32 $0xFFFFFFFF  }
0xb4: {  	_ =	strace $0x90000057  }
0xb5: {  	_ =	sfence  }
0xb6: {  	s30 =	sld [smem:$0x0];
	_ =	sdelay $0x2  }
0xb7: {  	s31 =	sshll.u32 s1, $0xD;
	s1 =	sshrl.u32 s1, $0x2  }
0xb8: {  	s3 =	sand.u32 $0x4000, s31;
	s1 =	sadd.s32 s1, s30  }
0xb9: {  	s0 =	sor.u32 s3, s0;
	s1 =	sshll.u32 s1, $0x11  }
0xba: {  	s0 =	sor.u32 s1, s0  }
0xbb: {  	s0 =	sadd.s32 $0x8F2B, s0  }
0xbc: {  	[sflag:s0] =	ssyncadd.remote.s32 $0x1  }
0xbd: {  	_ =	sfence.sel $0xFFFF  }
0xbe: {  	[dreg:$0x0] =	wrdreg $0xFFFFFFFF;
	(pc) =	sbr.abs _section_cstart, $3  }
0xbf: {  	[dreg:$0x1] =	wrdreg $0xFFFFFFFF  }
0xc0: {  	_ =	task.clear_ibuf [dreg:s6], $0x2FFFF;
	_ =	strace $0x9FFFFFFF  }
0xc1: {  	(tm) =	ssettm $0x7FFFFFFF  }
tec
execute0_lowered:
.L_overlay_start_1:
0x0: {  	(tag) =	ssettag $0x1  }
0x1: {  	s18 =	rddreg [dreg:$0x0]  }
0x2: {  	s0 =	rddreg [dreg:$0x1];
	s1 =	simm.s32 $0x0  }
0x3: {  	[smem:$0x7FF] =	sst s1  }
0x4: {  	s2 =	simm.s32 $0x2;
	s3 =	sadd.s32 $0x18FC00, s18;
	_ =	strace $0x80000056  }
0x5: {  	[tilespmem:s1], [sflag:$0x2] =	stream.linear.gather [hbm4b:s3+s1], $0x1000, $0x38;
	[tilespmem:$0xA800] =	vst v63  }
0x6: {  	_ =	swait.ge [sflag:s2], $0x1000  }
0x7: {  	s6 =	srdreg.scid;
	[sflag:s2] =	ssyncset.done $0x0  }
0x8: {  	s5 =	simm.s32 $0x1000;
	s4 =	sadd.s32 $0x18FE00, s18;
	[sflag:s2] =	ssyncadd.s32 $0xFFFFF000  }
0x9: {  	[tilespmem:s5], [sflag:$0x2] =	stream.linear.gather [hbm4b:s4+s1], $0x1000, $0x38;
	[tilespmem:$0xA800] =	vst v63  }
0xa: {  	s7 =	sadd.s32 $0x190000, s18;
	s19 =	sand.u32 $0x1, s6;
	_ =	swait.ge [sflag:s2], $0x1000  }
0xb: {  	s6 =	stileid.u32;
	s8 =	sshll.u32 s19, $0x4;
	[sflag:s2] =	ssyncset.done $0x0  }
0xc: {  	s10 =	sor.u32 s6, s8;
	s8 =	simm.s32 $0x2000;
	[sflag:s2] =	ssyncadd.s32 $0xFFFFF000  }
0xd: {  	[tilespmem:s8], [sflag:$0x2] =	stream.linear.gather [hbm4b:s7+s1], $0x1000, $0x38;
	[tilespmem:$0xA800] =	vst v63  }
0xe: {  	s11 =	simm.s32 $0x50;
	s12 =	simm.s32 $0x3000;
	_ =	swait.ge [sflag:s2], $0x1000  }
0xf: {  	s13 =	simm.s32 $0x1;
	s9 =	sadd.s32 $0x115800, s18;
	[sflag:s2] =	ssyncset.done $0x0  }
0x10: {  	s14 =	smul.u32 $0x500, s10;
	s10 =	sshll.u32 s10, $0x7;
	[sflag:s2] =	ssyncadd.s32 $0xFFFFF000  }
0x11: {  	[tilespmem:s12], [sflag:$0x1] =	stream.indirect.gather [hbm4b:s9+s11], $0x80, s10, s11, $0xb8;
	[tilespmem:$0xA800] =	vst v63  }
0x12: {  	_ =	swait.ge [sflag:s13], $0x2800  }
0x13: {  	s21 =	sadd.s32 s14, s18;
	[sflag:s13] =	ssyncset.done $0x0  }
0x14: {  	s14 =	sadd.s32 $0x13CA00, s21;
	[sflag:s13] =	ssyncadd.s32 $0xFFFFD800  }
0x15: {  	[hbm4b:s14+s1] =	stream.linear.scatter [tilespmem:s12], [sflag:$0x2], $0x2800, $0x38;
	[tilespmem:$0xA800] =	vst v63  }
0x16: {  	_ =	swait.ge [sflag:s2], $0x2800  }
0x17: {  	[sflag:s2] =	ssyncset.done $0x0  }
0x18: {  	s16 =	simm.s32 $0x5800;
	s15 =	sor.u32 $0x1000, s10;
	[sflag:s2] =	ssyncadd.s32 $0xFFFFD800  }
0x19: {  	[tilespmem:s16], [sflag:$0x1] =	stream.indirect.gather [hbm4b:s9+s11], $0x80, s15, s11, $0xb8;
	[tilespmem:$0xA800] =	vst v63  }
0x1a: {  	_ =	swait.ge [sflag:s13], $0x2800  }
0x1b: {  	[sflag:s13] =	ssyncset.done $0x0  }
0x1c: {  	s22 =	ssub.s32 $0x2, s19;
	s17 =	sadd.s32 $0x146A00, s21;
	[sflag:s13] =	ssyncadd.s32 $0xFFFFD800  }
0x1d: {  	[hbm4b:s17+s1] =	stream.linear.scatter [tilespmem:s16], [sflag:$0x2], $0x2800, $0x38;
	[tilespmem:$0xA800] =	vst v63  }
0x1e: {  	s20 =	simm.s32 $0x8000;
	s23 =	sshrl.u32 s22, $0x1;
	_ =	swait.ge [sflag:s2], $0x2800  }
0x1f: {  	s22 =	ssub.s32 s22, s23;
	s19 =	sor.u32 $0x2000, s10;
	[sflag:s2] =	ssyncset.done $0x0  }
0x20: {  	s22 =	smax.u32 s22, $0x1;
	s18 =	sadd.s32 $0xD8600, s18;
	[sflag:s2] =	ssyncadd.s32 $0xFFFFD800  }
0x21: {  	[tilespmem:s20], [sflag:$0x1] =	stream.indirect.gather [hbm4b:s18+s11], $0x80, s19, s11, $0xb8;
	[tilespmem:$0xA800] =	vst v63  }
0x22: {  	p0 =	sne.s32 s22, $0x1;
	_ =	swait.ge [sflag:s13], $0x2800  }
.Ltmp0:
0x23: {  	[sflag:s13] =	ssyncset.done $0x0;
	(pc) =	sbr.rel @!p0 .LBB2_2-.Ltmp0, $4  }
0x24: {  	s21 =	sadd.s32 $0x150A00, s21;
	[sflag:s13] =	ssyncadd.s32 $0xFFFFD800  }
0x25: {  	[hbm4b:s21+s1] =	stream.linear.scatter [tilespmem:s20], [sflag:$0x2], $0x2800, $0x38;
	[tilespmem:$0xA800] =	vst v63  }
0x26: {  	_ =	swait.ge [sflag:s2], $0x2800  }
0x27: {  	s22 =	sadd.s32 $0xFFFFFFFF, s22;
	[sflag:s2] =	ssyncset.done $0x0  }
.LBB2_1:
0x28: {  	p0 =	sne.s32 s22, $0x1;
	s22 =	sadd.s32 $0xFFFFFFFF, s22;
	[sflag:s2] =	ssyncadd.s32 $0xFFFFD800  }
0x29: {  	[tilespmem:s1], [sflag:$0x2] =	stream.linear.gather [hbm4b:s3+s1], $0x1000, $0x38;
	[tilespmem:$0xA800] =	vst v63  }
0x2a: {  	_ =	swait.ge [sflag:s2], $0x1000  }
0x2b: {  	[sflag:s2] =	ssyncset.done $0x0  }
0x2c: {  	[sflag:s2] =	ssyncadd.s32 $0xFFFFF000  }
0x2d: {  	[tilespmem:s5], [sflag:$0x2] =	stream.linear.gather [hbm4b:s4+s1], $0x1000, $0x38;
	[tilespmem:$0xA800] =	vst v63  }
0x2e: {  	_ =	swait.ge [sflag:s2], $0x1000  }
0x2f: {  	[sflag:s2] =	ssyncset.done $0x0  }
0x30: {  	[sflag:s2] =	ssyncadd.s32 $0xFFFFF000  }
0x31: {  	[tilespmem:s8], [sflag:$0x2] =	stream.linear.gather [hbm4b:s7+s1], $0x1000, $0x38;
	[tilespmem:$0xA800] =	vst v63  }
0x32: {  	_ =	swait.ge [sflag:s2], $0x1000  }
0x33: {  	[sflag:s2] =	ssyncset.done $0x0  }
0x34: {  	[sflag:s2] =	ssyncadd.s32 $0xFFFFF000  }
0x35: {  	[tilespmem:s12], [sflag:$0x1] =	stream.indirect.gather [hbm4b:s9+s11], $0x80, s10, s11, $0xb8;
	[tilespmem:$0xA800] =	vst v63  }
0x36: {  	_ =	swait.ge [sflag:s13], $0x2800  }
0x37: {  	[sflag:s13] =	ssyncset.done $0x0  }
0x38: {  	[sflag:s13] =	ssyncadd.s32 $0xFFFFD800  }
0x39: {  	[hbm4b:s14+s1] =	stream.linear.scatter [tilespmem:s12], [sflag:$0x2], $0x2800, $0x38;
	[tilespmem:$0xA800] =	vst v63  }
0x3a: {  	_ =	swait.ge [sflag:s2], $0x2800  }
0x3b: {  	[sflag:s2] =	ssyncset.done $0x0  }
0x3c: {  	[sflag:s2] =	ssyncadd.s32 $0xFFFFD800  }
0x3d: {  	[tilespmem:s16], [sflag:$0x1] =	stream.indirect.gather [hbm4b:s9+s11], $0x80, s15, s11, $0xb8;
	[tilespmem:$0xA800] =	vst v63  }
0x3e: {  	_ =	swait.ge [sflag:s13], $0x2800  }
0x3f: {  	[sflag:s13] =	ssyncset.done $0x0  }
0x40: {  	[sflag:s13] =	ssyncadd.s32 $0xFFFFD800  }
0x41: {  	[hbm4b:s17+s1] =	stream.linear.scatter [tilespmem:s16], [sflag:$0x2], $0x2800, $0x38;
	[tilespmem:$0xA800] =	vst v63  }
0x42: {  	_ =	swait.ge [sflag:s2], $0x2800  }
0x43: {  	[sflag:s2] =	ssyncset.done $0x0  }
0x44: {  	[sflag:s2] =	ssyncadd.s32 $0xFFFFD800  }
0x45: {  	[tilespmem:s20], [sflag:$0x1] =	stream.indirect.gather [hbm4b:s18+s11], $0x80, s19, s11, $0xb8;
	[tilespmem:$0xA800] =	vst v63  }
0x46: {  	_ =	swait.ge [sflag:s13], $0x2800  }
.Ltmp1:
0x47: {  	[sflag:s13] =	ssyncset.done $0x0;
	(pc) =	sbr.rel @p0 .LBB2_1-.Ltmp1, $4  }
0x48: {  	[sflag:s13] =	ssyncadd.s32 $0xFFFFD800  }
0x49: {  	[hbm4b:s21+s1] =	stream.linear.scatter [tilespmem:s20], [sflag:$0x2], $0x2800, $0x38;
	[tilespmem:$0xA800] =	vst v63  }
0x4a: {  	_ =	swait.ge [sflag:s2], $0x2800  }
0x4b: {  	[sflag:s2] =	ssyncset.done $0x0  }
.LBB2_2:
0x4c: {  	[sflag:s2] =	ssyncadd.s32 $0xFFFFD800  }
0x4d: {  	_ =	sfence.sel $0x180000  }
0x4e: {  	[bflag:$0x0] =	sbarrier.arrive $0xFFFF  }
0x4f: {  	p0 =	sne.s32 s6, $0x0;
	_ =	strace $0x90000056  }
0x50: {  	s0 =	sadd.s32 @!p0 $0x100000, s0;
	[bflag:$0x2] =	sbarrier.arrive $0xFFFF  }
0x51: {  	[sflag:s0] =	ssyncadd.tile.s32 @!p0 $0x1;
	_ =	shalt  }
.Lfunc_end2:
_tile_overlayer_lowered:
.L_overlay_start_2:
0x52: {  	(tag) =	ssettag $0x2  }
0x53: {  	s0 =	rddreg [dreg:$0x0];
	s2 =	stileid.u32  }
0x54: {  	s1 =	rddreg [dreg:$0x1];
	p0 =	sne.s32 s2, $0x0  }
0x55: {  	s3 =	rddreg [dreg:$0x2];
	[bflag:$0x3] =	sbarrier.arrive $0xFFFF;
	s2 =	simm.s32 @!p0 $0x1C02  }
0x56: {  	[timem:s3], [sflag:s2] =	dma.local @!p0 [hbm:s0], s1  }
0x57: {  	s0 =	simm.s32 @!p0 $0x2  }
0x58: {  	_ =	swait.ge @!p0 [sflag:s0], s1  }
0x59: {  	s1 =	ssub.s32 @!p0 $0x0, s1;
	[sflag:s0] =	ssyncset.done @!p0 $0x0  }
0x5a: {  	[sflag:s0] =	ssyncadd.s32 @!p0 s1  }
0x5b: {  	[bflag:$0x3] =	sbarrier.arrive $0xFFFF  }
0x5c: {  	_ =	shalt  }

</sc_bundles>
